<compile_context>
chip_gen: v7x
topology: tpu7x:2x2x1
jax: 0.10.2.dev20260603
libtpu: 0.0.44.dev20260713+nightly
codegen_flags: <defaults>
</compile_context>

<pallas_src>
import jax
import jax.numpy as jnp
from jax import lax
from jax.experimental import pallas as pl
from jax.experimental.pallas import tpu as pltpu
from jax.experimental.pallas import tpu_sc as plsc

BATCH = 4
SEQ_LEN = 8192
FEAT_DIM = 768
NW = 32
ROWS_W = SEQ_LEN // NW
R = 8
NBLK = ROWS_W // R
LANES = 16
CGRP = FEAT_DIM // LANES
UNROLL = 8
DEPTH = 3


def _body(in_hbm, pos_hbm, time_hbm, out_hbm, *scr):
    pbuf = scr[0:3]
    tbuf = scr[3:6]
    ibuf = scr[6:9]
    psem = scr[9:12]
    tsem = scr[12:15]
    isem = scr[15:18]
    osem = scr[18:21]

    wid = lax.axis_index("s") * 2 + lax.axis_index("c")
    base = wid * ROWS_W

    def wait_tbl(sem, vref):
        pltpu.make_async_copy(pos_hbm.at[pl.ds(0, R), :], vref, sem).wait()

    def wait_batch(sem, vref):
        pltpu.make_async_copy(in_hbm.at[:, pl.ds(0, R), :], vref, sem).wait()

    def vloop(body):
        @pl.loop(0, R)
        def _row(r):
            @plsc.parallel_loop(0, CGRP, unroll=UNROLL)
            def _col(c):
                body(r, pl.ds(c * LANES, LANES))

    def do_block(k, p, prefetch, wait_prev_out):
        pn = (p + 1) % DEPTH
        roff = base + k * R
        wait_tbl(psem[p], pbuf[p])
        wait_tbl(tsem[p], tbuf[p])
        if prefetch:
            roffn = roff + R
            pltpu.async_copy(pos_hbm.at[pl.ds(roffn, R), :], pbuf[pn], psem[pn])
            pltpu.async_copy(time_hbm.at[pl.ds(roffn, R), :], tbuf[pn], tsem[pn])
            if wait_prev_out:
                pltpu.make_async_copy(
                    ibuf[pn], out_hbm.at[:, pl.ds(0, R), :], osem[pn]
                ).wait()
            pltpu.async_copy(
                in_hbm.at[:, pl.ds(roffn, R), :], ibuf[pn], isem[pn]
            )

        pb = pbuf[p]
        tb = tbuf[p]
        ib = ibuf[p]
        wait_batch(isem[p], ib)

        for b in range(BATCH):
            if b == 0:
                def _accum(r, s):
                    v = pb[r, s] + tb[r, s]
                    pb[r, s] = v
                    plsc.addupdate(ib.at[0, r, s], v)
            else:
                def _accum(r, s, b=b):
                    plsc.addupdate(ib.at[b, r, s], pb[r, s])

            vloop(_accum)
            pltpu.async_copy(
                ib.at[b], out_hbm.at[b, pl.ds(roff, R), :], osem[p]
            )

    pltpu.async_copy(pos_hbm.at[pl.ds(base, R), :], pbuf[0], psem[0])
    pltpu.async_copy(time_hbm.at[pl.ds(base, R), :], tbuf[0], tsem[0])
    pltpu.async_copy(in_hbm.at[:, pl.ds(base, R), :], ibuf[0], isem[0])

    do_block(0, 0, prefetch=True, wait_prev_out=False)
    do_block(1, 1, prefetch=True, wait_prev_out=False)

    @pl.loop(2, NBLK - 3, step=3)
    def _mid(k0):
        do_block(k0, 2, prefetch=True, wait_prev_out=True)
        do_block(k0 + 1, 0, prefetch=True, wait_prev_out=True)
        do_block(k0 + 2, 1, prefetch=True, wait_prev_out=True)

    do_block(NBLK - 3, 2, prefetch=True, wait_prev_out=True)
    do_block(NBLK - 2, 0, prefetch=True, wait_prev_out=True)
    do_block(NBLK - 1, 1, prefetch=False, wait_prev_out=False)

    for p in range(DEPTH):
        pltpu.make_async_copy(
            ibuf[p], out_hbm.at[:, pl.ds(0, R), :], osem[p]
        ).wait()


@jax.jit
def kernel(inputs, pos_table, time_table):
    mesh = plsc.VectorSubcoreMesh(core_axis_name="c", subcore_axis_name="s")
    return pl.kernel(
        _body,
        out_type=jax.ShapeDtypeStruct((BATCH, SEQ_LEN, FEAT_DIM), jnp.float32),
        mesh=mesh,
        compiler_params=pltpu.CompilerParams(use_tc_tiling_on_sc=True),
        scratch_types=(
            [pltpu.VMEM((R, FEAT_DIM), jnp.float32) for _ in range(6)]
            + [pltpu.VMEM((BATCH, R, FEAT_DIM), jnp.float32) for _ in range(3)]
            + [pltpu.SemaphoreType.DMA for _ in range(12)]
        ),
    )(inputs, pos_table, time_table)

# --- scband reference (transcript-rebuilt; emitter-appended) ---
"""Pipeline reference for scband-temporal-positional-embedding-21517786153222 (READ-ONLY COPY).

The authoritative reference and input builder live on the scoring server;
editing this copy changes nothing except your own understanding.
"""

import jax, jax.numpy as jnp
import numpy as np

SEQ_LEN = 8192
FEAT_DIM = 768
TIME_DIM = 768
BATCH = 4

def setup_inputs(seed: int = 0) -> dict:
    key = jax.random.key(seed)
    k1, k2, k3 = jax.random.split(key, 3)
    inputs = jax.random.normal(k1, (BATCH, SEQ_LEN, FEAT_DIM), dtype=jnp.float32)
    # Keras Embedding default init: uniform(-0.05, 0.05)
    pos_table = jax.random.uniform(k2, (SEQ_LEN, FEAT_DIM), dtype=jnp.float32, minval=-0.05, maxval=0.05)
    time_table = jax.random.uniform(k3, (SEQ_LEN, TIME_DIM), dtype=jnp.float32, minval=-0.05, maxval=0.05)
    return {"inputs": inputs, "pos_table": pos_table, "time_table": time_table}

def reference(inputs, pos_table, time_table):
    length = inputs.shape[1]
    positions = jnp.arange(0, length, dtype=jnp.int32)
    pos_embeddings = jnp.take(pos_table, positions, axis=0)
    time_embeddings = jnp.take(time_table, positions, axis=0)
    return inputs + pos_embeddings + time_embeddings

if __name__ == "__main__":
    import jax
    _d = setup_inputs()
    print(jax.jit(kernel)(*tuple(_d.values())))

</pallas_src>

<mosaic_0001>
#map = affine_map<(d0, d1) -> (0, 0, 0)>
#map1 = affine_map<(d0, d1) -> (0, 0)>
module attributes {stable_mosaic.version = 14 : i64} {
  func.func @_body(%arg0: i32, %arg1: i32, %arg2: memref<4x8192x768xf32, #tpu.memory_space<hbm>>, %arg3: memref<8192x768xf32, #tpu.memory_space<hbm>>, %arg4: memref<8192x768xf32, #tpu.memory_space<hbm>>, %arg5: memref<4x8192x768xf32, #tpu.memory_space<hbm>>, %arg6: memref<8x768xf32, #tpu.memory_space<vmem>>, %arg7: memref<8x768xf32, #tpu.memory_space<vmem>>, %arg8: memref<8x768xf32, #tpu.memory_space<vmem>>, %arg9: memref<8x768xf32, #tpu.memory_space<vmem>>, %arg10: memref<8x768xf32, #tpu.memory_space<vmem>>, %arg11: memref<8x768xf32, #tpu.memory_space<vmem>>, %arg12: memref<4x8x768xf32, #tpu.memory_space<vmem>>, %arg13: memref<4x8x768xf32, #tpu.memory_space<vmem>>, %arg14: memref<4x8x768xf32, #tpu.memory_space<vmem>>, %arg15: memref<!tpu.dma_semaphore, #tpu.memory_space<semaphore_mem>>, %arg16: memref<!tpu.dma_semaphore, #tpu.memory_space<semaphore_mem>>, %arg17: memref<!tpu.dma_semaphore, #tpu.memory_space<semaphore_mem>>, %arg18: memref<!tpu.dma_semaphore, #tpu.memory_space<semaphore_mem>>, %arg19: memref<!tpu.dma_semaphore, #tpu.memory_space<semaphore_mem>>, %arg20: memref<!tpu.dma_semaphore, #tpu.memory_space<semaphore_mem>>, %arg21: memref<!tpu.dma_semaphore, #tpu.memory_space<semaphore_mem>>, %arg22: memref<!tpu.dma_semaphore, #tpu.memory_space<semaphore_mem>>, %arg23: memref<!tpu.dma_semaphore, #tpu.memory_space<semaphore_mem>>, %arg24: memref<!tpu.dma_semaphore, #tpu.memory_space<semaphore_mem>>, %arg25: memref<!tpu.dma_semaphore, #tpu.memory_space<semaphore_mem>>, %arg26: memref<!tpu.dma_semaphore, #tpu.memory_space<semaphore_mem>>) attributes {dimension_semantics = [#tpu.dimension_semantics<core_parallel>, #tpu.dimension_semantics<subcore_parallel>], iteration_bounds = array<i64: 2, 16>, scalar_prefetch = 0 : i64, scratch_operands = 21 : i64, tpu.core_type = #tpu.core_type<sc_vector_subcore>, window_params = [{transform_indices = #map}, {transform_indices = #map1}, {transform_indices = #map1}, {transform_indices = #map}]} {
    %mul3A = arith.constant 2 : i32
    %mul3A_0 = arith.muli %arg1, %mul3A : i32
    %add3A = arith.addi %mul3A_0, %arg0 : i32
    %mul3A_1 = arith.constant 256 : i32
    %mul3A_2 = arith.muli %add3A, %mul3A_1 : i32
    %dma_start3A = arith.constant 0 : i32
    %dma_start3A_3 = tpu.memref_slice %arg3[%mul3A_2, %dma_start3A] : memref<8192x768xf32, #tpu.memory_space<hbm>> -> memref<8x768xf32, #tpu.memory_space<hbm>>
    %dma_start3A_4 = arith.constant 0 : i32
    %dma_start3A_5 = tpu.memref_slice %arg3[%mul3A_2, %dma_start3A_4] : memref<8192x768xf32, #tpu.memory_space<hbm>> -> memref<8x768xf32, #tpu.memory_space<hbm>>
    tpu.enqueue_dma source(%dma_start3A_5 : memref<8x768xf32, #tpu.memory_space<hbm>>) target(%arg6 : memref<8x768xf32, #tpu.memory_space<vmem>>) target_semaphore(%arg15 : memref<!tpu.dma_semaphore, #tpu.memory_space<semaphore_mem>>)
    %dma_start3A_6 = arith.constant 0 : i32
    %dma_start3A_7 = tpu.memref_slice %arg4[%mul3A_2, %dma_start3A_6] : memref<8192x768xf32, #tpu.memory_space<hbm>> -> memref<8x768xf32, #tpu.memory_space<hbm>>
    %dma_start3A_8 = arith.constant 0 : i32
    %dma_start3A_9 = tpu.memref_slice %arg4[%mul3A_2, %dma_start3A_8] : memref<8192x768xf32, #tpu.memory_space<hbm>> -> memref<8x768xf32, #tpu.memory_space<hbm>>
    tpu.enqueue_dma source(%dma_start3A_9 : memref<8x768xf32, #tpu.memory_space<hbm>>) target(%arg9 : memref<8x768xf32, #tpu.memory_space<vmem>>) target_semaphore(%arg18 : memref<!tpu.dma_semaphore, #tpu.memory_space<semaphore_mem>>)
    %dma_start3A_10 = arith.constant 0 : i32
    %dma_start3A_11 = arith.constant 0 : i32
    %dma_start3A_12 = tpu.memref_slice %arg2[%dma_start3A_10, %mul3A_2, %dma_start3A_11] : memref<4x8192x768xf32, #tpu.memory_space<hbm>> -> memref<4x8x768xf32, #tpu.memory_space<hbm>>
    %dma_start3A_13 = arith.constant 0 : i32
    %dma_start3A_14 = arith.constant 0 : i32
    %dma_start3A_15 = tpu.memref_slice %arg2[%dma_start3A_13, %mul3A_2, %dma_start3A_14] : memref<4x8192x768xf32, #tpu.memory_space<hbm>> -> memref<4x8x768xf32, #tpu.memory_space<hbm>>
    tpu.enqueue_dma source(%dma_start3A_15 : memref<4x8x768xf32, #tpu.memory_space<hbm>>) target(%arg12 : memref<4x8x768xf32, #tpu.memory_space<vmem>>) target_semaphore(%arg21 : memref<!tpu.dma_semaphore, #tpu.memory_space<semaphore_mem>>)
    %add3A_16 = arith.constant 0 : i32
    %add3A_17 = arith.addi %mul3A_2, %add3A_16 : i32
    %dma_wait3A = arith.constant 0 : i32
    %dma_wait3A_18 = arith.constant 0 : i32
    %dma_wait3A_19 = tpu.memref_slice %arg3[%dma_wait3A, %dma_wait3A_18] : memref<8192x768xf32, #tpu.memory_space<hbm>> -> memref<8x768xf32, #tpu.memory_space<hbm>>
    %dma_wait3A_20 = arith.constant 0 : i32
    %dma_wait3A_21 = arith.constant 0 : i32
    %dma_wait3A_22 = tpu.memref_slice %arg3[%dma_wait3A_20, %dma_wait3A_21] : memref<8192x768xf32, #tpu.memory_space<hbm>> -> memref<8x768xf32, #tpu.memory_space<hbm>>
    tpu.wait_dma2 semaphore(%arg15 : memref<!tpu.dma_semaphore, #tpu.memory_space<semaphore_mem>>) src(%dma_wait3A_22 : memref<8x768xf32, #tpu.memory_space<hbm>>) dst(%arg6 : memref<8x768xf32, #tpu.memory_space<vmem>>)
    %dma_wait3A_23 = arith.constant 0 : i32
    %dma_wait3A_24 = arith.constant 0 : i32
    %dma_wait3A_25 = tpu.memref_slice %arg3[%dma_wait3A_23, %dma_wait3A_24] : memref<8192x768xf32, #tpu.memory_space<hbm>> -> memref<8x768xf32, #tpu.memory_space<hbm>>
    %dma_wait3A_26 = arith.constant 0 : i32
    %dma_wait3A_27 = arith.constant 0 : i32
    %dma_wait3A_28 = tpu.memref_slice %arg3[%dma_wait3A_26, %dma_wait3A_27] : memref<8192x768xf32, #tpu.memory_space<hbm>> -> memref<8x768xf32, #tpu.memory_space<hbm>>
    tpu.wait_dma2 semaphore(%arg18 : memref<!tpu.dma_semaphore, #tpu.memory_space<semaphore_mem>>) src(%dma_wait3A_28 : memref<8x768xf32, #tpu.memory_space<hbm>>) dst(%arg9 : memref<8x768xf32, #tpu.memory_space<vmem>>)
    %add3A_29 = arith.constant 8 : i32
    %add3A_30 = arith.addi %add3A_17, %add3A_29 : i32
    %dma_start3A_31 = arith.constant 0 : i32
    %dma_start3A_32 = tpu.memref_slice %arg3[%add3A_30, %dma_start3A_31] : memref<8192x768xf32, #tpu.memory_space<hbm>> -> memref<8x768xf32, #tpu.memory_space<hbm>>
    %dma_start3A_33 = arith.constant 0 : i32
    %dma_start3A_34 = tpu.memref_slice %arg3[%add3A_30, %dma_start3A_33] : memref<8192x768xf32, #tpu.memory_space<hbm>> -> memref<8x768xf32, #tpu.memory_space<hbm>>
    tpu.enqueue_dma source(%dma_start3A_34 : memref<8x768xf32, #tpu.memory_space<hbm>>) target(%arg7 : memref<8x768xf32, #tpu.memory_space<vmem>>) target_semaphore(%arg16 : memref<!tpu.dma_semaphore, #tpu.memory_space<semaphore_mem>>)
    %dma_start3A_35 = arith.constant 0 : i32
    %dma_start3A_36 = tpu.memref_slice %arg4[%add3A_30, %dma_start3A_35] : memref<8192x768xf32, #tpu.memory_space<hbm>> -> memref<8x768xf32, #tpu.memory_space<hbm>>
    %dma_start3A_37 = arith.constant 0 : i32
    %dma_start3A_38 = tpu.memref_slice %arg4[%add3A_30, %dma_start3A_37] : memref<8192x768xf32, #tpu.memory_space<hbm>> -> memref<8x768xf32, #tpu.memory_space<hbm>>
    tpu.enqueue_dma source(%dma_start3A_38 : memref<8x768xf32, #tpu.memory_space<hbm>>) target(%arg10 : memref<8x768xf32, #tpu.memory_space<vmem>>) target_semaphore(%arg19 : memref<!tpu.dma_semaphore, #tpu.memory_space<semaphore_mem>>)
    %dma_start3A_39 = arith.constant 0 : i32
    %dma_start3A_40 = arith.constant 0 : i32
    %dma_start3A_41 = tpu.memref_slice %arg2[%dma_start3A_39, %add3A_30, %dma_start3A_40] : memref<4x8192x768xf32, #tpu.memory_space<hbm>> -> memref<4x8x768xf32, #tpu.memory_space<hbm>>
    %dma_start3A_42 = arith.constant 0 : i32
    %dma_start3A_43 = arith.constant 0 : i32
    %dma_start3A_44 = tpu.memref_slice %arg2[%dma_start3A_42, %add3A_30, %dma_start3A_43] : memref<4x8192x768xf32, #tpu.memory_space<hbm>> -> memref<4x8x768xf32, #tpu.memory_space<hbm>>
    tpu.enqueue_dma source(%dma_start3A_44 : memref<4x8x768xf32, #tpu.memory_space<hbm>>) target(%arg13 : memref<4x8x768xf32, #tpu.memory_space<vmem>>) target_semaphore(%arg22 : memref<!tpu.dma_semaphore, #tpu.memory_space<semaphore_mem>>)
    %dma_wait3A_45 = arith.constant 0 : i32
    %dma_wait3A_46 = arith.constant 0 : i32
    %dma_wait3A_47 = arith.constant 0 : i32
    %dma_wait3A_48 = tpu.memref_slice %arg2[%dma_wait3A_45, %dma_wait3A_46, %dma_wait3A_47] : memref<4x8192x768xf32, #tpu.memory_space<hbm>> -> memref<4x8x768xf32, #tpu.memory_space<hbm>>
    %dma_wait3A_49 = arith.constant 0 : i32
    %dma_wait3A_50 = arith.constant 0 : i32
    %dma_wait3A_51 = arith.constant 0 : i32
    %dma_wait3A_52 = tpu.memref_slice %arg2[%dma_wait3A_49, %dma_wait3A_50, %dma_wait3A_51] : memref<4x8192x768xf32, #tpu.memory_space<hbm>> -> memref<4x8x768xf32, #tpu.memory_space<hbm>>
    tpu.wait_dma2 semaphore(%arg21 : memref<!tpu.dma_semaphore, #tpu.memory_space<semaphore_mem>>) src(%dma_wait3A_52 : memref<4x8x768xf32, #tpu.memory_space<hbm>>) dst(%arg12 : memref<4x8x768xf32, #tpu.memory_space<vmem>>)
    %scan3A = arith.constant 0 : i32
    %scan3A_53 = arith.constant 8 : i32
    %scan3A_54 = arith.addi %scan3A, %scan3A_53 : i32
    %scan3A_55 = arith.constant 1 : i32
    scf.for %scan3A_653 = %scan3A to %scan3A_54 step %scan3A_55  : i32 {
      %mul3A_654 = arith.constant 1 : i32
      %mul3A_655 = arith.muli %scan3A_653, %mul3A_654 : i32
      %add3A_656 = arith.constant 0 : i32
      %add3A_657 = arith.addi %add3A_656, %mul3A_655 : i32
      %parallel_loop3A = arith.constant 0 : i32
      %parallel_loop3A_658 = arith.constant 48 : i32
      %parallel_loop3A_659 = arith.constant 1 : i32
      scf.for %parallel_loop3A_660 = %parallel_loop3A to %parallel_loop3A_658 step %parallel_loop3A_659  : i32 {
        %parallel_loop3A_661 = arith.constant 16 : i32
        %parallel_loop3A_662 = arith.muli %parallel_loop3A_660, %parallel_loop3A_661 : i32
        %parallel_loop3A_663 = arith.index_cast %add3A_657 : i32 to index
        %parallel_loop3A_664 = arith.index_cast %parallel_loop3A_662 : i32 to index
        %parallel_loop3A_665 = tpu.vector_load %arg6[%parallel_loop3A_663, %parallel_loop3A_664] {strides = array<i32>} : memref<8x768xf32, #tpu.memory_space<vmem>>, vector<1x16xf32>,
        %parallel_loop3A_666 = vector.shape_cast %parallel_loop3A_665 : vector<1x16xf32> to vector<16xf32>
        %parallel_loop3A_667 = arith.index_cast %add3A_657 : i32 to index
        %parallel_loop3A_668 = arith.index_cast %parallel_loop3A_662 : i32 to index
        %parallel_loop3A_669 = tpu.vector_load %arg9[%parallel_loop3A_667, %parallel_loop3A_668] {strides = array<i32>} : memref<8x768xf32, #tpu.memory_space<vmem>>, vector<1x16xf32>,
        %parallel_loop3A_670 = vector.shape_cast %parallel_loop3A_669 : vector<1x16xf32> to vector<16xf32>
        %parallel_loop3A_671 = arith.addf %parallel_loop3A_666, %parallel_loop3A_670 : vector<16xf32>
        %parallel_loop3A_672 = arith.index_cast %add3A_657 : i32 to index
        %parallel_loop3A_673 = arith.index_cast %parallel_loop3A_662 : i32 to index
        %parallel_loop3A_674 = tpu.vector_load %arg6[%parallel_loop3A_672, %parallel_loop3A_673] {strides = array<i32>} : memref<8x768xf32, #tpu.memory_space<vmem>>, vector<1x16xf32>,
        %parallel_loop3A_675 = vector.shape_cast %parallel_loop3A_674 : vector<1x16xf32> to vector<16xf32>
        %parallel_loop3A_676 = vector.shape_cast %parallel_loop3A_671 : vector<16xf32> to vector<1x16xf32>
        tpu.vector_store %arg6[%parallel_loop3A_672, %parallel_loop3A_673], %parallel_loop3A_676 {strides = array<i32>} : memref<8x768xf32, #tpu.memory_space<vmem>>, vector<1x16xf32>,
        %parallel_loop3A_677 = arith.constant 0 : i32
        %parallel_loop3A_678 = arith.index_cast %parallel_loop3A_677 : i32 to index
        %parallel_loop3A_679 = arith.index_cast %add3A_657 : i32 to index
        %parallel_loop3A_680 = arith.index_cast %parallel_loop3A_662 : i32 to index
        %parallel_loop3A_681 = tpu.vector_load %arg12[%parallel_loop3A_678, %parallel_loop3A_679, %parallel_loop3A_680] {strides = array<i32>} : memref<4x8x768xf32, #tpu.memory_space<vmem>>, vector<1x1x16xf32>,
        %parallel_loop3A_682 = vector.shape_cast %parallel_loop3A_681 : vector<1x1x16xf32> to vector<16xf32>
        %parallel_loop3A_683 = vector.shape_cast %parallel_loop3A_671 : vector<16xf32> to vector<1x1x16xf32>
        tpu.vector_store %arg12[%parallel_loop3A_678, %parallel_loop3A_679, %parallel_loop3A_680], %parallel_loop3A_683 {add = true, strides = array<i32>} : memref<4x8x768xf32, #tpu.memory_space<vmem>>, vector<1x1x16xf32>,
      } {sc.loop_unroll_factor = 8 : i64, sc.parallel_access}
    }
    %scan3A_56 = arith.constant 8 : i32
    %dma_start3A_57 = arith.constant 0 : i32
    %dma_start3A_58 = arith.constant 0 : i32
    %dma_start3A_59 = arith.constant 0 : i32
    %dma_start3A_60 = arith.constant 0 : i32
    %dma_start3A_61 = tpu.memref_slice %arg12[%dma_start3A_57, %dma_start3A_59, %dma_start3A_60] : memref<4x8x768xf32, #tpu.memory_space<vmem>> -> memref<1x8x768xf32, #tpu.memory_space<vmem>>
    %dma_start3A_62 = tpu.memref_squeeze %dma_start3A_61 : memref<1x8x768xf32, #tpu.memory_space<vmem>> -> memref<8x768xf32, #tpu.memory_space<vmem>>
    %dma_start3A_63 = arith.constant 0 : i32
    %dma_start3A_64 = tpu.memref_slice %arg5[%dma_start3A_58, %add3A_17, %dma_start3A_63] : memref<4x8192x768xf32, #tpu.memory_space<hbm>> -> memref<1x8x768xf32, #tpu.memory_space<hbm>>
    %dma_start3A_65 = tpu.memref_squeeze %dma_start3A_64 : memref<1x8x768xf32, #tpu.memory_space<hbm>> -> memref<8x768xf32, #tpu.memory_space<hbm>>
    %dma_start3A_66 = arith.constant 0 : i32
    %dma_start3A_67 = tpu.memref_slice %arg5[%dma_start3A_58, %add3A_17, %dma_start3A_66] : memref<4x8192x768xf32, #tpu.memory_space<hbm>> -> memref<1x8x768xf32, #tpu.memory_space<hbm>>
    %dma_start3A_68 = tpu.memref_squeeze %dma_start3A_67 : memref<1x8x768xf32, #tpu.memory_space<hbm>> -> memref<8x768xf32, #tpu.memory_space<hbm>>
    %dma_start3A_69 = arith.constant 0 : i32
    %dma_start3A_70 = arith.constant 0 : i32
    %dma_start3A_71 = tpu.memref_slice %arg12[%dma_start3A_57, %dma_start3A_69, %dma_start3A_70] : memref<4x8x768xf32, #tpu.memory_space<vmem>> -> memref<1x8x768xf32, #tpu.memory_space<vmem>>
    %dma_start3A_72 = tpu.memref_squeeze %dma_start3A_71 : memref<1x8x768xf32, #tpu.memory_space<vmem>> -> memref<8x768xf32, #tpu.memory_space<vmem>>
    tpu.enqueue_dma source(%dma_start3A_72 : memref<8x768xf32, #tpu.memory_space<vmem>>) target(%dma_start3A_68 : memref<8x768xf32, #tpu.memory_space<hbm>>) target_semaphore(%arg24 : memref<!tpu.dma_semaphore, #tpu.memory_space<semaphore_mem>>)
    %scan3A_73 = arith.constant 0 : i32
    %scan3A_74 = arith.constant 8 : i32
    %scan3A_75 = arith.addi %scan3A_73, %scan3A_74 : i32
    %scan3A_76 = arith.constant 1 : i32
    scf.for %scan3A_653 = %scan3A_73 to %scan3A_75 step %scan3A_76  : i32 {
      %mul3A_654 = arith.constant 1 : i32
      %mul3A_655 = arith.muli %scan3A_653, %mul3A_654 : i32
      %add3A_656 = arith.constant 0 : i32
      %add3A_657 = arith.addi %add3A_656, %mul3A_655 : i32
      %parallel_loop3A = arith.constant 0 : i32
      %parallel_loop3A_658 = arith.constant 48 : i32
      %parallel_loop3A_659 = arith.constant 1 : i32
      scf.for %parallel_loop3A_660 = %parallel_loop3A to %parallel_loop3A_658 step %parallel_loop3A_659  : i32 {
        %parallel_loop3A_661 = arith.constant 16 : i32
        %parallel_loop3A_662 = arith.muli %parallel_loop3A_660, %parallel_loop3A_661 : i32
        %parallel_loop3A_663 = arith.index_cast %add3A_657 : i32 to index
        %parallel_loop3A_664 = arith.index_cast %parallel_loop3A_662 : i32 to index
        %parallel_loop3A_665 = tpu.vector_load %arg6[%parallel_loop3A_663, %parallel_loop3A_664] {strides = array<i32>} : memref<8x768xf32, #tpu.memory_space<vmem>>, vector<1x16xf32>,
        %parallel_loop3A_666 = vector.shape_cast %parallel_loop3A_665 : vector<1x16xf32> to vector<16xf32>
        %parallel_loop3A_667 = arith.constant 1 : i32
        %parallel_loop3A_668 = arith.index_cast %parallel_loop3A_667 : i32 to index
        %parallel_loop3A_669 = arith.index_cast %add3A_657 : i32 to index
        %parallel_loop3A_670 = arith.index_cast %parallel_loop3A_662 : i32 to index
        %parallel_loop3A_671 = tpu.vector_load %arg12[%parallel_loop3A_668, %parallel_loop3A_669, %parallel_loop3A_670] {strides = array<i32>} : memref<4x8x768xf32, #tpu.memory_space<vmem>>, vector<1x1x16xf32>,
        %parallel_loop3A_672 = vector.shape_cast %parallel_loop3A_671 : vector<1x1x16xf32> to vector<16xf32>
        %parallel_loop3A_673 = vector.shape_cast %parallel_loop3A_666 : vector<16xf32> to vector<1x1x16xf32>
        tpu.vector_store %arg12[%parallel_loop3A_668, %parallel_loop3A_669, %parallel_loop3A_670], %parallel_loop3A_673 {add = true, strides = array<i32>} : memref<4x8x768xf32, #tpu.memory_space<vmem>>, vector<1x1x16xf32>,
      } {sc.loop_unroll_factor = 8 : i64, sc.parallel_access}
    }
    %scan3A_77 = arith.constant 8 : i32
    %dma_start3A_78 = arith.constant 1 : i32
    %dma_start3A_79 = arith.constant 1 : i32
    %dma_start3A_80 = arith.constant 0 : i32
    %dma_start3A_81 = arith.constant 0 : i32
    %dma_start3A_82 = tpu.memref_slice %arg12[%dma_start3A_78, %dma_start3A_80, %dma_start3A_81] : memref<4x8x768xf32, #tpu.memory_space<vmem>> -> memref<1x8x768xf32, #tpu.memory_space<vmem>>
    %dma_start3A_83 = tpu.memref_squeeze %dma_start3A_82 : memref<1x8x768xf32, #tpu.memory_space<vmem>> -> memref<8x768xf32, #tpu.memory_space<vmem>>
    %dma_start3A_84 = arith.constant 0 : i32
    %dma_start3A_85 = tpu.memref_slice %arg5[%dma_start3A_79, %add3A_17, %dma_start3A_84] : memref<4x8192x768xf32, #tpu.memory_space<hbm>> -> memref<1x8x768xf32, #tpu.memory_space<hbm>>
    %dma_start3A_86 = tpu.memref_squeeze %dma_start3A_85 : memref<1x8x768xf32, #tpu.memory_space<hbm>> -> memref<8x768xf32, #tpu.memory_space<hbm>>
    %dma_start3A_87 = arith.constant 0 : i32
    %dma_start3A_88 = tpu.memref_slice %arg5[%dma_start3A_79, %add3A_17, %dma_start3A_87] : memref<4x8192x768xf32, #tpu.memory_space<hbm>> -> memref<1x8x768xf32, #tpu.memory_space<hbm>>
    %dma_start3A_89 = tpu.memref_squeeze %dma_start3A_88 : memref<1x8x768xf32, #tpu.memory_space<hbm>> -> memref<8x768xf32, #tpu.memory_space<hbm>>
    %dma_start3A_90 = arith.constant 0 : i32
    %dma_start3A_91 = arith.constant 0 : i32
    %dma_start3A_92 = tpu.memref_slice %arg12[%dma_start3A_78, %dma_start3A_90, %dma_start3A_91] : memref<4x8x768xf32, #tpu.memory_space<vmem>> -> memref<1x8x768xf32, #tpu.memory_space<vmem>>
    %dma_start3A_93 = tpu.memref_squeeze %dma_start3A_92 : memref<1x8x768xf32, #tpu.memory_space<vmem>> -> memref<8x768xf32, #tpu.memory_space<vmem>>
    tpu.enqueue_dma source(%dma_start3A_93 : memref<8x768xf32, #tpu.memory_space<vmem>>) target(%dma_start3A_89 : memref<8x768xf32, #tpu.memory_space<hbm>>) target_semaphore(%arg24 : memref<!tpu.dma_semaphore, #tpu.memory_space<semaphore_mem>>)
    %scan3A_94 = arith.constant 0 : i32
    %scan3A_95 = arith.constant 8 : i32
    %scan3A_96 = arith.addi %scan3A_94, %scan3A_95 : i32
    %scan3A_97 = arith.constant 1 : i32
    scf.for %scan3A_653 = %scan3A_94 to %scan3A_96 step %scan3A_97  : i32 {
      %mul3A_654 = arith.constant 1 : i32
      %mul3A_655 = arith.muli %scan3A_653, %mul3A_654 : i32
      %add3A_656 = arith.constant 0 : i32
      %add3A_657 = arith.addi %add3A_656, %mul3A_655 : i32
      %parallel_loop3A = arith.constant 0 : i32
      %parallel_loop3A_658 = arith.constant 48 : i32
      %parallel_loop3A_659 = arith.constant 1 : i32
      scf.for %parallel_loop3A_660 = %parallel_loop3A to %parallel_loop3A_658 step %parallel_loop3A_659  : i32 {
        %parallel_loop3A_661 = arith.constant 16 : i32
        %parallel_loop3A_662 = arith.muli %parallel_loop3A_660, %parallel_loop3A_661 : i32
        %parallel_loop3A_663 = arith.index_cast %add3A_657 : i32 to index
        %parallel_loop3A_664 = arith.index_cast %parallel_loop3A_662 : i32 to index
        %parallel_loop3A_665 = tpu.vector_load %arg6[%parallel_loop3A_663, %parallel_loop3A_664] {strides = array<i32>} : memref<8x768xf32, #tpu.memory_space<vmem>>, vector<1x16xf32>,
        %parallel_loop3A_666 = vector.shape_cast %parallel_loop3A_665 : vector<1x16xf32> to vector<16xf32>
        %parallel_loop3A_667 = arith.constant 2 : i32
        %parallel_loop3A_668 = arith.index_cast %parallel_loop3A_667 : i32 to index
        %parallel_loop3A_669 = arith.index_cast %add3A_657 : i32 to index
        %parallel_loop3A_670 = arith.index_cast %parallel_loop3A_662 : i32 to index
        %parallel_loop3A_671 = tpu.vector_load %arg12[%parallel_loop3A_668, %parallel_loop3A_669, %parallel_loop3A_670] {strides = array<i32>} : memref<4x8x768xf32, #tpu.memory_space<vmem>>, vector<1x1x16xf32>,
        %parallel_loop3A_672 = vector.shape_cast %parallel_loop3A_671 : vector<1x1x16xf32> to vector<16xf32>
        %parallel_loop3A_673 = vector.shape_cast %parallel_loop3A_666 : vector<16xf32> to vector<1x1x16xf32>
        tpu.vector_store %arg12[%parallel_loop3A_668, %parallel_loop3A_669, %parallel_loop3A_670], %parallel_loop3A_673 {add = true, strides = array<i32>} : memref<4x8x768xf32, #tpu.memory_space<vmem>>, vector<1x1x16xf32>,
      } {sc.loop_unroll_factor = 8 : i64, sc.parallel_access}
    }
    %scan3A_98 = arith.constant 8 : i32
    %dma_start3A_99 = arith.constant 2 : i32
    %dma_start3A_100 = arith.constant 2 : i32
    %dma_start3A_101 = arith.constant 0 : i32
    %dma_start3A_102 = arith.constant 0 : i32
    %dma_start3A_103 = tpu.memref_slice %arg12[%dma_start3A_99, %dma_start3A_101, %dma_start3A_102] : memref<4x8x768xf32, #tpu.memory_space<vmem>> -> memref<1x8x768xf32, #tpu.memory_space<vmem>>
    %dma_start3A_104 = tpu.memref_squeeze %dma_start3A_103 : memref<1x8x768xf32, #tpu.memory_space<vmem>> -> memref<8x768xf32, #tpu.memory_space<vmem>>
    %dma_start3A_105 = arith.constant 0 : i32
    %dma_start3A_106 = tpu.memref_slice %arg5[%dma_start3A_100, %add3A_17, %dma_start3A_105] : memref<4x8192x768xf32, #tpu.memory_space<hbm>> -> memref<1x8x768xf32, #tpu.memory_space<hbm>>
    %dma_start3A_107 = tpu.memref_squeeze %dma_start3A_106 : memref<1x8x768xf32, #tpu.memory_space<hbm>> -> memref<8x768xf32, #tpu.memory_space<hbm>>
    %dma_start3A_108 = arith.constant 0 : i32
    %dma_start3A_109 = tpu.memref_slice %arg5[%dma_start3A_100, %add3A_17, %dma_start3A_108] : memref<4x8192x768xf32, #tpu.memory_space<hbm>> -> memref<1x8x768xf32, #tpu.memory_space<hbm>>
    %dma_start3A_110 = tpu.memref_squeeze %dma_start3A_109 : memref<1x8x768xf32, #tpu.memory_space<hbm>> -> memref<8x768xf32, #tpu.memory_space<hbm>>
    %dma_start3A_111 = arith.constant 0 : i32
    %dma_start3A_112 = arith.constant 0 : i32
    %dma_start3A_113 = tpu.memref_slice %arg12[%dma_start3A_99, %dma_start3A_111, %dma_start3A_112] : memref<4x8x768xf32, #tpu.memory_space<vmem>> -> memref<1x8x768xf32, #tpu.memory_space<vmem>>
    %dma_start3A_114 = tpu.memref_squeeze %dma_start3A_113 : memref<1x8x768xf32, #tpu.memory_space<vmem>> -> memref<8x768xf32, #tpu.memory_space<vmem>>
    tpu.enqueue_dma source(%dma_start3A_114 : memref<8x768xf32, #tpu.memory_space<vmem>>) target(%dma_start3A_110 : memref<8x768xf32, #tpu.memory_space<hbm>>) target_semaphore(%arg24 : memref<!tpu.dma_semaphore, #tpu.memory_space<semaphore_mem>>)
    %scan3A_115 = arith.constant 0 : i32
    %scan3A_116 = arith.constant 8 : i32
    %scan3A_117 = arith.addi %scan3A_115, %scan3A_116 : i32
    %scan3A_118 = arith.constant 1 : i32
    scf.for %scan3A_653 = %scan3A_115 to %scan3A_117 step %scan3A_118  : i32 {
      %mul3A_654 = arith.constant 1 : i32
      %mul3A_655 = arith.muli %scan3A_653, %mul3A_654 : i32
      %add3A_656 = arith.constant 0 : i32
      %add3A_657 = arith.addi %add3A_656, %mul3A_655 : i32
      %parallel_loop3A = arith.constant 0 : i32
      %parallel_loop3A_658 = arith.constant 48 : i32
      %parallel_loop3A_659 = arith.constant 1 : i32
      scf.for %parallel_loop3A_660 = %parallel_loop3A to %parallel_loop3A_658 step %parallel_loop3A_659  : i32 {
        %parallel_loop3A_661 = arith.constant 16 : i32
        %parallel_loop3A_662 = arith.muli %parallel_loop3A_660, %parallel_loop3A_661 : i32
        %parallel_loop3A_663 = arith.index_cast %add3A_657 : i32 to index
        %parallel_loop3A_664 = arith.index_cast %parallel_loop3A_662 : i32 to index
        %parallel_loop3A_665 = tpu.vector_load %arg6[%parallel_loop3A_663, %parallel_loop3A_664] {strides = array<i32>} : memref<8x768xf32, #tpu.memory_space<vmem>>, vector<1x16xf32>,
        %parallel_loop3A_666 = vector.shape_cast %parallel_loop3A_665 : vector<1x16xf32> to vector<16xf32>
        %parallel_loop3A_667 = arith.constant 3 : i32
        %parallel_loop3A_668 = arith.index_cast %parallel_loop3A_667 : i32 to index
        %parallel_loop3A_669 = arith.index_cast %add3A_657 : i32 to index
        %parallel_loop3A_670 = arith.index_cast %parallel_loop3A_662 : i32 to index
        %parallel_loop3A_671 = tpu.vector_load %arg12[%parallel_loop3A_668, %parallel_loop3A_669, %parallel_loop3A_670] {strides = array<i32>} : memref<4x8x768xf32, #tpu.memory_space<vmem>>, vector<1x1x16xf32>,
        %parallel_loop3A_672 = vector.shape_cast %parallel_loop3A_671 : vector<1x1x16xf32> to vector<16xf32>
        %parallel_loop3A_673 = vector.shape_cast %parallel_loop3A_666 : vector<16xf32> to vector<1x1x16xf32>
        tpu.vector_store %arg12[%parallel_loop3A_668, %parallel_loop3A_669, %parallel_loop3A_670], %parallel_loop3A_673 {add = true, strides = array<i32>} : memref<4x8x768xf32, #tpu.memory_space<vmem>>, vector<1x1x16xf32>,
      } {sc.loop_unroll_factor = 8 : i64, sc.parallel_access}
    }
    %scan3A_119 = arith.constant 8 : i32
    %dma_start3A_120 = arith.constant 3 : i32
    %dma_start3A_121 = arith.constant 3 : i32
    %dma_start3A_122 = arith.constant 0 : i32
    %dma_start3A_123 = arith.constant 0 : i32
    %dma_start3A_124 = tpu.memref_slice %arg12[%dma_start3A_120, %dma_start3A_122, %dma_start3A_123] : memref<4x8x768xf32, #tpu.memory_space<vmem>> -> memref<1x8x768xf32, #tpu.memory_space<vmem>>
    %dma_start3A_125 = tpu.memref_squeeze %dma_start3A_124 : memref<1x8x768xf32, #tpu.memory_space<vmem>> -> memref<8x768xf32, #tpu.memory_space<vmem>>
    %dma_start3A_126 = arith.constant 0 : i32
    %dma_start3A_127 = tpu.memref_slice %arg5[%dma_start3A_121, %add3A_17, %dma_start3A_126] : memref<4x8192x768xf32, #tpu.memory_space<hbm>> -> memref<1x8x768xf32, #tpu.memory_space<hbm>>
    %dma_start3A_128 = tpu.memref_squeeze %dma_start3A_127 : memref<1x8x768xf32, #tpu.memory_space<hbm>> -> memref<8x768xf32, #tpu.memory_space<hbm>>
    %dma_start3A_129 = arith.constant 0 : i32
    %dma_start3A_130 = tpu.memref_slice %arg5[%dma_start3A_121, %add3A_17, %dma_start3A_129] : memref<4x8192x768xf32, #tpu.memory_space<hbm>> -> memref<1x8x768xf32, #tpu.memory_space<hbm>>
    %dma_start3A_131 = tpu.memref_squeeze %dma_start3A_130 : memref<1x8x768xf32, #tpu.memory_space<hbm>> -> memref<8x768xf32, #tpu.memory_space<hbm>>
    %dma_start3A_132 = arith.constant 0 : i32
    %dma_start3A_133 = arith.constant 0 : i32
    %dma_start3A_134 = tpu.memref_slice %arg12[%dma_start3A_120, %dma_start3A_132, %dma_start3A_133] : memref<4x8x768xf32, #tpu.memory_space<vmem>> -> memref<1x8x768xf32, #tpu.memory_space<vmem>>
    %dma_start3A_135 = tpu.memref_squeeze %dma_start3A_134 : memref<1x8x768xf32, #tpu.memory_space<vmem>> -> memref<8x768xf32, #tpu.memory_space<vmem>>
    tpu.enqueue_dma source(%dma_start3A_135 : memref<8x768xf32, #tpu.memory_space<vmem>>) target(%dma_start3A_131 : memref<8x768xf32, #tpu.memory_space<hbm>>) target_semaphore(%arg24 : memref<!tpu.dma_semaphore, #tpu.memory_space<semaphore_mem>>)
    %add3A_136 = arith.constant 8 : i32
    %add3A_137 = arith.addi %mul3A_2, %add3A_136 : i32
    %dma_wait3A_138 = arith.constant 0 : i32
    %dma_wait3A_139 = arith.constant 0 : i32
    %dma_wait3A_140 = tpu.memref_slice %arg3[%dma_wait3A_138, %dma_wait3A_139] : memref<8192x768xf32, #tpu.memory_space<hbm>> -> memref<8x768xf32, #tpu.memory_space<hbm>>
    %dma_wait3A_141 = arith.constant 0 : i32
    %dma_wait3A_142 = arith.constant 0 : i32
    %dma_wait3A_143 = tpu.memref_slice %arg3[%dma_wait3A_141, %dma_wait3A_142] : memref<8192x768xf32, #tpu.memory_space<hbm>> -> memref<8x768xf32, #tpu.memory_space<hbm>>
    tpu.wait_dma2 semaphore(%arg16 : memref<!tpu.dma_semaphore, #tpu.memory_space<semaphore_mem>>) src(%dma_wait3A_143 : memref<8x768xf32, #tpu.memory_space<hbm>>) dst(%arg7 : memref<8x768xf32, #tpu.memory_space<vmem>>)
    %dma_wait3A_144 = arith.constant 0 : i32
    %dma_wait3A_145 = arith.constant 0 : i32
    %dma_wait3A_146 = tpu.memref_slice %arg3[%dma_wait3A_144, %dma_wait3A_145] : memref<8192x768xf32, #tpu.memory_space<hbm>> -> memref<8x768xf32, #tpu.memory_space<hbm>>
    %dma_wait3A_147 = arith.constant 0 : i32
    %dma_wait3A_148 = arith.constant 0 : i32
    %dma_wait3A_149 = tpu.memref_slice %arg3[%dma_wait3A_147, %dma_wait3A_148] : memref<8192x768xf32, #tpu.memory_space<hbm>> -> memref<8x768xf32, #tpu.memory_space<hbm>>
    tpu.wait_dma2 semaphore(%arg19 : memref<!tpu.dma_semaphore, #tpu.memory_space<semaphore_mem>>) src(%dma_wait3A_149 : memref<8x768xf32, #tpu.memory_space<hbm>>) dst(%arg10 : memref<8x768xf32, #tpu.memory_space<vmem>>)
    %add3A_150 = arith.constant 8 : i32
    %add3A_151 = arith.addi %add3A_137, %add3A_150 : i32
    %dma_start3A_152 = arith.constant 0 : i32
    %dma_start3A_153 = tpu.memref_slice %arg3[%add3A_151, %dma_start3A_152] : memref<8192x768xf32, #tpu.memory_space<hbm>> -> memref<8x768xf32, #tpu.memory_space<hbm>>
    %dma_start3A_154 = arith.constant 0 : i32
    %dma_start3A_155 = tpu.memref_slice %arg3[%add3A_151, %dma_start3A_154] : memref<8192x768xf32, #tpu.memory_space<hbm>> -> memref<8x768xf32, #tpu.memory_space<hbm>>
    tpu.enqueue_dma source(%dma_start3A_155 : memref<8x768xf32, #tpu.memory_space<hbm>>) target(%arg8 : memref<8x768xf32, #tpu.memory_space<vmem>>) target_semaphore(%arg17 : memref<!tpu.dma_semaphore, #tpu.memory_space<semaphore_mem>>)
    %dma_start3A_156 = arith.constant 0 : i32
    %dma_start3A_157 = tpu.memref_slice %arg4[%add3A_151, %dma_start3A_156] : memref<8192x768xf32, #tpu.memory_space<hbm>> -> memref<8x768xf32, #tpu.memory_space<hbm>>
    %dma_start3A_158 = arith.constant 0 : i32
    %dma_start3A_159 = tpu.memref_slice %arg4[%add3A_151, %dma_start3A_158] : memref<8192x768xf32, #tpu.memory_space<hbm>> -> memref<8x768xf32, #tpu.memory_space<hbm>>
    tpu.enqueue_dma source(%dma_start3A_159 : memref<8x768xf32, #tpu.memory_space<hbm>>) target(%arg11 : memref<8x768xf32, #tpu.memory_space<vmem>>) target_semaphore(%arg20 : memref<!tpu.dma_semaphore, #tpu.memory_space<semaphore_mem>>)
    %dma_start3A_160 = arith.constant 0 : i32
    %dma_start3A_161 = arith.constant 0 : i32
    %dma_start3A_162 = tpu.memref_slice %arg2[%dma_start3A_160, %add3A_151, %dma_start3A_161] : memref<4x8192x768xf32, #tpu.memory_space<hbm>> -> memref<4x8x768xf32, #tpu.memory_space<hbm>>
    %dma_start3A_163 = arith.constant 0 : i32
    %dma_start3A_164 = arith.constant 0 : i32
    %dma_start3A_165 = tpu.memref_slice %arg2[%dma_start3A_163, %add3A_151, %dma_start3A_164] : memref<4x8192x768xf32, #tpu.memory_space<hbm>> -> memref<4x8x768xf32, #tpu.memory_space<hbm>>
    tpu.enqueue_dma source(%dma_start3A_165 : memref<4x8x768xf32, #tpu.memory_space<hbm>>) target(%arg14 : memref<4x8x768xf32, #tpu.memory_space<vmem>>) target_semaphore(%arg23 : memref<!tpu.dma_semaphore, #tpu.memory_space<semaphore_mem>>)
    %dma_wait3A_166 = arith.constant 0 : i32
    %dma_wait3A_167 = arith.constant 0 : i32
    %dma_wait3A_168 = arith.constant 0 : i32
    %dma_wait3A_169 = tpu.memref_slice %arg2[%dma_wait3A_166, %dma_wait3A_167, %dma_wait3A_168] : memref<4x8192x768xf32, #tpu.memory_space<hbm>> -> memref<4x8x768xf32, #tpu.memory_space<hbm>>
    %dma_wait3A_170 = arith.constant 0 : i32
    %dma_wait3A_171 = arith.constant 0 : i32
    %dma_wait3A_172 = arith.constant 0 : i32
    %dma_wait3A_173 = tpu.memref_slice %arg2[%dma_wait3A_170, %dma_wait3A_171, %dma_wait3A_172] : memref<4x8192x768xf32, #tpu.memory_space<hbm>> -> memref<4x8x768xf32, #tpu.memory_space<hbm>>
    tpu.wait_dma2 semaphore(%arg22 : memref<!tpu.dma_semaphore, #tpu.memory_space<semaphore_mem>>) src(%dma_wait3A_173 : memref<4x8x768xf32, #tpu.memory_space<hbm>>) dst(%arg13 : memref<4x8x768xf32, #tpu.memory_space<vmem>>)
    %scan3A_174 = arith.constant 0 : i32
    %scan3A_175 = arith.constant 8 : i32
    %scan3A_176 = arith.addi %scan3A_174, %scan3A_175 : i32
    %scan3A_177 = arith.constant 1 : i32
    scf.for %scan3A_653 = %scan3A_174 to %scan3A_176 step %scan3A_177  : i32 {
      %mul3A_654 = arith.constant 1 : i32
      %mul3A_655 = arith.muli %scan3A_653, %mul3A_654 : i32
      %add3A_656 = arith.constant 0 : i32
      %add3A_657 = arith.addi %add3A_656, %mul3A_655 : i32
      %parallel_loop3A = arith.constant 0 : i32
      %parallel_loop3A_658 = arith.constant 48 : i32
      %parallel_loop3A_659 = arith.constant 1 : i32
      scf.for %parallel_loop3A_660 = %parallel_loop3A to %parallel_loop3A_658 step %parallel_loop3A_659  : i32 {
        %parallel_loop3A_661 = arith.constant 16 : i32
        %parallel_loop3A_662 = arith.muli %parallel_loop3A_660, %parallel_loop3A_661 : i32
        %parallel_loop3A_663 = arith.index_cast %add3A_657 : i32 to index
        %parallel_loop3A_664 = arith.index_cast %parallel_loop3A_662 : i32 to index
        %parallel_loop3A_665 = tpu.vector_load %arg7[%parallel_loop3A_663, %parallel_loop3A_664] {strides = array<i32>} : memref<8x768xf32, #tpu.memory_space<vmem>>, vector<1x16xf32>,
        %parallel_loop3A_666 = vector.shape_cast %parallel_loop3A_665 : vector<1x16xf32> to vector<16xf32>
        %parallel_loop3A_667 = arith.index_cast %add3A_657 : i32 to index
        %parallel_loop3A_668 = arith.index_cast %parallel_loop3A_662 : i32 to index
        %parallel_loop3A_669 = tpu.vector_load %arg10[%parallel_loop3A_667, %parallel_loop3A_668] {strides = array<i32>} : memref<8x768xf32, #tpu.memory_space<vmem>>, vector<1x16xf32>,
        %parallel_loop3A_670 = vector.shape_cast %parallel_loop3A_669 : vector<1x16xf32> to vector<16xf32>
        %parallel_loop3A_671 = arith.addf %parallel_loop3A_666, %parallel_loop3A_670 : vector<16xf32>
        %parallel_loop3A_672 = arith.index_cast %add3A_657 : i32 to index
        %parallel_loop3A_673 = arith.index_cast %parallel_loop3A_662 : i32 to index
        %parallel_loop3A_674 = tpu.vector_load %arg7[%parallel_loop3A_672, %parallel_loop3A_673] {strides = array<i32>} : memref<8x768xf32, #tpu.memory_space<vmem>>, vector<1x16xf32>,
        %parallel_loop3A_675 = vector.shape_cast %parallel_loop3A_674 : vector<1x16xf32> to vector<16xf32>
        %parallel_loop3A_676 = vector.shape_cast %parallel_loop3A_671 : vector<16xf32> to vector<1x16xf32>
        tpu.vector_store %arg7[%parallel_loop3A_672, %parallel_loop3A_673], %parallel_loop3A_676 {strides = array<i32>} : memref<8x768xf32, #tpu.memory_space<vmem>>, vector<1x16xf32>,
        %parallel_loop3A_677 = arith.constant 0 : i32
        %parallel_loop3A_678 = arith.index_cast %parallel_loop3A_677 : i32 to index
        %parallel_loop3A_679 = arith.index_cast %add3A_657 : i32 to index
        %parallel_loop3A_680 = arith.index_cast %parallel_loop3A_662 : i32 to index
        %parallel_loop3A_681 = tpu.vector_load %arg13[%parallel_loop3A_678, %parallel_loop3A_679, %parallel_loop3A_680] {strides = array<i32>} : memref<4x8x768xf32, #tpu.memory_space<vmem>>, vector<1x1x16xf32>,
        %parallel_loop3A_682 = vector.shape_cast %parallel_loop3A_681 : vector<1x1x16xf32> to vector<16xf32>
        %parallel_loop3A_683 = vector.shape_cast %parallel_loop3A_671 : vector<16xf32> to vector<1x1x16xf32>
        tpu.vector_store %arg13[%parallel_loop3A_678, %parallel_loop3A_679, %parallel_loop3A_680], %parallel_loop3A_683 {add = true, strides = array<i32>} : memref<4x8x768xf32, #tpu.memory_space<vmem>>, vector<1x1x16xf32>,
      } {sc.loop_unroll_factor = 8 : i64, sc.parallel_access}
    }
    %scan3A_178 = arith.constant 8 : i32
    %dma_start3A_179 = arith.constant 0 : i32
    %dma_start3A_180 = arith.constant 0 : i32
    %dma_start3A_181 = arith.constant 0 : i32
    %dma_start3A_182 = arith.constant 0 : i32
    %dma_start3A_183 = tpu.memref_slice %arg13[%dma_start3A_179, %dma_start3A_181, %dma_start3A_182] : memref<4x8x768xf32, #tpu.memory_space<vmem>> -> memref<1x8x768xf32, #tpu.memory_space<vmem>>
    %dma_start3A_184 = tpu.memref_squeeze %dma_start3A_183 : memref<1x8x768xf32, #tpu.memory_space<vmem>> -> memref<8x768xf32, #tpu.memory_space<vmem>>
    %dma_start3A_185 = arith.constant 0 : i32
    %dma_start3A_186 = tpu.memref_slice %arg5[%dma_start3A_180, %add3A_137, %dma_start3A_185] : memref<4x8192x768xf32, #tpu.memory_space<hbm>> -> memref<1x8x768xf32, #tpu.memory_space<hbm>>
    %dma_start3A_187 = tpu.memref_squeeze %dma_start3A_186 : memref<1x8x768xf32, #tpu.memory_space<hbm>> -> memref<8x768xf32, #tpu.memory_space<hbm>>
    %dma_start3A_188 = arith.constant 0 : i32
    %dma_start3A_189 = tpu.memref_slice %arg5[%dma_start3A_180, %add3A_137, %dma_start3A_188] : memref<4x8192x768xf32, #tpu.memory_space<hbm>> -> memref<1x8x768xf32, #tpu.memory_space<hbm>>
    %dma_start3A_190 = tpu.memref_squeeze %dma_start3A_189 : memref<1x8x768xf32, #tpu.memory_space<hbm>> -> memref<8x768xf32, #tpu.memory_space<hbm>>
    %dma_start3A_191 = arith.constant 0 : i32
    %dma_start3A_192 = arith.constant 0 : i32
    %dma_start3A_193 = tpu.memref_slice %arg13[%dma_start3A_179, %dma_start3A_191, %dma_start3A_192] : memref<4x8x768xf32, #tpu.memory_space<vmem>> -> memref<1x8x768xf32, #tpu.memory_space<vmem>>
    %dma_start3A_194 = tpu.memref_squeeze %dma_start3A_193 : memref<1x8x768xf32, #tpu.memory_space<vmem>> -> memref<8x768xf32, #tpu.memory_space<vmem>>
    tpu.enqueue_dma source(%dma_start3A_194 : memref<8x768xf32, #tpu.memory_space<vmem>>) target(%dma_start3A_190 : memref<8x768xf32, #tpu.memory_space<hbm>>) target_semaphore(%arg25 : memref<!tpu.dma_semaphore, #tpu.memory_space<semaphore_mem>>)
    %scan3A_195 = arith.constant 0 : i32
    %scan3A_196 = arith.constant 8 : i32
    %scan3A_197 = arith.addi %scan3A_195, %scan3A_196 : i32
    %scan3A_198 = arith.constant 1 : i32
    scf.for %scan3A_653 = %scan3A_195 to %scan3A_197 step %scan3A_198  : i32 {
      %mul3A_654 = arith.constant 1 : i32
      %mul3A_655 = arith.muli %scan3A_653, %mul3A_654 : i32
      %add3A_656 = arith.constant 0 : i32
      %add3A_657 = arith.addi %add3A_656, %mul3A_655 : i32
      %parallel_loop3A = arith.constant 0 : i32
      %parallel_loop3A_658 = arith.constant 48 : i32
      %parallel_loop3A_659 = arith.constant 1 : i32
      scf.for %parallel_loop3A_660 = %parallel_loop3A to %parallel_loop3A_658 step %parallel_loop3A_659  : i32 {
        %parallel_loop3A_661 = arith.constant 16 : i32
        %parallel_loop3A_662 = arith.muli %parallel_loop3A_660, %parallel_loop3A_661 : i32
        %parallel_loop3A_663 = arith.index_cast %add3A_657 : i32 to index
        %parallel_loop3A_664 = arith.index_cast %parallel_loop3A_662 : i32 to index
        %parallel_loop3A_665 = tpu.vector_load %arg7[%parallel_loop3A_663, %parallel_loop3A_664] {strides = array<i32>} : memref<8x768xf32, #tpu.memory_space<vmem>>, vector<1x16xf32>,
        %parallel_loop3A_666 = vector.shape_cast %parallel_loop3A_665 : vector<1x16xf32> to vector<16xf32>
        %parallel_loop3A_667 = arith.constant 1 : i32
        %parallel_loop3A_668 = arith.index_cast %parallel_loop3A_667 : i32 to index
        %parallel_loop3A_669 = arith.index_cast %add3A_657 : i32 to index
        %parallel_loop3A_670 = arith.index_cast %parallel_loop3A_662 : i32 to index
        %parallel_loop3A_671 = tpu.vector_load %arg13[%parallel_loop3A_668, %parallel_loop3A_669, %parallel_loop3A_670] {strides = array<i32>} : memref<4x8x768xf32, #tpu.memory_space<vmem>>, vector<1x1x16xf32>,
        %parallel_loop3A_672 = vector.shape_cast %parallel_loop3A_671 : vector<1x1x16xf32> to vector<16xf32>
        %parallel_loop3A_673 = vector.shape_cast %parallel_loop3A_666 : vector<16xf32> to vector<1x1x16xf32>
        tpu.vector_store %arg13[%parallel_loop3A_668, %parallel_loop3A_669, %parallel_loop3A_670], %parallel_loop3A_673 {add = true, strides = array<i32>} : memref<4x8x768xf32, #tpu.memory_space<vmem>>, vector<1x1x16xf32>,
      } {sc.loop_unroll_factor = 8 : i64, sc.parallel_access}
    }
    %scan3A_199 = arith.constant 8 : i32
    %dma_start3A_200 = arith.constant 1 : i32
    %dma_start3A_201 = arith.constant 1 : i32
    %dma_start3A_202 = arith.constant 0 : i32
    %dma_start3A_203 = arith.constant 0 : i32
    %dma_start3A_204 = tpu.memref_slice %arg13[%dma_start3A_200, %dma_start3A_202, %dma_start3A_203] : memref<4x8x768xf32, #tpu.memory_space<vmem>> -> memref<1x8x768xf32, #tpu.memory_space<vmem>>
    %dma_start3A_205 = tpu.memref_squeeze %dma_start3A_204 : memref<1x8x768xf32, #tpu.memory_space<vmem>> -> memref<8x768xf32, #tpu.memory_space<vmem>>
    %dma_start3A_206 = arith.constant 0 : i32
    %dma_start3A_207 = tpu.memref_slice %arg5[%dma_start3A_201, %add3A_137, %dma_start3A_206] : memref<4x8192x768xf32, #tpu.memory_space<hbm>> -> memref<1x8x768xf32, #tpu.memory_space<hbm>>
    %dma_start3A_208 = tpu.memref_squeeze %dma_start3A_207 : memref<1x8x768xf32, #tpu.memory_space<hbm>> -> memref<8x768xf32, #tpu.memory_space<hbm>>
    %dma_start3A_209 = arith.constant 0 : i32
    %dma_start3A_210 = tpu.memref_slice %arg5[%dma_start3A_201, %add3A_137, %dma_start3A_209] : memref<4x8192x768xf32, #tpu.memory_space<hbm>> -> memref<1x8x768xf32, #tpu.memory_space<hbm>>
    %dma_start3A_211 = tpu.memref_squeeze %dma_start3A_210 : memref<1x8x768xf32, #tpu.memory_space<hbm>> -> memref<8x768xf32, #tpu.memory_space<hbm>>
    %dma_start3A_212 = arith.constant 0 : i32
    %dma_start3A_213 = arith.constant 0 : i32
    %dma_start3A_214 = tpu.memref_slice %arg13[%dma_start3A_200, %dma_start3A_212, %dma_start3A_213] : memref<4x8x768xf32, #tpu.memory_space<vmem>> -> memref<1x8x768xf32, #tpu.memory_space<vmem>>
    %dma_start3A_215 = tpu.memref_squeeze %dma_start3A_214 : memref<1x8x768xf32, #tpu.memory_space<vmem>> -> memref<8x768xf32, #tpu.memory_space<vmem>>
    tpu.enqueue_dma source(%dma_start3A_215 : memref<8x768xf32, #tpu.memory_space<vmem>>) target(%dma_start3A_211 : memref<8x768xf32, #tpu.memory_space<hbm>>) target_semaphore(%arg25 : memref<!tpu.dma_semaphore, #tpu.memory_space<semaphore_mem>>)
    %scan3A_216 = arith.constant 0 : i32
    %scan3A_217 = arith.constant 8 : i32
    %scan3A_218 = arith.addi %scan3A_216, %scan3A_217 : i32
    %scan3A_219 = arith.constant 1 : i32
    scf.for %scan3A_653 = %scan3A_216 to %scan3A_218 step %scan3A_219  : i32 {
      %mul3A_654 = arith.constant 1 : i32
      %mul3A_655 = arith.muli %scan3A_653, %mul3A_654 : i32
      %add3A_656 = arith.constant 0 : i32
      %add3A_657 = arith.addi %add3A_656, %mul3A_655 : i32
      %parallel_loop3A = arith.constant 0 : i32
      %parallel_loop3A_658 = arith.constant 48 : i32
      %parallel_loop3A_659 = arith.constant 1 : i32
      scf.for %parallel_loop3A_660 = %parallel_loop3A to %parallel_loop3A_658 step %parallel_loop3A_659  : i32 {
        %parallel_loop3A_661 = arith.constant 16 : i32
        %parallel_loop3A_662 = arith.muli %parallel_loop3A_660, %parallel_loop3A_661 : i32
        %parallel_loop3A_663 = arith.index_cast %add3A_657 : i32 to index
        %parallel_loop3A_664 = arith.index_cast %parallel_loop3A_662 : i32 to index
        %parallel_loop3A_665 = tpu.vector_load %arg7[%parallel_loop3A_663, %parallel_loop3A_664] {strides = array<i32>} : memref<8x768xf32, #tpu.memory_space<vmem>>, vector<1x16xf32>,
        %parallel_loop3A_666 = vector.shape_cast %parallel_loop3A_665 : vector<1x16xf32> to vector<16xf32>
        %parallel_loop3A_667 = arith.constant 2 : i32
        %parallel_loop3A_668 = arith.index_cast %parallel_loop3A_667 : i32 to index
        %parallel_loop3A_669 = arith.index_cast %add3A_657 : i32 to index
        %parallel_loop3A_670 = arith.index_cast %parallel_loop3A_662 : i32 to index
        %parallel_loop3A_671 = tpu.vector_load %arg13[%parallel_loop3A_668, %parallel_loop3A_669, %parallel_loop3A_670] {strides = array<i32>} : memref<4x8x768xf32, #tpu.memory_space<vmem>>, vector<1x1x16xf32>,
        %parallel_loop3A_672 = vector.shape_cast %parallel_loop3A_671 : vector<1x1x16xf32> to vector<16xf32>
        %parallel_loop3A_673 = vector.shape_cast %parallel_loop3A_666 : vector<16xf32> to vector<1x1x16xf32>
        tpu.vector_store %arg13[%parallel_loop3A_668, %parallel_loop3A_669, %parallel_loop3A_670], %parallel_loop3A_673 {add = true, strides = array<i32>} : memref<4x8x768xf32, #tpu.memory_space<vmem>>, vector<1x1x16xf32>,
      } {sc.loop_unroll_factor = 8 : i64, sc.parallel_access}
    }
    %scan3A_220 = arith.constant 8 : i32
    %dma_start3A_221 = arith.constant 2 : i32
    %dma_start3A_222 = arith.constant 2 : i32
    %dma_start3A_223 = arith.constant 0 : i32
    %dma_start3A_224 = arith.constant 0 : i32
    %dma_start3A_225 = tpu.memref_slice %arg13[%dma_start3A_221, %dma_start3A_223, %dma_start3A_224] : memref<4x8x768xf32, #tpu.memory_space<vmem>> -> memref<1x8x768xf32, #tpu.memory_space<vmem>>
    %dma_start3A_226 = tpu.memref_squeeze %dma_start3A_225 : memref<1x8x768xf32, #tpu.memory_space<vmem>> -> memref<8x768xf32, #tpu.memory_space<vmem>>
    %dma_start3A_227 = arith.constant 0 : i32
    %dma_start3A_228 = tpu.memref_slice %arg5[%dma_start3A_222, %add3A_137, %dma_start3A_227] : memref<4x8192x768xf32, #tpu.memory_space<hbm>> -> memref<1x8x768xf32, #tpu.memory_space<hbm>>
    %dma_start3A_229 = tpu.memref_squeeze %dma_start3A_228 : memref<1x8x768xf32, #tpu.memory_space<hbm>> -> memref<8x768xf32, #tpu.memory_space<hbm>>
    %dma_start3A_230 = arith.constant 0 : i32
    %dma_start3A_231 = tpu.memref_slice %arg5[%dma_start3A_222, %add3A_137, %dma_start3A_230] : memref<4x8192x768xf32, #tpu.memory_space<hbm>> -> memref<1x8x768xf32, #tpu.memory_space<hbm>>
    %dma_start3A_232 = tpu.memref_squeeze %dma_start3A_231 : memref<1x8x768xf32, #tpu.memory_space<hbm>> -> memref<8x768xf32, #tpu.memory_space<hbm>>
    %dma_start3A_233 = arith.constant 0 : i32
    %dma_start3A_234 = arith.constant 0 : i32
    %dma_start3A_235 = tpu.memref_slice %arg13[%dma_start3A_221, %dma_start3A_233, %dma_start3A_234] : memref<4x8x768xf32, #tpu.memory_space<vmem>> -> memref<1x8x768xf32, #tpu.memory_space<vmem>>
    %dma_start3A_236 = tpu.memref_squeeze %dma_start3A_235 : memref<1x8x768xf32, #tpu.memory_space<vmem>> -> memref<8x768xf32, #tpu.memory_space<vmem>>
    tpu.enqueue_dma source(%dma_start3A_236 : memref<8x768xf32, #tpu.memory_space<vmem>>) target(%dma_start3A_232 : memref<8x768xf32, #tpu.memory_space<hbm>>) target_semaphore(%arg25 : memref<!tpu.dma_semaphore, #tpu.memory_space<semaphore_mem>>)
    %scan3A_237 = arith.constant 0 : i32
    %scan3A_238 = arith.constant 8 : i32
    %scan3A_239 = arith.addi %scan3A_237, %scan3A_238 : i32
    %scan3A_240 = arith.constant 1 : i32
    scf.for %scan3A_653 = %scan3A_237 to %scan3A_239 step %scan3A_240  : i32 {
      %mul3A_654 = arith.constant 1 : i32
      %mul3A_655 = arith.muli %scan3A_653, %mul3A_654 : i32
      %add3A_656 = arith.constant 0 : i32
      %add3A_657 = arith.addi %add3A_656, %mul3A_655 : i32
      %parallel_loop3A = arith.constant 0 : i32
      %parallel_loop3A_658 = arith.constant 48 : i32
      %parallel_loop3A_659 = arith.constant 1 : i32
      scf.for %parallel_loop3A_660 = %parallel_loop3A to %parallel_loop3A_658 step %parallel_loop3A_659  : i32 {
        %parallel_loop3A_661 = arith.constant 16 : i32
        %parallel_loop3A_662 = arith.muli %parallel_loop3A_660, %parallel_loop3A_661 : i32
        %parallel_loop3A_663 = arith.index_cast %add3A_657 : i32 to index
        %parallel_loop3A_664 = arith.index_cast %parallel_loop3A_662 : i32 to index
        %parallel_loop3A_665 = tpu.vector_load %arg7[%parallel_loop3A_663, %parallel_loop3A_664] {strides = array<i32>} : memref<8x768xf32, #tpu.memory_space<vmem>>, vector<1x16xf32>,
        %parallel_loop3A_666 = vector.shape_cast %parallel_loop3A_665 : vector<1x16xf32> to vector<16xf32>
        %parallel_loop3A_667 = arith.constant 3 : i32
        %parallel_loop3A_668 = arith.index_cast %parallel_loop3A_667 : i32 to index
        %parallel_loop3A_669 = arith.index_cast %add3A_657 : i32 to index
        %parallel_loop3A_670 = arith.index_cast %parallel_loop3A_662 : i32 to index
        %parallel_loop3A_671 = tpu.vector_load %arg13[%parallel_loop3A_668, %parallel_loop3A_669, %parallel_loop3A_670] {strides = array<i32>} : memref<4x8x768xf32, #tpu.memory_space<vmem>>, vector<1x1x16xf32>,
        %parallel_loop3A_672 = vector.shape_cast %parallel_loop3A_671 : vector<1x1x16xf32> to vector<16xf32>
        %parallel_loop3A_673 = vector.shape_cast %parallel_loop3A_666 : vector<16xf32> to vector<1x1x16xf32>
        tpu.vector_store %arg13[%parallel_loop3A_668, %parallel_loop3A_669, %parallel_loop3A_670], %parallel_loop3A_673 {add = true, strides = array<i32>} : memref<4x8x768xf32, #tpu.memory_space<vmem>>, vector<1x1x16xf32>,
      } {sc.loop_unroll_factor = 8 : i64, sc.parallel_access}
    }
    %scan3A_241 = arith.constant 8 : i32
    %dma_start3A_242 = arith.constant 3 : i32
    %dma_start3A_243 = arith.constant 3 : i32
    %dma_start3A_244 = arith.constant 0 : i32
    %dma_start3A_245 = arith.constant 0 : i32
    %dma_start3A_246 = tpu.memref_slice %arg13[%dma_start3A_242, %dma_start3A_244, %dma_start3A_245] : memref<4x8x768xf32, #tpu.memory_space<vmem>> -> memref<1x8x768xf32, #tpu.memory_space<vmem>>
    %dma_start3A_247 = tpu.memref_squeeze %dma_start3A_246 : memref<1x8x768xf32, #tpu.memory_space<vmem>> -> memref<8x768xf32, #tpu.memory_space<vmem>>
    %dma_start3A_248 = arith.constant 0 : i32
    %dma_start3A_249 = tpu.memref_slice %arg5[%dma_start3A_243, %add3A_137, %dma_start3A_248] : memref<4x8192x768xf32, #tpu.memory_space<hbm>> -> memref<1x8x768xf32, #tpu.memory_space<hbm>>
    %dma_start3A_250 = tpu.memref_squeeze %dma_start3A_249 : memref<1x8x768xf32, #tpu.memory_space<hbm>> -> memref<8x768xf32, #tpu.memory_space<hbm>>
    %dma_start3A_251 = arith.constant 0 : i32
    %dma_start3A_252 = tpu.memref_slice %arg5[%dma_start3A_243, %add3A_137, %dma_start3A_251] : memref<4x8192x768xf32, #tpu.memory_space<hbm>> -> memref<1x8x768xf32, #tpu.memory_space<hbm>>
    %dma_start3A_253 = tpu.memref_squeeze %dma_start3A_252 : memref<1x8x768xf32, #tpu.memory_space<hbm>> -> memref<8x768xf32, #tpu.memory_space<hbm>>
    %dma_start3A_254 = arith.constant 0 : i32
    %dma_start3A_255 = arith.constant 0 : i32
    %dma_start3A_256 = tpu.memref_slice %arg13[%dma_start3A_242, %dma_start3A_254, %dma_start3A_255] : memref<4x8x768xf32, #tpu.memory_space<vmem>> -> memref<1x8x768xf32, #tpu.memory_space<vmem>>
    %dma_start3A_257 = tpu.memref_squeeze %dma_start3A_256 : memref<1x8x768xf32, #tpu.memory_space<vmem>> -> memref<8x768xf32, #tpu.memory_space<vmem>>
    tpu.enqueue_dma source(%dma_start3A_257 : memref<8x768xf32, #tpu.memory_space<vmem>>) target(%dma_start3A_253 : memref<8x768xf32, #tpu.memory_space<hbm>>) target_semaphore(%arg25 : memref<!tpu.dma_semaphore, #tpu.memory_space<semaphore_mem>>)
    %scan3A_258 = arith.constant 0 : i32
    %scan3A_259 = arith.constant 9 : i32
    %scan3A_260 = arith.addi %scan3A_258, %scan3A_259 : i32
    %scan3A_261 = arith.constant 1 : i32
    scf.for %scan3A_653 = %scan3A_258 to %scan3A_260 step %scan3A_261  : i32 {
      %mul3A_654 = arith.constant 3 : i32
      %mul3A_655 = arith.muli %scan3A_653, %mul3A_654 : i32
      %add3A_656 = arith.constant 2 : i32
      %add3A_657 = arith.addi %add3A_656, %mul3A_655 : i32
      %mul3A_658 = arith.constant 8 : i32
      %mul3A_659 = arith.muli %add3A_657, %mul3A_658 : i32
      %add3A_660 = arith.addi %mul3A_2, %mul3A_659 : i32
      %dma_wait3A_661 = arith.constant 0 : i32
      %dma_wait3A_662 = arith.constant 0 : i32
      %dma_wait3A_663 = tpu.memref_slice %arg3[%dma_wait3A_661, %dma_wait3A_662] : memref<8192x768xf32, #tpu.memory_space<hbm>> -> memref<8x768xf32, #tpu.memory_space<hbm>>
      %dma_wait3A_664 = arith.constant 0 : i32
      %dma_wait3A_665 = arith.constant 0 : i32
      %dma_wait3A_666 = tpu.memref_slice %arg3[%dma_wait3A_664, %dma_wait3A_665] : memref<8192x768xf32, #tpu.memory_space<hbm>> -> memref<8x768xf32, #tpu.memory_space<hbm>>
      tpu.wait_dma2 semaphore(%arg17 : memref<!tpu.dma_semaphore, #tpu.memory_space<semaphore_mem>>) src(%dma_wait3A_666 : memref<8x768xf32, #tpu.memory_space<hbm>>) dst(%arg8 : memref<8x768xf32, #tpu.memory_space<vmem>>)
      %dma_wait3A_667 = arith.constant 0 : i32
      %dma_wait3A_668 = arith.constant 0 : i32
      %dma_wait3A_669 = tpu.memref_slice %arg3[%dma_wait3A_667, %dma_wait3A_668] : memref<8192x768xf32, #tpu.memory_space<hbm>> -> memref<8x768xf32, #tpu.memory_space<hbm>>
      %dma_wait3A_670 = arith.constant 0 : i32
      %dma_wait3A_671 = arith.constant 0 : i32
      %dma_wait3A_672 = tpu.memref_slice %arg3[%dma_wait3A_670, %dma_wait3A_671] : memref<8192x768xf32, #tpu.memory_space<hbm>> -> memref<8x768xf32, #tpu.memory_space<hbm>>
      tpu.wait_dma2 semaphore(%arg20 : memref<!tpu.dma_semaphore, #tpu.memory_space<semaphore_mem>>) src(%dma_wait3A_672 : memref<8x768xf32, #tpu.memory_space<hbm>>) dst(%arg11 : memref<8x768xf32, #tpu.memory_space<vmem>>)
      %add3A_673 = arith.constant 8 : i32
      %add3A_674 = arith.addi %add3A_660, %add3A_673 : i32
      %dma_start3A_675 = arith.constant 0 : i32
      %dma_start3A_676 = tpu.memref_slice %arg3[%add3A_674, %dma_start3A_675] : memref<8192x768xf32, #tpu.memory_space<hbm>> -> memref<8x768xf32, #tpu.memory_space<hbm>>
      %dma_start3A_677 = arith.constant 0 : i32
      %dma_start3A_678 = tpu.memref_slice %arg3[%add3A_674, %dma_start3A_677] : memref<8192x768xf32, #tpu.memory_space<hbm>> -> memref<8x768xf32, #tpu.memory_space<hbm>>
      tpu.enqueue_dma source(%dma_start3A_678 : memref<8x768xf32, #tpu.memory_space<hbm>>) target(%arg6 : memref<8x768xf32, #tpu.memory_space<vmem>>) target_semaphore(%arg15 : memref<!tpu.dma_semaphore, #tpu.memory_space<semaphore_mem>>)
      %dma_start3A_679 = arith.constant 0 : i32
      %dma_start3A_680 = tpu.memref_slice %arg4[%add3A_674, %dma_start3A_679] : memref<8192x768xf32, #tpu.memory_space<hbm>> -> memref<8x768xf32, #tpu.memory_space<hbm>>
      %dma_start3A_681 = arith.constant 0 : i32
      %dma_start3A_682 = tpu.memref_slice %arg4[%add3A_674, %dma_start3A_681] : memref<8192x768xf32, #tpu.memory_space<hbm>> -> memref<8x768xf32, #tpu.memory_space<hbm>>
      tpu.enqueue_dma source(%dma_start3A_682 : memref<8x768xf32, #tpu.memory_space<hbm>>) target(%arg9 : memref<8x768xf32, #tpu.memory_space<vmem>>) target_semaphore(%arg18 : memref<!tpu.dma_semaphore, #tpu.memory_space<semaphore_mem>>)
      %dma_wait3A_683 = arith.constant 0 : i32
      %dma_wait3A_684 = arith.constant 0 : i32
      %dma_wait3A_685 = arith.constant 0 : i32
      %dma_wait3A_686 = tpu.memref_slice %arg5[%dma_wait3A_683, %dma_wait3A_684, %dma_wait3A_685] : memref<4x8192x768xf32, #tpu.memory_space<hbm>> -> memref<4x8x768xf32, #tpu.memory_space<hbm>>
      %dma_wait3A_687 = arith.constant 0 : i32
      %dma_wait3A_688 = arith.constant 0 : i32
      %dma_wait3A_689 = arith.constant 0 : i32
      %dma_wait3A_690 = tpu.memref_slice %arg5[%dma_wait3A_687, %dma_wait3A_688, %dma_wait3A_689] : memref<4x8192x768xf32, #tpu.memory_space<hbm>> -> memref<4x8x768xf32, #tpu.memory_space<hbm>>
      tpu.wait_dma2 semaphore(%arg24 : memref<!tpu.dma_semaphore, #tpu.memory_space<semaphore_mem>>) src(%arg12 : memref<4x8x768xf32, #tpu.memory_space<vmem>>) dst(%dma_wait3A_690 : memref<4x8x768xf32, #tpu.memory_space<hbm>>)
      %dma_start3A_691 = arith.constant 0 : i32
      %dma_start3A_692 = arith.constant 0 : i32
      %dma_start3A_693 = tpu.memref_slice %arg2[%dma_start3A_691, %add3A_674, %dma_start3A_692] : memref<4x8192x768xf32, #tpu.memory_space<hbm>> -> memref<4x8x768xf32, #tpu.memory_space<hbm>>
      %dma_start3A_694 = arith.constant 0 : i32
      %dma_start3A_695 = arith.constant 0 : i32
      %dma_start3A_696 = tpu.memref_slice %arg2[%dma_start3A_694, %add3A_674, %dma_start3A_695] : memref<4x8192x768xf32, #tpu.memory_space<hbm>> -> memref<4x8x768xf32, #tpu.memory_space<hbm>>
      tpu.enqueue_dma source(%dma_start3A_696 : memref<4x8x768xf32, #tpu.memory_space<hbm>>) target(%arg12 : memref<4x8x768xf32, #tpu.memory_space<vmem>>) target_semaphore(%arg21 : memref<!tpu.dma_semaphore, #tpu.memory_space<semaphore_mem>>)
      %dma_wait3A_697 = arith.constant 0 : i32
      %dma_wait3A_698 = arith.constant 0 : i32
      %dma_wait3A_699 = arith.constant 0 : i32
      %dma_wait3A_700 = tpu.memref_slice %arg2[%dma_wait3A_697, %dma_wait3A_698, %dma_wait3A_699] : memref<4x8192x768xf32, #tpu.memory_space<hbm>> -> memref<4x8x768xf32, #tpu.memory_space<hbm>>
      %dma_wait3A_701 = arith.constant 0 : i32
      %dma_wait3A_702 = arith.constant 0 : i32
      %dma_wait3A_703 = arith.constant 0 : i32
      %dma_wait3A_704 = tpu.memref_slice %arg2[%dma_wait3A_701, %dma_wait3A_702, %dma_wait3A_703] : memref<4x8192x768xf32, #tpu.memory_space<hbm>> -> memref<4x8x768xf32, #tpu.memory_space<hbm>>
      tpu.wait_dma2 semaphore(%arg23 : memref<!tpu.dma_semaphore, #tpu.memory_space<semaphore_mem>>) src(%dma_wait3A_704 : memref<4x8x768xf32, #tpu.memory_space<hbm>>) dst(%arg14 : memref<4x8x768xf32, #tpu.memory_space<vmem>>)
      %scan3A_705 = arith.constant 0 : i32
      %scan3A_706 = arith.constant 8 : i32
      %scan3A_707 = arith.addi %scan3A_705, %scan3A_706 : i32
      %scan3A_708 = arith.constant 1 : i32
      scf.for %scan3A_1055 = %scan3A_705 to %scan3A_707 step %scan3A_708  : i32 {
        %mul3A_1056 = arith.constant 1 : i32
        %mul3A_1057 = arith.muli %scan3A_1055, %mul3A_1056 : i32
        %add3A_1058 = arith.constant 0 : i32
        %add3A_1059 = arith.addi %add3A_1058, %mul3A_1057 : i32
        %parallel_loop3A = arith.constant 0 : i32
        %parallel_loop3A_1060 = arith.constant 48 : i32
        %parallel_loop3A_1061 = arith.constant 1 : i32
        scf.for %parallel_loop3A_1062 = %parallel_loop3A to %parallel_loop3A_1060 step %parallel_loop3A_1061  : i32 {
          %parallel_loop3A_1063 = arith.constant 16 : i32
          %parallel_loop3A_1064 = arith.muli %parallel_loop3A_1062, %parallel_loop3A_1063 : i32
          %parallel_loop3A_1065 = arith.index_cast %add3A_1059 : i32 to index
          %parallel_loop3A_1066 = arith.index_cast %parallel_loop3A_1064 : i32 to index
          %parallel_loop3A_1067 = tpu.vector_load %arg8[%parallel_loop3A_1065, %parallel_loop3A_1066] {strides = array<i32>} : memref<8x768xf32, #tpu.memory_space<vmem>>, vector<1x16xf32>,
          %parallel_loop3A_1068 = vector.shape_cast %parallel_loop3A_1067 : vector<1x16xf32> to vector<16xf32>
          %parallel_loop3A_1069 = arith.index_cast %add3A_1059 : i32 to index
          %parallel_loop3A_1070 = arith.index_cast %parallel_loop3A_1064 : i32 to index
          %parallel_loop3A_1071 = tpu.vector_load %arg11[%parallel_loop3A_1069, %parallel_loop3A_1070] {strides = array<i32>} : memref<8x768xf32, #tpu.memory_space<vmem>>, vector<1x16xf32>,
          %parallel_loop3A_1072 = vector.shape_cast %parallel_loop3A_1071 : vector<1x16xf32> to vector<16xf32>
          %parallel_loop3A_1073 = arith.addf %parallel_loop3A_1068, %parallel_loop3A_1072 : vector<16xf32>
          %parallel_loop3A_1074 = arith.index_cast %add3A_1059 : i32 to index
          %parallel_loop3A_1075 = arith.index_cast %parallel_loop3A_1064 : i32 to index
          %parallel_loop3A_1076 = tpu.vector_load %arg8[%parallel_loop3A_1074, %parallel_loop3A_1075] {strides = array<i32>} : memref<8x768xf32, #tpu.memory_space<vmem>>, vector<1x16xf32>,
          %parallel_loop3A_1077 = vector.shape_cast %parallel_loop3A_1076 : vector<1x16xf32> to vector<16xf32>
          %parallel_loop3A_1078 = vector.shape_cast %parallel_loop3A_1073 : vector<16xf32> to vector<1x16xf32>
          tpu.vector_store %arg8[%parallel_loop3A_1074, %parallel_loop3A_1075], %parallel_loop3A_1078 {strides = array<i32>} : memref<8x768xf32, #tpu.memory_space<vmem>>, vector<1x16xf32>,
          %parallel_loop3A_1079 = arith.constant 0 : i32
          %parallel_loop3A_1080 = arith.index_cast %parallel_loop3A_1079 : i32 to index
          %parallel_loop3A_1081 = arith.index_cast %add3A_1059 : i32 to index
          %parallel_loop3A_1082 = arith.index_cast %parallel_loop3A_1064 : i32 to index
          %parallel_loop3A_1083 = tpu.vector_load %arg14[%parallel_loop3A_1080, %parallel_loop3A_1081, %parallel_loop3A_1082] {strides = array<i32>} : memref<4x8x768xf32, #tpu.memory_space<vmem>>, vector<1x1x16xf32>,
          %parallel_loop3A_1084 = vector.shape_cast %parallel_loop3A_1083 : vector<1x1x16xf32> to vector<16xf32>
          %parallel_loop3A_1085 = vector.shape_cast %parallel_loop3A_1073 : vector<16xf32> to vector<1x1x16xf32>
          tpu.vector_store %arg14[%parallel_loop3A_1080, %parallel_loop3A_1081, %parallel_loop3A_1082], %parallel_loop3A_1085 {add = true, strides = array<i32>} : memref<4x8x768xf32, #tpu.memory_space<vmem>>, vector<1x1x16xf32>,
        } {sc.loop_unroll_factor = 8 : i64, sc.parallel_access}
      }
      %scan3A_709 = arith.constant 8 : i32
      %dma_start3A_710 = arith.constant 0 : i32
      %dma_start3A_711 = arith.constant 0 : i32
      %dma_start3A_712 = arith.constant 0 : i32
      %dma_start3A_713 = arith.constant 0 : i32
      %dma_start3A_714 = tpu.memref_slice %arg14[%dma_start3A_710, %dma_start3A_712, %dma_start3A_713] : memref<4x8x768xf32, #tpu.memory_space<vmem>> -> memref<1x8x768xf32, #tpu.memory_space<vmem>>
      %dma_start3A_715 = tpu.memref_squeeze %dma_start3A_714 : memref<1x8x768xf32, #tpu.memory_space<vmem>> -> memref<8x768xf32, #tpu.memory_space<vmem>>
      %dma_start3A_716 = arith.constant 0 : i32
      %dma_start3A_717 = tpu.memref_slice %arg5[%dma_start3A_711, %add3A_660, %dma_start3A_716] : memref<4x8192x768xf32, #tpu.memory_space<hbm>> -> memref<1x8x768xf32, #tpu.memory_space<hbm>>
      %dma_start3A_718 = tpu.memref_squeeze %dma_start3A_717 : memref<1x8x768xf32, #tpu.memory_space<hbm>> -> memref<8x768xf32, #tpu.memory_space<hbm>>
      %dma_start3A_719 = arith.constant 0 : i32
      %dma_start3A_720 = tpu.memref_slice %arg5[%dma_start3A_711, %add3A_660, %dma_start3A_719] : memref<4x8192x768xf32, #tpu.memory_space<hbm>> -> memref<1x8x768xf32, #tpu.memory_space<hbm>>
      %dma_start3A_721 = tpu.memref_squeeze %dma_start3A_720 : memref<1x8x768xf32, #tpu.memory_space<hbm>> -> memref<8x768xf32, #tpu.memory_space<hbm>>
      %dma_start3A_722 = arith.constant 0 : i32
      %dma_start3A_723 = arith.constant 0 : i32
      %dma_start3A_724 = tpu.memref_slice %arg14[%dma_start3A_710, %dma_start3A_722, %dma_start3A_723] : memref<4x8x768xf32, #tpu.memory_space<vmem>> -> memref<1x8x768xf32, #tpu.memory_space<vmem>>
      %dma_start3A_725 = tpu.memref_squeeze %dma_start3A_724 : memref<1x8x768xf32, #tpu.memory_space<vmem>> -> memref<8x768xf32, #tpu.memory_space<vmem>>
      tpu.enqueue_dma source(%dma_start3A_725 : memref<8x768xf32, #tpu.memory_space<vmem>>) target(%dma_start3A_721 : memref<8x768xf32, #tpu.memory_space<hbm>>) target_semaphore(%arg26 : memref<!tpu.dma_semaphore, #tpu.memory_space<semaphore_mem>>)
      %scan3A_726 = arith.constant 0 : i32
      %scan3A_727 = arith.constant 8 : i32
      %scan3A_728 = arith.addi %scan3A_726, %scan3A_727 : i32
      %scan3A_729 = arith.constant 1 : i32
      scf.for %scan3A_1055 = %scan3A_726 to %scan3A_728 step %scan3A_729  : i32 {
        %mul3A_1056 = arith.constant 1 : i32
        %mul3A_1057 = arith.muli %scan3A_1055, %mul3A_1056 : i32
        %add3A_1058 = arith.constant 0 : i32
        %add3A_1059 = arith.addi %add3A_1058, %mul3A_1057 : i32
        %parallel_loop3A = arith.constant 0 : i32
        %parallel_loop3A_1060 = arith.constant 48 : i32
        %parallel_loop3A_1061 = arith.constant 1 : i32
        scf.for %parallel_loop3A_1062 = %parallel_loop3A to %parallel_loop3A_1060 step %parallel_loop3A_1061  : i32 {
          %parallel_loop3A_1063 = arith.constant 16 : i32
          %parallel_loop3A_1064 = arith.muli %parallel_loop3A_1062, %parallel_loop3A_1063 : i32
          %parallel_loop3A_1065 = arith.index_cast %add3A_1059 : i32 to index
          %parallel_loop3A_1066 = arith.index_cast %parallel_loop3A_1064 : i32 to index
          %parallel_loop3A_1067 = tpu.vector_load %arg8[%parallel_loop3A_1065, %parallel_loop3A_1066] {strides = array<i32>} : memref<8x768xf32, #tpu.memory_space<vmem>>, vector<1x16xf32>,
          %parallel_loop3A_1068 = vector.shape_cast %parallel_loop3A_1067 : vector<1x16xf32> to vector<16xf32>
          %parallel_loop3A_1069 = arith.constant 1 : i32
          %parallel_loop3A_1070 = arith.index_cast %parallel_loop3A_1069 : i32 to index
          %parallel_loop3A_1071 = arith.index_cast %add3A_1059 : i32 to index
          %parallel_loop3A_1072 = arith.index_cast %parallel_loop3A_1064 : i32 to index
          %parallel_loop3A_1073 = tpu.vector_load %arg14[%parallel_loop3A_1070, %parallel_loop3A_1071, %parallel_loop3A_1072] {strides = array<i32>} : memref<4x8x768xf32, #tpu.memory_space<vmem>>, vector<1x1x16xf32>,
          %parallel_loop3A_1074 = vector.shape_cast %parallel_loop3A_1073 : vector<1x1x16xf32> to vector<16xf32>
          %parallel_loop3A_1075 = vector.shape_cast %parallel_loop3A_1068 : vector<16xf32> to vector<1x1x16xf32>
          tpu.vector_store %arg14[%parallel_loop3A_1070, %parallel_loop3A_1071, %parallel_loop3A_1072], %parallel_loop3A_1075 {add = true, strides = array<i32>} : memref<4x8x768xf32, #tpu.memory_space<vmem>>, vector<1x1x16xf32>,
        } {sc.loop_unroll_factor = 8 : i64, sc.parallel_access}
      }
      %scan3A_730 = arith.constant 8 : i32
      %dma_start3A_731 = arith.constant 1 : i32
      %dma_start3A_732 = arith.constant 1 : i32
      %dma_start3A_733 = arith.constant 0 : i32
      %dma_start3A_734 = arith.constant 0 : i32
      %dma_start3A_735 = tpu.memref_slice %arg14[%dma_start3A_731, %dma_start3A_733, %dma_start3A_734] : memref<4x8x768xf32, #tpu.memory_space<vmem>> -> memref<1x8x768xf32, #tpu.memory_space<vmem>>
      %dma_start3A_736 = tpu.memref_squeeze %dma_start3A_735 : memref<1x8x768xf32, #tpu.memory_space<vmem>> -> memref<8x768xf32, #tpu.memory_space<vmem>>
      %dma_start3A_737 = arith.constant 0 : i32
      %dma_start3A_738 = tpu.memref_slice %arg5[%dma_start3A_732, %add3A_660, %dma_start3A_737] : memref<4x8192x768xf32, #tpu.memory_space<hbm>> -> memref<1x8x768xf32, #tpu.memory_space<hbm>>
      %dma_start3A_739 = tpu.memref_squeeze %dma_start3A_738 : memref<1x8x768xf32, #tpu.memory_space<hbm>> -> memref<8x768xf32, #tpu.memory_space<hbm>>
      %dma_start3A_740 = arith.constant 0 : i32
      %dma_start3A_741 = tpu.memref_slice %arg5[%dma_start3A_732, %add3A_660, %dma_start3A_740] : memref<4x8192x768xf32, #tpu.memory_space<hbm>> -> memref<1x8x768xf32, #tpu.memory_space<hbm>>
      %dma_start3A_742 = tpu.memref_squeeze %dma_start3A_741 : memref<1x8x768xf32, #tpu.memory_space<hbm>> -> memref<8x768xf32, #tpu.memory_space<hbm>>
      %dma_start3A_743 = arith.constant 0 : i32
      %dma_start3A_744 = arith.constant 0 : i32
      %dma_start3A_745 = tpu.memref_slice %arg14[%dma_start3A_731, %dma_start3A_743, %dma_start3A_744] : memref<4x8x768xf32, #tpu.memory_space<vmem>> -> memref<1x8x768xf32, #tpu.memory_space<vmem>>
      %dma_start3A_746 = tpu.memref_squeeze %dma_start3A_745 : memref<1x8x768xf32, #tpu.memory_space<vmem>> -> memref<8x768xf32, #tpu.memory_space<vmem>>
      tpu.enqueue_dma source(%dma_start3A_746 : memref<8x768xf32, #tpu.memory_space<vmem>>) target(%dma_start3A_742 : memref<8x768xf32, #tpu.memory_space<hbm>>) target_semaphore(%arg26 : memref<!tpu.dma_semaphore, #tpu.memory_space<semaphore_mem>>)
      %scan3A_747 = arith.constant 0 : i32
      %scan3A_748 = arith.constant 8 : i32
      %scan3A_749 = arith.addi %scan3A_747, %scan3A_748 : i32
      %scan3A_750 = arith.constant 1 : i32
      scf.for %scan3A_1055 = %scan3A_747 to %scan3A_749 step %scan3A_750  : i32 {
        %mul3A_1056 = arith.constant 1 : i32
        %mul3A_1057 = arith.muli %scan3A_1055, %mul3A_1056 : i32
        %add3A_1058 = arith.constant 0 : i32
        %add3A_1059 = arith.addi %add3A_1058, %mul3A_1057 : i32
        %parallel_loop3A = arith.constant 0 : i32
        %parallel_loop3A_1060 = arith.constant 48 : i32
        %parallel_loop3A_1061 = arith.constant 1 : i32
        scf.for %parallel_loop3A_1062 = %parallel_loop3A to %parallel_loop3A_1060 step %parallel_loop3A_1061  : i32 {
          %parallel_loop3A_1063 = arith.constant 16 : i32
          %parallel_loop3A_1064 = arith.muli %parallel_loop3A_1062, %parallel_loop3A_1063 : i32
          %parallel_loop3A_1065 = arith.index_cast %add3A_1059 : i32 to index
          %parallel_loop3A_1066 = arith.index_cast %parallel_loop3A_1064 : i32 to index
          %parallel_loop3A_1067 = tpu.vector_load %arg8[%parallel_loop3A_1065, %parallel_loop3A_1066] {strides = array<i32>} : memref<8x768xf32, #tpu.memory_space<vmem>>, vector<1x16xf32>,
          %parallel_loop3A_1068 = vector.shape_cast %parallel_loop3A_1067 : vector<1x16xf32> to vector<16xf32>
          %parallel_loop3A_1069 = arith.constant 2 : i32
          %parallel_loop3A_1070 = arith.index_cast %parallel_loop3A_1069 : i32 to index
          %parallel_loop3A_1071 = arith.index_cast %add3A_1059 : i32 to index
          %parallel_loop3A_1072 = arith.index_cast %parallel_loop3A_1064 : i32 to index
          %parallel_loop3A_1073 = tpu.vector_load %arg14[%parallel_loop3A_1070, %parallel_loop3A_1071, %parallel_loop3A_1072] {strides = array<i32>} : memref<4x8x768xf32, #tpu.memory_space<vmem>>, vector<1x1x16xf32>,
          %parallel_loop3A_1074 = vector.shape_cast %parallel_loop3A_1073 : vector<1x1x16xf32> to vector<16xf32>
          %parallel_loop3A_1075 = vector.shape_cast %parallel_loop3A_1068 : vector<16xf32> to vector<1x1x16xf32>
          tpu.vector_store %arg14[%parallel_loop3A_1070, %parallel_loop3A_1071, %parallel_loop3A_1072], %parallel_loop3A_1075 {add = true, strides = array<i32>} : memref<4x8x768xf32, #tpu.memory_space<vmem>>, vector<1x1x16xf32>,
        } {sc.loop_unroll_factor = 8 : i64, sc.parallel_access}
      }
      %scan3A_751 = arith.constant 8 : i32
      %dma_start3A_752 = arith.constant 2 : i32
      %dma_start3A_753 = arith.constant 2 : i32
      %dma_start3A_754 = arith.constant 0 : i32
      %dma_start3A_755 = arith.constant 0 : i32
      %dma_start3A_756 = tpu.memref_slice %arg14[%dma_start3A_752, %dma_start3A_754, %dma_start3A_755] : memref<4x8x768xf32, #tpu.memory_space<vmem>> -> memref<1x8x768xf32, #tpu.memory_space<vmem>>
      %dma_start3A_757 = tpu.memref_squeeze %dma_start3A_756 : memref<1x8x768xf32, #tpu.memory_space<vmem>> -> memref<8x768xf32, #tpu.memory_space<vmem>>
      %dma_start3A_758 = arith.constant 0 : i32
      %dma_start3A_759 = tpu.memref_slice %arg5[%dma_start3A_753, %add3A_660, %dma_start3A_758] : memref<4x8192x768xf32, #tpu.memory_space<hbm>> -> memref<1x8x768xf32, #tpu.memory_space<hbm>>
      %dma_start3A_760 = tpu.memref_squeeze %dma_start3A_759 : memref<1x8x768xf32, #tpu.memory_space<hbm>> -> memref<8x768xf32, #tpu.memory_space<hbm>>
      %dma_start3A_761 = arith.constant 0 : i32
      %dma_start3A_762 = tpu.memref_slice %arg5[%dma_start3A_753, %add3A_660, %dma_start3A_761] : memref<4x8192x768xf32, #tpu.memory_space<hbm>> -> memref<1x8x768xf32, #tpu.memory_space<hbm>>
      %dma_start3A_763 = tpu.memref_squeeze %dma_start3A_762 : memref<1x8x768xf32, #tpu.memory_space<hbm>> -> memref<8x768xf32, #tpu.memory_space<hbm>>
      %dma_start3A_764 = arith.constant 0 : i32
      %dma_start3A_765 = arith.constant 0 : i32
      %dma_start3A_766 = tpu.memref_slice %arg14[%dma_start3A_752, %dma_start3A_764, %dma_start3A_765] : memref<4x8x768xf32, #tpu.memory_space<vmem>> -> memref<1x8x768xf32, #tpu.memory_space<vmem>>
      %dma_start3A_767 = tpu.memref_squeeze %dma_start3A_766 : memref<1x8x768xf32, #tpu.memory_space<vmem>> -> memref<8x768xf32, #tpu.memory_space<vmem>>
      tpu.enqueue_dma source(%dma_start3A_767 : memref<8x768xf32, #tpu.memory_space<vmem>>) target(%dma_start3A_763 : memref<8x768xf32, #tpu.memory_space<hbm>>) target_semaphore(%arg26 : memref<!tpu.dma_semaphore, #tpu.memory_space<semaphore_mem>>)
      %scan3A_768 = arith.constant 0 : i32
      %scan3A_769 = arith.constant 8 : i32
      %scan3A_770 = arith.addi %scan3A_768, %scan3A_769 : i32
      %scan3A_771 = arith.constant 1 : i32
      scf.for %scan3A_1055 = %scan3A_768 to %scan3A_770 step %scan3A_771  : i32 {
        %mul3A_1056 = arith.constant 1 : i32
        %mul3A_1057 = arith.muli %scan3A_1055, %mul3A_1056 : i32
        %add3A_1058 = arith.constant 0 : i32
        %add3A_1059 = arith.addi %add3A_1058, %mul3A_1057 : i32
        %parallel_loop3A = arith.constant 0 : i32
        %parallel_loop3A_1060 = arith.constant 48 : i32
        %parallel_loop3A_1061 = arith.constant 1 : i32
        scf.for %parallel_loop3A_1062 = %parallel_loop3A to %parallel_loop3A_1060 step %parallel_loop3A_1061  : i32 {
          %parallel_loop3A_1063 = arith.constant 16 : i32
          %parallel_loop3A_1064 = arith.muli %parallel_loop3A_1062, %parallel_loop3A_1063 : i32
          %parallel_loop3A_1065 = arith.index_cast %add3A_1059 : i32 to index
          %parallel_loop3A_1066 = arith.index_cast %parallel_loop3A_1064 : i32 to index
          %parallel_loop3A_1067 = tpu.vector_load %arg8[%parallel_loop3A_1065, %parallel_loop3A_1066] {strides = array<i32>} : memref<8x768xf32, #tpu.memory_space<vmem>>, vector<1x16xf32>,
          %parallel_loop3A_1068 = vector.shape_cast %parallel_loop3A_1067 : vector<1x16xf32> to vector<16xf32>
          %parallel_loop3A_1069 = arith.constant 3 : i32
          %parallel_loop3A_1070 = arith.index_cast %parallel_loop3A_1069 : i32 to index
          %parallel_loop3A_1071 = arith.index_cast %add3A_1059 : i32 to index
          %parallel_loop3A_1072 = arith.index_cast %parallel_loop3A_1064 : i32 to index
          %parallel_loop3A_1073 = tpu.vector_load %arg14[%parallel_loop3A_1070, %parallel_loop3A_1071, %parallel_loop3A_1072] {strides = array<i32>} : memref<4x8x768xf32, #tpu.memory_space<vmem>>, vector<1x1x16xf32>,
          %parallel_loop3A_1074 = vector.shape_cast %parallel_loop3A_1073 : vector<1x1x16xf32> to vector<16xf32>
          %parallel_loop3A_1075 = vector.shape_cast %parallel_loop3A_1068 : vector<16xf32> to vector<1x1x16xf32>
          tpu.vector_store %arg14[%parallel_loop3A_1070, %parallel_loop3A_1071, %parallel_loop3A_1072], %parallel_loop3A_1075 {add = true, strides = array<i32>} : memref<4x8x768xf32, #tpu.memory_space<vmem>>, vector<1x1x16xf32>,
        } {sc.loop_unroll_factor = 8 : i64, sc.parallel_access}
      }
      %scan3A_772 = arith.constant 8 : i32
      %dma_start3A_773 = arith.constant 3 : i32
      %dma_start3A_774 = arith.constant 3 : i32
      %dma_start3A_775 = arith.constant 0 : i32
      %dma_start3A_776 = arith.constant 0 : i32
      %dma_start3A_777 = tpu.memref_slice %arg14[%dma_start3A_773, %dma_start3A_775, %dma_start3A_776] : memref<4x8x768xf32, #tpu.memory_space<vmem>> -> memref<1x8x768xf32, #tpu.memory_space<vmem>>
      %dma_start3A_778 = tpu.memref_squeeze %dma_start3A_777 : memref<1x8x768xf32, #tpu.memory_space<vmem>> -> memref<8x768xf32, #tpu.memory_space<vmem>>
      %dma_start3A_779 = arith.constant 0 : i32
      %dma_start3A_780 = tpu.memref_slice %arg5[%dma_start3A_774, %add3A_660, %dma_start3A_779] : memref<4x8192x768xf32, #tpu.memory_space<hbm>> -> memref<1x8x768xf32, #tpu.memory_space<hbm>>
      %dma_start3A_781 = tpu.memref_squeeze %dma_start3A_780 : memref<1x8x768xf32, #tpu.memory_space<hbm>> -> memref<8x768xf32, #tpu.memory_space<hbm>>
      %dma_start3A_782 = arith.constant 0 : i32
      %dma_start3A_783 = tpu.memref_slice %arg5[%dma_start3A_774, %add3A_660, %dma_start3A_782] : memref<4x8192x768xf32, #tpu.memory_space<hbm>> -> memref<1x8x768xf32, #tpu.memory_space<hbm>>
      %dma_start3A_784 = tpu.memref_squeeze %dma_start3A_783 : memref<1x8x768xf32, #tpu.memory_space<hbm>> -> memref<8x768xf32, #tpu.memory_space<hbm>>
      %dma_start3A_785 = arith.constant 0 : i32
      %dma_start3A_786 = arith.constant 0 : i32
      %dma_start3A_787 = tpu.memref_slice %arg14[%dma_start3A_773, %dma_start3A_785, %dma_start3A_786] : memref<4x8x768xf32, #tpu.memory_space<vmem>> -> memref<1x8x768xf32, #tpu.memory_space<vmem>>
      %dma_start3A_788 = tpu.memref_squeeze %dma_start3A_787 : memref<1x8x768xf32, #tpu.memory_space<vmem>> -> memref<8x768xf32, #tpu.memory_space<vmem>>
      tpu.enqueue_dma source(%dma_start3A_788 : memref<8x768xf32, #tpu.memory_space<vmem>>) target(%dma_start3A_784 : memref<8x768xf32, #tpu.memory_space<hbm>>) target_semaphore(%arg26 : memref<!tpu.dma_semaphore, #tpu.memory_space<semaphore_mem>>)
      %add3A_789 = arith.constant 1 : i32
      %add3A_790 = arith.addi %add3A_657, %add3A_789 : i32
      %mul3A_791 = arith.constant 8 : i32
      %mul3A_792 = arith.muli %add3A_790, %mul3A_791 : i32
      %add3A_793 = arith.addi %mul3A_2, %mul3A_792 : i32
      %dma_wait3A_794 = arith.constant 0 : i32
      %dma_wait3A_795 = arith.constant 0 : i32
      %dma_wait3A_796 = tpu.memref_slice %arg3[%dma_wait3A_794, %dma_wait3A_795] : memref<8192x768xf32, #tpu.memory_space<hbm>> -> memref<8x768xf32, #tpu.memory_space<hbm>>
      %dma_wait3A_797 = arith.constant 0 : i32
      %dma_wait3A_798 = arith.constant 0 : i32
      %dma_wait3A_799 = tpu.memref_slice %arg3[%dma_wait3A_797, %dma_wait3A_798] : memref<8192x768xf32, #tpu.memory_space<hbm>> -> memref<8x768xf32, #tpu.memory_space<hbm>>
      tpu.wait_dma2 semaphore(%arg15 : memref<!tpu.dma_semaphore, #tpu.memory_space<semaphore_mem>>) src(%dma_wait3A_799 : memref<8x768xf32, #tpu.memory_space<hbm>>) dst(%arg6 : memref<8x768xf32, #tpu.memory_space<vmem>>)
      %dma_wait3A_800 = arith.constant 0 : i32
      %dma_wait3A_801 = arith.constant 0 : i32
      %dma_wait3A_802 = tpu.memref_slice %arg3[%dma_wait3A_800, %dma_wait3A_801] : memref<8192x768xf32, #tpu.memory_space<hbm>> -> memref<8x768xf32, #tpu.memory_space<hbm>>
      %dma_wait3A_803 = arith.constant 0 : i32
      %dma_wait3A_804 = arith.constant 0 : i32
      %dma_wait3A_805 = tpu.memref_slice %arg3[%dma_wait3A_803, %dma_wait3A_804] : memref<8192x768xf32, #tpu.memory_space<hbm>> -> memref<8x768xf32, #tpu.memory_space<hbm>>
      tpu.wait_dma2 semaphore(%arg18 : memref<!tpu.dma_semaphore, #tpu.memory_space<semaphore_mem>>) src(%dma_wait3A_805 : memref<8x768xf32, #tpu.memory_space<hbm>>) dst(%arg9 : memref<8x768xf32, #tpu.memory_space<vmem>>)
      %add3A_806 = arith.constant 8 : i32
      %add3A_807 = arith.addi %add3A_793, %add3A_806 : i32
      %dma_start3A_808 = arith.constant 0 : i32
      %dma_start3A_809 = tpu.memref_slice %arg3[%add3A_807, %dma_start3A_808] : memref<8192x768xf32, #tpu.memory_space<hbm>> -> memref<8x768xf32, #tpu.memory_space<hbm>>
      %dma_start3A_810 = arith.constant 0 : i32
      %dma_start3A_811 = tpu.memref_slice %arg3[%add3A_807, %dma_start3A_810] : memref<8192x768xf32, #tpu.memory_space<hbm>> -> memref<8x768xf32, #tpu.memory_space<hbm>>
      tpu.enqueue_dma source(%dma_start3A_811 : memref<8x768xf32, #tpu.memory_space<hbm>>) target(%arg7 : memref<8x768xf32, #tpu.memory_space<vmem>>) target_semaphore(%arg16 : memref<!tpu.dma_semaphore, #tpu.memory_space<semaphore_mem>>)
      %dma_start3A_812 = arith.constant 0 : i32
      %dma_start3A_813 = tpu.memref_slice %arg4[%add3A_807, %dma_start3A_812] : memref<8192x768xf32, #tpu.memory_space<hbm>> -> memref<8x768xf32, #tpu.memory_space<hbm>>
      %dma_start3A_814 = arith.constant 0 : i32
      %dma_start3A_815 = tpu.memref_slice %arg4[%add3A_807, %dma_start3A_814] : memref<8192x768xf32, #tpu.memory_space<hbm>> -> memref<8x768xf32, #tpu.memory_space<hbm>>
      tpu.enqueue_dma source(%dma_start3A_815 : memref<8x768xf32, #tpu.memory_space<hbm>>) target(%arg10 : memref<8x768xf32, #tpu.memory_space<vmem>>) target_semaphore(%arg19 : memref<!tpu.dma_semaphore, #tpu.memory_space<semaphore_mem>>)
      %dma_wait3A_816 = arith.constant 0 : i32
      %dma_wait3A_817 = arith.constant 0 : i32
      %dma_wait3A_818 = arith.constant 0 : i32
      %dma_wait3A_819 = tpu.memref_slice %arg5[%dma_wait3A_816, %dma_wait3A_817, %dma_wait3A_818] : memref<4x8192x768xf32, #tpu.memory_space<hbm>> -> memref<4x8x768xf32, #tpu.memory_space<hbm>>
      %dma_wait3A_820 = arith.constant 0 : i32
      %dma_wait3A_821 = arith.constant 0 : i32
      %dma_wait3A_822 = arith.constant 0 : i32
      %dma_wait3A_823 = tpu.memref_slice %arg5[%dma_wait3A_820, %dma_wait3A_821, %dma_wait3A_822] : memref<4x8192x768xf32, #tpu.memory_space<hbm>> -> memref<4x8x768xf32, #tpu.memory_space<hbm>>
      tpu.wait_dma2 semaphore(%arg25 : memref<!tpu.dma_semaphore, #tpu.memory_space<semaphore_mem>>) src(%arg13 : memref<4x8x768xf32, #tpu.memory_space<vmem>>) dst(%dma_wait3A_823 : memref<4x8x768xf32, #tpu.memory_space<hbm>>)
      %dma_start3A_824 = arith.constant 0 : i32
      %dma_start3A_825 = arith.constant 0 : i32
      %dma_start3A_826 = tpu.memref_slice %arg2[%dma_start3A_824, %add3A_807, %dma_start3A_825] : memref<4x8192x768xf32, #tpu.memory_space<hbm>> -> memref<4x8x768xf32, #tpu.memory_space<hbm>>
      %dma_start3A_827 = arith.constant 0 : i32
      %dma_start3A_828 = arith.constant 0 : i32
      %dma_start3A_829 = tpu.memref_slice %arg2[%dma_start3A_827, %add3A_807, %dma_start3A_828] : memref<4x8192x768xf32, #tpu.memory_space<hbm>> -> memref<4x8x768xf32, #tpu.memory_space<hbm>>
      tpu.enqueue_dma source(%dma_start3A_829 : memref<4x8x768xf32, #tpu.memory_space<hbm>>) target(%arg13 : memref<4x8x768xf32, #tpu.memory_space<vmem>>) target_semaphore(%arg22 : memref<!tpu.dma_semaphore, #tpu.memory_space<semaphore_mem>>)
      %dma_wait3A_830 = arith.constant 0 : i32
      %dma_wait3A_831 = arith.constant 0 : i32
      %dma_wait3A_832 = arith.constant 0 : i32
      %dma_wait3A_833 = tpu.memref_slice %arg2[%dma_wait3A_830, %dma_wait3A_831, %dma_wait3A_832] : memref<4x8192x768xf32, #tpu.memory_space<hbm>> -> memref<4x8x768xf32, #tpu.memory_space<hbm>>
      %dma_wait3A_834 = arith.constant 0 : i32
      %dma_wait3A_835 = arith.constant 0 : i32
      %dma_wait3A_836 = arith.constant 0 : i32
      %dma_wait3A_837 = tpu.memref_slice %arg2[%dma_wait3A_834, %dma_wait3A_835, %dma_wait3A_836] : memref<4x8192x768xf32, #tpu.memory_space<hbm>> -> memref<4x8x768xf32, #tpu.memory_space<hbm>>
      tpu.wait_dma2 semaphore(%arg21 : memref<!tpu.dma_semaphore, #tpu.memory_space<semaphore_mem>>) src(%dma_wait3A_837 : memref<4x8x768xf32, #tpu.memory_space<hbm>>) dst(%arg12 : memref<4x8x768xf32, #tpu.memory_space<vmem>>)
      %scan3A_838 = arith.constant 0 : i32
      %scan3A_839 = arith.constant 8 : i32
      %scan3A_840 = arith.addi %scan3A_838, %scan3A_839 : i32
      %scan3A_841 = arith.constant 1 : i32
      scf.for %scan3A_1055 = %scan3A_838 to %scan3A_840 step %scan3A_841  : i32 {
        %mul3A_1056 = arith.constant 1 : i32
        %mul3A_1057 = arith.muli %scan3A_1055, %mul3A_1056 : i32
        %add3A_1058 = arith.constant 0 : i32
        %add3A_1059 = arith.addi %add3A_1058, %mul3A_1057 : i32
        %parallel_loop3A = arith.constant 0 : i32
        %parallel_loop3A_1060 = arith.constant 48 : i32
        %parallel_loop3A_1061 = arith.constant 1 : i32
        scf.for %parallel_loop3A_1062 = %parallel_loop3A to %parallel_loop3A_1060 step %parallel_loop3A_1061  : i32 {
          %parallel_loop3A_1063 = arith.constant 16 : i32
          %parallel_loop3A_1064 = arith.muli %parallel_loop3A_1062, %parallel_loop3A_1063 : i32
          %parallel_loop3A_1065 = arith.index_cast %add3A_1059 : i32 to index
          %parallel_loop3A_1066 = arith.index_cast %parallel_loop3A_1064 : i32 to index
          %parallel_loop3A_1067 = tpu.vector_load %arg6[%parallel_loop3A_1065, %parallel_loop3A_1066] {strides = array<i32>} : memref<8x768xf32, #tpu.memory_space<vmem>>, vector<1x16xf32>,
          %parallel_loop3A_1068 = vector.shape_cast %parallel_loop3A_1067 : vector<1x16xf32> to vector<16xf32>
          %parallel_loop3A_1069 = arith.index_cast %add3A_1059 : i32 to index
          %parallel_loop3A_1070 = arith.index_cast %parallel_loop3A_1064 : i32 to index
          %parallel_loop3A_1071 = tpu.vector_load %arg9[%parallel_loop3A_1069, %parallel_loop3A_1070] {strides = array<i32>} : memref<8x768xf32, #tpu.memory_space<vmem>>, vector<1x16xf32>,
          %parallel_loop3A_1072 = vector.shape_cast %parallel_loop3A_1071 : vector<1x16xf32> to vector<16xf32>
          %parallel_loop3A_1073 = arith.addf %parallel_loop3A_1068, %parallel_loop3A_1072 : vector<16xf32>
          %parallel_loop3A_1074 = arith.index_cast %add3A_1059 : i32 to index
          %parallel_loop3A_1075 = arith.index_cast %parallel_loop3A_1064 : i32 to index
          %parallel_loop3A_1076 = tpu.vector_load %arg6[%parallel_loop3A_1074, %parallel_loop3A_1075] {strides = array<i32>} : memref<8x768xf32, #tpu.memory_space<vmem>>, vector<1x16xf32>,
          %parallel_loop3A_1077 = vector.shape_cast %parallel_loop3A_1076 : vector<1x16xf32> to vector<16xf32>
          %parallel_loop3A_1078 = vector.shape_cast %parallel_loop3A_1073 : vector<16xf32> to vector<1x16xf32>
          tpu.vector_store %arg6[%parallel_loop3A_1074, %parallel_loop3A_1075], %parallel_loop3A_1078 {strides = array<i32>} : memref<8x768xf32, #tpu.memory_space<vmem>>, vector<1x16xf32>,
          %parallel_loop3A_1079 = arith.constant 0 : i32
          %parallel_loop3A_1080 = arith.index_cast %parallel_loop3A_1079 : i32 to index
          %parallel_loop3A_1081 = arith.index_cast %add3A_1059 : i32 to index
          %parallel_loop3A_1082 = arith.index_cast %parallel_loop3A_1064 : i32 to index
          %parallel_loop3A_1083 = tpu.vector_load %arg12[%parallel_loop3A_1080, %parallel_loop3A_1081, %parallel_loop3A_1082] {strides = array<i32>} : memref<4x8x768xf32, #tpu.memory_space<vmem>>, vector<1x1x16xf32>,
          %parallel_loop3A_1084 = vector.shape_cast %parallel_loop3A_1083 : vector<1x1x16xf32> to vector<16xf32>
          %parallel_loop3A_1085 = vector.shape_cast %parallel_loop3A_1073 : vector<16xf32> to vector<1x1x16xf32>
          tpu.vector_store %arg12[%parallel_loop3A_1080, %parallel_loop3A_1081, %parallel_loop3A_1082], %parallel_loop3A_1085 {add = true, strides = array<i32>} : memref<4x8x768xf32, #tpu.memory_space<vmem>>, vector<1x1x16xf32>,
        } {sc.loop_unroll_factor = 8 : i64, sc.parallel_access}
      }
      %scan3A_842 = arith.constant 8 : i32
      %dma_start3A_843 = arith.constant 0 : i32
      %dma_start3A_844 = arith.constant 0 : i32
      %dma_start3A_845 = arith.constant 0 : i32
      %dma_start3A_846 = arith.constant 0 : i32
      %dma_start3A_847 = tpu.memref_slice %arg12[%dma_start3A_843, %dma_start3A_845, %dma_start3A_846] : memref<4x8x768xf32, #tpu.memory_space<vmem>> -> memref<1x8x768xf32, #tpu.memory_space<vmem>>
      %dma_start3A_848 = tpu.memref_squeeze %dma_start3A_847 : memref<1x8x768xf32, #tpu.memory_space<vmem>> -> memref<8x768xf32, #tpu.memory_space<vmem>>
      %dma_start3A_849 = arith.constant 0 : i32
      %dma_start3A_850 = tpu.memref_slice %arg5[%dma_start3A_844, %add3A_793, %dma_start3A_849] : memref<4x8192x768xf32, #tpu.memory_space<hbm>> -> memref<1x8x768xf32, #tpu.memory_space<hbm>>
      %dma_start3A_851 = tpu.memref_squeeze %dma_start3A_850 : memref<1x8x768xf32, #tpu.memory_space<hbm>> -> memref<8x768xf32, #tpu.memory_space<hbm>>
      %dma_start3A_852 = arith.constant 0 : i32
      %dma_start3A_853 = tpu.memref_slice %arg5[%dma_start3A_844, %add3A_793, %dma_start3A_852] : memref<4x8192x768xf32, #tpu.memory_space<hbm>> -> memref<1x8x768xf32, #tpu.memory_space<hbm>>
      %dma_start3A_854 = tpu.memref_squeeze %dma_start3A_853 : memref<1x8x768xf32, #tpu.memory_space<hbm>> -> memref<8x768xf32, #tpu.memory_space<hbm>>
      %dma_start3A_855 = arith.constant 0 : i32
      %dma_start3A_856 = arith.constant 0 : i32
      %dma_start3A_857 = tpu.memref_slice %arg12[%dma_start3A_843, %dma_start3A_855, %dma_start3A_856] : memref<4x8x768xf32, #tpu.memory_space<vmem>> -> memref<1x8x768xf32, #tpu.memory_space<vmem>>
      %dma_start3A_858 = tpu.memref_squeeze %dma_start3A_857 : memref<1x8x768xf32, #tpu.memory_space<vmem>> -> memref<8x768xf32, #tpu.memory_space<vmem>>
      tpu.enqueue_dma source(%dma_start3A_858 : memref<8x768xf32, #tpu.memory_space<vmem>>) target(%dma_start3A_854 : memref<8x768xf32, #tpu.memory_space<hbm>>) target_semaphore(%arg24 : memref<!tpu.dma_semaphore, #tpu.memory_space<semaphore_mem>>)
      %scan3A_859 = arith.constant 0 : i32
      %scan3A_860 = arith.constant 8 : i32
      %scan3A_861 = arith.addi %scan3A_859, %scan3A_860 : i32
      %scan3A_862 = arith.constant 1 : i32
      scf.for %scan3A_1055 = %scan3A_859 to %scan3A_861 step %scan3A_862  : i32 {
        %mul3A_1056 = arith.constant 1 : i32
        %mul3A_1057 = arith.muli %scan3A_1055, %mul3A_1056 : i32
        %add3A_1058 = arith.constant 0 : i32
        %add3A_1059 = arith.addi %add3A_1058, %mul3A_1057 : i32
        %parallel_loop3A = arith.constant 0 : i32
        %parallel_loop3A_1060 = arith.constant 48 : i32
        %parallel_loop3A_1061 = arith.constant 1 : i32
        scf.for %parallel_loop3A_1062 = %parallel_loop3A to %parallel_loop3A_1060 step %parallel_loop3A_1061  : i32 {
          %parallel_loop3A_1063 = arith.constant 16 : i32
          %parallel_loop3A_1064 = arith.muli %parallel_loop3A_1062, %parallel_loop3A_1063 : i32
          %parallel_loop3A_1065 = arith.index_cast %add3A_1059 : i32 to index
          %parallel_loop3A_1066 = arith.index_cast %parallel_loop3A_1064 : i32 to index
          %parallel_loop3A_1067 = tpu.vector_load %arg6[%parallel_loop3A_1065, %parallel_loop3A_1066] {strides = array<i32>} : memref<8x768xf32, #tpu.memory_space<vmem>>, vector<1x16xf32>,
          %parallel_loop3A_1068 = vector.shape_cast %parallel_loop3A_1067 : vector<1x16xf32> to vector<16xf32>
          %parallel_loop3A_1069 = arith.constant 1 : i32
          %parallel_loop3A_1070 = arith.index_cast %parallel_loop3A_1069 : i32 to index
          %parallel_loop3A_1071 = arith.index_cast %add3A_1059 : i32 to index
          %parallel_loop3A_1072 = arith.index_cast %parallel_loop3A_1064 : i32 to index
          %parallel_loop3A_1073 = tpu.vector_load %arg12[%parallel_loop3A_1070, %parallel_loop3A_1071, %parallel_loop3A_1072] {strides = array<i32>} : memref<4x8x768xf32, #tpu.memory_space<vmem>>, vector<1x1x16xf32>,
          %parallel_loop3A_1074 = vector.shape_cast %parallel_loop3A_1073 : vector<1x1x16xf32> to vector<16xf32>
          %parallel_loop3A_1075 = vector.shape_cast %parallel_loop3A_1068 : vector<16xf32> to vector<1x1x16xf32>
          tpu.vector_store %arg12[%parallel_loop3A_1070, %parallel_loop3A_1071, %parallel_loop3A_1072], %parallel_loop3A_1075 {add = true, strides = array<i32>} : memref<4x8x768xf32, #tpu.memory_space<vmem>>, vector<1x1x16xf32>,
        } {sc.loop_unroll_factor = 8 : i64, sc.parallel_access}
      }
      %scan3A_863 = arith.constant 8 : i32
      %dma_start3A_864 = arith.constant 1 : i32
      %dma_start3A_865 = arith.constant 1 : i32
      %dma_start3A_866 = arith.constant 0 : i32
      %dma_start3A_867 = arith.constant 0 : i32
      %dma_start3A_868 = tpu.memref_slice %arg12[%dma_start3A_864, %dma_start3A_866, %dma_start3A_867] : memref<4x8x768xf32, #tpu.memory_space<vmem>> -> memref<1x8x768xf32, #tpu.memory_space<vmem>>
      %dma_start3A_869 = tpu.memref_squeeze %dma_start3A_868 : memref<1x8x768xf32, #tpu.memory_space<vmem>> -> memref<8x768xf32, #tpu.memory_space<vmem>>
      %dma_start3A_870 = arith.constant 0 : i32
      %dma_start3A_871 = tpu.memref_slice %arg5[%dma_start3A_865, %add3A_793, %dma_start3A_870] : memref<4x8192x768xf32, #tpu.memory_space<hbm>> -> memref<1x8x768xf32, #tpu.memory_space<hbm>>
      %dma_start3A_872 = tpu.memref_squeeze %dma_start3A_871 : memref<1x8x768xf32, #tpu.memory_space<hbm>> -> memref<8x768xf32, #tpu.memory_space<hbm>>
      %dma_start3A_873 = arith.constant 0 : i32
      %dma_start3A_874 = tpu.memref_slice %arg5[%dma_start3A_865, %add3A_793, %dma_start3A_873] : memref<4x8192x768xf32, #tpu.memory_space<hbm>> -> memref<1x8x768xf32, #tpu.memory_space<hbm>>
      %dma_start3A_875 = tpu.memref_squeeze %dma_start3A_874 : memref<1x8x768xf32, #tpu.memory_space<hbm>> -> memref<8x768xf32, #tpu.memory_space<hbm>>
      %dma_start3A_876 = arith.constant 0 : i32
      %dma_start3A_877 = arith.constant 0 : i32
      %dma_start3A_878 = tpu.memref_slice %arg12[%dma_start3A_864, %dma_start3A_876, %dma_start3A_877] : memref<4x8x768xf32, #tpu.memory_space<vmem>> -> memref<1x8x768xf32, #tpu.memory_space<vmem>>
      %dma_start3A_879 = tpu.memref_squeeze %dma_start3A_878 : memref<1x8x768xf32, #tpu.memory_space<vmem>> -> memref<8x768xf32, #tpu.memory_space<vmem>>
      tpu.enqueue_dma source(%dma_start3A_879 : memref<8x768xf32, #tpu.memory_space<vmem>>) target(%dma_start3A_875 : memref<8x768xf32, #tpu.memory_space<hbm>>) target_semaphore(%arg24 : memref<!tpu.dma_semaphore, #tpu.memory_space<semaphore_mem>>)
      %scan3A_880 = arith.constant 0 : i32
      %scan3A_881 = arith.constant 8 : i32
      %scan3A_882 = arith.addi %scan3A_880, %scan3A_881 : i32
      %scan3A_883 = arith.constant 1 : i32
      scf.for %scan3A_1055 = %scan3A_880 to %scan3A_882 step %scan3A_883  : i32 {
        %mul3A_1056 = arith.constant 1 : i32
        %mul3A_1057 = arith.muli %scan3A_1055, %mul3A_1056 : i32
        %add3A_1058 = arith.constant 0 : i32
        %add3A_1059 = arith.addi %add3A_1058, %mul3A_1057 : i32
        %parallel_loop3A = arith.constant 0 : i32
        %parallel_loop3A_1060 = arith.constant 48 : i32
        %parallel_loop3A_1061 = arith.constant 1 : i32
        scf.for %parallel_loop3A_1062 = %parallel_loop3A to %parallel_loop3A_1060 step %parallel_loop3A_1061  : i32 {
          %parallel_loop3A_1063 = arith.constant 16 : i32
          %parallel_loop3A_1064 = arith.muli %parallel_loop3A_1062, %parallel_loop3A_1063 : i32
          %parallel_loop3A_1065 = arith.index_cast %add3A_1059 : i32 to index
          %parallel_loop3A_1066 = arith.index_cast %parallel_loop3A_1064 : i32 to index
          %parallel_loop3A_1067 = tpu.vector_load %arg6[%parallel_loop3A_1065, %parallel_loop3A_1066] {strides = array<i32>} : memref<8x768xf32, #tpu.memory_space<vmem>>, vector<1x16xf32>,
          %parallel_loop3A_1068 = vector.shape_cast %parallel_loop3A_1067 : vector<1x16xf32> to vector<16xf32>
          %parallel_loop3A_1069 = arith.constant 2 : i32
          %parallel_loop3A_1070 = arith.index_cast %parallel_loop3A_1069 : i32 to index
          %parallel_loop3A_1071 = arith.index_cast %add3A_1059 : i32 to index
          %parallel_loop3A_1072 = arith.index_cast %parallel_loop3A_1064 : i32 to index
          %parallel_loop3A_1073 = tpu.vector_load %arg12[%parallel_loop3A_1070, %parallel_loop3A_1071, %parallel_loop3A_1072] {strides = array<i32>} : memref<4x8x768xf32, #tpu.memory_space<vmem>>, vector<1x1x16xf32>,
          %parallel_loop3A_1074 = vector.shape_cast %parallel_loop3A_1073 : vector<1x1x16xf32> to vector<16xf32>
          %parallel_loop3A_1075 = vector.shape_cast %parallel_loop3A_1068 : vector<16xf32> to vector<1x1x16xf32>
          tpu.vector_store %arg12[%parallel_loop3A_1070, %parallel_loop3A_1071, %parallel_loop3A_1072], %parallel_loop3A_1075 {add = true, strides = array<i32>} : memref<4x8x768xf32, #tpu.memory_space<vmem>>, vector<1x1x16xf32>,
        } {sc.loop_unroll_factor = 8 : i64, sc.parallel_access}
      }
      %scan3A_884 = arith.constant 8 : i32
      %dma_start3A_885 = arith.constant 2 : i32
      %dma_start3A_886 = arith.constant 2 : i32
      %dma_start3A_887 = arith.constant 0 : i32
      %dma_start3A_888 = arith.constant 0 : i32
      %dma_start3A_889 = tpu.memref_slice %arg12[%dma_start3A_885, %dma_start3A_887, %dma_start3A_888] : memref<4x8x768xf32, #tpu.memory_space<vmem>> -> memref<1x8x768xf32, #tpu.memory_space<vmem>>
      %dma_start3A_890 = tpu.memref_squeeze %dma_start3A_889 : memref<1x8x768xf32, #tpu.memory_space<vmem>> -> memref<8x768xf32, #tpu.memory_space<vmem>>
      %dma_start3A_891 = arith.constant 0 : i32
      %dma_start3A_892 = tpu.memref_slice %arg5[%dma_start3A_886, %add3A_793, %dma_start3A_891] : memref<4x8192x768xf32, #tpu.memory_space<hbm>> -> memref<1x8x768xf32, #tpu.memory_space<hbm>>
      %dma_start3A_893 = tpu.memref_squeeze %dma_start3A_892 : memref<1x8x768xf32, #tpu.memory_space<hbm>> -> memref<8x768xf32, #tpu.memory_space<hbm>>
      %dma_start3A_894 = arith.constant 0 : i32
      %dma_start3A_895 = tpu.memref_slice %arg5[%dma_start3A_886, %add3A_793, %dma_start3A_894] : memref<4x8192x768xf32, #tpu.memory_space<hbm>> -> memref<1x8x768xf32, #tpu.memory_space<hbm>>
      %dma_start3A_896 = tpu.memref_squeeze %dma_start3A_895 : memref<1x8x768xf32, #tpu.memory_space<hbm>> -> memref<8x768xf32, #tpu.memory_space<hbm>>
      %dma_start3A_897 = arith.constant 0 : i32
      %dma_start3A_898 = arith.constant 0 : i32
      %dma_start3A_899 = tpu.memref_slice %arg12[%dma_start3A_885, %dma_start3A_897, %dma_start3A_898] : memref<4x8x768xf32, #tpu.memory_space<vmem>> -> memref<1x8x768xf32, #tpu.memory_space<vmem>>
      %dma_start3A_900 = tpu.memref_squeeze %dma_start3A_899 : memref<1x8x768xf32, #tpu.memory_space<vmem>> -> memref<8x768xf32, #tpu.memory_space<vmem>>
      tpu.enqueue_dma source(%dma_start3A_900 : memref<8x768xf32, #tpu.memory_space<vmem>>) target(%dma_start3A_896 : memref<8x768xf32, #tpu.memory_space<hbm>>) target_semaphore(%arg24 : memref<!tpu.dma_semaphore, #tpu.memory_space<semaphore_mem>>)
      %scan3A_901 = arith.constant 0 : i32
      %scan3A_902 = arith.constant 8 : i32
      %scan3A_903 = arith.addi %scan3A_901, %scan3A_902 : i32
      %scan3A_904 = arith.constant 1 : i32
      scf.for %scan3A_1055 = %scan3A_901 to %scan3A_903 step %scan3A_904  : i32 {
        %mul3A_1056 = arith.constant 1 : i32
        %mul3A_1057 = arith.muli %scan3A_1055, %mul3A_1056 : i32
        %add3A_1058 = arith.constant 0 : i32
        %add3A_1059 = arith.addi %add3A_1058, %mul3A_1057 : i32
        %parallel_loop3A = arith.constant 0 : i32
        %parallel_loop3A_1060 = arith.constant 48 : i32
        %parallel_loop3A_1061 = arith.constant 1 : i32
        scf.for %parallel_loop3A_1062 = %parallel_loop3A to %parallel_loop3A_1060 step %parallel_loop3A_1061  : i32 {
          %parallel_loop3A_1063 = arith.constant 16 : i32
          %parallel_loop3A_1064 = arith.muli %parallel_loop3A_1062, %parallel_loop3A_1063 : i32
          %parallel_loop3A_1065 = arith.index_cast %add3A_1059 : i32 to index
          %parallel_loop3A_1066 = arith.index_cast %parallel_loop3A_1064 : i32 to index
          %parallel_loop3A_1067 = tpu.vector_load %arg6[%parallel_loop3A_1065, %parallel_loop3A_1066] {strides = array<i32>} : memref<8x768xf32, #tpu.memory_space<vmem>>, vector<1x16xf32>,
          %parallel_loop3A_1068 = vector.shape_cast %parallel_loop3A_1067 : vector<1x16xf32> to vector<16xf32>
          %parallel_loop3A_1069 = arith.constant 3 : i32
          %parallel_loop3A_1070 = arith.index_cast %parallel_loop3A_1069 : i32 to index
          %parallel_loop3A_1071 = arith.index_cast %add3A_1059 : i32 to index
          %parallel_loop3A_1072 = arith.index_cast %parallel_loop3A_1064 : i32 to index
          %parallel_loop3A_1073 = tpu.vector_load %arg12[%parallel_loop3A_1070, %parallel_loop3A_1071, %parallel_loop3A_1072] {strides = array<i32>} : memref<4x8x768xf32, #tpu.memory_space<vmem>>, vector<1x1x16xf32>,
          %parallel_loop3A_1074 = vector.shape_cast %parallel_loop3A_1073 : vector<1x1x16xf32> to vector<16xf32>
          %parallel_loop3A_1075 = vector.shape_cast %parallel_loop3A_1068 : vector<16xf32> to vector<1x1x16xf32>
          tpu.vector_store %arg12[%parallel_loop3A_1070, %parallel_loop3A_1071, %parallel_loop3A_1072], %parallel_loop3A_1075 {add = true, strides = array<i32>} : memref<4x8x768xf32, #tpu.memory_space<vmem>>, vector<1x1x16xf32>,
        } {sc.loop_unroll_factor = 8 : i64, sc.parallel_access}
      }
      %scan3A_905 = arith.constant 8 : i32
      %dma_start3A_906 = arith.constant 3 : i32
      %dma_start3A_907 = arith.constant 3 : i32
      %dma_start3A_908 = arith.constant 0 : i32
      %dma_start3A_909 = arith.constant 0 : i32
      %dma_start3A_910 = tpu.memref_slice %arg12[%dma_start3A_906, %dma_start3A_908, %dma_start3A_909] : memref<4x8x768xf32, #tpu.memory_space<vmem>> -> memref<1x8x768xf32, #tpu.memory_space<vmem>>
      %dma_start3A_911 = tpu.memref_squeeze %dma_start3A_910 : memref<1x8x768xf32, #tpu.memory_space<vmem>> -> memref<8x768xf32, #tpu.memory_space<vmem>>
      %dma_start3A_912 = arith.constant 0 : i32
      %dma_start3A_913 = tpu.memref_slice %arg5[%dma_start3A_907, %add3A_793, %dma_start3A_912] : memref<4x8192x768xf32, #tpu.memory_space<hbm>> -> memref<1x8x768xf32, #tpu.memory_space<hbm>>
      %dma_start3A_914 = tpu.memref_squeeze %dma_start3A_913 : memref<1x8x768xf32, #tpu.memory_space<hbm>> -> memref<8x768xf32, #tpu.memory_space<hbm>>
      %dma_start3A_915 = arith.constant 0 : i32
      %dma_start3A_916 = tpu.memref_slice %arg5[%dma_start3A_907, %add3A_793, %dma_start3A_915] : memref<4x8192x768xf32, #tpu.memory_space<hbm>> -> memref<1x8x768xf32, #tpu.memory_space<hbm>>
      %dma_start3A_917 = tpu.memref_squeeze %dma_start3A_916 : memref<1x8x768xf32, #tpu.memory_space<hbm>> -> memref<8x768xf32, #tpu.memory_space<hbm>>
      %dma_start3A_918 = arith.constant 0 : i32
      %dma_start3A_919 = arith.constant 0 : i32
      %dma_start3A_920 = tpu.memref_slice %arg12[%dma_start3A_906, %dma_start3A_918, %dma_start3A_919] : memref<4x8x768xf32, #tpu.memory_space<vmem>> -> memref<1x8x768xf32, #tpu.memory_space<vmem>>
      %dma_start3A_921 = tpu.memref_squeeze %dma_start3A_920 : memref<1x8x768xf32, #tpu.memory_space<vmem>> -> memref<8x768xf32, #tpu.memory_space<vmem>>
      tpu.enqueue_dma source(%dma_start3A_921 : memref<8x768xf32, #tpu.memory_space<vmem>>) target(%dma_start3A_917 : memref<8x768xf32, #tpu.memory_space<hbm>>) target_semaphore(%arg24 : memref<!tpu.dma_semaphore, #tpu.memory_space<semaphore_mem>>)
      %add3A_922 = arith.constant 2 : i32
      %add3A_923 = arith.addi %add3A_657, %add3A_922 : i32
      %mul3A_924 = arith.constant 8 : i32
      %mul3A_925 = arith.muli %add3A_923, %mul3A_924 : i32
      %add3A_926 = arith.addi %mul3A_2, %mul3A_925 : i32
      %dma_wait3A_927 = arith.constant 0 : i32
      %dma_wait3A_928 = arith.constant 0 : i32
      %dma_wait3A_929 = tpu.memref_slice %arg3[%dma_wait3A_927, %dma_wait3A_928] : memref<8192x768xf32, #tpu.memory_space<hbm>> -> memref<8x768xf32, #tpu.memory_space<hbm>>
      %dma_wait3A_930 = arith.constant 0 : i32
      %dma_wait3A_931 = arith.constant 0 : i32
      %dma_wait3A_932 = tpu.memref_slice %arg3[%dma_wait3A_930, %dma_wait3A_931] : memref<8192x768xf32, #tpu.memory_space<hbm>> -> memref<8x768xf32, #tpu.memory_space<hbm>>
      tpu.wait_dma2 semaphore(%arg16 : memref<!tpu.dma_semaphore, #tpu.memory_space<semaphore_mem>>) src(%dma_wait3A_932 : memref<8x768xf32, #tpu.memory_space<hbm>>) dst(%arg7 : memref<8x768xf32, #tpu.memory_space<vmem>>)
      %dma_wait3A_933 = arith.constant 0 : i32
      %dma_wait3A_934 = arith.constant 0 : i32
      %dma_wait3A_935 = tpu.memref_slice %arg3[%dma_wait3A_933, %dma_wait3A_934] : memref<8192x768xf32, #tpu.memory_space<hbm>> -> memref<8x768xf32, #tpu.memory_space<hbm>>
      %dma_wait3A_936 = arith.constant 0 : i32
      %dma_wait3A_937 = arith.constant 0 : i32
      %dma_wait3A_938 = tpu.memref_slice %arg3[%dma_wait3A_936, %dma_wait3A_937] : memref<8192x768xf32, #tpu.memory_space<hbm>> -> memref<8x768xf32, #tpu.memory_space<hbm>>
      tpu.wait_dma2 semaphore(%arg19 : memref<!tpu.dma_semaphore, #tpu.memory_space<semaphore_mem>>) src(%dma_wait3A_938 : memref<8x768xf32, #tpu.memory_space<hbm>>) dst(%arg10 : memref<8x768xf32, #tpu.memory_space<vmem>>)
      %add3A_939 = arith.constant 8 : i32
      %add3A_940 = arith.addi %add3A_926, %add3A_939 : i32
      %dma_start3A_941 = arith.constant 0 : i32
      %dma_start3A_942 = tpu.memref_slice %arg3[%add3A_940, %dma_start3A_941] : memref<8192x768xf32, #tpu.memory_space<hbm>> -> memref<8x768xf32, #tpu.memory_space<hbm>>
      %dma_start3A_943 = arith.constant 0 : i32
      %dma_start3A_944 = tpu.memref_slice %arg3[%add3A_940, %dma_start3A_943] : memref<8192x768xf32, #tpu.memory_space<hbm>> -> memref<8x768xf32, #tpu.memory_space<hbm>>
      tpu.enqueue_dma source(%dma_start3A_944 : memref<8x768xf32, #tpu.memory_space<hbm>>) target(%arg8 : memref<8x768xf32, #tpu.memory_space<vmem>>) target_semaphore(%arg17 : memref<!tpu.dma_semaphore, #tpu.memory_space<semaphore_mem>>)
      %dma_start3A_945 = arith.constant 0 : i32
      %dma_start3A_946 = tpu.memref_slice %arg4[%add3A_940, %dma_start3A_945] : memref<8192x768xf32, #tpu.memory_space<hbm>> -> memref<8x768xf32, #tpu.memory_space<hbm>>
      %dma_start3A_947 = arith.constant 0 : i32
      %dma_start3A_948 = tpu.memref_slice %arg4[%add3A_940, %dma_start3A_947] : memref<8192x768xf32, #tpu.memory_space<hbm>> -> memref<8x768xf32, #tpu.memory_space<hbm>>
      tpu.enqueue_dma source(%dma_start3A_948 : memref<8x768xf32, #tpu.memory_space<hbm>>) target(%arg11 : memref<8x768xf32, #tpu.memory_space<vmem>>) target_semaphore(%arg20 : memref<!tpu.dma_semaphore, #tpu.memory_space<semaphore_mem>>)
      %dma_wait3A_949 = arith.constant 0 : i32
      %dma_wait3A_950 = arith.constant 0 : i32
      %dma_wait3A_951 = arith.constant 0 : i32
      %dma_wait3A_952 = tpu.memref_slice %arg5[%dma_wait3A_949, %dma_wait3A_950, %dma_wait3A_951] : memref<4x8192x768xf32, #tpu.memory_space<hbm>> -> memref<4x8x768xf32, #tpu.memory_space<hbm>>
      %dma_wait3A_953 = arith.constant 0 : i32
      %dma_wait3A_954 = arith.constant 0 : i32
      %dma_wait3A_955 = arith.constant 0 : i32
      %dma_wait3A_956 = tpu.memref_slice %arg5[%dma_wait3A_953, %dma_wait3A_954, %dma_wait3A_955] : memref<4x8192x768xf32, #tpu.memory_space<hbm>> -> memref<4x8x768xf32, #tpu.memory_space<hbm>>
      tpu.wait_dma2 semaphore(%arg26 : memref<!tpu.dma_semaphore, #tpu.memory_space<semaphore_mem>>) src(%arg14 : memref<4x8x768xf32, #tpu.memory_space<vmem>>) dst(%dma_wait3A_956 : memref<4x8x768xf32, #tpu.memory_space<hbm>>)
      %dma_start3A_957 = arith.constant 0 : i32
      %dma_start3A_958 = arith.constant 0 : i32
      %dma_start3A_959 = tpu.memref_slice %arg2[%dma_start3A_957, %add3A_940, %dma_start3A_958] : memref<4x8192x768xf32, #tpu.memory_space<hbm>> -> memref<4x8x768xf32, #tpu.memory_space<hbm>>
      %dma_start3A_960 = arith.constant 0 : i32
      %dma_start3A_961 = arith.constant 0 : i32
      %dma_start3A_962 = tpu.memref_slice %arg2[%dma_start3A_960, %add3A_940, %dma_start3A_961] : memref<4x8192x768xf32, #tpu.memory_space<hbm>> -> memref<4x8x768xf32, #tpu.memory_space<hbm>>
      tpu.enqueue_dma source(%dma_start3A_962 : memref<4x8x768xf32, #tpu.memory_space<hbm>>) target(%arg14 : memref<4x8x768xf32, #tpu.memory_space<vmem>>) target_semaphore(%arg23 : memref<!tpu.dma_semaphore, #tpu.memory_space<semaphore_mem>>)
      %dma_wait3A_963 = arith.constant 0 : i32
      %dma_wait3A_964 = arith.constant 0 : i32
      %dma_wait3A_965 = arith.constant 0 : i32
      %dma_wait3A_966 = tpu.memref_slice %arg2[%dma_wait3A_963, %dma_wait3A_964, %dma_wait3A_965] : memref<4x8192x768xf32, #tpu.memory_space<hbm>> -> memref<4x8x768xf32, #tpu.memory_space<hbm>>
      %dma_wait3A_967 = arith.constant 0 : i32
      %dma_wait3A_968 = arith.constant 0 : i32
      %dma_wait3A_969 = arith.constant 0 : i32
      %dma_wait3A_970 = tpu.memref_slice %arg2[%dma_wait3A_967, %dma_wait3A_968, %dma_wait3A_969] : memref<4x8192x768xf32, #tpu.memory_space<hbm>> -> memref<4x8x768xf32, #tpu.memory_space<hbm>>
      tpu.wait_dma2 semaphore(%arg22 : memref<!tpu.dma_semaphore, #tpu.memory_space<semaphore_mem>>) src(%dma_wait3A_970 : memref<4x8x768xf32, #tpu.memory_space<hbm>>) dst(%arg13 : memref<4x8x768xf32, #tpu.memory_space<vmem>>)
      %scan3A_971 = arith.constant 0 : i32
      %scan3A_972 = arith.constant 8 : i32
      %scan3A_973 = arith.addi %scan3A_971, %scan3A_972 : i32
      %scan3A_974 = arith.constant 1 : i32
      scf.for %scan3A_1055 = %scan3A_971 to %scan3A_973 step %scan3A_974  : i32 {
        %mul3A_1056 = arith.constant 1 : i32
        %mul3A_1057 = arith.muli %scan3A_1055, %mul3A_1056 : i32
        %add3A_1058 = arith.constant 0 : i32
        %add3A_1059 = arith.addi %add3A_1058, %mul3A_1057 : i32
        %parallel_loop3A = arith.constant 0 : i32
        %parallel_loop3A_1060 = arith.constant 48 : i32
        %parallel_loop3A_1061 = arith.constant 1 : i32
        scf.for %parallel_loop3A_1062 = %parallel_loop3A to %parallel_loop3A_1060 step %parallel_loop3A_1061  : i32 {
          %parallel_loop3A_1063 = arith.constant 16 : i32
          %parallel_loop3A_1064 = arith.muli %parallel_loop3A_1062, %parallel_loop3A_1063 : i32
          %parallel_loop3A_1065 = arith.index_cast %add3A_1059 : i32 to index
          %parallel_loop3A_1066 = arith.index_cast %parallel_loop3A_1064 : i32 to index
          %parallel_loop3A_1067 = tpu.vector_load %arg7[%parallel_loop3A_1065, %parallel_loop3A_1066] {strides = array<i32>} : memref<8x768xf32, #tpu.memory_space<vmem>>, vector<1x16xf32>,
          %parallel_loop3A_1068 = vector.shape_cast %parallel_loop3A_1067 : vector<1x16xf32> to vector<16xf32>
          %parallel_loop3A_1069 = arith.index_cast %add3A_1059 : i32 to index
          %parallel_loop3A_1070 = arith.index_cast %parallel_loop3A_1064 : i32 to index
          %parallel_loop3A_1071 = tpu.vector_load %arg10[%parallel_loop3A_1069, %parallel_loop3A_1070] {strides = array<i32>} : memref<8x768xf32, #tpu.memory_space<vmem>>, vector<1x16xf32>,
          %parallel_loop3A_1072 = vector.shape_cast %parallel_loop3A_1071 : vector<1x16xf32> to vector<16xf32>
          %parallel_loop3A_1073 = arith.addf %parallel_loop3A_1068, %parallel_loop3A_1072 : vector<16xf32>
          %parallel_loop3A_1074 = arith.index_cast %add3A_1059 : i32 to index
          %parallel_loop3A_1075 = arith.index_cast %parallel_loop3A_1064 : i32 to index
          %parallel_loop3A_1076 = tpu.vector_load %arg7[%parallel_loop3A_1074, %parallel_loop3A_1075] {strides = array<i32>} : memref<8x768xf32, #tpu.memory_space<vmem>>, vector<1x16xf32>,
          %parallel_loop3A_1077 = vector.shape_cast %parallel_loop3A_1076 : vector<1x16xf32> to vector<16xf32>
          %parallel_loop3A_1078 = vector.shape_cast %parallel_loop3A_1073 : vector<16xf32> to vector<1x16xf32>
          tpu.vector_store %arg7[%parallel_loop3A_1074, %parallel_loop3A_1075], %parallel_loop3A_1078 {strides = array<i32>} : memref<8x768xf32, #tpu.memory_space<vmem>>, vector<1x16xf32>,
          %parallel_loop3A_1079 = arith.constant 0 : i32
          %parallel_loop3A_1080 = arith.index_cast %parallel_loop3A_1079 : i32 to index
          %parallel_loop3A_1081 = arith.index_cast %add3A_1059 : i32 to index
          %parallel_loop3A_1082 = arith.index_cast %parallel_loop3A_1064 : i32 to index
          %parallel_loop3A_1083 = tpu.vector_load %arg13[%parallel_loop3A_1080, %parallel_loop3A_1081, %parallel_loop3A_1082] {strides = array<i32>} : memref<4x8x768xf32, #tpu.memory_space<vmem>>, vector<1x1x16xf32>,
          %parallel_loop3A_1084 = vector.shape_cast %parallel_loop3A_1083 : vector<1x1x16xf32> to vector<16xf32>
          %parallel_loop3A_1085 = vector.shape_cast %parallel_loop3A_1073 : vector<16xf32> to vector<1x1x16xf32>
          tpu.vector_store %arg13[%parallel_loop3A_1080, %parallel_loop3A_1081, %parallel_loop3A_1082], %parallel_loop3A_1085 {add = true, strides = array<i32>} : memref<4x8x768xf32, #tpu.memory_space<vmem>>, vector<1x1x16xf32>,
        } {sc.loop_unroll_factor = 8 : i64, sc.parallel_access}
      }
      %scan3A_975 = arith.constant 8 : i32
      %dma_start3A_976 = arith.constant 0 : i32
      %dma_start3A_977 = arith.constant 0 : i32
      %dma_start3A_978 = arith.constant 0 : i32
      %dma_start3A_979 = arith.constant 0 : i32
      %dma_start3A_980 = tpu.memref_slice %arg13[%dma_start3A_976, %dma_start3A_978, %dma_start3A_979] : memref<4x8x768xf32, #tpu.memory_space<vmem>> -> memref<1x8x768xf32, #tpu.memory_space<vmem>>
      %dma_start3A_981 = tpu.memref_squeeze %dma_start3A_980 : memref<1x8x768xf32, #tpu.memory_space<vmem>> -> memref<8x768xf32, #tpu.memory_space<vmem>>
      %dma_start3A_982 = arith.constant 0 : i32
      %dma_start3A_983 = tpu.memref_slice %arg5[%dma_start3A_977, %add3A_926, %dma_start3A_982] : memref<4x8192x768xf32, #tpu.memory_space<hbm>> -> memref<1x8x768xf32, #tpu.memory_space<hbm>>
      %dma_start3A_984 = tpu.memref_squeeze %dma_start3A_983 : memref<1x8x768xf32, #tpu.memory_space<hbm>> -> memref<8x768xf32, #tpu.memory_space<hbm>>
      %dma_start3A_985 = arith.constant 0 : i32
      %dma_start3A_986 = tpu.memref_slice %arg5[%dma_start3A_977, %add3A_926, %dma_start3A_985] : memref<4x8192x768xf32, #tpu.memory_space<hbm>> -> memref<1x8x768xf32, #tpu.memory_space<hbm>>
      %dma_start3A_987 = tpu.memref_squeeze %dma_start3A_986 : memref<1x8x768xf32, #tpu.memory_space<hbm>> -> memref<8x768xf32, #tpu.memory_space<hbm>>
      %dma_start3A_988 = arith.constant 0 : i32
      %dma_start3A_989 = arith.constant 0 : i32
      %dma_start3A_990 = tpu.memref_slice %arg13[%dma_start3A_976, %dma_start3A_988, %dma_start3A_989] : memref<4x8x768xf32, #tpu.memory_space<vmem>> -> memref<1x8x768xf32, #tpu.memory_space<vmem>>
      %dma_start3A_991 = tpu.memref_squeeze %dma_start3A_990 : memref<1x8x768xf32, #tpu.memory_space<vmem>> -> memref<8x768xf32, #tpu.memory_space<vmem>>
      tpu.enqueue_dma source(%dma_start3A_991 : memref<8x768xf32, #tpu.memory_space<vmem>>) target(%dma_start3A_987 : memref<8x768xf32, #tpu.memory_space<hbm>>) target_semaphore(%arg25 : memref<!tpu.dma_semaphore, #tpu.memory_space<semaphore_mem>>)
      %scan3A_992 = arith.constant 0 : i32
      %scan3A_993 = arith.constant 8 : i32
      %scan3A_994 = arith.addi %scan3A_992, %scan3A_993 : i32
      %scan3A_995 = arith.constant 1 : i32
      scf.for %scan3A_1055 = %scan3A_992 to %scan3A_994 step %scan3A_995  : i32 {
        %mul3A_1056 = arith.constant 1 : i32
        %mul3A_1057 = arith.muli %scan3A_1055, %mul3A_1056 : i32
        %add3A_1058 = arith.constant 0 : i32
        %add3A_1059 = arith.addi %add3A_1058, %mul3A_1057 : i32
        %parallel_loop3A = arith.constant 0 : i32
        %parallel_loop3A_1060 = arith.constant 48 : i32
        %parallel_loop3A_1061 = arith.constant 1 : i32
        scf.for %parallel_loop3A_1062 = %parallel_loop3A to %parallel_loop3A_1060 step %parallel_loop3A_1061  : i32 {
          %parallel_loop3A_1063 = arith.constant 16 : i32
          %parallel_loop3A_1064 = arith.muli %parallel_loop3A_1062, %parallel_loop3A_1063 : i32
          %parallel_loop3A_1065 = arith.index_cast %add3A_1059 : i32 to index
          %parallel_loop3A_1066 = arith.index_cast %parallel_loop3A_1064 : i32 to index
          %parallel_loop3A_1067 = tpu.vector_load %arg7[%parallel_loop3A_1065, %parallel_loop3A_1066] {strides = array<i32>} : memref<8x768xf32, #tpu.memory_space<vmem>>, vector<1x16xf32>,
          %parallel_loop3A_1068 = vector.shape_cast %parallel_loop3A_1067 : vector<1x16xf32> to vector<16xf32>
          %parallel_loop3A_1069 = arith.constant 1 : i32
          %parallel_loop3A_1070 = arith.index_cast %parallel_loop3A_1069 : i32 to index
          %parallel_loop3A_1071 = arith.index_cast %add3A_1059 : i32 to index
          %parallel_loop3A_1072 = arith.index_cast %parallel_loop3A_1064 : i32 to index
          %parallel_loop3A_1073 = tpu.vector_load %arg13[%parallel_loop3A_1070, %parallel_loop3A_1071, %parallel_loop3A_1072] {strides = array<i32>} : memref<4x8x768xf32, #tpu.memory_space<vmem>>, vector<1x1x16xf32>,
          %parallel_loop3A_1074 = vector.shape_cast %parallel_loop3A_1073 : vector<1x1x16xf32> to vector<16xf32>
          %parallel_loop3A_1075 = vector.shape_cast %parallel_loop3A_1068 : vector<16xf32> to vector<1x1x16xf32>
          tpu.vector_store %arg13[%parallel_loop3A_1070, %parallel_loop3A_1071, %parallel_loop3A_1072], %parallel_loop3A_1075 {add = true, strides = array<i32>} : memref<4x8x768xf32, #tpu.memory_space<vmem>>, vector<1x1x16xf32>,
        } {sc.loop_unroll_factor = 8 : i64, sc.parallel_access}
      }
      %scan3A_996 = arith.constant 8 : i32
      %dma_start3A_997 = arith.constant 1 : i32
      %dma_start3A_998 = arith.constant 1 : i32
      %dma_start3A_999 = arith.constant 0 : i32
      %dma_start3A_1000 = arith.constant 0 : i32
      %dma_start3A_1001 = tpu.memref_slice %arg13[%dma_start3A_997, %dma_start3A_999, %dma_start3A_1000] : memref<4x8x768xf32, #tpu.memory_space<vmem>> -> memref<1x8x768xf32, #tpu.memory_space<vmem>>
      %dma_start3A_1002 = tpu.memref_squeeze %dma_start3A_1001 : memref<1x8x768xf32, #tpu.memory_space<vmem>> -> memref<8x768xf32, #tpu.memory_space<vmem>>
      %dma_start3A_1003 = arith.constant 0 : i32
      %dma_start3A_1004 = tpu.memref_slice %arg5[%dma_start3A_998, %add3A_926, %dma_start3A_1003] : memref<4x8192x768xf32, #tpu.memory_space<hbm>> -> memref<1x8x768xf32, #tpu.memory_space<hbm>>
      %dma_start3A_1005 = tpu.memref_squeeze %dma_start3A_1004 : memref<1x8x768xf32, #tpu.memory_space<hbm>> -> memref<8x768xf32, #tpu.memory_space<hbm>>
      %dma_start3A_1006 = arith.constant 0 : i32
      %dma_start3A_1007 = tpu.memref_slice %arg5[%dma_start3A_998, %add3A_926, %dma_start3A_1006] : memref<4x8192x768xf32, #tpu.memory_space<hbm>> -> memref<1x8x768xf32, #tpu.memory_space<hbm>>
      %dma_start3A_1008 = tpu.memref_squeeze %dma_start3A_1007 : memref<1x8x768xf32, #tpu.memory_space<hbm>> -> memref<8x768xf32, #tpu.memory_space<hbm>>
      %dma_start3A_1009 = arith.constant 0 : i32
      %dma_start3A_1010 = arith.constant 0 : i32
      %dma_start3A_1011 = tpu.memref_slice %arg13[%dma_start3A_997, %dma_start3A_1009, %dma_start3A_1010] : memref<4x8x768xf32, #tpu.memory_space<vmem>> -> memref<1x8x768xf32, #tpu.memory_space<vmem>>
      %dma_start3A_1012 = tpu.memref_squeeze %dma_start3A_1011 : memref<1x8x768xf32, #tpu.memory_space<vmem>> -> memref<8x768xf32, #tpu.memory_space<vmem>>
      tpu.enqueue_dma source(%dma_start3A_1012 : memref<8x768xf32, #tpu.memory_space<vmem>>) target(%dma_start3A_1008 : memref<8x768xf32, #tpu.memory_space<hbm>>) target_semaphore(%arg25 : memref<!tpu.dma_semaphore, #tpu.memory_space<semaphore_mem>>)
      %scan3A_1013 = arith.constant 0 : i32
      %scan3A_1014 = arith.constant 8 : i32
      %scan3A_1015 = arith.addi %scan3A_1013, %scan3A_1014 : i32
      %scan3A_1016 = arith.constant 1 : i32
      scf.for %scan3A_1055 = %scan3A_1013 to %scan3A_1015 step %scan3A_1016  : i32 {
        %mul3A_1056 = arith.constant 1 : i32
        %mul3A_1057 = arith.muli %scan3A_1055, %mul3A_1056 : i32
        %add3A_1058 = arith.constant 0 : i32
        %add3A_1059 = arith.addi %add3A_1058, %mul3A_1057 : i32
        %parallel_loop3A = arith.constant 0 : i32
        %parallel_loop3A_1060 = arith.constant 48 : i32
        %parallel_loop3A_1061 = arith.constant 1 : i32
        scf.for %parallel_loop3A_1062 = %parallel_loop3A to %parallel_loop3A_1060 step %parallel_loop3A_1061  : i32 {
          %parallel_loop3A_1063 = arith.constant 16 : i32
          %parallel_loop3A_1064 = arith.muli %parallel_loop3A_1062, %parallel_loop3A_1063 : i32
          %parallel_loop3A_1065 = arith.index_cast %add3A_1059 : i32 to index
          %parallel_loop3A_1066 = arith.index_cast %parallel_loop3A_1064 : i32 to index
          %parallel_loop3A_1067 = tpu.vector_load %arg7[%parallel_loop3A_1065, %parallel_loop3A_1066] {strides = array<i32>} : memref<8x768xf32, #tpu.memory_space<vmem>>, vector<1x16xf32>,
          %parallel_loop3A_1068 = vector.shape_cast %parallel_loop3A_1067 : vector<1x16xf32> to vector<16xf32>
          %parallel_loop3A_1069 = arith.constant 2 : i32
          %parallel_loop3A_1070 = arith.index_cast %parallel_loop3A_1069 : i32 to index
          %parallel_loop3A_1071 = arith.index_cast %add3A_1059 : i32 to index
          %parallel_loop3A_1072 = arith.index_cast %parallel_loop3A_1064 : i32 to index
          %parallel_loop3A_1073 = tpu.vector_load %arg13[%parallel_loop3A_1070, %parallel_loop3A_1071, %parallel_loop3A_1072] {strides = array<i32>} : memref<4x8x768xf32, #tpu.memory_space<vmem>>, vector<1x1x16xf32>,
          %parallel_loop3A_1074 = vector.shape_cast %parallel_loop3A_1073 : vector<1x1x16xf32> to vector<16xf32>
          %parallel_loop3A_1075 = vector.shape_cast %parallel_loop3A_1068 : vector<16xf32> to vector<1x1x16xf32>
          tpu.vector_store %arg13[%parallel_loop3A_1070, %parallel_loop3A_1071, %parallel_loop3A_1072], %parallel_loop3A_1075 {add = true, strides = array<i32>} : memref<4x8x768xf32, #tpu.memory_space<vmem>>, vector<1x1x16xf32>,
        } {sc.loop_unroll_factor = 8 : i64, sc.parallel_access}
      }
      %scan3A_1017 = arith.constant 8 : i32
      %dma_start3A_1018 = arith.constant 2 : i32
      %dma_start3A_1019 = arith.constant 2 : i32
      %dma_start3A_1020 = arith.constant 0 : i32
      %dma_start3A_1021 = arith.constant 0 : i32
      %dma_start3A_1022 = tpu.memref_slice %arg13[%dma_start3A_1018, %dma_start3A_1020, %dma_start3A_1021] : memref<4x8x768xf32, #tpu.memory_space<vmem>> -> memref<1x8x768xf32, #tpu.memory_space<vmem>>
      %dma_start3A_1023 = tpu.memref_squeeze %dma_start3A_1022 : memref<1x8x768xf32, #tpu.memory_space<vmem>> -> memref<8x768xf32, #tpu.memory_space<vmem>>
      %dma_start3A_1024 = arith.constant 0 : i32
      %dma_start3A_1025 = tpu.memref_slice %arg5[%dma_start3A_1019, %add3A_926, %dma_start3A_1024] : memref<4x8192x768xf32, #tpu.memory_space<hbm>> -> memref<1x8x768xf32, #tpu.memory_space<hbm>>
      %dma_start3A_1026 = tpu.memref_squeeze %dma_start3A_1025 : memref<1x8x768xf32, #tpu.memory_space<hbm>> -> memref<8x768xf32, #tpu.memory_space<hbm>>
      %dma_start3A_1027 = arith.constant 0 : i32
      %dma_start3A_1028 = tpu.memref_slice %arg5[%dma_start3A_1019, %add3A_926, %dma_start3A_1027] : memref<4x8192x768xf32, #tpu.memory_space<hbm>> -> memref<1x8x768xf32, #tpu.memory_space<hbm>>
      %dma_start3A_1029 = tpu.memref_squeeze %dma_start3A_1028 : memref<1x8x768xf32, #tpu.memory_space<hbm>> -> memref<8x768xf32, #tpu.memory_space<hbm>>
      %dma_start3A_1030 = arith.constant 0 : i32
      %dma_start3A_1031 = arith.constant 0 : i32
      %dma_start3A_1032 = tpu.memref_slice %arg13[%dma_start3A_1018, %dma_start3A_1030, %dma_start3A_1031] : memref<4x8x768xf32, #tpu.memory_space<vmem>> -> memref<1x8x768xf32, #tpu.memory_space<vmem>>
      %dma_start3A_1033 = tpu.memref_squeeze %dma_start3A_1032 : memref<1x8x768xf32, #tpu.memory_space<vmem>> -> memref<8x768xf32, #tpu.memory_space<vmem>>
      tpu.enqueue_dma source(%dma_start3A_1033 : memref<8x768xf32, #tpu.memory_space<vmem>>) target(%dma_start3A_1029 : memref<8x768xf32, #tpu.memory_space<hbm>>) target_semaphore(%arg25 : memref<!tpu.dma_semaphore, #tpu.memory_space<semaphore_mem>>)
      %scan3A_1034 = arith.constant 0 : i32
      %scan3A_1035 = arith.constant 8 : i32
      %scan3A_1036 = arith.addi %scan3A_1034, %scan3A_1035 : i32
      %scan3A_1037 = arith.constant 1 : i32
      scf.for %scan3A_1055 = %scan3A_1034 to %scan3A_1036 step %scan3A_1037  : i32 {
        %mul3A_1056 = arith.constant 1 : i32
        %mul3A_1057 = arith.muli %scan3A_1055, %mul3A_1056 : i32
        %add3A_1058 = arith.constant 0 : i32
        %add3A_1059 = arith.addi %add3A_1058, %mul3A_1057 : i32
        %parallel_loop3A = arith.constant 0 : i32
        %parallel_loop3A_1060 = arith.constant 48 : i32
        %parallel_loop3A_1061 = arith.constant 1 : i32
        scf.for %parallel_loop3A_1062 = %parallel_loop3A to %parallel_loop3A_1060 step %parallel_loop3A_1061  : i32 {
          %parallel_loop3A_1063 = arith.constant 16 : i32
          %parallel_loop3A_1064 = arith.muli %parallel_loop3A_1062, %parallel_loop3A_1063 : i32
          %parallel_loop3A_1065 = arith.index_cast %add3A_1059 : i32 to index
          %parallel_loop3A_1066 = arith.index_cast %parallel_loop3A_1064 : i32 to index
          %parallel_loop3A_1067 = tpu.vector_load %arg7[%parallel_loop3A_1065, %parallel_loop3A_1066] {strides = array<i32>} : memref<8x768xf32, #tpu.memory_space<vmem>>, vector<1x16xf32>,
          %parallel_loop3A_1068 = vector.shape_cast %parallel_loop3A_1067 : vector<1x16xf32> to vector<16xf32>
          %parallel_loop3A_1069 = arith.constant 3 : i32
          %parallel_loop3A_1070 = arith.index_cast %parallel_loop3A_1069 : i32 to index
          %parallel_loop3A_1071 = arith.index_cast %add3A_1059 : i32 to index
          %parallel_loop3A_1072 = arith.index_cast %parallel_loop3A_1064 : i32 to index
          %parallel_loop3A_1073 = tpu.vector_load %arg13[%parallel_loop3A_1070, %parallel_loop3A_1071, %parallel_loop3A_1072] {strides = array<i32>} : memref<4x8x768xf32, #tpu.memory_space<vmem>>, vector<1x1x16xf32>,
          %parallel_loop3A_1074 = vector.shape_cast %parallel_loop3A_1073 : vector<1x1x16xf32> to vector<16xf32>
          %parallel_loop3A_1075 = vector.shape_cast %parallel_loop3A_1068 : vector<16xf32> to vector<1x1x16xf32>
          tpu.vector_store %arg13[%parallel_loop3A_1070, %parallel_loop3A_1071, %parallel_loop3A_1072], %parallel_loop3A_1075 {add = true, strides = array<i32>} : memref<4x8x768xf32, #tpu.memory_space<vmem>>, vector<1x1x16xf32>,
        } {sc.loop_unroll_factor = 8 : i64, sc.parallel_access}
      }
      %scan3A_1038 = arith.constant 8 : i32
      %dma_start3A_1039 = arith.constant 3 : i32
      %dma_start3A_1040 = arith.constant 3 : i32
      %dma_start3A_1041 = arith.constant 0 : i32
      %dma_start3A_1042 = arith.constant 0 : i32
      %dma_start3A_1043 = tpu.memref_slice %arg13[%dma_start3A_1039, %dma_start3A_1041, %dma_start3A_1042] : memref<4x8x768xf32, #tpu.memory_space<vmem>> -> memref<1x8x768xf32, #tpu.memory_space<vmem>>
      %dma_start3A_1044 = tpu.memref_squeeze %dma_start3A_1043 : memref<1x8x768xf32, #tpu.memory_space<vmem>> -> memref<8x768xf32, #tpu.memory_space<vmem>>
      %dma_start3A_1045 = arith.constant 0 : i32
      %dma_start3A_1046 = tpu.memref_slice %arg5[%dma_start3A_1040, %add3A_926, %dma_start3A_1045] : memref<4x8192x768xf32, #tpu.memory_space<hbm>> -> memref<1x8x768xf32, #tpu.memory_space<hbm>>
      %dma_start3A_1047 = tpu.memref_squeeze %dma_start3A_1046 : memref<1x8x768xf32, #tpu.memory_space<hbm>> -> memref<8x768xf32, #tpu.memory_space<hbm>>
      %dma_start3A_1048 = arith.constant 0 : i32
      %dma_start3A_1049 = tpu.memref_slice %arg5[%dma_start3A_1040, %add3A_926, %dma_start3A_1048] : memref<4x8192x768xf32, #tpu.memory_space<hbm>> -> memref<1x8x768xf32, #tpu.memory_space<hbm>>
      %dma_start3A_1050 = tpu.memref_squeeze %dma_start3A_1049 : memref<1x8x768xf32, #tpu.memory_space<hbm>> -> memref<8x768xf32, #tpu.memory_space<hbm>>
      %dma_start3A_1051 = arith.constant 0 : i32
      %dma_start3A_1052 = arith.constant 0 : i32
      %dma_start3A_1053 = tpu.memref_slice %arg13[%dma_start3A_1039, %dma_start3A_1051, %dma_start3A_1052] : memref<4x8x768xf32, #tpu.memory_space<vmem>> -> memref<1x8x768xf32, #tpu.memory_space<vmem>>
      %dma_start3A_1054 = tpu.memref_squeeze %dma_start3A_1053 : memref<1x8x768xf32, #tpu.memory_space<vmem>> -> memref<8x768xf32, #tpu.memory_space<vmem>>
      tpu.enqueue_dma source(%dma_start3A_1054 : memref<8x768xf32, #tpu.memory_space<vmem>>) target(%dma_start3A_1050 : memref<8x768xf32, #tpu.memory_space<hbm>>) target_semaphore(%arg25 : memref<!tpu.dma_semaphore, #tpu.memory_space<semaphore_mem>>)
    }
    %scan3A_262 = arith.constant 9 : i32
    %add3A_263 = arith.constant 232 : i32
    %add3A_264 = arith.addi %mul3A_2, %add3A_263 : i32
    %dma_wait3A_265 = arith.constant 0 : i32
    %dma_wait3A_266 = arith.constant 0 : i32
    %dma_wait3A_267 = tpu.memref_slice %arg3[%dma_wait3A_265, %dma_wait3A_266] : memref<8192x768xf32, #tpu.memory_space<hbm>> -> memref<8x768xf32, #tpu.memory_space<hbm>>
    %dma_wait3A_268 = arith.constant 0 : i32
    %dma_wait3A_269 = arith.constant 0 : i32
    %dma_wait3A_270 = tpu.memref_slice %arg3[%dma_wait3A_268, %dma_wait3A_269] : memref<8192x768xf32, #tpu.memory_space<hbm>> -> memref<8x768xf32, #tpu.memory_space<hbm>>
    tpu.wait_dma2 semaphore(%arg17 : memref<!tpu.dma_semaphore, #tpu.memory_space<semaphore_mem>>) src(%dma_wait3A_270 : memref<8x768xf32, #tpu.memory_space<hbm>>) dst(%arg8 : memref<8x768xf32, #tpu.memory_space<vmem>>)
    %dma_wait3A_271 = arith.constant 0 : i32
    %dma_wait3A_272 = arith.constant 0 : i32
    %dma_wait3A_273 = tpu.memref_slice %arg3[%dma_wait3A_271, %dma_wait3A_272] : memref<8192x768xf32, #tpu.memory_space<hbm>> -> memref<8x768xf32, #tpu.memory_space<hbm>>
    %dma_wait3A_274 = arith.constant 0 : i32
    %dma_wait3A_275 = arith.constant 0 : i32
    %dma_wait3A_276 = tpu.memref_slice %arg3[%dma_wait3A_274, %dma_wait3A_275] : memref<8192x768xf32, #tpu.memory_space<hbm>> -> memref<8x768xf32, #tpu.memory_space<hbm>>
    tpu.wait_dma2 semaphore(%arg20 : memref<!tpu.dma_semaphore, #tpu.memory_space<semaphore_mem>>) src(%dma_wait3A_276 : memref<8x768xf32, #tpu.memory_space<hbm>>) dst(%arg11 : memref<8x768xf32, #tpu.memory_space<vmem>>)
    %add3A_277 = arith.constant 8 : i32
    %add3A_278 = arith.addi %add3A_264, %add3A_277 : i32
    %dma_start3A_279 = arith.constant 0 : i32
    %dma_start3A_280 = tpu.memref_slice %arg3[%add3A_278, %dma_start3A_279] : memref<8192x768xf32, #tpu.memory_space<hbm>> -> memref<8x768xf32, #tpu.memory_space<hbm>>
    %dma_start3A_281 = arith.constant 0 : i32
    %dma_start3A_282 = tpu.memref_slice %arg3[%add3A_278, %dma_start3A_281] : memref<8192x768xf32, #tpu.memory_space<hbm>> -> memref<8x768xf32, #tpu.memory_space<hbm>>
    tpu.enqueue_dma source(%dma_start3A_282 : memref<8x768xf32, #tpu.memory_space<hbm>>) target(%arg6 : memref<8x768xf32, #tpu.memory_space<vmem>>) target_semaphore(%arg15 : memref<!tpu.dma_semaphore, #tpu.memory_space<semaphore_mem>>)
    %dma_start3A_283 = arith.constant 0 : i32
    %dma_start3A_284 = tpu.memref_slice %arg4[%add3A_278, %dma_start3A_283] : memref<8192x768xf32, #tpu.memory_space<hbm>> -> memref<8x768xf32, #tpu.memory_space<hbm>>
    %dma_start3A_285 = arith.constant 0 : i32
    %dma_start3A_286 = tpu.memref_slice %arg4[%add3A_278, %dma_start3A_285] : memref<8192x768xf32, #tpu.memory_space<hbm>> -> memref<8x768xf32, #tpu.memory_space<hbm>>
    tpu.enqueue_dma source(%dma_start3A_286 : memref<8x768xf32, #tpu.memory_space<hbm>>) target(%arg9 : memref<8x768xf32, #tpu.memory_space<vmem>>) target_semaphore(%arg18 : memref<!tpu.dma_semaphore, #tpu.memory_space<semaphore_mem>>)
    %dma_wait3A_287 = arith.constant 0 : i32
    %dma_wait3A_288 = arith.constant 0 : i32
    %dma_wait3A_289 = arith.constant 0 : i32
    %dma_wait3A_290 = tpu.memref_slice %arg5[%dma_wait3A_287, %dma_wait3A_288, %dma_wait3A_289] : memref<4x8192x768xf32, #tpu.memory_space<hbm>> -> memref<4x8x768xf32, #tpu.memory_space<hbm>>
    %dma_wait3A_291 = arith.constant 0 : i32
    %dma_wait3A_292 = arith.constant 0 : i32
    %dma_wait3A_293 = arith.constant 0 : i32
    %dma_wait3A_294 = tpu.memref_slice %arg5[%dma_wait3A_291, %dma_wait3A_292, %dma_wait3A_293] : memref<4x8192x768xf32, #tpu.memory_space<hbm>> -> memref<4x8x768xf32, #tpu.memory_space<hbm>>
    tpu.wait_dma2 semaphore(%arg24 : memref<!tpu.dma_semaphore, #tpu.memory_space<semaphore_mem>>) src(%arg12 : memref<4x8x768xf32, #tpu.memory_space<vmem>>) dst(%dma_wait3A_294 : memref<4x8x768xf32, #tpu.memory_space<hbm>>)
    %dma_start3A_295 = arith.constant 0 : i32
    %dma_start3A_296 = arith.constant 0 : i32
    %dma_start3A_297 = tpu.memref_slice %arg2[%dma_start3A_295, %add3A_278, %dma_start3A_296] : memref<4x8192x768xf32, #tpu.memory_space<hbm>> -> memref<4x8x768xf32, #tpu.memory_space<hbm>>
    %dma_start3A_298 = arith.constant 0 : i32
    %dma_start3A_299 = arith.constant 0 : i32
    %dma_start3A_300 = tpu.memref_slice %arg2[%dma_start3A_298, %add3A_278, %dma_start3A_299] : memref<4x8192x768xf32, #tpu.memory_space<hbm>> -> memref<4x8x768xf32, #tpu.memory_space<hbm>>
    tpu.enqueue_dma source(%dma_start3A_300 : memref<4x8x768xf32, #tpu.memory_space<hbm>>) target(%arg12 : memref<4x8x768xf32, #tpu.memory_space<vmem>>) target_semaphore(%arg21 : memref<!tpu.dma_semaphore, #tpu.memory_space<semaphore_mem>>)
    %dma_wait3A_301 = arith.constant 0 : i32
    %dma_wait3A_302 = arith.constant 0 : i32
    %dma_wait3A_303 = arith.constant 0 : i32
    %dma_wait3A_304 = tpu.memref_slice %arg2[%dma_wait3A_301, %dma_wait3A_302, %dma_wait3A_303] : memref<4x8192x768xf32, #tpu.memory_space<hbm>> -> memref<4x8x768xf32, #tpu.memory_space<hbm>>
    %dma_wait3A_305 = arith.constant 0 : i32
    %dma_wait3A_306 = arith.constant 0 : i32
    %dma_wait3A_307 = arith.constant 0 : i32
    %dma_wait3A_308 = tpu.memref_slice %arg2[%dma_wait3A_305, %dma_wait3A_306, %dma_wait3A_307] : memref<4x8192x768xf32, #tpu.memory_space<hbm>> -> memref<4x8x768xf32, #tpu.memory_space<hbm>>
    tpu.wait_dma2 semaphore(%arg23 : memref<!tpu.dma_semaphore, #tpu.memory_space<semaphore_mem>>) src(%dma_wait3A_308 : memref<4x8x768xf32, #tpu.memory_space<hbm>>) dst(%arg14 : memref<4x8x768xf32, #tpu.memory_space<vmem>>)
    %scan3A_309 = arith.constant 0 : i32
    %scan3A_310 = arith.constant 8 : i32
    %scan3A_311 = arith.addi %scan3A_309, %scan3A_310 : i32
    %scan3A_312 = arith.constant 1 : i32
    scf.for %scan3A_653 = %scan3A_309 to %scan3A_311 step %scan3A_312  : i32 {
      %mul3A_654 = arith.constant 1 : i32
      %mul3A_655 = arith.muli %scan3A_653, %mul3A_654 : i32
      %add3A_656 = arith.constant 0 : i32
      %add3A_657 = arith.addi %add3A_656, %mul3A_655 : i32
      %parallel_loop3A = arith.constant 0 : i32
      %parallel_loop3A_658 = arith.constant 48 : i32
      %parallel_loop3A_659 = arith.constant 1 : i32
      scf.for %parallel_loop3A_660 = %parallel_loop3A to %parallel_loop3A_658 step %parallel_loop3A_659  : i32 {
        %parallel_loop3A_661 = arith.constant 16 : i32
        %parallel_loop3A_662 = arith.muli %parallel_loop3A_660, %parallel_loop3A_661 : i32
        %parallel_loop3A_663 = arith.index_cast %add3A_657 : i32 to index
        %parallel_loop3A_664 = arith.index_cast %parallel_loop3A_662 : i32 to index
        %parallel_loop3A_665 = tpu.vector_load %arg8[%parallel_loop3A_663, %parallel_loop3A_664] {strides = array<i32>} : memref<8x768xf32, #tpu.memory_space<vmem>>, vector<1x16xf32>,
        %parallel_loop3A_666 = vector.shape_cast %parallel_loop3A_665 : vector<1x16xf32> to vector<16xf32>
        %parallel_loop3A_667 = arith.index_cast %add3A_657 : i32 to index
        %parallel_loop3A_668 = arith.index_cast %parallel_loop3A_662 : i32 to index
        %parallel_loop3A_669 = tpu.vector_load %arg11[%parallel_loop3A_667, %parallel_loop3A_668] {strides = array<i32>} : memref<8x768xf32, #tpu.memory_space<vmem>>, vector<1x16xf32>,
        %parallel_loop3A_670 = vector.shape_cast %parallel_loop3A_669 : vector<1x16xf32> to vector<16xf32>
        %parallel_loop3A_671 = arith.addf %parallel_loop3A_666, %parallel_loop3A_670 : vector<16xf32>
        %parallel_loop3A_672 = arith.index_cast %add3A_657 : i32 to index
        %parallel_loop3A_673 = arith.index_cast %parallel_loop3A_662 : i32 to index
        %parallel_loop3A_674 = tpu.vector_load %arg8[%parallel_loop3A_672, %parallel_loop3A_673] {strides = array<i32>} : memref<8x768xf32, #tpu.memory_space<vmem>>, vector<1x16xf32>,
        %parallel_loop3A_675 = vector.shape_cast %parallel_loop3A_674 : vector<1x16xf32> to vector<16xf32>
        %parallel_loop3A_676 = vector.shape_cast %parallel_loop3A_671 : vector<16xf32> to vector<1x16xf32>
        tpu.vector_store %arg8[%parallel_loop3A_672, %parallel_loop3A_673], %parallel_loop3A_676 {strides = array<i32>} : memref<8x768xf32, #tpu.memory_space<vmem>>, vector<1x16xf32>,
        %parallel_loop3A_677 = arith.constant 0 : i32
        %parallel_loop3A_678 = arith.index_cast %parallel_loop3A_677 : i32 to index
        %parallel_loop3A_679 = arith.index_cast %add3A_657 : i32 to index
        %parallel_loop3A_680 = arith.index_cast %parallel_loop3A_662 : i32 to index
        %parallel_loop3A_681 = tpu.vector_load %arg14[%parallel_loop3A_678, %parallel_loop3A_679, %parallel_loop3A_680] {strides = array<i32>} : memref<4x8x768xf32, #tpu.memory_space<vmem>>, vector<1x1x16xf32>,
        %parallel_loop3A_682 = vector.shape_cast %parallel_loop3A_681 : vector<1x1x16xf32> to vector<16xf32>
        %parallel_loop3A_683 = vector.shape_cast %parallel_loop3A_671 : vector<16xf32> to vector<1x1x16xf32>
        tpu.vector_store %arg14[%parallel_loop3A_678, %parallel_loop3A_679, %parallel_loop3A_680], %parallel_loop3A_683 {add = true, strides = array<i32>} : memref<4x8x768xf32, #tpu.memory_space<vmem>>, vector<1x1x16xf32>,
      } {sc.loop_unroll_factor = 8 : i64, sc.parallel_access}
    }
    %scan3A_313 = arith.constant 8 : i32
    %dma_start3A_314 = arith.constant 0 : i32
    %dma_start3A_315 = arith.constant 0 : i32
    %dma_start3A_316 = arith.constant 0 : i32
    %dma_start3A_317 = arith.constant 0 : i32
    %dma_start3A_318 = tpu.memref_slice %arg14[%dma_start3A_314, %dma_start3A_316, %dma_start3A_317] : memref<4x8x768xf32, #tpu.memory_space<vmem>> -> memref<1x8x768xf32, #tpu.memory_space<vmem>>
    %dma_start3A_319 = tpu.memref_squeeze %dma_start3A_318 : memref<1x8x768xf32, #tpu.memory_space<vmem>> -> memref<8x768xf32, #tpu.memory_space<vmem>>
    %dma_start3A_320 = arith.constant 0 : i32
    %dma_start3A_321 = tpu.memref_slice %arg5[%dma_start3A_315, %add3A_264, %dma_start3A_320] : memref<4x8192x768xf32, #tpu.memory_space<hbm>> -> memref<1x8x768xf32, #tpu.memory_space<hbm>>
    %dma_start3A_322 = tpu.memref_squeeze %dma_start3A_321 : memref<1x8x768xf32, #tpu.memory_space<hbm>> -> memref<8x768xf32, #tpu.memory_space<hbm>>
    %dma_start3A_323 = arith.constant 0 : i32
    %dma_start3A_324 = tpu.memref_slice %arg5[%dma_start3A_315, %add3A_264, %dma_start3A_323] : memref<4x8192x768xf32, #tpu.memory_space<hbm>> -> memref<1x8x768xf32, #tpu.memory_space<hbm>>
    %dma_start3A_325 = tpu.memref_squeeze %dma_start3A_324 : memref<1x8x768xf32, #tpu.memory_space<hbm>> -> memref<8x768xf32, #tpu.memory_space<hbm>>
    %dma_start3A_326 = arith.constant 0 : i32
    %dma_start3A_327 = arith.constant 0 : i32
    %dma_start3A_328 = tpu.memref_slice %arg14[%dma_start3A_314, %dma_start3A_326, %dma_start3A_327] : memref<4x8x768xf32, #tpu.memory_space<vmem>> -> memref<1x8x768xf32, #tpu.memory_space<vmem>>
    %dma_start3A_329 = tpu.memref_squeeze %dma_start3A_328 : memref<1x8x768xf32, #tpu.memory_space<vmem>> -> memref<8x768xf32, #tpu.memory_space<vmem>>
    tpu.enqueue_dma source(%dma_start3A_329 : memref<8x768xf32, #tpu.memory_space<vmem>>) target(%dma_start3A_325 : memref<8x768xf32, #tpu.memory_space<hbm>>) target_semaphore(%arg26 : memref<!tpu.dma_semaphore, #tpu.memory_space<semaphore_mem>>)
    %scan3A_330 = arith.constant 0 : i32
    %scan3A_331 = arith.constant 8 : i32
    %scan3A_332 = arith.addi %scan3A_330, %scan3A_331 : i32
    %scan3A_333 = arith.constant 1 : i32
    scf.for %scan3A_653 = %scan3A_330 to %scan3A_332 step %scan3A_333  : i32 {
      %mul3A_654 = arith.constant 1 : i32
      %mul3A_655 = arith.muli %scan3A_653, %mul3A_654 : i32
      %add3A_656 = arith.constant 0 : i32
      %add3A_657 = arith.addi %add3A_656, %mul3A_655 : i32
      %parallel_loop3A = arith.constant 0 : i32
      %parallel_loop3A_658 = arith.constant 48 : i32
      %parallel_loop3A_659 = arith.constant 1 : i32
      scf.for %parallel_loop3A_660 = %parallel_loop3A to %parallel_loop3A_658 step %parallel_loop3A_659  : i32 {
        %parallel_loop3A_661 = arith.constant 16 : i32
        %parallel_loop3A_662 = arith.muli %parallel_loop3A_660, %parallel_loop3A_661 : i32
        %parallel_loop3A_663 = arith.index_cast %add3A_657 : i32 to index
        %parallel_loop3A_664 = arith.index_cast %parallel_loop3A_662 : i32 to index
        %parallel_loop3A_665 = tpu.vector_load %arg8[%parallel_loop3A_663, %parallel_loop3A_664] {strides = array<i32>} : memref<8x768xf32, #tpu.memory_space<vmem>>, vector<1x16xf32>,
        %parallel_loop3A_666 = vector.shape_cast %parallel_loop3A_665 : vector<1x16xf32> to vector<16xf32>
        %parallel_loop3A_667 = arith.constant 1 : i32
        %parallel_loop3A_668 = arith.index_cast %parallel_loop3A_667 : i32 to index
        %parallel_loop3A_669 = arith.index_cast %add3A_657 : i32 to index
        %parallel_loop3A_670 = arith.index_cast %parallel_loop3A_662 : i32 to index
        %parallel_loop3A_671 = tpu.vector_load %arg14[%parallel_loop3A_668, %parallel_loop3A_669, %parallel_loop3A_670] {strides = array<i32>} : memref<4x8x768xf32, #tpu.memory_space<vmem>>, vector<1x1x16xf32>,
        %parallel_loop3A_672 = vector.shape_cast %parallel_loop3A_671 : vector<1x1x16xf32> to vector<16xf32>
        %parallel_loop3A_673 = vector.shape_cast %parallel_loop3A_666 : vector<16xf32> to vector<1x1x16xf32>
        tpu.vector_store %arg14[%parallel_loop3A_668, %parallel_loop3A_669, %parallel_loop3A_670], %parallel_loop3A_673 {add = true, strides = array<i32>} : memref<4x8x768xf32, #tpu.memory_space<vmem>>, vector<1x1x16xf32>,
      } {sc.loop_unroll_factor = 8 : i64, sc.parallel_access}
    }
    %scan3A_334 = arith.constant 8 : i32
    %dma_start3A_335 = arith.constant 1 : i32
    %dma_start3A_336 = arith.constant 1 : i32
    %dma_start3A_337 = arith.constant 0 : i32
    %dma_start3A_338 = arith.constant 0 : i32
    %dma_start3A_339 = tpu.memref_slice %arg14[%dma_start3A_335, %dma_start3A_337, %dma_start3A_338] : memref<4x8x768xf32, #tpu.memory_space<vmem>> -> memref<1x8x768xf32, #tpu.memory_space<vmem>>
    %dma_start3A_340 = tpu.memref_squeeze %dma_start3A_339 : memref<1x8x768xf32, #tpu.memory_space<vmem>> -> memref<8x768xf32, #tpu.memory_space<vmem>>
    %dma_start3A_341 = arith.constant 0 : i32
    %dma_start3A_342 = tpu.memref_slice %arg5[%dma_start3A_336, %add3A_264, %dma_start3A_341] : memref<4x8192x768xf32, #tpu.memory_space<hbm>> -> memref<1x8x768xf32, #tpu.memory_space<hbm>>
    %dma_start3A_343 = tpu.memref_squeeze %dma_start3A_342 : memref<1x8x768xf32, #tpu.memory_space<hbm>> -> memref<8x768xf32, #tpu.memory_space<hbm>>
    %dma_start3A_344 = arith.constant 0 : i32
    %dma_start3A_345 = tpu.memref_slice %arg5[%dma_start3A_336, %add3A_264, %dma_start3A_344] : memref<4x8192x768xf32, #tpu.memory_space<hbm>> -> memref<1x8x768xf32, #tpu.memory_space<hbm>>
    %dma_start3A_346 = tpu.memref_squeeze %dma_start3A_345 : memref<1x8x768xf32, #tpu.memory_space<hbm>> -> memref<8x768xf32, #tpu.memory_space<hbm>>
    %dma_start3A_347 = arith.constant 0 : i32
    %dma_start3A_348 = arith.constant 0 : i32
    %dma_start3A_349 = tpu.memref_slice %arg14[%dma_start3A_335, %dma_start3A_347, %dma_start3A_348] : memref<4x8x768xf32, #tpu.memory_space<vmem>> -> memref<1x8x768xf32, #tpu.memory_space<vmem>>
    %dma_start3A_350 = tpu.memref_squeeze %dma_start3A_349 : memref<1x8x768xf32, #tpu.memory_space<vmem>> -> memref<8x768xf32, #tpu.memory_space<vmem>>
    tpu.enqueue_dma source(%dma_start3A_350 : memref<8x768xf32, #tpu.memory_space<vmem>>) target(%dma_start3A_346 : memref<8x768xf32, #tpu.memory_space<hbm>>) target_semaphore(%arg26 : memref<!tpu.dma_semaphore, #tpu.memory_space<semaphore_mem>>)
    %scan3A_351 = arith.constant 0 : i32
    %scan3A_352 = arith.constant 8 : i32
    %scan3A_353 = arith.addi %scan3A_351, %scan3A_352 : i32
    %scan3A_354 = arith.constant 1 : i32
    scf.for %scan3A_653 = %scan3A_351 to %scan3A_353 step %scan3A_354  : i32 {
      %mul3A_654 = arith.constant 1 : i32
      %mul3A_655 = arith.muli %scan3A_653, %mul3A_654 : i32
      %add3A_656 = arith.constant 0 : i32
      %add3A_657 = arith.addi %add3A_656, %mul3A_655 : i32
      %parallel_loop3A = arith.constant 0 : i32
      %parallel_loop3A_658 = arith.constant 48 : i32
      %parallel_loop3A_659 = arith.constant 1 : i32
      scf.for %parallel_loop3A_660 = %parallel_loop3A to %parallel_loop3A_658 step %parallel_loop3A_659  : i32 {
        %parallel_loop3A_661 = arith.constant 16 : i32
        %parallel_loop3A_662 = arith.muli %parallel_loop3A_660, %parallel_loop3A_661 : i32
        %parallel_loop3A_663 = arith.index_cast %add3A_657 : i32 to index
        %parallel_loop3A_664 = arith.index_cast %parallel_loop3A_662 : i32 to index
        %parallel_loop3A_665 = tpu.vector_load %arg8[%parallel_loop3A_663, %parallel_loop3A_664] {strides = array<i32>} : memref<8x768xf32, #tpu.memory_space<vmem>>, vector<1x16xf32>,
        %parallel_loop3A_666 = vector.shape_cast %parallel_loop3A_665 : vector<1x16xf32> to vector<16xf32>
        %parallel_loop3A_667 = arith.constant 2 : i32
        %parallel_loop3A_668 = arith.index_cast %parallel_loop3A_667 : i32 to index
        %parallel_loop3A_669 = arith.index_cast %add3A_657 : i32 to index
        %parallel_loop3A_670 = arith.index_cast %parallel_loop3A_662 : i32 to index
        %parallel_loop3A_671 = tpu.vector_load %arg14[%parallel_loop3A_668, %parallel_loop3A_669, %parallel_loop3A_670] {strides = array<i32>} : memref<4x8x768xf32, #tpu.memory_space<vmem>>, vector<1x1x16xf32>,
        %parallel_loop3A_672 = vector.shape_cast %parallel_loop3A_671 : vector<1x1x16xf32> to vector<16xf32>
        %parallel_loop3A_673 = vector.shape_cast %parallel_loop3A_666 : vector<16xf32> to vector<1x1x16xf32>
        tpu.vector_store %arg14[%parallel_loop3A_668, %parallel_loop3A_669, %parallel_loop3A_670], %parallel_loop3A_673 {add = true, strides = array<i32>} : memref<4x8x768xf32, #tpu.memory_space<vmem>>, vector<1x1x16xf32>,
      } {sc.loop_unroll_factor = 8 : i64, sc.parallel_access}
    }
    %scan3A_355 = arith.constant 8 : i32
    %dma_start3A_356 = arith.constant 2 : i32
    %dma_start3A_357 = arith.constant 2 : i32
    %dma_start3A_358 = arith.constant 0 : i32
    %dma_start3A_359 = arith.constant 0 : i32
    %dma_start3A_360 = tpu.memref_slice %arg14[%dma_start3A_356, %dma_start3A_358, %dma_start3A_359] : memref<4x8x768xf32, #tpu.memory_space<vmem>> -> memref<1x8x768xf32, #tpu.memory_space<vmem>>
    %dma_start3A_361 = tpu.memref_squeeze %dma_start3A_360 : memref<1x8x768xf32, #tpu.memory_space<vmem>> -> memref<8x768xf32, #tpu.memory_space<vmem>>
    %dma_start3A_362 = arith.constant 0 : i32
    %dma_start3A_363 = tpu.memref_slice %arg5[%dma_start3A_357, %add3A_264, %dma_start3A_362] : memref<4x8192x768xf32, #tpu.memory_space<hbm>> -> memref<1x8x768xf32, #tpu.memory_space<hbm>>
    %dma_start3A_364 = tpu.memref_squeeze %dma_start3A_363 : memref<1x8x768xf32, #tpu.memory_space<hbm>> -> memref<8x768xf32, #tpu.memory_space<hbm>>
    %dma_start3A_365 = arith.constant 0 : i32
    %dma_start3A_366 = tpu.memref_slice %arg5[%dma_start3A_357, %add3A_264, %dma_start3A_365] : memref<4x8192x768xf32, #tpu.memory_space<hbm>> -> memref<1x8x768xf32, #tpu.memory_space<hbm>>
    %dma_start3A_367 = tpu.memref_squeeze %dma_start3A_366 : memref<1x8x768xf32, #tpu.memory_space<hbm>> -> memref<8x768xf32, #tpu.memory_space<hbm>>
    %dma_start3A_368 = arith.constant 0 : i32
    %dma_start3A_369 = arith.constant 0 : i32
    %dma_start3A_370 = tpu.memref_slice %arg14[%dma_start3A_356, %dma_start3A_368, %dma_start3A_369] : memref<4x8x768xf32, #tpu.memory_space<vmem>> -> memref<1x8x768xf32, #tpu.memory_space<vmem>>
    %dma_start3A_371 = tpu.memref_squeeze %dma_start3A_370 : memref<1x8x768xf32, #tpu.memory_space<vmem>> -> memref<8x768xf32, #tpu.memory_space<vmem>>
    tpu.enqueue_dma source(%dma_start3A_371 : memref<8x768xf32, #tpu.memory_space<vmem>>) target(%dma_start3A_367 : memref<8x768xf32, #tpu.memory_space<hbm>>) target_semaphore(%arg26 : memref<!tpu.dma_semaphore, #tpu.memory_space<semaphore_mem>>)
    %scan3A_372 = arith.constant 0 : i32
    %scan3A_373 = arith.constant 8 : i32
    %scan3A_374 = arith.addi %scan3A_372, %scan3A_373 : i32
    %scan3A_375 = arith.constant 1 : i32
    scf.for %scan3A_653 = %scan3A_372 to %scan3A_374 step %scan3A_375  : i32 {
      %mul3A_654 = arith.constant 1 : i32
      %mul3A_655 = arith.muli %scan3A_653, %mul3A_654 : i32
      %add3A_656 = arith.constant 0 : i32
      %add3A_657 = arith.addi %add3A_656, %mul3A_655 : i32
      %parallel_loop3A = arith.constant 0 : i32
      %parallel_loop3A_658 = arith.constant 48 : i32
      %parallel_loop3A_659 = arith.constant 1 : i32
      scf.for %parallel_loop3A_660 = %parallel_loop3A to %parallel_loop3A_658 step %parallel_loop3A_659  : i32 {
        %parallel_loop3A_661 = arith.constant 16 : i32
        %parallel_loop3A_662 = arith.muli %parallel_loop3A_660, %parallel_loop3A_661 : i32
        %parallel_loop3A_663 = arith.index_cast %add3A_657 : i32 to index
        %parallel_loop3A_664 = arith.index_cast %parallel_loop3A_662 : i32 to index
        %parallel_loop3A_665 = tpu.vector_load %arg8[%parallel_loop3A_663, %parallel_loop3A_664] {strides = array<i32>} : memref<8x768xf32, #tpu.memory_space<vmem>>, vector<1x16xf32>,
        %parallel_loop3A_666 = vector.shape_cast %parallel_loop3A_665 : vector<1x16xf32> to vector<16xf32>
        %parallel_loop3A_667 = arith.constant 3 : i32
        %parallel_loop3A_668 = arith.index_cast %parallel_loop3A_667 : i32 to index
        %parallel_loop3A_669 = arith.index_cast %add3A_657 : i32 to index
        %parallel_loop3A_670 = arith.index_cast %parallel_loop3A_662 : i32 to index
        %parallel_loop3A_671 = tpu.vector_load %arg14[%parallel_loop3A_668, %parallel_loop3A_669, %parallel_loop3A_670] {strides = array<i32>} : memref<4x8x768xf32, #tpu.memory_space<vmem>>, vector<1x1x16xf32>,
        %parallel_loop3A_672 = vector.shape_cast %parallel_loop3A_671 : vector<1x1x16xf32> to vector<16xf32>
        %parallel_loop3A_673 = vector.shape_cast %parallel_loop3A_666 : vector<16xf32> to vector<1x1x16xf32>
        tpu.vector_store %arg14[%parallel_loop3A_668, %parallel_loop3A_669, %parallel_loop3A_670], %parallel_loop3A_673 {add = true, strides = array<i32>} : memref<4x8x768xf32, #tpu.memory_space<vmem>>, vector<1x1x16xf32>,
      } {sc.loop_unroll_factor = 8 : i64, sc.parallel_access}
    }
    %scan3A_376 = arith.constant 8 : i32
    %dma_start3A_377 = arith.constant 3 : i32
    %dma_start3A_378 = arith.constant 3 : i32
    %dma_start3A_379 = arith.constant 0 : i32
    %dma_start3A_380 = arith.constant 0 : i32
    %dma_start3A_381 = tpu.memref_slice %arg14[%dma_start3A_377, %dma_start3A_379, %dma_start3A_380] : memref<4x8x768xf32, #tpu.memory_space<vmem>> -> memref<1x8x768xf32, #tpu.memory_space<vmem>>
    %dma_start3A_382 = tpu.memref_squeeze %dma_start3A_381 : memref<1x8x768xf32, #tpu.memory_space<vmem>> -> memref<8x768xf32, #tpu.memory_space<vmem>>
    %dma_start3A_383 = arith.constant 0 : i32
    %dma_start3A_384 = tpu.memref_slice %arg5[%dma_start3A_378, %add3A_264, %dma_start3A_383] : memref<4x8192x768xf32, #tpu.memory_space<hbm>> -> memref<1x8x768xf32, #tpu.memory_space<hbm>>
    %dma_start3A_385 = tpu.memref_squeeze %dma_start3A_384 : memref<1x8x768xf32, #tpu.memory_space<hbm>> -> memref<8x768xf32, #tpu.memory_space<hbm>>
    %dma_start3A_386 = arith.constant 0 : i32
    %dma_start3A_387 = tpu.memref_slice %arg5[%dma_start3A_378, %add3A_264, %dma_start3A_386] : memref<4x8192x768xf32, #tpu.memory_space<hbm>> -> memref<1x8x768xf32, #tpu.memory_space<hbm>>
    %dma_start3A_388 = tpu.memref_squeeze %dma_start3A_387 : memref<1x8x768xf32, #tpu.memory_space<hbm>> -> memref<8x768xf32, #tpu.memory_space<hbm>>
    %dma_start3A_389 = arith.constant 0 : i32
    %dma_start3A_390 = arith.constant 0 : i32
    %dma_start3A_391 = tpu.memref_slice %arg14[%dma_start3A_377, %dma_start3A_389, %dma_start3A_390] : memref<4x8x768xf32, #tpu.memory_space<vmem>> -> memref<1x8x768xf32, #tpu.memory_space<vmem>>
    %dma_start3A_392 = tpu.memref_squeeze %dma_start3A_391 : memref<1x8x768xf32, #tpu.memory_space<vmem>> -> memref<8x768xf32, #tpu.memory_space<vmem>>
    tpu.enqueue_dma source(%dma_start3A_392 : memref<8x768xf32, #tpu.memory_space<vmem>>) target(%dma_start3A_388 : memref<8x768xf32, #tpu.memory_space<hbm>>) target_semaphore(%arg26 : memref<!tpu.dma_semaphore, #tpu.memory_space<semaphore_mem>>)
    %add3A_393 = arith.constant 240 : i32
    %add3A_394 = arith.addi %mul3A_2, %add3A_393 : i32
    %dma_wait3A_395 = arith.constant 0 : i32
    %dma_wait3A_396 = arith.constant 0 : i32
    %dma_wait3A_397 = tpu.memref_slice %arg3[%dma_wait3A_395, %dma_wait3A_396] : memref<8192x768xf32, #tpu.memory_space<hbm>> -> memref<8x768xf32, #tpu.memory_space<hbm>>
    %dma_wait3A_398 = arith.constant 0 : i32
    %dma_wait3A_399 = arith.constant 0 : i32
    %dma_wait3A_400 = tpu.memref_slice %arg3[%dma_wait3A_398, %dma_wait3A_399] : memref<8192x768xf32, #tpu.memory_space<hbm>> -> memref<8x768xf32, #tpu.memory_space<hbm>>
    tpu.wait_dma2 semaphore(%arg15 : memref<!tpu.dma_semaphore, #tpu.memory_space<semaphore_mem>>) src(%dma_wait3A_400 : memref<8x768xf32, #tpu.memory_space<hbm>>) dst(%arg6 : memref<8x768xf32, #tpu.memory_space<vmem>>)
    %dma_wait3A_401 = arith.constant 0 : i32
    %dma_wait3A_402 = arith.constant 0 : i32
    %dma_wait3A_403 = tpu.memref_slice %arg3[%dma_wait3A_401, %dma_wait3A_402] : memref<8192x768xf32, #tpu.memory_space<hbm>> -> memref<8x768xf32, #tpu.memory_space<hbm>>
    %dma_wait3A_404 = arith.constant 0 : i32
    %dma_wait3A_405 = arith.constant 0 : i32
    %dma_wait3A_406 = tpu.memref_slice %arg3[%dma_wait3A_404, %dma_wait3A_405] : memref<8192x768xf32, #tpu.memory_space<hbm>> -> memref<8x768xf32, #tpu.memory_space<hbm>>
    tpu.wait_dma2 semaphore(%arg18 : memref<!tpu.dma_semaphore, #tpu.memory_space<semaphore_mem>>) src(%dma_wait3A_406 : memref<8x768xf32, #tpu.memory_space<hbm>>) dst(%arg9 : memref<8x768xf32, #tpu.memory_space<vmem>>)
    %add3A_407 = arith.constant 8 : i32
    %add3A_408 = arith.addi %add3A_394, %add3A_407 : i32
    %dma_start3A_409 = arith.constant 0 : i32
    %dma_start3A_410 = tpu.memref_slice %arg3[%add3A_408, %dma_start3A_409] : memref<8192x768xf32, #tpu.memory_space<hbm>> -> memref<8x768xf32, #tpu.memory_space<hbm>>
    %dma_start3A_411 = arith.constant 0 : i32
    %dma_start3A_412 = tpu.memref_slice %arg3[%add3A_408, %dma_start3A_411] : memref<8192x768xf32, #tpu.memory_space<hbm>> -> memref<8x768xf32, #tpu.memory_space<hbm>>
    tpu.enqueue_dma source(%dma_start3A_412 : memref<8x768xf32, #tpu.memory_space<hbm>>) target(%arg7 : memref<8x768xf32, #tpu.memory_space<vmem>>) target_semaphore(%arg16 : memref<!tpu.dma_semaphore, #tpu.memory_space<semaphore_mem>>)
    %dma_start3A_413 = arith.constant 0 : i32
    %dma_start3A_414 = tpu.memref_slice %arg4[%add3A_408, %dma_start3A_413] : memref<8192x768xf32, #tpu.memory_space<hbm>> -> memref<8x768xf32, #tpu.memory_space<hbm>>
    %dma_start3A_415 = arith.constant 0 : i32
    %dma_start3A_416 = tpu.memref_slice %arg4[%add3A_408, %dma_start3A_415] : memref<8192x768xf32, #tpu.memory_space<hbm>> -> memref<8x768xf32, #tpu.memory_space<hbm>>
    tpu.enqueue_dma source(%dma_start3A_416 : memref<8x768xf32, #tpu.memory_space<hbm>>) target(%arg10 : memref<8x768xf32, #tpu.memory_space<vmem>>) target_semaphore(%arg19 : memref<!tpu.dma_semaphore, #tpu.memory_space<semaphore_mem>>)
    %dma_wait3A_417 = arith.constant 0 : i32
    %dma_wait3A_418 = arith.constant 0 : i32
    %dma_wait3A_419 = arith.constant 0 : i32
    %dma_wait3A_420 = tpu.memref_slice %arg5[%dma_wait3A_417, %dma_wait3A_418, %dma_wait3A_419] : memref<4x8192x768xf32, #tpu.memory_space<hbm>> -> memref<4x8x768xf32, #tpu.memory_space<hbm>>
    %dma_wait3A_421 = arith.constant 0 : i32
    %dma_wait3A_422 = arith.constant 0 : i32
    %dma_wait3A_423 = arith.constant 0 : i32
    %dma_wait3A_424 = tpu.memref_slice %arg5[%dma_wait3A_421, %dma_wait3A_422, %dma_wait3A_423] : memref<4x8192x768xf32, #tpu.memory_space<hbm>> -> memref<4x8x768xf32, #tpu.memory_space<hbm>>
    tpu.wait_dma2 semaphore(%arg25 : memref<!tpu.dma_semaphore, #tpu.memory_space<semaphore_mem>>) src(%arg13 : memref<4x8x768xf32, #tpu.memory_space<vmem>>) dst(%dma_wait3A_424 : memref<4x8x768xf32, #tpu.memory_space<hbm>>)
    %dma_start3A_425 = arith.constant 0 : i32
    %dma_start3A_426 = arith.constant 0 : i32
    %dma_start3A_427 = tpu.memref_slice %arg2[%dma_start3A_425, %add3A_408, %dma_start3A_426] : memref<4x8192x768xf32, #tpu.memory_space<hbm>> -> memref<4x8x768xf32, #tpu.memory_space<hbm>>
    %dma_start3A_428 = arith.constant 0 : i32
    %dma_start3A_429 = arith.constant 0 : i32
    %dma_start3A_430 = tpu.memref_slice %arg2[%dma_start3A_428, %add3A_408, %dma_start3A_429] : memref<4x8192x768xf32, #tpu.memory_space<hbm>> -> memref<4x8x768xf32, #tpu.memory_space<hbm>>
    tpu.enqueue_dma source(%dma_start3A_430 : memref<4x8x768xf32, #tpu.memory_space<hbm>>) target(%arg13 : memref<4x8x768xf32, #tpu.memory_space<vmem>>) target_semaphore(%arg22 : memref<!tpu.dma_semaphore, #tpu.memory_space<semaphore_mem>>)
    %dma_wait3A_431 = arith.constant 0 : i32
    %dma_wait3A_432 = arith.constant 0 : i32
    %dma_wait3A_433 = arith.constant 0 : i32
    %dma_wait3A_434 = tpu.memref_slice %arg2[%dma_wait3A_431, %dma_wait3A_432, %dma_wait3A_433] : memref<4x8192x768xf32, #tpu.memory_space<hbm>> -> memref<4x8x768xf32, #tpu.memory_space<hbm>>
    %dma_wait3A_435 = arith.constant 0 : i32
    %dma_wait3A_436 = arith.constant 0 : i32
    %dma_wait3A_437 = arith.constant 0 : i32
    %dma_wait3A_438 = tpu.memref_slice %arg2[%dma_wait3A_435, %dma_wait3A_436, %dma_wait3A_437] : memref<4x8192x768xf32, #tpu.memory_space<hbm>> -> memref<4x8x768xf32, #tpu.memory_space<hbm>>
    tpu.wait_dma2 semaphore(%arg21 : memref<!tpu.dma_semaphore, #tpu.memory_space<semaphore_mem>>) src(%dma_wait3A_438 : memref<4x8x768xf32, #tpu.memory_space<hbm>>) dst(%arg12 : memref<4x8x768xf32, #tpu.memory_space<vmem>>)
    %scan3A_439 = arith.constant 0 : i32
    %scan3A_440 = arith.constant 8 : i32
    %scan3A_441 = arith.addi %scan3A_439, %scan3A_440 : i32
    %scan3A_442 = arith.constant 1 : i32
    scf.for %scan3A_653 = %scan3A_439 to %scan3A_441 step %scan3A_442  : i32 {
      %mul3A_654 = arith.constant 1 : i32
      %mul3A_655 = arith.muli %scan3A_653, %mul3A_654 : i32
      %add3A_656 = arith.constant 0 : i32
      %add3A_657 = arith.addi %add3A_656, %mul3A_655 : i32
      %parallel_loop3A = arith.constant 0 : i32
      %parallel_loop3A_658 = arith.constant 48 : i32
      %parallel_loop3A_659 = arith.constant 1 : i32
      scf.for %parallel_loop3A_660 = %parallel_loop3A to %parallel_loop3A_658 step %parallel_loop3A_659  : i32 {
        %parallel_loop3A_661 = arith.constant 16 : i32
        %parallel_loop3A_662 = arith.muli %parallel_loop3A_660, %parallel_loop3A_661 : i32
        %parallel_loop3A_663 = arith.index_cast %add3A_657 : i32 to index
        %parallel_loop3A_664 = arith.index_cast %parallel_loop3A_662 : i32 to index
        %parallel_loop3A_665 = tpu.vector_load %arg6[%parallel_loop3A_663, %parallel_loop3A_664] {strides = array<i32>} : memref<8x768xf32, #tpu.memory_space<vmem>>, vector<1x16xf32>,
        %parallel_loop3A_666 = vector.shape_cast %parallel_loop3A_665 : vector<1x16xf32> to vector<16xf32>
        %parallel_loop3A_667 = arith.index_cast %add3A_657 : i32 to index
        %parallel_loop3A_668 = arith.index_cast %parallel_loop3A_662 : i32 to index
        %parallel_loop3A_669 = tpu.vector_load %arg9[%parallel_loop3A_667, %parallel_loop3A_668] {strides = array<i32>} : memref<8x768xf32, #tpu.memory_space<vmem>>, vector<1x16xf32>,
        %parallel_loop3A_670 = vector.shape_cast %parallel_loop3A_669 : vector<1x16xf32> to vector<16xf32>
        %parallel_loop3A_671 = arith.addf %parallel_loop3A_666, %parallel_loop3A_670 : vector<16xf32>
        %parallel_loop3A_672 = arith.index_cast %add3A_657 : i32 to index
        %parallel_loop3A_673 = arith.index_cast %parallel_loop3A_662 : i32 to index
        %parallel_loop3A_674 = tpu.vector_load %arg6[%parallel_loop3A_672, %parallel_loop3A_673] {strides = array<i32>} : memref<8x768xf32, #tpu.memory_space<vmem>>, vector<1x16xf32>,
        %parallel_loop3A_675 = vector.shape_cast %parallel_loop3A_674 : vector<1x16xf32> to vector<16xf32>
        %parallel_loop3A_676 = vector.shape_cast %parallel_loop3A_671 : vector<16xf32> to vector<1x16xf32>
        tpu.vector_store %arg6[%parallel_loop3A_672, %parallel_loop3A_673], %parallel_loop3A_676 {strides = array<i32>} : memref<8x768xf32, #tpu.memory_space<vmem>>, vector<1x16xf32>,
        %parallel_loop3A_677 = arith.constant 0 : i32
        %parallel_loop3A_678 = arith.index_cast %parallel_loop3A_677 : i32 to index
        %parallel_loop3A_679 = arith.index_cast %add3A_657 : i32 to index
        %parallel_loop3A_680 = arith.index_cast %parallel_loop3A_662 : i32 to index
        %parallel_loop3A_681 = tpu.vector_load %arg12[%parallel_loop3A_678, %parallel_loop3A_679, %parallel_loop3A_680] {strides = array<i32>} : memref<4x8x768xf32, #tpu.memory_space<vmem>>, vector<1x1x16xf32>,
        %parallel_loop3A_682 = vector.shape_cast %parallel_loop3A_681 : vector<1x1x16xf32> to vector<16xf32>
        %parallel_loop3A_683 = vector.shape_cast %parallel_loop3A_671 : vector<16xf32> to vector<1x1x16xf32>
        tpu.vector_store %arg12[%parallel_loop3A_678, %parallel_loop3A_679, %parallel_loop3A_680], %parallel_loop3A_683 {add = true, strides = array<i32>} : memref<4x8x768xf32, #tpu.memory_space<vmem>>, vector<1x1x16xf32>,
      } {sc.loop_unroll_factor = 8 : i64, sc.parallel_access}
    }
    %scan3A_443 = arith.constant 8 : i32
    %dma_start3A_444 = arith.constant 0 : i32
    %dma_start3A_445 = arith.constant 0 : i32
    %dma_start3A_446 = arith.constant 0 : i32
    %dma_start3A_447 = arith.constant 0 : i32
    %dma_start3A_448 = tpu.memref_slice %arg12[%dma_start3A_444, %dma_start3A_446, %dma_start3A_447] : memref<4x8x768xf32, #tpu.memory_space<vmem>> -> memref<1x8x768xf32, #tpu.memory_space<vmem>>
    %dma_start3A_449 = tpu.memref_squeeze %dma_start3A_448 : memref<1x8x768xf32, #tpu.memory_space<vmem>> -> memref<8x768xf32, #tpu.memory_space<vmem>>
    %dma_start3A_450 = arith.constant 0 : i32
    %dma_start3A_451 = tpu.memref_slice %arg5[%dma_start3A_445, %add3A_394, %dma_start3A_450] : memref<4x8192x768xf32, #tpu.memory_space<hbm>> -> memref<1x8x768xf32, #tpu.memory_space<hbm>>
    %dma_start3A_452 = tpu.memref_squeeze %dma_start3A_451 : memref<1x8x768xf32, #tpu.memory_space<hbm>> -> memref<8x768xf32, #tpu.memory_space<hbm>>
    %dma_start3A_453 = arith.constant 0 : i32
    %dma_start3A_454 = tpu.memref_slice %arg5[%dma_start3A_445, %add3A_394, %dma_start3A_453] : memref<4x8192x768xf32, #tpu.memory_space<hbm>> -> memref<1x8x768xf32, #tpu.memory_space<hbm>>
    %dma_start3A_455 = tpu.memref_squeeze %dma_start3A_454 : memref<1x8x768xf32, #tpu.memory_space<hbm>> -> memref<8x768xf32, #tpu.memory_space<hbm>>
    %dma_start3A_456 = arith.constant 0 : i32
    %dma_start3A_457 = arith.constant 0 : i32
    %dma_start3A_458 = tpu.memref_slice %arg12[%dma_start3A_444, %dma_start3A_456, %dma_start3A_457] : memref<4x8x768xf32, #tpu.memory_space<vmem>> -> memref<1x8x768xf32, #tpu.memory_space<vmem>>
    %dma_start3A_459 = tpu.memref_squeeze %dma_start3A_458 : memref<1x8x768xf32, #tpu.memory_space<vmem>> -> memref<8x768xf32, #tpu.memory_space<vmem>>
    tpu.enqueue_dma source(%dma_start3A_459 : memref<8x768xf32, #tpu.memory_space<vmem>>) target(%dma_start3A_455 : memref<8x768xf32, #tpu.memory_space<hbm>>) target_semaphore(%arg24 : memref<!tpu.dma_semaphore, #tpu.memory_space<semaphore_mem>>)
    %scan3A_460 = arith.constant 0 : i32
    %scan3A_461 = arith.constant 8 : i32
    %scan3A_462 = arith.addi %scan3A_460, %scan3A_461 : i32
    %scan3A_463 = arith.constant 1 : i32
    scf.for %scan3A_653 = %scan3A_460 to %scan3A_462 step %scan3A_463  : i32 {
      %mul3A_654 = arith.constant 1 : i32
      %mul3A_655 = arith.muli %scan3A_653, %mul3A_654 : i32
      %add3A_656 = arith.constant 0 : i32
      %add3A_657 = arith.addi %add3A_656, %mul3A_655 : i32
      %parallel_loop3A = arith.constant 0 : i32
      %parallel_loop3A_658 = arith.constant 48 : i32
      %parallel_loop3A_659 = arith.constant 1 : i32
      scf.for %parallel_loop3A_660 = %parallel_loop3A to %parallel_loop3A_658 step %parallel_loop3A_659  : i32 {
        %parallel_loop3A_661 = arith.constant 16 : i32
        %parallel_loop3A_662 = arith.muli %parallel_loop3A_660, %parallel_loop3A_661 : i32
        %parallel_loop3A_663 = arith.index_cast %add3A_657 : i32 to index
        %parallel_loop3A_664 = arith.index_cast %parallel_loop3A_662 : i32 to index
        %parallel_loop3A_665 = tpu.vector_load %arg6[%parallel_loop3A_663, %parallel_loop3A_664] {strides = array<i32>} : memref<8x768xf32, #tpu.memory_space<vmem>>, vector<1x16xf32>,
        %parallel_loop3A_666 = vector.shape_cast %parallel_loop3A_665 : vector<1x16xf32> to vector<16xf32>
        %parallel_loop3A_667 = arith.constant 1 : i32
        %parallel_loop3A_668 = arith.index_cast %parallel_loop3A_667 : i32 to index
        %parallel_loop3A_669 = arith.index_cast %add3A_657 : i32 to index
        %parallel_loop3A_670 = arith.index_cast %parallel_loop3A_662 : i32 to index
        %parallel_loop3A_671 = tpu.vector_load %arg12[%parallel_loop3A_668, %parallel_loop3A_669, %parallel_loop3A_670] {strides = array<i32>} : memref<4x8x768xf32, #tpu.memory_space<vmem>>, vector<1x1x16xf32>,
        %parallel_loop3A_672 = vector.shape_cast %parallel_loop3A_671 : vector<1x1x16xf32> to vector<16xf32>
        %parallel_loop3A_673 = vector.shape_cast %parallel_loop3A_666 : vector<16xf32> to vector<1x1x16xf32>
        tpu.vector_store %arg12[%parallel_loop3A_668, %parallel_loop3A_669, %parallel_loop3A_670], %parallel_loop3A_673 {add = true, strides = array<i32>} : memref<4x8x768xf32, #tpu.memory_space<vmem>>, vector<1x1x16xf32>,
      } {sc.loop_unroll_factor = 8 : i64, sc.parallel_access}
    }
    %scan3A_464 = arith.constant 8 : i32
    %dma_start3A_465 = arith.constant 1 : i32
    %dma_start3A_466 = arith.constant 1 : i32
    %dma_start3A_467 = arith.constant 0 : i32
    %dma_start3A_468 = arith.constant 0 : i32
    %dma_start3A_469 = tpu.memref_slice %arg12[%dma_start3A_465, %dma_start3A_467, %dma_start3A_468] : memref<4x8x768xf32, #tpu.memory_space<vmem>> -> memref<1x8x768xf32, #tpu.memory_space<vmem>>
    %dma_start3A_470 = tpu.memref_squeeze %dma_start3A_469 : memref<1x8x768xf32, #tpu.memory_space<vmem>> -> memref<8x768xf32, #tpu.memory_space<vmem>>
    %dma_start3A_471 = arith.constant 0 : i32
    %dma_start3A_472 = tpu.memref_slice %arg5[%dma_start3A_466, %add3A_394, %dma_start3A_471] : memref<4x8192x768xf32, #tpu.memory_space<hbm>> -> memref<1x8x768xf32, #tpu.memory_space<hbm>>
    %dma_start3A_473 = tpu.memref_squeeze %dma_start3A_472 : memref<1x8x768xf32, #tpu.memory_space<hbm>> -> memref<8x768xf32, #tpu.memory_space<hbm>>
    %dma_start3A_474 = arith.constant 0 : i32
    %dma_start3A_475 = tpu.memref_slice %arg5[%dma_start3A_466, %add3A_394, %dma_start3A_474] : memref<4x8192x768xf32, #tpu.memory_space<hbm>> -> memref<1x8x768xf32, #tpu.memory_space<hbm>>
    %dma_start3A_476 = tpu.memref_squeeze %dma_start3A_475 : memref<1x8x768xf32, #tpu.memory_space<hbm>> -> memref<8x768xf32, #tpu.memory_space<hbm>>
    %dma_start3A_477 = arith.constant 0 : i32
    %dma_start3A_478 = arith.constant 0 : i32
    %dma_start3A_479 = tpu.memref_slice %arg12[%dma_start3A_465, %dma_start3A_477, %dma_start3A_478] : memref<4x8x768xf32, #tpu.memory_space<vmem>> -> memref<1x8x768xf32, #tpu.memory_space<vmem>>
    %dma_start3A_480 = tpu.memref_squeeze %dma_start3A_479 : memref<1x8x768xf32, #tpu.memory_space<vmem>> -> memref<8x768xf32, #tpu.memory_space<vmem>>
    tpu.enqueue_dma source(%dma_start3A_480 : memref<8x768xf32, #tpu.memory_space<vmem>>) target(%dma_start3A_476 : memref<8x768xf32, #tpu.memory_space<hbm>>) target_semaphore(%arg24 : memref<!tpu.dma_semaphore, #tpu.memory_space<semaphore_mem>>)
    %scan3A_481 = arith.constant 0 : i32
    %scan3A_482 = arith.constant 8 : i32
    %scan3A_483 = arith.addi %scan3A_481, %scan3A_482 : i32
    %scan3A_484 = arith.constant 1 : i32
    scf.for %scan3A_653 = %scan3A_481 to %scan3A_483 step %scan3A_484  : i32 {
      %mul3A_654 = arith.constant 1 : i32
      %mul3A_655 = arith.muli %scan3A_653, %mul3A_654 : i32
      %add3A_656 = arith.constant 0 : i32
      %add3A_657 = arith.addi %add3A_656, %mul3A_655 : i32
      %parallel_loop3A = arith.constant 0 : i32
      %parallel_loop3A_658 = arith.constant 48 : i32
      %parallel_loop3A_659 = arith.constant 1 : i32
      scf.for %parallel_loop3A_660 = %parallel_loop3A to %parallel_loop3A_658 step %parallel_loop3A_659  : i32 {
        %parallel_loop3A_661 = arith.constant 16 : i32
        %parallel_loop3A_662 = arith.muli %parallel_loop3A_660, %parallel_loop3A_661 : i32
        %parallel_loop3A_663 = arith.index_cast %add3A_657 : i32 to index
        %parallel_loop3A_664 = arith.index_cast %parallel_loop3A_662 : i32 to index
        %parallel_loop3A_665 = tpu.vector_load %arg6[%parallel_loop3A_663, %parallel_loop3A_664] {strides = array<i32>} : memref<8x768xf32, #tpu.memory_space<vmem>>, vector<1x16xf32>,
        %parallel_loop3A_666 = vector.shape_cast %parallel_loop3A_665 : vector<1x16xf32> to vector<16xf32>
        %parallel_loop3A_667 = arith.constant 2 : i32
        %parallel_loop3A_668 = arith.index_cast %parallel_loop3A_667 : i32 to index
        %parallel_loop3A_669 = arith.index_cast %add3A_657 : i32 to index
        %parallel_loop3A_670 = arith.index_cast %parallel_loop3A_662 : i32 to index
        %parallel_loop3A_671 = tpu.vector_load %arg12[%parallel_loop3A_668, %parallel_loop3A_669, %parallel_loop3A_670] {strides = array<i32>} : memref<4x8x768xf32, #tpu.memory_space<vmem>>, vector<1x1x16xf32>,
        %parallel_loop3A_672 = vector.shape_cast %parallel_loop3A_671 : vector<1x1x16xf32> to vector<16xf32>
        %parallel_loop3A_673 = vector.shape_cast %parallel_loop3A_666 : vector<16xf32> to vector<1x1x16xf32>
        tpu.vector_store %arg12[%parallel_loop3A_668, %parallel_loop3A_669, %parallel_loop3A_670], %parallel_loop3A_673 {add = true, strides = array<i32>} : memref<4x8x768xf32, #tpu.memory_space<vmem>>, vector<1x1x16xf32>,
      } {sc.loop_unroll_factor = 8 : i64, sc.parallel_access}
    }
    %scan3A_485 = arith.constant 8 : i32
    %dma_start3A_486 = arith.constant 2 : i32
    %dma_start3A_487 = arith.constant 2 : i32
    %dma_start3A_488 = arith.constant 0 : i32
    %dma_start3A_489 = arith.constant 0 : i32
    %dma_start3A_490 = tpu.memref_slice %arg12[%dma_start3A_486, %dma_start3A_488, %dma_start3A_489] : memref<4x8x768xf32, #tpu.memory_space<vmem>> -> memref<1x8x768xf32, #tpu.memory_space<vmem>>
    %dma_start3A_491 = tpu.memref_squeeze %dma_start3A_490 : memref<1x8x768xf32, #tpu.memory_space<vmem>> -> memref<8x768xf32, #tpu.memory_space<vmem>>
    %dma_start3A_492 = arith.constant 0 : i32
    %dma_start3A_493 = tpu.memref_slice %arg5[%dma_start3A_487, %add3A_394, %dma_start3A_492] : memref<4x8192x768xf32, #tpu.memory_space<hbm>> -> memref<1x8x768xf32, #tpu.memory_space<hbm>>
    %dma_start3A_494 = tpu.memref_squeeze %dma_start3A_493 : memref<1x8x768xf32, #tpu.memory_space<hbm>> -> memref<8x768xf32, #tpu.memory_space<hbm>>
    %dma_start3A_495 = arith.constant 0 : i32
    %dma_start3A_496 = tpu.memref_slice %arg5[%dma_start3A_487, %add3A_394, %dma_start3A_495] : memref<4x8192x768xf32, #tpu.memory_space<hbm>> -> memref<1x8x768xf32, #tpu.memory_space<hbm>>
    %dma_start3A_497 = tpu.memref_squeeze %dma_start3A_496 : memref<1x8x768xf32, #tpu.memory_space<hbm>> -> memref<8x768xf32, #tpu.memory_space<hbm>>
    %dma_start3A_498 = arith.constant 0 : i32
    %dma_start3A_499 = arith.constant 0 : i32
    %dma_start3A_500 = tpu.memref_slice %arg12[%dma_start3A_486, %dma_start3A_498, %dma_start3A_499] : memref<4x8x768xf32, #tpu.memory_space<vmem>> -> memref<1x8x768xf32, #tpu.memory_space<vmem>>
    %dma_start3A_501 = tpu.memref_squeeze %dma_start3A_500 : memref<1x8x768xf32, #tpu.memory_space<vmem>> -> memref<8x768xf32, #tpu.memory_space<vmem>>
    tpu.enqueue_dma source(%dma_start3A_501 : memref<8x768xf32, #tpu.memory_space<vmem>>) target(%dma_start3A_497 : memref<8x768xf32, #tpu.memory_space<hbm>>) target_semaphore(%arg24 : memref<!tpu.dma_semaphore, #tpu.memory_space<semaphore_mem>>)
    %scan3A_502 = arith.constant 0 : i32
    %scan3A_503 = arith.constant 8 : i32
    %scan3A_504 = arith.addi %scan3A_502, %scan3A_503 : i32
    %scan3A_505 = arith.constant 1 : i32
    scf.for %scan3A_653 = %scan3A_502 to %scan3A_504 step %scan3A_505  : i32 {
      %mul3A_654 = arith.constant 1 : i32
      %mul3A_655 = arith.muli %scan3A_653, %mul3A_654 : i32
      %add3A_656 = arith.constant 0 : i32
      %add3A_657 = arith.addi %add3A_656, %mul3A_655 : i32
      %parallel_loop3A = arith.constant 0 : i32
      %parallel_loop3A_658 = arith.constant 48 : i32
      %parallel_loop3A_659 = arith.constant 1 : i32
      scf.for %parallel_loop3A_660 = %parallel_loop3A to %parallel_loop3A_658 step %parallel_loop3A_659  : i32 {
        %parallel_loop3A_661 = arith.constant 16 : i32
        %parallel_loop3A_662 = arith.muli %parallel_loop3A_660, %parallel_loop3A_661 : i32
        %parallel_loop3A_663 = arith.index_cast %add3A_657 : i32 to index
        %parallel_loop3A_664 = arith.index_cast %parallel_loop3A_662 : i32 to index
        %parallel_loop3A_665 = tpu.vector_load %arg6[%parallel_loop3A_663, %parallel_loop3A_664] {strides = array<i32>} : memref<8x768xf32, #tpu.memory_space<vmem>>, vector<1x16xf32>,
        %parallel_loop3A_666 = vector.shape_cast %parallel_loop3A_665 : vector<1x16xf32> to vector<16xf32>
        %parallel_loop3A_667 = arith.constant 3 : i32
        %parallel_loop3A_668 = arith.index_cast %parallel_loop3A_667 : i32 to index
        %parallel_loop3A_669 = arith.index_cast %add3A_657 : i32 to index
        %parallel_loop3A_670 = arith.index_cast %parallel_loop3A_662 : i32 to index
        %parallel_loop3A_671 = tpu.vector_load %arg12[%parallel_loop3A_668, %parallel_loop3A_669, %parallel_loop3A_670] {strides = array<i32>} : memref<4x8x768xf32, #tpu.memory_space<vmem>>, vector<1x1x16xf32>,
        %parallel_loop3A_672 = vector.shape_cast %parallel_loop3A_671 : vector<1x1x16xf32> to vector<16xf32>
        %parallel_loop3A_673 = vector.shape_cast %parallel_loop3A_666 : vector<16xf32> to vector<1x1x16xf32>
        tpu.vector_store %arg12[%parallel_loop3A_668, %parallel_loop3A_669, %parallel_loop3A_670], %parallel_loop3A_673 {add = true, strides = array<i32>} : memref<4x8x768xf32, #tpu.memory_space<vmem>>, vector<1x1x16xf32>,
      } {sc.loop_unroll_factor = 8 : i64, sc.parallel_access}
    }
    %scan3A_506 = arith.constant 8 : i32
    %dma_start3A_507 = arith.constant 3 : i32
    %dma_start3A_508 = arith.constant 3 : i32
    %dma_start3A_509 = arith.constant 0 : i32
    %dma_start3A_510 = arith.constant 0 : i32
    %dma_start3A_511 = tpu.memref_slice %arg12[%dma_start3A_507, %dma_start3A_509, %dma_start3A_510] : memref<4x8x768xf32, #tpu.memory_space<vmem>> -> memref<1x8x768xf32, #tpu.memory_space<vmem>>
    %dma_start3A_512 = tpu.memref_squeeze %dma_start3A_511 : memref<1x8x768xf32, #tpu.memory_space<vmem>> -> memref<8x768xf32, #tpu.memory_space<vmem>>
    %dma_start3A_513 = arith.constant 0 : i32
    %dma_start3A_514 = tpu.memref_slice %arg5[%dma_start3A_508, %add3A_394, %dma_start3A_513] : memref<4x8192x768xf32, #tpu.memory_space<hbm>> -> memref<1x8x768xf32, #tpu.memory_space<hbm>>
    %dma_start3A_515 = tpu.memref_squeeze %dma_start3A_514 : memref<1x8x768xf32, #tpu.memory_space<hbm>> -> memref<8x768xf32, #tpu.memory_space<hbm>>
    %dma_start3A_516 = arith.constant 0 : i32
    %dma_start3A_517 = tpu.memref_slice %arg5[%dma_start3A_508, %add3A_394, %dma_start3A_516] : memref<4x8192x768xf32, #tpu.memory_space<hbm>> -> memref<1x8x768xf32, #tpu.memory_space<hbm>>
    %dma_start3A_518 = tpu.memref_squeeze %dma_start3A_517 : memref<1x8x768xf32, #tpu.memory_space<hbm>> -> memref<8x768xf32, #tpu.memory_space<hbm>>
    %dma_start3A_519 = arith.constant 0 : i32
    %dma_start3A_520 = arith.constant 0 : i32
    %dma_start3A_521 = tpu.memref_slice %arg12[%dma_start3A_507, %dma_start3A_519, %dma_start3A_520] : memref<4x8x768xf32, #tpu.memory_space<vmem>> -> memref<1x8x768xf32, #tpu.memory_space<vmem>>
    %dma_start3A_522 = tpu.memref_squeeze %dma_start3A_521 : memref<1x8x768xf32, #tpu.memory_space<vmem>> -> memref<8x768xf32, #tpu.memory_space<vmem>>
    tpu.enqueue_dma source(%dma_start3A_522 : memref<8x768xf32, #tpu.memory_space<vmem>>) target(%dma_start3A_518 : memref<8x768xf32, #tpu.memory_space<hbm>>) target_semaphore(%arg24 : memref<!tpu.dma_semaphore, #tpu.memory_space<semaphore_mem>>)
    %add3A_523 = arith.constant 248 : i32
    %add3A_524 = arith.addi %mul3A_2, %add3A_523 : i32
    %dma_wait3A_525 = arith.constant 0 : i32
    %dma_wait3A_526 = arith.constant 0 : i32
    %dma_wait3A_527 = tpu.memref_slice %arg3[%dma_wait3A_525, %dma_wait3A_526] : memref<8192x768xf32, #tpu.memory_space<hbm>> -> memref<8x768xf32, #tpu.memory_space<hbm>>
    %dma_wait3A_528 = arith.constant 0 : i32
    %dma_wait3A_529 = arith.constant 0 : i32
    %dma_wait3A_530 = tpu.memref_slice %arg3[%dma_wait3A_528, %dma_wait3A_529] : memref<8192x768xf32, #tpu.memory_space<hbm>> -> memref<8x768xf32, #tpu.memory_space<hbm>>
    tpu.wait_dma2 semaphore(%arg16 : memref<!tpu.dma_semaphore, #tpu.memory_space<semaphore_mem>>) src(%dma_wait3A_530 : memref<8x768xf32, #tpu.memory_space<hbm>>) dst(%arg7 : memref<8x768xf32, #tpu.memory_space<vmem>>)
    %dma_wait3A_531 = arith.constant 0 : i32
    %dma_wait3A_532 = arith.constant 0 : i32
    %dma_wait3A_533 = tpu.memref_slice %arg3[%dma_wait3A_531, %dma_wait3A_532] : memref<8192x768xf32, #tpu.memory_space<hbm>> -> memref<8x768xf32, #tpu.memory_space<hbm>>
    %dma_wait3A_534 = arith.constant 0 : i32
    %dma_wait3A_535 = arith.constant 0 : i32
    %dma_wait3A_536 = tpu.memref_slice %arg3[%dma_wait3A_534, %dma_wait3A_535] : memref<8192x768xf32, #tpu.memory_space<hbm>> -> memref<8x768xf32, #tpu.memory_space<hbm>>
    tpu.wait_dma2 semaphore(%arg19 : memref<!tpu.dma_semaphore, #tpu.memory_space<semaphore_mem>>) src(%dma_wait3A_536 : memref<8x768xf32, #tpu.memory_space<hbm>>) dst(%arg10 : memref<8x768xf32, #tpu.memory_space<vmem>>)
    %dma_wait3A_537 = arith.constant 0 : i32
    %dma_wait3A_538 = arith.constant 0 : i32
    %dma_wait3A_539 = arith.constant 0 : i32
    %dma_wait3A_540 = tpu.memref_slice %arg2[%dma_wait3A_537, %dma_wait3A_538, %dma_wait3A_539] : memref<4x8192x768xf32, #tpu.memory_space<hbm>> -> memref<4x8x768xf32, #tpu.memory_space<hbm>>
    %dma_wait3A_541 = arith.constant 0 : i32
    %dma_wait3A_542 = arith.constant 0 : i32
    %dma_wait3A_543 = arith.constant 0 : i32
    %dma_wait3A_544 = tpu.memref_slice %arg2[%dma_wait3A_541, %dma_wait3A_542, %dma_wait3A_543] : memref<4x8192x768xf32, #tpu.memory_space<hbm>> -> memref<4x8x768xf32, #tpu.memory_space<hbm>>
    tpu.wait_dma2 semaphore(%arg22 : memref<!tpu.dma_semaphore, #tpu.memory_space<semaphore_mem>>) src(%dma_wait3A_544 : memref<4x8x768xf32, #tpu.memory_space<hbm>>) dst(%arg13 : memref<4x8x768xf32, #tpu.memory_space<vmem>>)
    %scan3A_545 = arith.constant 0 : i32
    %scan3A_546 = arith.constant 8 : i32
    %scan3A_547 = arith.addi %scan3A_545, %scan3A_546 : i32
    %scan3A_548 = arith.constant 1 : i32
    scf.for %scan3A_653 = %scan3A_545 to %scan3A_547 step %scan3A_548  : i32 {
      %mul3A_654 = arith.constant 1 : i32
      %mul3A_655 = arith.muli %scan3A_653, %mul3A_654 : i32
      %add3A_656 = arith.constant 0 : i32
      %add3A_657 = arith.addi %add3A_656, %mul3A_655 : i32
      %parallel_loop3A = arith.constant 0 : i32
      %parallel_loop3A_658 = arith.constant 48 : i32
      %parallel_loop3A_659 = arith.constant 1 : i32
      scf.for %parallel_loop3A_660 = %parallel_loop3A to %parallel_loop3A_658 step %parallel_loop3A_659  : i32 {
        %parallel_loop3A_661 = arith.constant 16 : i32
        %parallel_loop3A_662 = arith.muli %parallel_loop3A_660, %parallel_loop3A_661 : i32
        %parallel_loop3A_663 = arith.index_cast %add3A_657 : i32 to index
        %parallel_loop3A_664 = arith.index_cast %parallel_loop3A_662 : i32 to index
        %parallel_loop3A_665 = tpu.vector_load %arg7[%parallel_loop3A_663, %parallel_loop3A_664] {strides = array<i32>} : memref<8x768xf32, #tpu.memory_space<vmem>>, vector<1x16xf32>,
        %parallel_loop3A_666 = vector.shape_cast %parallel_loop3A_665 : vector<1x16xf32> to vector<16xf32>
        %parallel_loop3A_667 = arith.index_cast %add3A_657 : i32 to index
        %parallel_loop3A_668 = arith.index_cast %parallel_loop3A_662 : i32 to index
        %parallel_loop3A_669 = tpu.vector_load %arg10[%parallel_loop3A_667, %parallel_loop3A_668] {strides = array<i32>} : memref<8x768xf32, #tpu.memory_space<vmem>>, vector<1x16xf32>,
        %parallel_loop3A_670 = vector.shape_cast %parallel_loop3A_669 : vector<1x16xf32> to vector<16xf32>
        %parallel_loop3A_671 = arith.addf %parallel_loop3A_666, %parallel_loop3A_670 : vector<16xf32>
        %parallel_loop3A_672 = arith.index_cast %add3A_657 : i32 to index
        %parallel_loop3A_673 = arith.index_cast %parallel_loop3A_662 : i32 to index
        %parallel_loop3A_674 = tpu.vector_load %arg7[%parallel_loop3A_672, %parallel_loop3A_673] {strides = array<i32>} : memref<8x768xf32, #tpu.memory_space<vmem>>, vector<1x16xf32>,
        %parallel_loop3A_675 = vector.shape_cast %parallel_loop3A_674 : vector<1x16xf32> to vector<16xf32>
        %parallel_loop3A_676 = vector.shape_cast %parallel_loop3A_671 : vector<16xf32> to vector<1x16xf32>
        tpu.vector_store %arg7[%parallel_loop3A_672, %parallel_loop3A_673], %parallel_loop3A_676 {strides = array<i32>} : memref<8x768xf32, #tpu.memory_space<vmem>>, vector<1x16xf32>,
        %parallel_loop3A_677 = arith.constant 0 : i32
        %parallel_loop3A_678 = arith.index_cast %parallel_loop3A_677 : i32 to index
        %parallel_loop3A_679 = arith.index_cast %add3A_657 : i32 to index
        %parallel_loop3A_680 = arith.index_cast %parallel_loop3A_662 : i32 to index
        %parallel_loop3A_681 = tpu.vector_load %arg13[%parallel_loop3A_678, %parallel_loop3A_679, %parallel_loop3A_680] {strides = array<i32>} : memref<4x8x768xf32, #tpu.memory_space<vmem>>, vector<1x1x16xf32>,
        %parallel_loop3A_682 = vector.shape_cast %parallel_loop3A_681 : vector<1x1x16xf32> to vector<16xf32>
        %parallel_loop3A_683 = vector.shape_cast %parallel_loop3A_671 : vector<16xf32> to vector<1x1x16xf32>
        tpu.vector_store %arg13[%parallel_loop3A_678, %parallel_loop3A_679, %parallel_loop3A_680], %parallel_loop3A_683 {add = true, strides = array<i32>} : memref<4x8x768xf32, #tpu.memory_space<vmem>>, vector<1x1x16xf32>,
      } {sc.loop_unroll_factor = 8 : i64, sc.parallel_access}
    }
    %scan3A_549 = arith.constant 8 : i32
    %dma_start3A_550 = arith.constant 0 : i32
    %dma_start3A_551 = arith.constant 0 : i32
    %dma_start3A_552 = arith.constant 0 : i32
    %dma_start3A_553 = arith.constant 0 : i32
    %dma_start3A_554 = tpu.memref_slice %arg13[%dma_start3A_550, %dma_start3A_552, %dma_start3A_553] : memref<4x8x768xf32, #tpu.memory_space<vmem>> -> memref<1x8x768xf32, #tpu.memory_space<vmem>>
    %dma_start3A_555 = tpu.memref_squeeze %dma_start3A_554 : memref<1x8x768xf32, #tpu.memory_space<vmem>> -> memref<8x768xf32, #tpu.memory_space<vmem>>
    %dma_start3A_556 = arith.constant 0 : i32
    %dma_start3A_557 = tpu.memref_slice %arg5[%dma_start3A_551, %add3A_524, %dma_start3A_556] : memref<4x8192x768xf32, #tpu.memory_space<hbm>> -> memref<1x8x768xf32, #tpu.memory_space<hbm>>
    %dma_start3A_558 = tpu.memref_squeeze %dma_start3A_557 : memref<1x8x768xf32, #tpu.memory_space<hbm>> -> memref<8x768xf32, #tpu.memory_space<hbm>>
    %dma_start3A_559 = arith.constant 0 : i32
    %dma_start3A_560 = tpu.memref_slice %arg5[%dma_start3A_551, %add3A_524, %dma_start3A_559] : memref<4x8192x768xf32, #tpu.memory_space<hbm>> -> memref<1x8x768xf32, #tpu.memory_space<hbm>>
    %dma_start3A_561 = tpu.memref_squeeze %dma_start3A_560 : memref<1x8x768xf32, #tpu.memory_space<hbm>> -> memref<8x768xf32, #tpu.memory_space<hbm>>
    %dma_start3A_562 = arith.constant 0 : i32
    %dma_start3A_563 = arith.constant 0 : i32
    %dma_start3A_564 = tpu.memref_slice %arg13[%dma_start3A_550, %dma_start3A_562, %dma_start3A_563] : memref<4x8x768xf32, #tpu.memory_space<vmem>> -> memref<1x8x768xf32, #tpu.memory_space<vmem>>
    %dma_start3A_565 = tpu.memref_squeeze %dma_start3A_564 : memref<1x8x768xf32, #tpu.memory_space<vmem>> -> memref<8x768xf32, #tpu.memory_space<vmem>>
    tpu.enqueue_dma source(%dma_start3A_565 : memref<8x768xf32, #tpu.memory_space<vmem>>) target(%dma_start3A_561 : memref<8x768xf32, #tpu.memory_space<hbm>>) target_semaphore(%arg25 : memref<!tpu.dma_semaphore, #tpu.memory_space<semaphore_mem>>)
    %scan3A_566 = arith.constant 0 : i32
    %scan3A_567 = arith.constant 8 : i32
    %scan3A_568 = arith.addi %scan3A_566, %scan3A_567 : i32
    %scan3A_569 = arith.constant 1 : i32
    scf.for %scan3A_653 = %scan3A_566 to %scan3A_568 step %scan3A_569  : i32 {
      %mul3A_654 = arith.constant 1 : i32
      %mul3A_655 = arith.muli %scan3A_653, %mul3A_654 : i32
      %add3A_656 = arith.constant 0 : i32
      %add3A_657 = arith.addi %add3A_656, %mul3A_655 : i32
      %parallel_loop3A = arith.constant 0 : i32
      %parallel_loop3A_658 = arith.constant 48 : i32
      %parallel_loop3A_659 = arith.constant 1 : i32
      scf.for %parallel_loop3A_660 = %parallel_loop3A to %parallel_loop3A_658 step %parallel_loop3A_659  : i32 {
        %parallel_loop3A_661 = arith.constant 16 : i32
        %parallel_loop3A_662 = arith.muli %parallel_loop3A_660, %parallel_loop3A_661 : i32
        %parallel_loop3A_663 = arith.index_cast %add3A_657 : i32 to index
        %parallel_loop3A_664 = arith.index_cast %parallel_loop3A_662 : i32 to index
        %parallel_loop3A_665 = tpu.vector_load %arg7[%parallel_loop3A_663, %parallel_loop3A_664] {strides = array<i32>} : memref<8x768xf32, #tpu.memory_space<vmem>>, vector<1x16xf32>,
        %parallel_loop3A_666 = vector.shape_cast %parallel_loop3A_665 : vector<1x16xf32> to vector<16xf32>
        %parallel_loop3A_667 = arith.constant 1 : i32
        %parallel_loop3A_668 = arith.index_cast %parallel_loop3A_667 : i32 to index
        %parallel_loop3A_669 = arith.index_cast %add3A_657 : i32 to index
        %parallel_loop3A_670 = arith.index_cast %parallel_loop3A_662 : i32 to index
        %parallel_loop3A_671 = tpu.vector_load %arg13[%parallel_loop3A_668, %parallel_loop3A_669, %parallel_loop3A_670] {strides = array<i32>} : memref<4x8x768xf32, #tpu.memory_space<vmem>>, vector<1x1x16xf32>,
        %parallel_loop3A_672 = vector.shape_cast %parallel_loop3A_671 : vector<1x1x16xf32> to vector<16xf32>
        %parallel_loop3A_673 = vector.shape_cast %parallel_loop3A_666 : vector<16xf32> to vector<1x1x16xf32>
        tpu.vector_store %arg13[%parallel_loop3A_668, %parallel_loop3A_669, %parallel_loop3A_670], %parallel_loop3A_673 {add = true, strides = array<i32>} : memref<4x8x768xf32, #tpu.memory_space<vmem>>, vector<1x1x16xf32>,
      } {sc.loop_unroll_factor = 8 : i64, sc.parallel_access}
    }
    %scan3A_570 = arith.constant 8 : i32
    %dma_start3A_571 = arith.constant 1 : i32
    %dma_start3A_572 = arith.constant 1 : i32
    %dma_start3A_573 = arith.constant 0 : i32
    %dma_start3A_574 = arith.constant 0 : i32
    %dma_start3A_575 = tpu.memref_slice %arg13[%dma_start3A_571, %dma_start3A_573, %dma_start3A_574] : memref<4x8x768xf32, #tpu.memory_space<vmem>> -> memref<1x8x768xf32, #tpu.memory_space<vmem>>
    %dma_start3A_576 = tpu.memref_squeeze %dma_start3A_575 : memref<1x8x768xf32, #tpu.memory_space<vmem>> -> memref<8x768xf32, #tpu.memory_space<vmem>>
    %dma_start3A_577 = arith.constant 0 : i32
    %dma_start3A_578 = tpu.memref_slice %arg5[%dma_start3A_572, %add3A_524, %dma_start3A_577] : memref<4x8192x768xf32, #tpu.memory_space<hbm>> -> memref<1x8x768xf32, #tpu.memory_space<hbm>>
    %dma_start3A_579 = tpu.memref_squeeze %dma_start3A_578 : memref<1x8x768xf32, #tpu.memory_space<hbm>> -> memref<8x768xf32, #tpu.memory_space<hbm>>
    %dma_start3A_580 = arith.constant 0 : i32
    %dma_start3A_581 = tpu.memref_slice %arg5[%dma_start3A_572, %add3A_524, %dma_start3A_580] : memref<4x8192x768xf32, #tpu.memory_space<hbm>> -> memref<1x8x768xf32, #tpu.memory_space<hbm>>
    %dma_start3A_582 = tpu.memref_squeeze %dma_start3A_581 : memref<1x8x768xf32, #tpu.memory_space<hbm>> -> memref<8x768xf32, #tpu.memory_space<hbm>>
    %dma_start3A_583 = arith.constant 0 : i32
    %dma_start3A_584 = arith.constant 0 : i32
    %dma_start3A_585 = tpu.memref_slice %arg13[%dma_start3A_571, %dma_start3A_583, %dma_start3A_584] : memref<4x8x768xf32, #tpu.memory_space<vmem>> -> memref<1x8x768xf32, #tpu.memory_space<vmem>>
    %dma_start3A_586 = tpu.memref_squeeze %dma_start3A_585 : memref<1x8x768xf32, #tpu.memory_space<vmem>> -> memref<8x768xf32, #tpu.memory_space<vmem>>
    tpu.enqueue_dma source(%dma_start3A_586 : memref<8x768xf32, #tpu.memory_space<vmem>>) target(%dma_start3A_582 : memref<8x768xf32, #tpu.memory_space<hbm>>) target_semaphore(%arg25 : memref<!tpu.dma_semaphore, #tpu.memory_space<semaphore_mem>>)
    %scan3A_587 = arith.constant 0 : i32
    %scan3A_588 = arith.constant 8 : i32
    %scan3A_589 = arith.addi %scan3A_587, %scan3A_588 : i32
    %scan3A_590 = arith.constant 1 : i32
    scf.for %scan3A_653 = %scan3A_587 to %scan3A_589 step %scan3A_590  : i32 {
      %mul3A_654 = arith.constant 1 : i32
      %mul3A_655 = arith.muli %scan3A_653, %mul3A_654 : i32
      %add3A_656 = arith.constant 0 : i32
      %add3A_657 = arith.addi %add3A_656, %mul3A_655 : i32
      %parallel_loop3A = arith.constant 0 : i32
      %parallel_loop3A_658 = arith.constant 48 : i32
      %parallel_loop3A_659 = arith.constant 1 : i32
      scf.for %parallel_loop3A_660 = %parallel_loop3A to %parallel_loop3A_658 step %parallel_loop3A_659  : i32 {
        %parallel_loop3A_661 = arith.constant 16 : i32
        %parallel_loop3A_662 = arith.muli %parallel_loop3A_660, %parallel_loop3A_661 : i32
        %parallel_loop3A_663 = arith.index_cast %add3A_657 : i32 to index
        %parallel_loop3A_664 = arith.index_cast %parallel_loop3A_662 : i32 to index
        %parallel_loop3A_665 = tpu.vector_load %arg7[%parallel_loop3A_663, %parallel_loop3A_664] {strides = array<i32>} : memref<8x768xf32, #tpu.memory_space<vmem>>, vector<1x16xf32>,
        %parallel_loop3A_666 = vector.shape_cast %parallel_loop3A_665 : vector<1x16xf32> to vector<16xf32>
        %parallel_loop3A_667 = arith.constant 2 : i32
        %parallel_loop3A_668 = arith.index_cast %parallel_loop3A_667 : i32 to index
        %parallel_loop3A_669 = arith.index_cast %add3A_657 : i32 to index
        %parallel_loop3A_670 = arith.index_cast %parallel_loop3A_662 : i32 to index
        %parallel_loop3A_671 = tpu.vector_load %arg13[%parallel_loop3A_668, %parallel_loop3A_669, %parallel_loop3A_670] {strides = array<i32>} : memref<4x8x768xf32, #tpu.memory_space<vmem>>, vector<1x1x16xf32>,
        %parallel_loop3A_672 = vector.shape_cast %parallel_loop3A_671 : vector<1x1x16xf32> to vector<16xf32>
        %parallel_loop3A_673 = vector.shape_cast %parallel_loop3A_666 : vector<16xf32> to vector<1x1x16xf32>
        tpu.vector_store %arg13[%parallel_loop3A_668, %parallel_loop3A_669, %parallel_loop3A_670], %parallel_loop3A_673 {add = true, strides = array<i32>} : memref<4x8x768xf32, #tpu.memory_space<vmem>>, vector<1x1x16xf32>,
      } {sc.loop_unroll_factor = 8 : i64, sc.parallel_access}
    }
    %scan3A_591 = arith.constant 8 : i32
    %dma_start3A_592 = arith.constant 2 : i32
    %dma_start3A_593 = arith.constant 2 : i32
    %dma_start3A_594 = arith.constant 0 : i32
    %dma_start3A_595 = arith.constant 0 : i32
    %dma_start3A_596 = tpu.memref_slice %arg13[%dma_start3A_592, %dma_start3A_594, %dma_start3A_595] : memref<4x8x768xf32, #tpu.memory_space<vmem>> -> memref<1x8x768xf32, #tpu.memory_space<vmem>>
    %dma_start3A_597 = tpu.memref_squeeze %dma_start3A_596 : memref<1x8x768xf32, #tpu.memory_space<vmem>> -> memref<8x768xf32, #tpu.memory_space<vmem>>
    %dma_start3A_598 = arith.constant 0 : i32
    %dma_start3A_599 = tpu.memref_slice %arg5[%dma_start3A_593, %add3A_524, %dma_start3A_598] : memref<4x8192x768xf32, #tpu.memory_space<hbm>> -> memref<1x8x768xf32, #tpu.memory_space<hbm>>
    %dma_start3A_600 = tpu.memref_squeeze %dma_start3A_599 : memref<1x8x768xf32, #tpu.memory_space<hbm>> -> memref<8x768xf32, #tpu.memory_space<hbm>>
    %dma_start3A_601 = arith.constant 0 : i32
    %dma_start3A_602 = tpu.memref_slice %arg5[%dma_start3A_593, %add3A_524, %dma_start3A_601] : memref<4x8192x768xf32, #tpu.memory_space<hbm>> -> memref<1x8x768xf32, #tpu.memory_space<hbm>>
    %dma_start3A_603 = tpu.memref_squeeze %dma_start3A_602 : memref<1x8x768xf32, #tpu.memory_space<hbm>> -> memref<8x768xf32, #tpu.memory_space<hbm>>
    %dma_start3A_604 = arith.constant 0 : i32
    %dma_start3A_605 = arith.constant 0 : i32
    %dma_start3A_606 = tpu.memref_slice %arg13[%dma_start3A_592, %dma_start3A_604, %dma_start3A_605] : memref<4x8x768xf32, #tpu.memory_space<vmem>> -> memref<1x8x768xf32, #tpu.memory_space<vmem>>
    %dma_start3A_607 = tpu.memref_squeeze %dma_start3A_606 : memref<1x8x768xf32, #tpu.memory_space<vmem>> -> memref<8x768xf32, #tpu.memory_space<vmem>>
    tpu.enqueue_dma source(%dma_start3A_607 : memref<8x768xf32, #tpu.memory_space<vmem>>) target(%dma_start3A_603 : memref<8x768xf32, #tpu.memory_space<hbm>>) target_semaphore(%arg25 : memref<!tpu.dma_semaphore, #tpu.memory_space<semaphore_mem>>)
    %scan3A_608 = arith.constant 0 : i32
    %scan3A_609 = arith.constant 8 : i32
    %scan3A_610 = arith.addi %scan3A_608, %scan3A_609 : i32
    %scan3A_611 = arith.constant 1 : i32
    scf.for %scan3A_653 = %scan3A_608 to %scan3A_610 step %scan3A_611  : i32 {
      %mul3A_654 = arith.constant 1 : i32
      %mul3A_655 = arith.muli %scan3A_653, %mul3A_654 : i32
      %add3A_656 = arith.constant 0 : i32
      %add3A_657 = arith.addi %add3A_656, %mul3A_655 : i32
      %parallel_loop3A = arith.constant 0 : i32
      %parallel_loop3A_658 = arith.constant 48 : i32
      %parallel_loop3A_659 = arith.constant 1 : i32
      scf.for %parallel_loop3A_660 = %parallel_loop3A to %parallel_loop3A_658 step %parallel_loop3A_659  : i32 {
        %parallel_loop3A_661 = arith.constant 16 : i32
        %parallel_loop3A_662 = arith.muli %parallel_loop3A_660, %parallel_loop3A_661 : i32
        %parallel_loop3A_663 = arith.index_cast %add3A_657 : i32 to index
        %parallel_loop3A_664 = arith.index_cast %parallel_loop3A_662 : i32 to index
        %parallel_loop3A_665 = tpu.vector_load %arg7[%parallel_loop3A_663, %parallel_loop3A_664] {strides = array<i32>} : memref<8x768xf32, #tpu.memory_space<vmem>>, vector<1x16xf32>,
        %parallel_loop3A_666 = vector.shape_cast %parallel_loop3A_665 : vector<1x16xf32> to vector<16xf32>
        %parallel_loop3A_667 = arith.constant 3 : i32
        %parallel_loop3A_668 = arith.index_cast %parallel_loop3A_667 : i32 to index
        %parallel_loop3A_669 = arith.index_cast %add3A_657 : i32 to index
        %parallel_loop3A_670 = arith.index_cast %parallel_loop3A_662 : i32 to index
        %parallel_loop3A_671 = tpu.vector_load %arg13[%parallel_loop3A_668, %parallel_loop3A_669, %parallel_loop3A_670] {strides = array<i32>} : memref<4x8x768xf32, #tpu.memory_space<vmem>>, vector<1x1x16xf32>,
        %parallel_loop3A_672 = vector.shape_cast %parallel_loop3A_671 : vector<1x1x16xf32> to vector<16xf32>
        %parallel_loop3A_673 = vector.shape_cast %parallel_loop3A_666 : vector<16xf32> to vector<1x1x16xf32>
        tpu.vector_store %arg13[%parallel_loop3A_668, %parallel_loop3A_669, %parallel_loop3A_670], %parallel_loop3A_673 {add = true, strides = array<i32>} : memref<4x8x768xf32, #tpu.memory_space<vmem>>, vector<1x1x16xf32>,
      } {sc.loop_unroll_factor = 8 : i64, sc.parallel_access}
    }
    %scan3A_612 = arith.constant 8 : i32
    %dma_start3A_613 = arith.constant 3 : i32
    %dma_start3A_614 = arith.constant 3 : i32
    %dma_start3A_615 = arith.constant 0 : i32
    %dma_start3A_616 = arith.constant 0 : i32
    %dma_start3A_617 = tpu.memref_slice %arg13[%dma_start3A_613, %dma_start3A_615, %dma_start3A_616] : memref<4x8x768xf32, #tpu.memory_space<vmem>> -> memref<1x8x768xf32, #tpu.memory_space<vmem>>
    %dma_start3A_618 = tpu.memref_squeeze %dma_start3A_617 : memref<1x8x768xf32, #tpu.memory_space<vmem>> -> memref<8x768xf32, #tpu.memory_space<vmem>>
    %dma_start3A_619 = arith.constant 0 : i32
    %dma_start3A_620 = tpu.memref_slice %arg5[%dma_start3A_614, %add3A_524, %dma_start3A_619] : memref<4x8192x768xf32, #tpu.memory_space<hbm>> -> memref<1x8x768xf32, #tpu.memory_space<hbm>>
    %dma_start3A_621 = tpu.memref_squeeze %dma_start3A_620 : memref<1x8x768xf32, #tpu.memory_space<hbm>> -> memref<8x768xf32, #tpu.memory_space<hbm>>
    %dma_start3A_622 = arith.constant 0 : i32
    %dma_start3A_623 = tpu.memref_slice %arg5[%dma_start3A_614, %add3A_524, %dma_start3A_622] : memref<4x8192x768xf32, #tpu.memory_space<hbm>> -> memref<1x8x768xf32, #tpu.memory_space<hbm>>
    %dma_start3A_624 = tpu.memref_squeeze %dma_start3A_623 : memref<1x8x768xf32, #tpu.memory_space<hbm>> -> memref<8x768xf32, #tpu.memory_space<hbm>>
    %dma_start3A_625 = arith.constant 0 : i32
    %dma_start3A_626 = arith.constant 0 : i32
    %dma_start3A_627 = tpu.memref_slice %arg13[%dma_start3A_613, %dma_start3A_625, %dma_start3A_626] : memref<4x8x768xf32, #tpu.memory_space<vmem>> -> memref<1x8x768xf32, #tpu.memory_space<vmem>>
    %dma_start3A_628 = tpu.memref_squeeze %dma_start3A_627 : memref<1x8x768xf32, #tpu.memory_space<vmem>> -> memref<8x768xf32, #tpu.memory_space<vmem>>
    tpu.enqueue_dma source(%dma_start3A_628 : memref<8x768xf32, #tpu.memory_space<vmem>>) target(%dma_start3A_624 : memref<8x768xf32, #tpu.memory_space<hbm>>) target_semaphore(%arg25 : memref<!tpu.dma_semaphore, #tpu.memory_space<semaphore_mem>>)
    %dma_wait3A_629 = arith.constant 0 : i32
    %dma_wait3A_630 = arith.constant 0 : i32
    %dma_wait3A_631 = arith.constant 0 : i32
    %dma_wait3A_632 = tpu.memref_slice %arg5[%dma_wait3A_629, %dma_wait3A_630, %dma_wait3A_631] : memref<4x8192x768xf32, #tpu.memory_space<hbm>> -> memref<4x8x768xf32, #tpu.memory_space<hbm>>
    %dma_wait3A_633 = arith.constant 0 : i32
    %dma_wait3A_634 = arith.constant 0 : i32
    %dma_wait3A_635 = arith.constant 0 : i32
    %dma_wait3A_636 = tpu.memref_slice %arg5[%dma_wait3A_633, %dma_wait3A_634, %dma_wait3A_635] : memref<4x8192x768xf32, #tpu.memory_space<hbm>> -> memref<4x8x768xf32, #tpu.memory_space<hbm>>
    tpu.wait_dma2 semaphore(%arg24 : memref<!tpu.dma_semaphore, #tpu.memory_space<semaphore_mem>>) src(%arg12 : memref<4x8x768xf32, #tpu.memory_space<vmem>>) dst(%dma_wait3A_636 : memref<4x8x768xf32, #tpu.memory_space<hbm>>)
    %dma_wait3A_637 = arith.constant 0 : i32
    %dma_wait3A_638 = arith.constant 0 : i32
    %dma_wait3A_639 = arith.constant 0 : i32
    %dma_wait3A_640 = tpu.memref_slice %arg5[%dma_wait3A_637, %dma_wait3A_638, %dma_wait3A_639] : memref<4x8192x768xf32, #tpu.memory_space<hbm>> -> memref<4x8x768xf32, #tpu.memory_space<hbm>>
    %dma_wait3A_641 = arith.constant 0 : i32
    %dma_wait3A_642 = arith.constant 0 : i32
    %dma_wait3A_643 = arith.constant 0 : i32
    %dma_wait3A_644 = tpu.memref_slice %arg5[%dma_wait3A_641, %dma_wait3A_642, %dma_wait3A_643] : memref<4x8192x768xf32, #tpu.memory_space<hbm>> -> memref<4x8x768xf32, #tpu.memory_space<hbm>>
    tpu.wait_dma2 semaphore(%arg25 : memref<!tpu.dma_semaphore, #tpu.memory_space<semaphore_mem>>) src(%arg13 : memref<4x8x768xf32, #tpu.memory_space<vmem>>) dst(%dma_wait3A_644 : memref<4x8x768xf32, #tpu.memory_space<hbm>>)
    %dma_wait3A_645 = arith.constant 0 : i32
    %dma_wait3A_646 = arith.constant 0 : i32
    %dma_wait3A_647 = arith.constant 0 : i32
    %dma_wait3A_648 = tpu.memref_slice %arg5[%dma_wait3A_645, %dma_wait3A_646, %dma_wait3A_647] : memref<4x8192x768xf32, #tpu.memory_space<hbm>> -> memref<4x8x768xf32, #tpu.memory_space<hbm>>
    %dma_wait3A_649 = arith.constant 0 : i32
    %dma_wait3A_650 = arith.constant 0 : i32
    %dma_wait3A_651 = arith.constant 0 : i32
    %dma_wait3A_652 = tpu.memref_slice %arg5[%dma_wait3A_649, %dma_wait3A_650, %dma_wait3A_651] : memref<4x8192x768xf32, #tpu.memory_space<hbm>> -> memref<4x8x768xf32, #tpu.memory_space<hbm>>
    tpu.wait_dma2 semaphore(%arg26 : memref<!tpu.dma_semaphore, #tpu.memory_space<semaphore_mem>>) src(%arg14 : memref<4x8x768xf32, #tpu.memory_space<vmem>>) dst(%dma_wait3A_652 : memref<4x8x768xf32, #tpu.memory_space<hbm>>)
    return
  }
}

</mosaic_0001>

<sc_bundles>
// kernel: kernel.3.cloned.1.call-start
scs
__scs_entry_jumppad:
0x0: {  	(pc) =	sbr.rel $0x88, $3  }
0x1: {  	(tag) =	ssettag $0x0;
	lr =	simm.s32 $0x1  }
0x2: {  	[smem:$0x3F9E] =	sst lr;
	_ =	strace $0xD0000000  }
0x3: {  	_ = 	snop  }
0x4: {  	_ = 	snop  }
0x5: {  	_ = 	snop  }
0x6: {  	_ = 	snop  }
0x7: {  	_ = 	snop  }
__scs_overlays_trampoline_lowered:
0x8: {  	[smem:$0x3FAD] =	sst s0  }
0x9: {  	[smem:$0x3FAE] =	sst s1  }
0xa: {  	[smem:$0x3FAF] =	sst s2  }
0xb: {  	[smem:$0x3FB0] =	sst s3  }
0xc: {  	[smem:$0x3FB1] =	sst s4  }
0xd: {  	[smem:$0x3FB2] =	sst s5  }
0xe: {  	[smem:$0x3FB3] =	sst s6  }
0xf: {  	[smem:$0x3FB4] =	sst s7  }
0x10: {  	[smem:$0x3FB5] =	sst s8  }
0x11: {  	[smem:$0x3FB6] =	sst s9;
	s0 =	simm.s32 @!p0 $0x0  }
0x12: {  	s1 =	sld [smem:$0x3F9C];
	s0 =	simm.s32 @p0 $0x1  }
0x13: {  	[smem:$0x3FB7] =	sst s0;
	s0 =	simm.s32 @!p1 $0x0  }
0x14: {  	s2 =	sld [smem:$0x3F9B];
	s0 =	simm.s32 @p1 $0x1  }
0x15: {  	[smem:$0x3FB8] =	sst s0;
	s0 =	simm.s32 @!p2 $0x0  }
0x16: {  	s3 =	sld [smem:$0x3FDB];
	s0 =	simm.s32 @p2 $0x1  }
0x17: {  	s4 =	simm.s32 $0x1BF5;
	[smem:$0x3FBA] =	sst s0  }
0x18: {  	s0 =	sld [smem:$0x3F9D];
	_ =	swait.ge [sflag:s4], $0x0  }
0x19: {  	s7 =	sld [smem:$0x3F9E]  }
0x1a: {  	s8 =	sadd.s32 $0xFFFFE003, lr  }
0x1b: {  	s9 =	sadd.s32 $0xFFFFFEF7, lr;
	s5 =	simm.s32 $0xFFFFFFFF;
	p2 =	slt.u32 s8, $0xFFFFF086  }
0x1c: {  	p1 =	slt.u32 s9, $0xF7A;
	s5 =	simm.s32 @!p2 $0x0  }
0x1d: {  	s5 =	simm.s32 @p1 $0x1;
	p0 =	seq.s32 s7, s2  }
0x1e: {  	s7 =	smul.u32 @!p0 $0xF7A, s2;
	p2 =	seq.s32 @!p0 s5, $0x0  }
0x1f: {  	s9 =	smul.u32 $0xF7A, s1;
	s8 =	simm.s32 @!p0 $0x1BF5;
	p2 =	por !p2, p0  }
0x20: {  	[sflag:s8] =	ssyncset.s32 @!p0 $0xFFFFF086;
	s6 =	sadd.s32 @!p0 s3, s7;
	s7 =	simm.s32 @!p0 $0x108  }
0x21: {  	s3 =	sadd.s32 s3, s9;
	s6 =	sadd.s32 @!p0 $0x88, s6;
	s7 =	simm.s32 @p2 $0x1082  }
0x22: {  	[simem:s7], [sflag:s8] =	dma.local @!p0 [hbm:s6], $0xF7A  }
0x23: {  	s9 =	sor.u32 $0xD0000000, s2;
	s6 =	simm.s32 $0x108;
	_ =	swait.ge @!p0 [sflag:s8], $0x0  }
0x24: {  	s3 =	sadd.s32 $0x88, s3;
	s6 =	simm.s32 @!p1 $0x1082;
	[sflag:s4] =	ssyncset.s32 $0xFFFFF086  }
0x25: {  	[simem:s6], [sflag:s4] =	dma.local [hbm:s3], $0xF7A  }
0x26: {  	[smem:$0x3F9E] =	sst s1;
	(tag) =	ssettag s2;
	_ =	strace s9  }
0x27: {  	s1 =	sld [smem:$0x3FAE]  }
0x28: {  	s2 =	sld [smem:$0x3FAF]  }
0x29: {  	s4 =	sld [smem:$0x3FB1]  }
0x2a: {  	p0 =	seq.s32 s5, $0x0;
	s5 =	sld [smem:$0x3FB2]  }
0x2b: {  	s6 =	sld [smem:$0x3FB3]  }
0x2c: {  	s7 =	sld [smem:$0x3FB4]  }
0x2d: {  	s3 =	simm.s32 $0x108;
	s8 =	sld [smem:$0x3FB5]  }
0x2e: {  	s3 =	simm.s32 @!p0 $0x1082;
	s9 =	sld [smem:$0x3FB6]  }
0x2f: {  	lr =	sadd.s32 s0, s3;
	s0 =	sld [smem:$0x3FAD]  }
0x30: {  	s3 =	sld [smem:$0x3FB0]  }
0x31: {  	[smem:$0x3FB9] =	sst s10  }
0x32: {  	s10 =	sld [smem:$0x3FB7];
	_ =	sdelay $0x3  }
0x33: {  	p0 =	seq.s32 s10, $0x1;
	s10 =	sld [smem:$0x3FB9];
	_ =	sdelay $0x3  }
0x34: {  	[smem:$0x3FB9] =	sst s10  }
0x35: {  	s10 =	sld [smem:$0x3FB8];
	_ =	sdelay $0x3  }
0x36: {  	p1 =	seq.s32 s10, $0x1;
	s10 =	sld [smem:$0x3FB9];
	_ =	sdelay $0x3  }
0x37: {  	[smem:$0x3FB9] =	sst s10  }
0x38: {  	s10 =	sld [smem:$0x3FBA]  }
0x39: {  	_ = 	snop;
	(pc) =	sbr.ind lr, $3  }
0x3a: {  	_ = 	snop  }
0x3b: {  	_ = 	snop  }
0x3c: {  	p2 =	seq.s32 s10, $0x1;
	s10 =	sld [smem:$0x3FB9]  }
0x3d: {  	_ =	shalt  }
0x3e: {  	_ =	shalt  }
0x3f: {  	_ =	shalt  }
0x40: {  	_ =	shalt  }
0x41: {  	_ =	shalt  }
0x42: {  	_ =	shalt  }
0x43: {  	_ =	shalt  }
0x44: {  	_ =	shalt  }
0x45: {  	_ =	shalt  }
0x46: {  	_ =	shalt  }
0x47: {  	_ =	shalt  }
0x48: {  	_ =	shalt  }
0x49: {  	_ =	shalt  }
0x4a: {  	_ =	shalt  }
0x4b: {  	_ =	shalt  }
0x4c: {  	_ =	shalt  }
0x4d: {  	_ =	shalt  }
0x4e: {  	_ =	shalt  }
0x4f: {  	_ =	shalt  }
0x50: {  	_ =	shalt  }
0x51: {  	_ =	shalt  }
0x52: {  	_ =	shalt  }
0x53: {  	_ =	shalt  }
0x54: {  	_ =	shalt  }
0x55: {  	_ =	shalt  }
0x56: {  	_ =	shalt  }
0x57: {  	_ =	shalt  }
0x58: {  	_ =	shalt  }
0x59: {  	_ =	shalt  }
0x5a: {  	_ =	shalt  }
0x5b: {  	_ =	shalt  }
0x5c: {  	_ =	shalt  }
0x5d: {  	_ =	shalt  }
0x5e: {  	_ =	shalt  }
0x5f: {  	_ =	shalt  }
0x60: {  	_ =	shalt  }
0x61: {  	_ =	shalt  }
0x62: {  	_ =	shalt  }
0x63: {  	_ =	shalt  }
0x64: {  	_ =	shalt  }
0x65: {  	_ =	shalt  }
0x66: {  	_ =	shalt  }
0x67: {  	_ =	shalt  }
0x68: {  	_ =	shalt  }
0x69: {  	_ =	shalt  }
0x6a: {  	_ =	shalt  }
0x6b: {  	_ =	shalt  }
0x6c: {  	_ =	shalt  }
0x6d: {  	_ =	shalt  }
0x6e: {  	_ =	shalt  }
0x6f: {  	_ =	shalt  }
0x70: {  	_ =	shalt  }
0x71: {  	_ =	shalt  }
0x72: {  	_ =	shalt  }
0x73: {  	_ =	shalt  }
0x74: {  	_ =	shalt  }
0x75: {  	_ =	shalt  }
0x76: {  	_ =	shalt  }
0x77: {  	_ =	shalt  }
0x78: {  	_ =	shalt  }
0x79: {  	_ =	shalt  }
0x7a: {  	_ =	shalt  }
0x7b: {  	_ =	shalt  }
0x7c: {  	_ =	shalt  }
0x7d: {  	_ =	shalt  }
0x7e: {  	_ =	shalt  }
0x7f: {  	_ =	shalt  }
0x80: {  	_ =	shalt  }
0x81: {  	_ =	shalt  }
0x82: {  	_ =	shalt  }
0x83: {  	_ =	shalt  }
0x84: {  	_ =	shalt  }
0x85: {  	_ =	shalt  }
0x86: {  	_ =	shalt  }
0x87: {  	_ =	shalt  }
.Lfunc_end0:
.L_simem_size_0:
called_computation_lowered:
.L_overlay_start_0:
0x88: {  	s2 =	sld [smem:$0x3FD9]  }
0x89: {  	s3 =	sld [smem:$0x3FFE];
	_ =	sdelay $0x1  }
0x8a: {  	s1 =	srdreg.scid  }
0x8b: {  	s0 =	sand.u32 $0x1, s1  }
0x8c: {  	s18 =	sshll.u32 s0, $0xA;
	s2 =	sadd.s32 s3, s2  }
0x8d: {  	s2 =	sadd.s32 s2, s18  }
0x8e: {  	[smem:$0x3FC5] =	sst s2  }
0x8f: {  	_ = 	snop  }
0x90: {  	s2 =	sld [smem:$0x3FC9]  }
0x91: {  	s19 =	sld [smem:$0x3FC8]  }
0x92: {  	s4 =	sld [smem:$0x3FC7]  }
0x93: {  	s5 =	sld [smem:$0x3FD0];
	(tm) =	ssettm $0x1  }
0x94: {  	s6 =	sld [smem:$0x3FFB];
	_ =	sdelay $0x3  }
0x95: {  	_ =	strace s6  }
0x96: {  	s6 =	sld [smem:$0x3FFC];
	_ =	sdelay $0x3  }
0x97: {  	_ =	strace s6  }
0x98: {  	s6 =	sld [smem:$0x3FFD];
	_ =	sdelay $0x3  }
0x99: {  	_ =	strace s6  }
0x9a: {  	_ =	strace $0x8FFFFFFF  }
0x9b: {  	s20 =	sld [smem:$0x3FDB];
	_ =	sdelay $0x1  }
0x9c: {  	s7 =	simm.s32 $_scs_section_size  }
0x9d: {  	s8 =	simm.s32 $_size__tile_overlayer_lowered;
	s9 =	simm.s32 $_tile_overlayer_lowered  }
0x9e: {  	s23 =	simm.s32 $0x1BFF;
	s22 =	sshll.u32 s9, $0x1;
	s6 =	sadd.s32 s7, s20  }
0x9f: {  	s10 =	simm.s32 $0x0;
	s21 =	sshll.u32 s8, $0x1;
	s8 =	sadd.s32 s22, s6  }
0xa0: {  	[timem:s10], [sflag:s23] =	dma.local [hbm:s8], s21  }
0xa1: {  	_ =	swait.ge [sflag:s23], s21  }
0xa2: {  	s7 =	ssub.s32 $0x0, s21;
	[sflag:s23] =	ssyncset.done $0x0  }
0xa3: {  	[sflag:s23] =	ssyncadd.s32 s7;
	_ =	sdelay $0x1  }
0xa4: {  	s24 =	simm.s32 $0x1B8B  }
0xa5: {  	_ =	swait.ge [sflag:s24], $0x1  }
0xa6: {  	[sflag:s24] =	ssyncset.done $0x0  }
0xa7: {  	s25 =	simm.s32 $0x1B8E;
	[sflag:s24] =	ssyncadd.s32 $0xFFFFFFFF  }
0xa8: {  	s26 =	simm.s32 $execute0_lowered;
	[smem:$0x3FD2] =	sst s25  }
0xa9: {  	s7 =	sshll.u32 s26, $0x1;
	_ =	strace $0x80000046;
	[dreg:$0x1] =	wrdreg $0xFFFFFFFF  }
0xaa: {  	s28 =	simm.s32 $_size_execute0_lowered;
	s6 =	sadd.s32 s6, s7;
	[dreg:$0x0] =	wrdreg $0x0  }
0xab: {  	s7 =	sshll.u32 s28, $0x1;
	[dreg:$0x2] =	wrdreg s6  }
0xac: {  	[dreg:$0x3] =	wrdreg s7  }
0xad: {  	[dreg:$0x4] =	wrdreg $0xC0  }
0xae: {  	_ =	task [dreg:s10], $0x5FFFF  }
0xaf: {  	[dreg:$0x1] =	wrdreg $0xFFFFFFFF  }
0xb0: {  	[dreg:$0x0] =	wrdreg $0x60  }
0xb1: {  	[dreg:$0x2] =	wrdreg s2  }
0xb2: {  	[dreg:$0x3] =	wrdreg s19  }
0xb3: {  	[dreg:$0x4] =	wrdreg s4  }
0xb4: {  	[dreg:$0x5] =	wrdreg s5  }
0xb5: {  	[dreg:$0x6] =	wrdreg $0x9  }
0xb6: {  	_ =	task.clear_ibuf [dreg:s10], $0x7FFFF;
	_ =	strace $0x90000046  }
0xb7: {  	s29 =	simm.s32 $0x9;
	_ =	strace $0x80000048  }
0xb8: {  	_ =	swait.ge [sflag:s29], $0x1  }
0xb9: {  	[sflag:s29] =	ssyncadd.s32 $0xFFFFFFFF  }
0xba: {  	_ =	strace $0x90000048  }
0xbb: {  	_ =	sfence  }
0xbc: {  	s30 =	sld [smem:$0x0];
	_ =	sdelay $0x2  }
0xbd: {  	s31 =	sshll.u32 s1, $0xD;
	s1 =	sshrl.u32 s1, $0x2  }
0xbe: {  	s3 =	sand.u32 $0x4000, s31;
	s1 =	sadd.s32 s1, s30  }
0xbf: {  	s0 =	sor.u32 s3, s0;
	s1 =	sshll.u32 s1, $0x11  }
0xc0: {  	s0 =	sor.u32 s1, s0  }
0xc1: {  	s0 =	sadd.s32 $0x8F2B, s0  }
0xc2: {  	[sflag:s0] =	ssyncadd.remote.s32 $0x1  }
0xc3: {  	_ =	sfence.sel $0xFFFF  }
0xc4: {  	[dreg:$0x0] =	wrdreg $0xFFFFFFFF;
	(pc) =	sbr.abs _section_cstart, $3  }
0xc5: {  	[dreg:$0x1] =	wrdreg $0xFFFFFFFF  }
0xc6: {  	_ =	task.clear_ibuf [dreg:s10], $0x2FFFF;
	_ =	strace $0x9FFFFFFF  }
0xc7: {  	(tm) =	ssettm $0x7FFFFFFF  }
tec
execute0_lowered:
.L_overlay_start_1:
0x0: {  	(tag) =	ssettag $0x1  }
0x1: {  	s1 =	rddreg [dreg:$0x0]  }
0x2: {  	s0 =	srdreg.scid;
	s2 =	rddreg [dreg:$0x1]  }
0x3: {  	s3 =	stileid.u32;
	s4 =	rddreg [dreg:$0x2]  }
0x4: {  	s5 =	rddreg [dreg:$0x3];
	s19 =	simm.s32 $0x0;
	s0 =	sand.u32 $0x1, s0  }
0x5: {  	s3 =	sshll.u32 s3, $0x9;
	[smem:$0x7FF] =	sst s19;
	s6 =	sshll.u32 s0, $0x8  }
0x6: {  	s0 =	ssub.s32 $0x2, s0;
	_ =	strace $0x80000047;
	s3 =	sor.u32 s6, s3  }
0x7: {  	s8 =	sshrl.u32 s0, $0x1;
	s6 =	sshrl.u32 s3, $0x3;
	s17 =	sor.u32 $0x10, s3  }
0x8: {  	s18 =	sor.u32 $0x18, s3;
	s7 =	smul.u32 $0x1800, s6;
	[dreg:$0x10] =	wrdreg s17  }
0x9: {  	s0 =	ssub.s32 s0, s8;
	s3 =	sor.u32 $0x20, s3;
	[dreg:$0x11] =	wrdreg s18  }
0xa: {  	[dreg:$0x12] =	wrdreg s3;
	s0 =	smax.u32 s0, $0x1;
	s7 =	sshrl.u32 s7, $0x3  }
0xb: {  	s6 =	smul.u32 $0x300, s6;
	[smem:$0x7F9] =	sst s0;
	s25 =	sadd.s32 s2, s7  }
0xc: {  	s9 =	sadd.s32 s4, s7;
	[dreg:$0x5] =	wrdreg s25  }
0xd: {  	s6 =	sor.u32 $0x600, s6;
	s11 =	sadd.s32 s1, s7;
	[dreg:$0x6] =	wrdreg s9  }
0xe: {  	s10 =	sadd.s32 s2, s6;
	[dreg:$0x7] =	wrdreg s11  }
0xf: {  	s15 =	sadd.s32 s4, s6;
	[dreg:$0xc] =	wrdreg s10  }
0x10: {  	s26 =	sor.u32 $0x300, s7;
	s6 =	sadd.s32 s1, s6;
	[dreg:$0xd] =	wrdreg s15  }
0x11: {  	s12 =	sadd.s32 s2, s26;
	[dreg:$0xe] =	wrdreg s6  }
0x12: {  	s13 =	sadd.s32 s4, s26;
	[dreg:$0x8] =	wrdreg s12  }
0x13: {  	s14 =	sadd.s32 s1, s26;
	[dreg:$0x9] =	wrdreg s13  }
0x14: {  	s20 =	sadd.s32 $0x5A00, s7;
	s16 =	sadd.s32 s5, s26;
	[dreg:$0xa] =	wrdreg s14  }
0x15: {  	s21 =	sadd.s32 s2, s20;
	[dreg:$0xf] =	wrdreg s16  }
0x16: {  	s22 =	sadd.s32 s4, s20;
	[dreg:$0x13] =	wrdreg s21  }
0x17: {  	s24 =	sadd.s32 s1, s20;
	[dreg:$0x14] =	wrdreg s22  }
0x18: {  	s23 =	sadd.s32 $0x5D00, s7;
	s3 =	sadd.s32 s5, s20;
	[dreg:$0x15] =	wrdreg s24  }
0x19: {  	s10 =	sadd.s32 s2, s23;
	[dreg:$0x16] =	wrdreg s3  }
0x1a: {  	s11 =	sadd.s32 s4, s23;
	[dreg:$0x1b] =	wrdreg s10  }
0x1b: {  	s9 =	sadd.s32 s5, s7;
	[dreg:$0x1c] =	wrdreg s11  }
0x1c: {  	s25 =	sadd.s32 $0xC0000, s9;
	[dreg:$0xb] =	wrdreg s9  }
0x1d: {  	s26 =	sadd.s32 $0x180000, s9;
	[dreg:$0x17] =	wrdreg s25  }
0x1e: {  	s7 =	sadd.s32 $0x240000, s9;
	[dreg:$0x18] =	wrdreg s26  }
0x1f: {  	s8 =	sadd.s32 $0xC0300, s9;
	[dreg:$0x19] =	wrdreg s7  }
0x20: {  	s12 =	sadd.s32 s1, s23;
	[dreg:$0x1a] =	wrdreg s8  }
0x21: {  	s13 =	sadd.s32 s5, s23;
	[dreg:$0x1d] =	wrdreg s12  }
0x22: {  	s14 =	sadd.s32 $0x180300, s9;
	[dreg:$0x1e] =	wrdreg s13  }
0x23: {  	s15 =	sadd.s32 $0x240300, s9;
	[dreg:$0x1f] =	wrdreg s14  }
0x24: {  	s28 =	simm.s32 $0x9000;
	s16 =	sadd.s32 $0x5700, s9;
	[smem:$0x7F2] =	sst s15  }
0x25: {  	s29 =	simm.s32 $0x1;
	s17 =	sadd.s32 $0x185700, s9;
	[smem:$0x7F3] =	sst s16  }
0x26: {  	s30 =	simm.s32 $0x4;
	s18 =	sadd.s32 $0x245700, s9;
	[smem:$0x7F4] =	sst s17  }
0x27: {  	s31 =	simm.s32 $0xC;
	s20 =	sadd.s32 $0xC5700, s9;
	[smem:$0x7F5] =	sst s18  }
0x28: {  	s21 =	sadd.s32 $0xC5A00, s9;
	s22 =	sadd.s32 $0x185A00, s9;
	[smem:$0x7F6] =	sst s20  }
0x29: {  	s0 =	simm.s32 $0x7;
	s23 =	sadd.s32 $0x245A00, s9;
	[smem:$0x7F7] =	sst s21  }
0x2a: {  	s24 =	sadd.s32 $0x185D00, s9;
	s3 =	simm.s32 $0xF000;
	[smem:$0x7F8] =	sst s22  }
0x2b: {  	s10 =	simm.s32 $0x2;
	s11 =	simm.s32 $0x5;
	[smem:$0x7FA] =	sst s23  }
0x2c: {  	[smem:$0x7FB] =	sst s24;
	s25 =	sadd.s32 $0xC5D00, s9;
	s26 =	sadd.s32 $0x245D00, s9  }
0x2d: {  	s15 =	simm.s32 $0x15000;
	s16 =	simm.s32 $0x8;
	s23 =	simm.s32 $0x3  }
0x2e: {  	s13 =	simm.s32 $0x6;
	s12 =	simm.s32 $0xA;
	s14 =	simm.s32 $0x9  }
0x2f: {  	s24 =	simm.s32 $0xB;
	s7 =	simm.s32 $0x0;
	[smem:$0x7FC] =	sst s25  }
0x30: {  	[smem:$0x7FD] =	sst s26;
	s25 =	simm.s32 $0x1800;
	s26 =	simm.s32 $0x600000  }
.LBB2_1:
0x31: {  	[smem:$0x7F1] =	sst s7  }
0x32: {  	s6 =	rddreg [dreg:$0x5]  }
0x33: {  	[tilespmem:s19], [sflag:$0x1] =	stream.linear.gather [hbm4b:s6+s19], $0x1800, $0x38;
	[tilespmem:$0x1B000] =	vst v63  }
0x34: {  	s8 =	rddreg [dreg:$0x6];
	s9 =	simm.s32 $0x4800  }
0x35: {  	[tilespmem:s9], [sflag:$0x4] =	stream.linear.gather [hbm4b:s8+s19], $0x1800, $0x38;
	[tilespmem:$0x1B000] =	vst v63  }
0x36: {  	s17 =	rddreg [dreg:$0x7]  }
0x37: {  	[tilespmem:s28], [sflag:$0x7] =	stream.strided.gather [hbm4b:s17+s25], $0x6000, s26, s25, $0x38;
	[tilespmem:$0x1B000] =	vst v63  }
0x38: {  	_ =	swait.ge [sflag:s29], $0x1800  }
0x39: {  	[sflag:s29] =	ssyncset.done $0x0  }
0x3a: {  	[sflag:s29] =	ssyncadd.s32 $0xFFFFE800  }
0x3b: {  	_ =	swait.ge [sflag:s30], $0x1800  }
0x3c: {  	[sflag:s30] =	ssyncset.done $0x0  }
0x3d: {  	s18 =	rddreg [dreg:$0x8];
	[sflag:s30] =	ssyncadd.s32 $0xFFFFE800  }
0x3e: {  	[tilespmem:s25], [sflag:$0x2] =	stream.linear.gather [hbm4b:s18+s19], $0x1800, $0x38;
	[tilespmem:$0x1B000] =	vst v63  }
0x3f: {  	s21 =	simm.s32 $0x6000;
	s20 =	rddreg [dreg:$0x9]  }
0x40: {  	[tilespmem:s21], [sflag:$0x5] =	stream.linear.gather [hbm4b:s20+s19], $0x1800, $0x38;
	[tilespmem:$0x1B000] =	vst v63  }
0x41: {  	s22 =	rddreg [dreg:$0xa]  }
0x42: {  	[tilespmem:s3], [sflag:$0x8] =	stream.strided.gather [hbm4b:s22+s25], $0x6000, s26, s25, $0x38;
	[tilespmem:$0x1B000] =	vst v63  }
0x43: {  	_ =	swait.ge [sflag:s0], $0x6000  }
0x44: {  	[sflag:s0] =	ssyncset.done $0x0  }
0x45: {  	s7 =	simm.s32 $0x0;
	s8 =	simm.s32 $0x0;
	[sflag:s0] =	ssyncadd.s32 $0xFFFFA000  }
.LBB2_2:
0x46: {  	s9 =	sshra.s32 s7, $0x2  }
0x47: {  	v1 =	vld [tilespmem:s9+$0x60]  }
0x48: {  	v3 =	vld [tilespmem:s9+$0x50]  }
0x49: {  	v2 =	vld [tilespmem:s9+$0x4840]  }
0x4a: {  	v8 =	vld [tilespmem:s9+$0x4860]  }
0x4b: {  	v0 =	vld [tilespmem:s9+$0x4810]  }
0x4c: {  	v5 =	vld [tilespmem:s9+$0x70]  }
0x4d: {  	v4 =	vld [tilespmem:s9+$0x40]  }
0x4e: {  	v7 =	vld [tilespmem:s9+$0x4870]  }
0x4f: {  	v6 =	vld [tilespmem:s9+$0x4830]  }
0x50: {  	v9 =	vld [tilespmem:s9+$0x4850]  }
0x51: {  	v10 =	vld [tilespmem:s9+$0x30]  }
0x52: {  	v11 =	vld [tilespmem:s9+$0x4820]  }
0x53: {  	v12 =	vld [tilespmem:s9+$0x20]  }
0x54: {  	v13 =	vld [tilespmem:s9+$0x4800];
	v14 =	vadd.f32 v2, v4  }
0x55: {  	v15 =	vld [tilespmem:s9+$0x0]  }
0x56: {  	v2 =	vadd.f32 v6, v10;
	v6 =	vld [tilespmem:s9+$0x10];
	[tilespmem:s9+$0x40] =	vst v14  }
0x57: {  	v4 =	vadd.f32 v9, v3;
	[tilespmem:s9+$0x9040] =	vst.add.f32.msk $0xffff, v14  }
0x58: {  	v5 =	vadd.f32 v7, v5;
	[tilespmem:s9+$0x9030] =	vst.add.f32.msk $0xffff, v2  }
0x59: {  	v7 =	vadd.f32 v11, v12;
	[tilespmem:s9+$0x9050] =	vst.add.f32.msk $0xffff, v4  }
0x5a: {  	v3 =	vadd.f32 v13, v15;
	[tilespmem:s9+$0x9070] =	vst.add.f32.msk $0xffff, v5  }
0x5b: {  	s6 =	simm.s32 $0x0;
	s17 =	sadd.s32 $0x1000, s7;
	v1 =	vadd.f32 v8, v1;
	[tilespmem:s9+$0x9020] =	vst.add.f32.msk $0xffff, v7  }
.LBB2_3:
0x5c: {  	s18 =	sshra.s32 s17, $0x2;
	s6 =	sadd.s32 $0x8, s6;
	[tilespmem:s9+$0x9000] =	vst.add.f32.msk $0xffff, v3;
	v6 =	vadd.f32 v0, v6  }
0x5d: {  	v8 =	vld [tilespmem:s18+$0x60];
	p0 =	slt.u32 s6, $0x28;
	[tilespmem:s9+$0x20] =	vst v7  }
0x5e: {  	v7 =	vld [tilespmem:s18+$0x50];
	[tilespmem:s9+$0x10] =	vst v6  }
0x5f: {  	v9 =	vld [tilespmem:s18+$0x4840];
	[tilespmem:s9+$0x50] =	vst v4  }
0x60: {  	v10 =	vld [tilespmem:s18+$0x4860];
	[tilespmem:s9+$0x70] =	vst v5  }
0x61: {  	v0 =	vld [tilespmem:s18+$0x4810];
	[tilespmem:s9+$0x30] =	vst v2  }
0x62: {  	v5 =	vld [tilespmem:s18+$0x70]  }
0x63: {  	v2 =	vld [tilespmem:s18+$0x40]  }
0x64: {  	v11 =	vld [tilespmem:s18+$0x4870]  }
0x65: {  	v4 =	vld [tilespmem:s18+$0x4830]  }
0x66: {  	[tilespmem:s9+$0x9010] =	vst.add.f32.msk $0xffff, v6  }
0x67: {  	v12 =	vld [tilespmem:s18+$0x4850]  }
0x68: {  	v6 =	vld [tilespmem:s18+$0x30]  }
0x69: {  	v13 =	vld [tilespmem:s18+$0x4820];
	[tilespmem:s9+$0x0] =	vst v3  }
0x6a: {  	v3 =	vld [tilespmem:s18+$0x20];
	[tilespmem:s9+$0x60] =	vst v1  }
0x6b: {  	[tilespmem:s9+$0x9060] =	vst.add.f32.msk $0xffff, v1;
	s9 =	smov.u32 s18  }
0x6c: {  	v9 =	vadd.f32 v9, v2;
	v1 =	vld [tilespmem:s9+$0x4800]  }
0x6d: {  	v14 =	vld [tilespmem:s9+$0x0];
	v2 =	vadd.f32 v4, v6  }
0x6e: {  	v4 =	vadd.f32 v12, v7;
	v6 =	vld [tilespmem:s9+$0x10];
	[tilespmem:s9+$0x40] =	vst v9  }
.Ltmp0:
0x6f: {  	v5 =	vadd.f32 v11, v5;
	v7 =	vadd.f32 v13, v3;
	[tilespmem:s9+$0x9040] =	vst.add.f32.msk $0xffff, v9;
	(pc) =	sbr.rel @p0 .LBB2_3-.Ltmp0, $4  }
0x70: {  	[tilespmem:s9+$0x9030] =	vst.add.f32.msk $0xffff, v2  }
0x71: {  	[tilespmem:s9+$0x9050] =	vst.add.f32.msk $0xffff, v4  }
0x72: {  	v3 =	vadd.f32 v1, v14;
	v1 =	vadd.f32 v10, v8;
	[tilespmem:s9+$0x9070] =	vst.add.f32.msk $0xffff, v5  }
0x73: {  	s17 =	sadd.s32 $0x1000, s17;
	[tilespmem:s9+$0x9020] =	vst.add.f32.msk $0xffff, v7  }
0x74: {  	[tilespmem:s9+$0x9000] =	vst.add.f32.msk $0xffff, v3  }
0x75: {  	[tilespmem:s9+$0x20] =	vst v7  }
0x76: {  	[tilespmem:s9+$0x50] =	vst v4  }
0x77: {  	[tilespmem:s9+$0x70] =	vst v5;
	s8 =	sadd.s32 $0x1, s8  }
0x78: {  	[tilespmem:s9+$0x30] =	vst v2;
	p0 =	sne.s32 s8, $0x8  }
.Ltmp1:
0x79: {  	[tilespmem:s9+$0x0] =	vst v3;
	(pc) =	sbr.rel @p0 .LBB2_2-.Ltmp1, $4  }
0x7a: {  	v0 =	vadd.f32 v0, v6;
	[tilespmem:s9+$0x60] =	vst v1  }
0x7b: {  	[tilespmem:s9+$0x9060] =	vst.add.f32.msk $0xffff, v1  }
0x7c: {  	[tilespmem:s9+$0x10] =	vst v0  }
0x7d: {  	s7 =	sadd.s32 $0x200, s7;
	[tilespmem:s9+$0x9010] =	vst.add.f32.msk $0xffff, v0  }
0x7e: {  	s6 =	simm.s32 $0x0;
	s7 =	rddreg [dreg:$0xb]  }
0x7f: {  	[hbm4b:s7+s6] =	stream.linear.scatter [tilespmem:s28], [sflag:$0xA], $0x1800, $0x38;
	[tilespmem:$0x1B000] =	vst v63  }
0x80: {  	s7 =	simm.s32 $0x0  }
.LBB2_6:
0x81: {  	s8 =	sshra.s32 s6, $0x2  }
0x82: {  	v0 =	vld [tilespmem:s8+$0x70]  }
0x83: {  	v1 =	vld [tilespmem:s8+$0x0]  }
0x84: {  	v2 =	vld [tilespmem:s8+$0x10]  }
0x85: {  	v3 =	vld [tilespmem:s8+$0x20]  }
0x86: {  	v4 =	vld [tilespmem:s8+$0x30]  }
0x87: {  	v5 =	vld [tilespmem:s8+$0x40]  }
0x88: {  	v6 =	vld [tilespmem:s8+$0x50]  }
0x89: {  	[tilespmem:s8+$0xA870] =	vst.add.f32.msk $0xffff, v0  }
0x8a: {  	v0 =	vld [tilespmem:s8+$0x60]  }
0x8b: {  	[tilespmem:s8+$0xA800] =	vst.add.f32.msk $0xffff, v1  }
0x8c: {  	[tilespmem:s8+$0xA810] =	vst.add.f32.msk $0xffff, v2  }
0x8d: {  	[tilespmem:s8+$0xA820] =	vst.add.f32.msk $0xffff, v3  }
0x8e: {  	[tilespmem:s8+$0xA830] =	vst.add.f32.msk $0xffff, v4  }
0x8f: {  	[tilespmem:s8+$0xA840] =	vst.add.f32.msk $0xffff, v5  }
0x90: {  	s9 =	simm.s32 $0x0;
	s17 =	sadd.s32 $0x1000, s6;
	[tilespmem:s8+$0xA850] =	vst.add.f32.msk $0xffff, v6  }
.LBB2_7:
0x91: {  	s9 =	sadd.s32 $0x8, s9;
	[tilespmem:s8+$0xA860] =	vst.add.f32.msk $0xffff, v0;
	s8 =	sshra.s32 s17, $0x2  }
0x92: {  	v0 =	vld [tilespmem:s8+$0x70];
	p0 =	slt.u32 s9, $0x28  }
0x93: {  	v1 =	vld [tilespmem:s8+$0x0]  }
0x94: {  	v2 =	vld [tilespmem:s8+$0x10]  }
0x95: {  	v3 =	vld [tilespmem:s8+$0x20]  }
0x96: {  	v4 =	vld [tilespmem:s8+$0x30]  }
0x97: {  	[tilespmem:s8+$0xA870] =	vst.add.f32.msk $0xffff, v0  }
0x98: {  	v5 =	vld [tilespmem:s8+$0x40]  }
0x99: {  	v6 =	vld [tilespmem:s8+$0x50]  }
0x9a: {  	v0 =	vld [tilespmem:s8+$0x60]  }
0x9b: {  	[tilespmem:s8+$0xA800] =	vst.add.f32.msk $0xffff, v1  }
.Ltmp2:
0x9c: {  	[tilespmem:s8+$0xA810] =	vst.add.f32.msk $0xffff, v2;
	(pc) =	sbr.rel @p0 .LBB2_7-.Ltmp2, $4  }
0x9d: {  	[tilespmem:s8+$0xA820] =	vst.add.f32.msk $0xffff, v3  }
0x9e: {  	[tilespmem:s8+$0xA830] =	vst.add.f32.msk $0xffff, v4  }
0x9f: {  	[tilespmem:s8+$0xA840] =	vst.add.f32.msk $0xffff, v5  }
0xa0: {  	s17 =	sadd.s32 $0x1000, s17;
	[tilespmem:s8+$0xA850] =	vst.add.f32.msk $0xffff, v6  }
0xa1: {  	s7 =	sadd.s32 $0x1, s7  }
0xa2: {  	p0 =	sne.s32 s7, $0x8  }
.Ltmp3:
0xa3: {  	_ = 	snop;
	(pc) =	sbr.rel @p0 .LBB2_6-.Ltmp3, $2  }
0xa4: {  	_ =	sdelay $0x2  }
0xa5: {  	[tilespmem:s8+$0xA860] =	vst.add.f32.msk $0xffff, v0;
	s6 =	sadd.s32 $0x200, s6  }
0xa6: {  	s6 =	simm.s32 $0x0;
	s7 =	rddreg [dreg:$0x17];
	s8 =	simm.s32 $0xA800  }
0xa7: {  	[hbm4b:s7+s6] =	stream.linear.scatter [tilespmem:s8], [sflag:$0xA], $0x1800, $0x38;
	[tilespmem:$0x1B000] =	vst v63  }
0xa8: {  	s7 =	simm.s32 $0x0  }
.LBB2_10:
0xa9: {  	s8 =	sshra.s32 s6, $0x2  }
0xaa: {  	v0 =	vld [tilespmem:s8+$0x70]  }
0xab: {  	v1 =	vld [tilespmem:s8+$0x0]  }
0xac: {  	v2 =	vld [tilespmem:s8+$0x10]  }
0xad: {  	v3 =	vld [tilespmem:s8+$0x20]  }
0xae: {  	v4 =	vld [tilespmem:s8+$0x30]  }
0xaf: {  	v5 =	vld [tilespmem:s8+$0x40]  }
0xb0: {  	v6 =	vld [tilespmem:s8+$0x50]  }
0xb1: {  	[tilespmem:s8+$0xC070] =	vst.add.f32.msk $0xffff, v0  }
0xb2: {  	v0 =	vld [tilespmem:s8+$0x60]  }
0xb3: {  	[tilespmem:s8+$0xC000] =	vst.add.f32.msk $0xffff, v1  }
0xb4: {  	[tilespmem:s8+$0xC010] =	vst.add.f32.msk $0xffff, v2  }
0xb5: {  	[tilespmem:s8+$0xC020] =	vst.add.f32.msk $0xffff, v3  }
0xb6: {  	[tilespmem:s8+$0xC030] =	vst.add.f32.msk $0xffff, v4  }
0xb7: {  	[tilespmem:s8+$0xC040] =	vst.add.f32.msk $0xffff, v5  }
0xb8: {  	s9 =	simm.s32 $0x0;
	s17 =	sadd.s32 $0x1000, s6;
	[tilespmem:s8+$0xC050] =	vst.add.f32.msk $0xffff, v6  }
.LBB2_11:
0xb9: {  	s9 =	sadd.s32 $0x8, s9;
	[tilespmem:s8+$0xC060] =	vst.add.f32.msk $0xffff, v0;
	s8 =	sshra.s32 s17, $0x2  }
0xba: {  	v0 =	vld [tilespmem:s8+$0x70];
	p0 =	slt.u32 s9, $0x28  }
0xbb: {  	v1 =	vld [tilespmem:s8+$0x0]  }
0xbc: {  	v2 =	vld [tilespmem:s8+$0x10]  }
0xbd: {  	v3 =	vld [tilespmem:s8+$0x20]  }
0xbe: {  	v4 =	vld [tilespmem:s8+$0x30]  }
0xbf: {  	[tilespmem:s8+$0xC070] =	vst.add.f32.msk $0xffff, v0  }
0xc0: {  	v5 =	vld [tilespmem:s8+$0x40]  }
0xc1: {  	v6 =	vld [tilespmem:s8+$0x50]  }
0xc2: {  	v0 =	vld [tilespmem:s8+$0x60]  }
0xc3: {  	[tilespmem:s8+$0xC000] =	vst.add.f32.msk $0xffff, v1  }
.Ltmp4:
0xc4: {  	[tilespmem:s8+$0xC010] =	vst.add.f32.msk $0xffff, v2;
	(pc) =	sbr.rel @p0 .LBB2_11-.Ltmp4, $4  }
0xc5: {  	[tilespmem:s8+$0xC020] =	vst.add.f32.msk $0xffff, v3  }
0xc6: {  	[tilespmem:s8+$0xC030] =	vst.add.f32.msk $0xffff, v4  }
0xc7: {  	[tilespmem:s8+$0xC040] =	vst.add.f32.msk $0xffff, v5  }
0xc8: {  	s17 =	sadd.s32 $0x1000, s17;
	[tilespmem:s8+$0xC050] =	vst.add.f32.msk $0xffff, v6  }
0xc9: {  	s7 =	sadd.s32 $0x1, s7  }
0xca: {  	p0 =	sne.s32 s7, $0x8  }
.Ltmp5:
0xcb: {  	_ = 	snop;
	(pc) =	sbr.rel @p0 .LBB2_10-.Ltmp5, $2  }
0xcc: {  	_ =	sdelay $0x2  }
0xcd: {  	[tilespmem:s8+$0xC060] =	vst.add.f32.msk $0xffff, v0;
	s6 =	sadd.s32 $0x200, s6  }
0xce: {  	s6 =	simm.s32 $0x0;
	s7 =	rddreg [dreg:$0x18];
	s8 =	simm.s32 $0xC000  }
0xcf: {  	[hbm4b:s7+s6] =	stream.linear.scatter [tilespmem:s8], [sflag:$0xA], $0x1800, $0x38;
	[tilespmem:$0x1B000] =	vst v63  }
0xd0: {  	s7 =	simm.s32 $0x0  }
.LBB2_14:
0xd1: {  	s8 =	sshra.s32 s6, $0x2  }
0xd2: {  	v0 =	vld [tilespmem:s8+$0x70]  }
0xd3: {  	v1 =	vld [tilespmem:s8+$0x0]  }
0xd4: {  	v2 =	vld [tilespmem:s8+$0x10]  }
0xd5: {  	v3 =	vld [tilespmem:s8+$0x20]  }
0xd6: {  	v4 =	vld [tilespmem:s8+$0x30]  }
0xd7: {  	v5 =	vld [tilespmem:s8+$0x40]  }
0xd8: {  	v6 =	vld [tilespmem:s8+$0x50]  }
0xd9: {  	[tilespmem:s8+$0xD870] =	vst.add.f32.msk $0xffff, v0  }
0xda: {  	v0 =	vld [tilespmem:s8+$0x60]  }
0xdb: {  	[tilespmem:s8+$0xD800] =	vst.add.f32.msk $0xffff, v1  }
0xdc: {  	[tilespmem:s8+$0xD810] =	vst.add.f32.msk $0xffff, v2  }
0xdd: {  	[tilespmem:s8+$0xD820] =	vst.add.f32.msk $0xffff, v3  }
0xde: {  	[tilespmem:s8+$0xD830] =	vst.add.f32.msk $0xffff, v4  }
0xdf: {  	[tilespmem:s8+$0xD840] =	vst.add.f32.msk $0xffff, v5  }
0xe0: {  	s9 =	simm.s32 $0x0;
	s17 =	sadd.s32 $0x1000, s6;
	[tilespmem:s8+$0xD850] =	vst.add.f32.msk $0xffff, v6  }
.LBB2_15:
0xe1: {  	s9 =	sadd.s32 $0x8, s9;
	[tilespmem:s8+$0xD860] =	vst.add.f32.msk $0xffff, v0;
	s8 =	sshra.s32 s17, $0x2  }
0xe2: {  	v0 =	vld [tilespmem:s8+$0x70];
	p0 =	slt.u32 s9, $0x28  }
0xe3: {  	v1 =	vld [tilespmem:s8+$0x0]  }
0xe4: {  	v2 =	vld [tilespmem:s8+$0x10]  }
0xe5: {  	v3 =	vld [tilespmem:s8+$0x20]  }
0xe6: {  	v4 =	vld [tilespmem:s8+$0x30]  }
0xe7: {  	[tilespmem:s8+$0xD870] =	vst.add.f32.msk $0xffff, v0  }
0xe8: {  	v5 =	vld [tilespmem:s8+$0x40]  }
0xe9: {  	v6 =	vld [tilespmem:s8+$0x50]  }
0xea: {  	v0 =	vld [tilespmem:s8+$0x60]  }
0xeb: {  	[tilespmem:s8+$0xD800] =	vst.add.f32.msk $0xffff, v1  }
.Ltmp6:
0xec: {  	[tilespmem:s8+$0xD810] =	vst.add.f32.msk $0xffff, v2;
	(pc) =	sbr.rel @p0 .LBB2_15-.Ltmp6, $4  }
0xed: {  	[tilespmem:s8+$0xD820] =	vst.add.f32.msk $0xffff, v3  }
0xee: {  	[tilespmem:s8+$0xD830] =	vst.add.f32.msk $0xffff, v4  }
0xef: {  	[tilespmem:s8+$0xD840] =	vst.add.f32.msk $0xffff, v5  }
0xf0: {  	s17 =	sadd.s32 $0x1000, s17;
	[tilespmem:s8+$0xD850] =	vst.add.f32.msk $0xffff, v6  }
0xf1: {  	s7 =	sadd.s32 $0x1, s7  }
0xf2: {  	p0 =	sne.s32 s7, $0x8  }
.Ltmp7:
0xf3: {  	_ = 	snop;
	(pc) =	sbr.rel @p0 .LBB2_14-.Ltmp7, $2  }
0xf4: {  	_ =	sdelay $0x2  }
0xf5: {  	[tilespmem:s8+$0xD860] =	vst.add.f32.msk $0xffff, v0;
	s6 =	sadd.s32 $0x200, s6  }
0xf6: {  	s7 =	simm.s32 $0x0;
	s6 =	rddreg [dreg:$0x19];
	s8 =	simm.s32 $0xD800  }
0xf7: {  	[hbm4b:s6+s7] =	stream.linear.scatter [tilespmem:s8], [sflag:$0xA], $0x1800, $0x38;
	[tilespmem:$0x1B000] =	vst v63  }
0xf8: {  	_ =	swait.ge [sflag:s10], $0x1800  }
0xf9: {  	[sflag:s10] =	ssyncset.done $0x0  }
0xfa: {  	[sflag:s10] =	ssyncadd.s32 $0xFFFFE800  }
0xfb: {  	_ =	swait.ge [sflag:s11], $0x1800  }
0xfc: {  	[sflag:s11] =	ssyncset.done $0x0  }
0xfd: {  	s19 =	simm.s32 $0x3000;
	s18 =	rddreg [dreg:$0xc];
	[sflag:s11] =	ssyncadd.s32 $0xFFFFE800  }
0xfe: {  	[tilespmem:s19], [sflag:$0x3] =	stream.linear.gather [hbm4b:s18+s7], $0x1800, $0x38;
	[tilespmem:$0x1B000] =	vst v63  }
0xff: {  	s21 =	simm.s32 $0x7800;
	s20 =	rddreg [dreg:$0xd]  }
0x100: {  	[tilespmem:s21], [sflag:$0x6] =	stream.linear.gather [hbm4b:s20+s7], $0x1800, $0x38;
	[tilespmem:$0x1B000] =	vst v63  }
0x101: {  	s22 =	rddreg [dreg:$0xe]  }
0x102: {  	[tilespmem:s15], [sflag:$0x9] =	stream.strided.gather [hbm4b:s22+s25], $0x6000, s26, s25, $0x38;
	[tilespmem:$0x1B000] =	vst v63  }
0x103: {  	_ =	swait.ge [sflag:s16], $0x6000  }
0x104: {  	[sflag:s16] =	ssyncset.done $0x0  }
0x105: {  	s8 =	simm.s32 $0x0;
	[sflag:s16] =	ssyncadd.s32 $0xFFFFA000  }
.LBB2_18:
0x106: {  	s9 =	sshra.s32 s7, $0x2  }
0x107: {  	v1 =	vld [tilespmem:s9+$0x1860]  }
0x108: {  	v3 =	vld [tilespmem:s9+$0x1850]  }
0x109: {  	v2 =	vld [tilespmem:s9+$0x6040]  }
0x10a: {  	v8 =	vld [tilespmem:s9+$0x6060]  }
0x10b: {  	v0 =	vld [tilespmem:s9+$0x6010]  }
0x10c: {  	v5 =	vld [tilespmem:s9+$0x1870]  }
0x10d: {  	v4 =	vld [tilespmem:s9+$0x1840]  }
0x10e: {  	v7 =	vld [tilespmem:s9+$0x6070]  }
0x10f: {  	v6 =	vld [tilespmem:s9+$0x6030]  }
0x110: {  	v9 =	vld [tilespmem:s9+$0x6050]  }
0x111: {  	v10 =	vld [tilespmem:s9+$0x1830]  }
0x112: {  	v11 =	vld [tilespmem:s9+$0x6020]  }
0x113: {  	v12 =	vld [tilespmem:s9+$0x1820]  }
0x114: {  	v13 =	vld [tilespmem:s9+$0x6000];
	v14 =	vadd.f32 v2, v4  }
0x115: {  	v15 =	vld [tilespmem:s9+$0x1800]  }
0x116: {  	v2 =	vadd.f32 v6, v10;
	v6 =	vld [tilespmem:s9+$0x1810];
	[tilespmem:s9+$0x1840] =	vst v14  }
0x117: {  	v4 =	vadd.f32 v9, v3;
	[tilespmem:s9+$0xF040] =	vst.add.f32.msk $0xffff, v14  }
0x118: {  	v5 =	vadd.f32 v7, v5;
	[tilespmem:s9+$0xF030] =	vst.add.f32.msk $0xffff, v2  }
0x119: {  	v7 =	vadd.f32 v11, v12;
	[tilespmem:s9+$0xF050] =	vst.add.f32.msk $0xffff, v4  }
0x11a: {  	v3 =	vadd.f32 v13, v15;
	[tilespmem:s9+$0xF070] =	vst.add.f32.msk $0xffff, v5  }
0x11b: {  	s6 =	simm.s32 $0x0;
	s17 =	sadd.s32 $0x1000, s7;
	v1 =	vadd.f32 v8, v1;
	[tilespmem:s9+$0xF020] =	vst.add.f32.msk $0xffff, v7  }
.LBB2_19:
0x11c: {  	s18 =	sshra.s32 s17, $0x2;
	s6 =	sadd.s32 $0x8, s6;
	[tilespmem:s9+$0xF000] =	vst.add.f32.msk $0xffff, v3;
	v6 =	vadd.f32 v0, v6  }
0x11d: {  	v8 =	vld [tilespmem:s18+$0x1860];
	p0 =	slt.u32 s6, $0x28;
	[tilespmem:s9+$0x1820] =	vst v7  }
0x11e: {  	v7 =	vld [tilespmem:s18+$0x1850];
	[tilespmem:s9+$0x1810] =	vst v6  }
0x11f: {  	v9 =	vld [tilespmem:s18+$0x6040];
	[tilespmem:s9+$0x1850] =	vst v4  }
0x120: {  	v10 =	vld [tilespmem:s18+$0x6060];
	[tilespmem:s9+$0x1870] =	vst v5  }
0x121: {  	v0 =	vld [tilespmem:s18+$0x6010];
	[tilespmem:s9+$0x1830] =	vst v2  }
0x122: {  	v5 =	vld [tilespmem:s18+$0x1870]  }
0x123: {  	v2 =	vld [tilespmem:s18+$0x1840]  }
0x124: {  	v11 =	vld [tilespmem:s18+$0x6070]  }
0x125: {  	v4 =	vld [tilespmem:s18+$0x6030]  }
0x126: {  	[tilespmem:s9+$0xF010] =	vst.add.f32.msk $0xffff, v6  }
0x127: {  	v12 =	vld [tilespmem:s18+$0x6050]  }
0x128: {  	v6 =	vld [tilespmem:s18+$0x1830]  }
0x129: {  	v13 =	vld [tilespmem:s18+$0x6020];
	[tilespmem:s9+$0x1800] =	vst v3  }
0x12a: {  	v3 =	vld [tilespmem:s18+$0x1820];
	[tilespmem:s9+$0x1860] =	vst v1  }
0x12b: {  	[tilespmem:s9+$0xF060] =	vst.add.f32.msk $0xffff, v1;
	s9 =	smov.u32 s18  }
0x12c: {  	v9 =	vadd.f32 v9, v2;
	v1 =	vld [tilespmem:s9+$0x6000]  }
0x12d: {  	v14 =	vld [tilespmem:s9+$0x1800];
	v2 =	vadd.f32 v4, v6  }
0x12e: {  	v4 =	vadd.f32 v12, v7;
	v6 =	vld [tilespmem:s9+$0x1810];
	[tilespmem:s9+$0x1840] =	vst v9  }
.Ltmp8:
0x12f: {  	v5 =	vadd.f32 v11, v5;
	v7 =	vadd.f32 v13, v3;
	[tilespmem:s9+$0xF040] =	vst.add.f32.msk $0xffff, v9;
	(pc) =	sbr.rel @p0 .LBB2_19-.Ltmp8, $4  }
0x130: {  	[tilespmem:s9+$0xF030] =	vst.add.f32.msk $0xffff, v2  }
0x131: {  	[tilespmem:s9+$0xF050] =	vst.add.f32.msk $0xffff, v4  }
0x132: {  	v3 =	vadd.f32 v1, v14;
	v1 =	vadd.f32 v10, v8;
	[tilespmem:s9+$0xF070] =	vst.add.f32.msk $0xffff, v5  }
0x133: {  	s17 =	sadd.s32 $0x1000, s17;
	[tilespmem:s9+$0xF020] =	vst.add.f32.msk $0xffff, v7  }
0x134: {  	[tilespmem:s9+$0xF000] =	vst.add.f32.msk $0xffff, v3  }
0x135: {  	[tilespmem:s9+$0x1820] =	vst v7  }
0x136: {  	[tilespmem:s9+$0x1850] =	vst v4  }
0x137: {  	[tilespmem:s9+$0x1870] =	vst v5;
	s8 =	sadd.s32 $0x1, s8  }
0x138: {  	[tilespmem:s9+$0x1830] =	vst v2;
	p0 =	sne.s32 s8, $0x8  }
.Ltmp9:
0x139: {  	[tilespmem:s9+$0x1800] =	vst v3;
	(pc) =	sbr.rel @p0 .LBB2_18-.Ltmp9, $4  }
0x13a: {  	v0 =	vadd.f32 v0, v6;
	[tilespmem:s9+$0x1860] =	vst v1  }
0x13b: {  	[tilespmem:s9+$0xF060] =	vst.add.f32.msk $0xffff, v1  }
0x13c: {  	[tilespmem:s9+$0x1810] =	vst v0  }
0x13d: {  	s7 =	sadd.s32 $0x200, s7;
	[tilespmem:s9+$0xF010] =	vst.add.f32.msk $0xffff, v0  }
0x13e: {  	s6 =	simm.s32 $0x0;
	s7 =	rddreg [dreg:$0xf]  }
0x13f: {  	[hbm4b:s7+s6] =	stream.linear.scatter [tilespmem:s3], [sflag:$0xB], $0x1800, $0x38;
	[tilespmem:$0x1B000] =	vst v63  }
0x140: {  	s7 =	simm.s32 $0x0  }
.LBB2_22:
0x141: {  	s8 =	sshra.s32 s6, $0x2  }
0x142: {  	v0 =	vld [tilespmem:s8+$0x1870]  }
0x143: {  	v1 =	vld [tilespmem:s8+$0x1800]  }
0x144: {  	v2 =	vld [tilespmem:s8+$0x1810]  }
0x145: {  	v3 =	vld [tilespmem:s8+$0x1820]  }
0x146: {  	v4 =	vld [tilespmem:s8+$0x1830]  }
0x147: {  	v5 =	vld [tilespmem:s8+$0x1840]  }
0x148: {  	v6 =	vld [tilespmem:s8+$0x1850]  }
0x149: {  	[tilespmem:s8+$0x10870] =	vst.add.f32.msk $0xffff, v0  }
0x14a: {  	v0 =	vld [tilespmem:s8+$0x1860]  }
0x14b: {  	[tilespmem:s8+$0x10800] =	vst.add.f32.msk $0xffff, v1  }
0x14c: {  	[tilespmem:s8+$0x10810] =	vst.add.f32.msk $0xffff, v2  }
0x14d: {  	[tilespmem:s8+$0x10820] =	vst.add.f32.msk $0xffff, v3  }
0x14e: {  	[tilespmem:s8+$0x10830] =	vst.add.f32.msk $0xffff, v4  }
0x14f: {  	[tilespmem:s8+$0x10840] =	vst.add.f32.msk $0xffff, v5  }
0x150: {  	s9 =	simm.s32 $0x0;
	s17 =	sadd.s32 $0x1000, s6;
	[tilespmem:s8+$0x10850] =	vst.add.f32.msk $0xffff, v6  }
.LBB2_23:
0x151: {  	s9 =	sadd.s32 $0x8, s9;
	[tilespmem:s8+$0x10860] =	vst.add.f32.msk $0xffff, v0;
	s8 =	sshra.s32 s17, $0x2  }
0x152: {  	v0 =	vld [tilespmem:s8+$0x1870];
	p0 =	slt.u32 s9, $0x28  }
0x153: {  	v1 =	vld [tilespmem:s8+$0x1800]  }
0x154: {  	v2 =	vld [tilespmem:s8+$0x1810]  }
0x155: {  	v3 =	vld [tilespmem:s8+$0x1820]  }
0x156: {  	v4 =	vld [tilespmem:s8+$0x1830]  }
0x157: {  	[tilespmem:s8+$0x10870] =	vst.add.f32.msk $0xffff, v0  }
0x158: {  	v5 =	vld [tilespmem:s8+$0x1840]  }
0x159: {  	v6 =	vld [tilespmem:s8+$0x1850]  }
0x15a: {  	v0 =	vld [tilespmem:s8+$0x1860]  }
0x15b: {  	[tilespmem:s8+$0x10800] =	vst.add.f32.msk $0xffff, v1  }
.Ltmp10:
0x15c: {  	[tilespmem:s8+$0x10810] =	vst.add.f32.msk $0xffff, v2;
	(pc) =	sbr.rel @p0 .LBB2_23-.Ltmp10, $4  }
0x15d: {  	[tilespmem:s8+$0x10820] =	vst.add.f32.msk $0xffff, v3  }
0x15e: {  	[tilespmem:s8+$0x10830] =	vst.add.f32.msk $0xffff, v4  }
0x15f: {  	[tilespmem:s8+$0x10840] =	vst.add.f32.msk $0xffff, v5  }
0x160: {  	s17 =	sadd.s32 $0x1000, s17;
	[tilespmem:s8+$0x10850] =	vst.add.f32.msk $0xffff, v6  }
0x161: {  	s7 =	sadd.s32 $0x1, s7  }
0x162: {  	p0 =	sne.s32 s7, $0x8  }
.Ltmp11:
0x163: {  	_ = 	snop;
	(pc) =	sbr.rel @p0 .LBB2_22-.Ltmp11, $2  }
0x164: {  	_ =	sdelay $0x2  }
0x165: {  	[tilespmem:s8+$0x10860] =	vst.add.f32.msk $0xffff, v0;
	s6 =	sadd.s32 $0x200, s6  }
0x166: {  	s6 =	simm.s32 $0x0;
	s7 =	rddreg [dreg:$0x1a];
	s8 =	simm.s32 $0x10800  }
0x167: {  	[hbm4b:s7+s6] =	stream.linear.scatter [tilespmem:s8], [sflag:$0xB], $0x1800, $0x38;
	[tilespmem:$0x1B000] =	vst v63  }
0x168: {  	s7 =	simm.s32 $0x0  }
.LBB2_26:
0x169: {  	s8 =	sshra.s32 s6, $0x2  }
0x16a: {  	v0 =	vld [tilespmem:s8+$0x1870]  }
0x16b: {  	v1 =	vld [tilespmem:s8+$0x1800]  }
0x16c: {  	v2 =	vld [tilespmem:s8+$0x1810]  }
0x16d: {  	v3 =	vld [tilespmem:s8+$0x1820]  }
0x16e: {  	v4 =	vld [tilespmem:s8+$0x1830]  }
0x16f: {  	v5 =	vld [tilespmem:s8+$0x1840]  }
0x170: {  	v6 =	vld [tilespmem:s8+$0x1850]  }
0x171: {  	[tilespmem:s8+$0x12070] =	vst.add.f32.msk $0xffff, v0  }
0x172: {  	v0 =	vld [tilespmem:s8+$0x1860]  }
0x173: {  	[tilespmem:s8+$0x12000] =	vst.add.f32.msk $0xffff, v1  }
0x174: {  	[tilespmem:s8+$0x12010] =	vst.add.f32.msk $0xffff, v2  }
0x175: {  	[tilespmem:s8+$0x12020] =	vst.add.f32.msk $0xffff, v3  }
0x176: {  	[tilespmem:s8+$0x12030] =	vst.add.f32.msk $0xffff, v4  }
0x177: {  	[tilespmem:s8+$0x12040] =	vst.add.f32.msk $0xffff, v5  }
0x178: {  	s9 =	simm.s32 $0x0;
	s17 =	sadd.s32 $0x1000, s6;
	[tilespmem:s8+$0x12050] =	vst.add.f32.msk $0xffff, v6  }
.LBB2_27:
0x179: {  	s9 =	sadd.s32 $0x8, s9;
	[tilespmem:s8+$0x12060] =	vst.add.f32.msk $0xffff, v0;
	s8 =	sshra.s32 s17, $0x2  }
0x17a: {  	v0 =	vld [tilespmem:s8+$0x1870];
	p0 =	slt.u32 s9, $0x28  }
0x17b: {  	v1 =	vld [tilespmem:s8+$0x1800]  }
0x17c: {  	v2 =	vld [tilespmem:s8+$0x1810]  }
0x17d: {  	v3 =	vld [tilespmem:s8+$0x1820]  }
0x17e: {  	v4 =	vld [tilespmem:s8+$0x1830]  }
0x17f: {  	[tilespmem:s8+$0x12070] =	vst.add.f32.msk $0xffff, v0  }
0x180: {  	v5 =	vld [tilespmem:s8+$0x1840]  }
0x181: {  	v6 =	vld [tilespmem:s8+$0x1850]  }
0x182: {  	v0 =	vld [tilespmem:s8+$0x1860]  }
0x183: {  	[tilespmem:s8+$0x12000] =	vst.add.f32.msk $0xffff, v1  }
.Ltmp12:
0x184: {  	[tilespmem:s8+$0x12010] =	vst.add.f32.msk $0xffff, v2;
	(pc) =	sbr.rel @p0 .LBB2_27-.Ltmp12, $4  }
0x185: {  	[tilespmem:s8+$0x12020] =	vst.add.f32.msk $0xffff, v3  }
0x186: {  	[tilespmem:s8+$0x12030] =	vst.add.f32.msk $0xffff, v4  }
0x187: {  	[tilespmem:s8+$0x12040] =	vst.add.f32.msk $0xffff, v5  }
0x188: {  	s17 =	sadd.s32 $0x1000, s17;
	[tilespmem:s8+$0x12050] =	vst.add.f32.msk $0xffff, v6  }
0x189: {  	s7 =	sadd.s32 $0x1, s7  }
0x18a: {  	p0 =	sne.s32 s7, $0x8  }
.Ltmp13:
0x18b: {  	_ = 	snop;
	(pc) =	sbr.rel @p0 .LBB2_26-.Ltmp13, $2  }
0x18c: {  	_ =	sdelay $0x2  }
0x18d: {  	[tilespmem:s8+$0x12060] =	vst.add.f32.msk $0xffff, v0;
	s6 =	sadd.s32 $0x200, s6  }
0x18e: {  	s6 =	simm.s32 $0x0;
	s7 =	rddreg [dreg:$0x1f];
	s8 =	simm.s32 $0x12000  }
0x18f: {  	[hbm4b:s7+s6] =	stream.linear.scatter [tilespmem:s8], [sflag:$0xB], $0x1800, $0x38;
	[tilespmem:$0x1B000] =	vst v63  }
0x190: {  	s7 =	simm.s32 $0x0  }
.LBB2_30:
0x191: {  	s8 =	sshra.s32 s6, $0x2  }
0x192: {  	v0 =	vld [tilespmem:s8+$0x1870]  }
0x193: {  	v1 =	vld [tilespmem:s8+$0x1800]  }
0x194: {  	v2 =	vld [tilespmem:s8+$0x1810]  }
0x195: {  	v3 =	vld [tilespmem:s8+$0x1820]  }
0x196: {  	v4 =	vld [tilespmem:s8+$0x1830]  }
0x197: {  	v5 =	vld [tilespmem:s8+$0x1840]  }
0x198: {  	v6 =	vld [tilespmem:s8+$0x1850]  }
0x199: {  	[tilespmem:s8+$0x13870] =	vst.add.f32.msk $0xffff, v0  }
0x19a: {  	v0 =	vld [tilespmem:s8+$0x1860]  }
0x19b: {  	[tilespmem:s8+$0x13800] =	vst.add.f32.msk $0xffff, v1  }
0x19c: {  	[tilespmem:s8+$0x13810] =	vst.add.f32.msk $0xffff, v2  }
0x19d: {  	[tilespmem:s8+$0x13820] =	vst.add.f32.msk $0xffff, v3  }
0x19e: {  	[tilespmem:s8+$0x13830] =	vst.add.f32.msk $0xffff, v4  }
0x19f: {  	[tilespmem:s8+$0x13840] =	vst.add.f32.msk $0xffff, v5  }
0x1a0: {  	s9 =	simm.s32 $0x0;
	s17 =	sadd.s32 $0x1000, s6;
	[tilespmem:s8+$0x13850] =	vst.add.f32.msk $0xffff, v6  }
.LBB2_31:
0x1a1: {  	s9 =	sadd.s32 $0x8, s9;
	[tilespmem:s8+$0x13860] =	vst.add.f32.msk $0xffff, v0;
	s8 =	sshra.s32 s17, $0x2  }
0x1a2: {  	v0 =	vld [tilespmem:s8+$0x1870];
	p0 =	slt.u32 s9, $0x28  }
0x1a3: {  	v1 =	vld [tilespmem:s8+$0x1800]  }
0x1a4: {  	v2 =	vld [tilespmem:s8+$0x1810]  }
0x1a5: {  	v3 =	vld [tilespmem:s8+$0x1820]  }
0x1a6: {  	v4 =	vld [tilespmem:s8+$0x1830]  }
0x1a7: {  	[tilespmem:s8+$0x13870] =	vst.add.f32.msk $0xffff, v0  }
0x1a8: {  	v5 =	vld [tilespmem:s8+$0x1840]  }
0x1a9: {  	v6 =	vld [tilespmem:s8+$0x1850]  }
0x1aa: {  	v0 =	vld [tilespmem:s8+$0x1860]  }
0x1ab: {  	[tilespmem:s8+$0x13800] =	vst.add.f32.msk $0xffff, v1  }
.Ltmp14:
0x1ac: {  	[tilespmem:s8+$0x13810] =	vst.add.f32.msk $0xffff, v2;
	(pc) =	sbr.rel @p0 .LBB2_31-.Ltmp14, $4  }
0x1ad: {  	[tilespmem:s8+$0x13820] =	vst.add.f32.msk $0xffff, v3  }
0x1ae: {  	[tilespmem:s8+$0x13830] =	vst.add.f32.msk $0xffff, v4  }
0x1af: {  	[tilespmem:s8+$0x13840] =	vst.add.f32.msk $0xffff, v5  }
0x1b0: {  	s17 =	sadd.s32 $0x1000, s17;
	[tilespmem:s8+$0x13850] =	vst.add.f32.msk $0xffff, v6  }
0x1b1: {  	s7 =	sadd.s32 $0x1, s7  }
0x1b2: {  	p0 =	sne.s32 s7, $0x8  }
.Ltmp15:
0x1b3: {  	_ = 	snop;
	(pc) =	sbr.rel @p0 .LBB2_30-.Ltmp15, $2  }
0x1b4: {  	_ =	sdelay $0x2  }
0x1b5: {  	[tilespmem:s8+$0x13860] =	vst.add.f32.msk $0xffff, v0;
	s6 =	sadd.s32 $0x200, s6  }
0x1b6: {  	s6 =	sld [smem:$0x7F2];
	_ =	sdelay $0x1  }
0x1b7: {  	s7 =	simm.s32 $0x0;
	s8 =	simm.s32 $0x13800  }
0x1b8: {  	[hbm4b:s6+s7] =	stream.linear.scatter [tilespmem:s8], [sflag:$0xB], $0x1800, $0x38;
	[tilespmem:$0x1B000] =	vst v63  }
0x1b9: {  	s8 =	simm.s32 $0x0  }
.LBB2_34:
0x1ba: {  	s9 =	smul.u32 $0x18, s8  }
0x1bb: {  	s6 =	rddreg [dreg:$0x10]  }
0x1bc: {  	_ =	swait.ge [sflag:s23], $0x1800;
	s17 =	sadd.s32 s9, s6  }
0x1bd: {  	[sflag:s23] =	ssyncset.done $0x0;
	s6 =	sadd.s32 $0x8, s17  }
0x1be: {  	[sflag:s23] =	ssyncadd.s32 $0xFFFFE800;
	s6 =	sshrl.u32 s6, $0x3  }
0x1bf: {  	_ =	swait.ge [sflag:s13], $0x1800;
	s6 =	smul.u32 $0x300, s6  }
0x1c0: {  	[sflag:s13] =	ssyncset.done $0x0  }
0x1c1: {  	[sflag:s13] =	ssyncadd.s32 $0xFFFFE800;
	s18 =	sadd.s32 s2, s6  }
0x1c2: {  	[tilespmem:s7], [sflag:$0x1] =	stream.linear.gather [hbm4b:s18+s7], $0x1800, $0x38;
	[tilespmem:$0x1B000] =	vst v63  }
0x1c3: {  	s19 =	simm.s32 $0x4800;
	s22 =	sadd.s32 s4, s6  }
0x1c4: {  	[tilespmem:s19], [sflag:$0x4] =	stream.linear.gather [hbm4b:s22+s7], $0x1800, $0x38;
	[tilespmem:$0x1B000] =	vst v63  }
0x1c5: {  	_ =	swait.ge [sflag:s12], $0x6000  }
0x1c6: {  	[sflag:s12] =	ssyncset.done $0x0  }
0x1c7: {  	s6 =	sadd.s32 s1, s6;
	[sflag:s12] =	ssyncadd.s32 $0xFFFFA000  }
0x1c8: {  	[tilespmem:s28], [sflag:$0x7] =	stream.strided.gather [hbm4b:s6+s25], $0x6000, s26, s25, $0x38;
	[tilespmem:$0x1B000] =	vst v63  }
0x1c9: {  	_ =	swait.ge [sflag:s14], $0x6000  }
0x1ca: {  	[sflag:s14] =	ssyncset.done $0x0  }
0x1cb: {  	s21 =	simm.s32 $0x0;
	s22 =	simm.s32 $0x0;
	[sflag:s14] =	ssyncadd.s32 $0xFFFFA000  }
.LBB2_35:
0x1cc: {  	s6 =	sshra.s32 s21, $0x2  }
0x1cd: {  	v1 =	vld [tilespmem:s6+$0x3060]  }
0x1ce: {  	v3 =	vld [tilespmem:s6+$0x3050]  }
0x1cf: {  	v2 =	vld [tilespmem:s6+$0x7840]  }
0x1d0: {  	v8 =	vld [tilespmem:s6+$0x7860]  }
0x1d1: {  	v0 =	vld [tilespmem:s6+$0x7810]  }
0x1d2: {  	v5 =	vld [tilespmem:s6+$0x3070]  }
0x1d3: {  	v4 =	vld [tilespmem:s6+$0x3040]  }
0x1d4: {  	v7 =	vld [tilespmem:s6+$0x7870]  }
0x1d5: {  	v6 =	vld [tilespmem:s6+$0x7830]  }
0x1d6: {  	v9 =	vld [tilespmem:s6+$0x7850]  }
0x1d7: {  	v10 =	vld [tilespmem:s6+$0x3030]  }
0x1d8: {  	v11 =	vld [tilespmem:s6+$0x7820]  }
0x1d9: {  	v12 =	vld [tilespmem:s6+$0x3020]  }
0x1da: {  	v13 =	vld [tilespmem:s6+$0x7800];
	v14 =	vadd.f32 v2, v4  }
0x1db: {  	v15 =	vld [tilespmem:s6+$0x3000]  }
0x1dc: {  	v2 =	vadd.f32 v6, v10;
	v6 =	vld [tilespmem:s6+$0x3010];
	[tilespmem:s6+$0x3040] =	vst v14  }
0x1dd: {  	v4 =	vadd.f32 v9, v3;
	[tilespmem:s6+$0x15040] =	vst.add.f32.msk $0xffff, v14  }
0x1de: {  	v5 =	vadd.f32 v7, v5;
	[tilespmem:s6+$0x15030] =	vst.add.f32.msk $0xffff, v2  }
0x1df: {  	v7 =	vadd.f32 v11, v12;
	[tilespmem:s6+$0x15050] =	vst.add.f32.msk $0xffff, v4  }
0x1e0: {  	v3 =	vadd.f32 v13, v15;
	[tilespmem:s6+$0x15070] =	vst.add.f32.msk $0xffff, v5  }
0x1e1: {  	s18 =	simm.s32 $0x0;
	s19 =	sadd.s32 $0x1000, s21;
	v1 =	vadd.f32 v8, v1;
	[tilespmem:s6+$0x15020] =	vst.add.f32.msk $0xffff, v7  }
.LBB2_36:
0x1e2: {  	s20 =	sshra.s32 s19, $0x2;
	s18 =	sadd.s32 $0x8, s18;
	[tilespmem:s6+$0x15000] =	vst.add.f32.msk $0xffff, v3;
	v6 =	vadd.f32 v0, v6  }
0x1e3: {  	v8 =	vld [tilespmem:s20+$0x3060];
	p0 =	slt.u32 s18, $0x28;
	[tilespmem:s6+$0x3020] =	vst v7  }
0x1e4: {  	v7 =	vld [tilespmem:s20+$0x3050];
	[tilespmem:s6+$0x3010] =	vst v6  }
0x1e5: {  	v9 =	vld [tilespmem:s20+$0x7840];
	[tilespmem:s6+$0x3050] =	vst v4  }
0x1e6: {  	v10 =	vld [tilespmem:s20+$0x7860];
	[tilespmem:s6+$0x3070] =	vst v5  }
0x1e7: {  	v0 =	vld [tilespmem:s20+$0x7810];
	[tilespmem:s6+$0x3030] =	vst v2  }
0x1e8: {  	v5 =	vld [tilespmem:s20+$0x3070]  }
0x1e9: {  	v2 =	vld [tilespmem:s20+$0x3040]  }
0x1ea: {  	v11 =	vld [tilespmem:s20+$0x7870]  }
0x1eb: {  	v4 =	vld [tilespmem:s20+$0x7830]  }
0x1ec: {  	[tilespmem:s6+$0x15010] =	vst.add.f32.msk $0xffff, v6  }
0x1ed: {  	v12 =	vld [tilespmem:s20+$0x7850]  }
0x1ee: {  	v6 =	vld [tilespmem:s20+$0x3030]  }
0x1ef: {  	v13 =	vld [tilespmem:s20+$0x7820];
	[tilespmem:s6+$0x3000] =	vst v3  }
0x1f0: {  	v3 =	vld [tilespmem:s20+$0x3020];
	[tilespmem:s6+$0x3060] =	vst v1  }
0x1f1: {  	[tilespmem:s6+$0x15060] =	vst.add.f32.msk $0xffff, v1;
	s6 =	smov.u32 s20  }
0x1f2: {  	v9 =	vadd.f32 v9, v2;
	v1 =	vld [tilespmem:s6+$0x7800]  }
0x1f3: {  	v14 =	vld [tilespmem:s6+$0x3000];
	v2 =	vadd.f32 v4, v6  }
0x1f4: {  	v4 =	vadd.f32 v12, v7;
	v6 =	vld [tilespmem:s6+$0x3010];
	[tilespmem:s6+$0x3040] =	vst v9  }
.Ltmp16:
0x1f5: {  	v5 =	vadd.f32 v11, v5;
	v7 =	vadd.f32 v13, v3;
	[tilespmem:s6+$0x15040] =	vst.add.f32.msk $0xffff, v9;
	(pc) =	sbr.rel @p0 .LBB2_36-.Ltmp16, $4  }
0x1f6: {  	[tilespmem:s6+$0x15030] =	vst.add.f32.msk $0xffff, v2  }
0x1f7: {  	[tilespmem:s6+$0x15050] =	vst.add.f32.msk $0xffff, v4  }
0x1f8: {  	v3 =	vadd.f32 v1, v14;
	v1 =	vadd.f32 v10, v8;
	[tilespmem:s6+$0x15070] =	vst.add.f32.msk $0xffff, v5  }
0x1f9: {  	s19 =	sadd.s32 $0x1000, s19;
	[tilespmem:s6+$0x15020] =	vst.add.f32.msk $0xffff, v7  }
0x1fa: {  	[tilespmem:s6+$0x15000] =	vst.add.f32.msk $0xffff, v3  }
0x1fb: {  	[tilespmem:s6+$0x3020] =	vst v7  }
0x1fc: {  	[tilespmem:s6+$0x3050] =	vst v4  }
0x1fd: {  	[tilespmem:s6+$0x3070] =	vst v5;
	s22 =	sadd.s32 $0x1, s22  }
0x1fe: {  	[tilespmem:s6+$0x3030] =	vst v2;
	p0 =	sne.s32 s22, $0x8  }
.Ltmp17:
0x1ff: {  	[tilespmem:s6+$0x3000] =	vst v3;
	(pc) =	sbr.rel @p0 .LBB2_35-.Ltmp17, $4  }
0x200: {  	v0 =	vadd.f32 v0, v6;
	[tilespmem:s6+$0x3060] =	vst v1  }
0x201: {  	[tilespmem:s6+$0x15060] =	vst.add.f32.msk $0xffff, v1  }
0x202: {  	[tilespmem:s6+$0x3010] =	vst v0  }
0x203: {  	s21 =	sadd.s32 $0x200, s21;
	[tilespmem:s6+$0x15010] =	vst.add.f32.msk $0xffff, v0  }
0x204: {  	s6 =	sshrl.u32 s17, $0x3  }
0x205: {  	s6 =	smul.u32 $0x1800, s6;
	_ =	sdelay $0x1  }
0x206: {  	s6 =	sshrl.u32 s6, $0x3  }
0x207: {  	s18 =	simm.s32 $0x0;
	s17 =	sadd.s32 s5, s6;
	s6 =	simm.s32 $0x0  }
0x208: {  	[hbm4b:s17+s6] =	stream.linear.scatter [tilespmem:s15], [sflag:$0xC], $0x1800, $0x38;
	[tilespmem:$0x1B000] =	vst v63  }
.LBB2_39:
0x209: {  	s19 =	sshra.s32 s6, $0x2  }
0x20a: {  	v0 =	vld [tilespmem:s19+$0x3070]  }
0x20b: {  	v1 =	vld [tilespmem:s19+$0x3000]  }
0x20c: {  	v2 =	vld [tilespmem:s19+$0x3010]  }
0x20d: {  	v3 =	vld [tilespmem:s19+$0x3020]  }
0x20e: {  	v4 =	vld [tilespmem:s19+$0x3030]  }
0x20f: {  	v5 =	vld [tilespmem:s19+$0x3040]  }
0x210: {  	v6 =	vld [tilespmem:s19+$0x3050]  }
0x211: {  	[tilespmem:s19+$0x16870] =	vst.add.f32.msk $0xffff, v0  }
0x212: {  	v0 =	vld [tilespmem:s19+$0x3060]  }
0x213: {  	[tilespmem:s19+$0x16800] =	vst.add.f32.msk $0xffff, v1  }
0x214: {  	[tilespmem:s19+$0x16810] =	vst.add.f32.msk $0xffff, v2  }
0x215: {  	[tilespmem:s19+$0x16820] =	vst.add.f32.msk $0xffff, v3  }
0x216: {  	[tilespmem:s19+$0x16830] =	vst.add.f32.msk $0xffff, v4  }
0x217: {  	[tilespmem:s19+$0x16840] =	vst.add.f32.msk $0xffff, v5  }
0x218: {  	s21 =	simm.s32 $0x0;
	s22 =	sadd.s32 $0x1000, s6;
	[tilespmem:s19+$0x16850] =	vst.add.f32.msk $0xffff, v6  }
.LBB2_40:
0x219: {  	s21 =	sadd.s32 $0x8, s21;
	[tilespmem:s19+$0x16860] =	vst.add.f32.msk $0xffff, v0;
	s19 =	sshra.s32 s22, $0x2  }
0x21a: {  	v0 =	vld [tilespmem:s19+$0x3070];
	p0 =	slt.u32 s21, $0x28  }
0x21b: {  	v1 =	vld [tilespmem:s19+$0x3000]  }
0x21c: {  	v2 =	vld [tilespmem:s19+$0x3010]  }
0x21d: {  	v3 =	vld [tilespmem:s19+$0x3020]  }
0x21e: {  	v4 =	vld [tilespmem:s19+$0x3030]  }
0x21f: {  	[tilespmem:s19+$0x16870] =	vst.add.f32.msk $0xffff, v0  }
0x220: {  	v5 =	vld [tilespmem:s19+$0x3040]  }
0x221: {  	v6 =	vld [tilespmem:s19+$0x3050]  }
0x222: {  	v0 =	vld [tilespmem:s19+$0x3060]  }
0x223: {  	[tilespmem:s19+$0x16800] =	vst.add.f32.msk $0xffff, v1  }
.Ltmp18:
0x224: {  	[tilespmem:s19+$0x16810] =	vst.add.f32.msk $0xffff, v2;
	(pc) =	sbr.rel @p0 .LBB2_40-.Ltmp18, $4  }
0x225: {  	[tilespmem:s19+$0x16820] =	vst.add.f32.msk $0xffff, v3  }
0x226: {  	[tilespmem:s19+$0x16830] =	vst.add.f32.msk $0xffff, v4  }
0x227: {  	[tilespmem:s19+$0x16840] =	vst.add.f32.msk $0xffff, v5  }
0x228: {  	s22 =	sadd.s32 $0x1000, s22;
	[tilespmem:s19+$0x16850] =	vst.add.f32.msk $0xffff, v6  }
0x229: {  	s18 =	sadd.s32 $0x1, s18  }
0x22a: {  	p0 =	sne.s32 s18, $0x8  }
.Ltmp19:
0x22b: {  	_ = 	snop;
	(pc) =	sbr.rel @p0 .LBB2_39-.Ltmp19, $2  }
0x22c: {  	_ =	sdelay $0x2  }
0x22d: {  	[tilespmem:s19+$0x16860] =	vst.add.f32.msk $0xffff, v0;
	s6 =	sadd.s32 $0x200, s6  }
0x22e: {  	s18 =	sadd.s32 $0xC0000, s17;
	s6 =	simm.s32 $0x0;
	s19 =	simm.s32 $0x16800  }
0x22f: {  	[hbm4b:s18+s6] =	stream.linear.scatter [tilespmem:s19], [sflag:$0xC], $0x1800, $0x38;
	[tilespmem:$0x1B000] =	vst v63  }
0x230: {  	s18 =	simm.s32 $0x0  }
.LBB2_43:
0x231: {  	s19 =	sshra.s32 s6, $0x2  }
0x232: {  	v0 =	vld [tilespmem:s19+$0x3070]  }
0x233: {  	v1 =	vld [tilespmem:s19+$0x3000]  }
0x234: {  	v2 =	vld [tilespmem:s19+$0x3010]  }
0x235: {  	v3 =	vld [tilespmem:s19+$0x3020]  }
0x236: {  	v4 =	vld [tilespmem:s19+$0x3030]  }
0x237: {  	v5 =	vld [tilespmem:s19+$0x3040]  }
0x238: {  	v6 =	vld [tilespmem:s19+$0x3050]  }
0x239: {  	[tilespmem:s19+$0x18070] =	vst.add.f32.msk $0xffff, v0  }
0x23a: {  	v0 =	vld [tilespmem:s19+$0x3060]  }
0x23b: {  	[tilespmem:s19+$0x18000] =	vst.add.f32.msk $0xffff, v1  }
0x23c: {  	[tilespmem:s19+$0x18010] =	vst.add.f32.msk $0xffff, v2  }
0x23d: {  	[tilespmem:s19+$0x18020] =	vst.add.f32.msk $0xffff, v3  }
0x23e: {  	[tilespmem:s19+$0x18030] =	vst.add.f32.msk $0xffff, v4  }
0x23f: {  	[tilespmem:s19+$0x18040] =	vst.add.f32.msk $0xffff, v5  }
0x240: {  	s21 =	simm.s32 $0x0;
	s22 =	sadd.s32 $0x1000, s6;
	[tilespmem:s19+$0x18050] =	vst.add.f32.msk $0xffff, v6  }
.LBB2_44:
0x241: {  	s21 =	sadd.s32 $0x8, s21;
	[tilespmem:s19+$0x18060] =	vst.add.f32.msk $0xffff, v0;
	s19 =	sshra.s32 s22, $0x2  }
0x242: {  	v0 =	vld [tilespmem:s19+$0x3070];
	p0 =	slt.u32 s21, $0x28  }
0x243: {  	v1 =	vld [tilespmem:s19+$0x3000]  }
0x244: {  	v2 =	vld [tilespmem:s19+$0x3010]  }
0x245: {  	v3 =	vld [tilespmem:s19+$0x3020]  }
0x246: {  	v4 =	vld [tilespmem:s19+$0x3030]  }
0x247: {  	[tilespmem:s19+$0x18070] =	vst.add.f32.msk $0xffff, v0  }
0x248: {  	v5 =	vld [tilespmem:s19+$0x3040]  }
0x249: {  	v6 =	vld [tilespmem:s19+$0x3050]  }
0x24a: {  	v0 =	vld [tilespmem:s19+$0x3060]  }
0x24b: {  	[tilespmem:s19+$0x18000] =	vst.add.f32.msk $0xffff, v1  }
.Ltmp20:
0x24c: {  	[tilespmem:s19+$0x18010] =	vst.add.f32.msk $0xffff, v2;
	(pc) =	sbr.rel @p0 .LBB2_44-.Ltmp20, $4  }
0x24d: {  	[tilespmem:s19+$0x18020] =	vst.add.f32.msk $0xffff, v3  }
0x24e: {  	[tilespmem:s19+$0x18030] =	vst.add.f32.msk $0xffff, v4  }
0x24f: {  	[tilespmem:s19+$0x18040] =	vst.add.f32.msk $0xffff, v5  }
0x250: {  	s22 =	sadd.s32 $0x1000, s22;
	[tilespmem:s19+$0x18050] =	vst.add.f32.msk $0xffff, v6  }
0x251: {  	s18 =	sadd.s32 $0x1, s18  }
0x252: {  	p0 =	sne.s32 s18, $0x8  }
.Ltmp21:
0x253: {  	_ = 	snop;
	(pc) =	sbr.rel @p0 .LBB2_43-.Ltmp21, $2  }
0x254: {  	_ =	sdelay $0x2  }
0x255: {  	[tilespmem:s19+$0x18060] =	vst.add.f32.msk $0xffff, v0;
	s6 =	sadd.s32 $0x200, s6  }
0x256: {  	s18 =	sadd.s32 $0x180000, s17;
	s6 =	simm.s32 $0x0;
	s19 =	simm.s32 $0x18000  }
0x257: {  	[hbm4b:s18+s6] =	stream.linear.scatter [tilespmem:s19], [sflag:$0xC], $0x1800, $0x38;
	[tilespmem:$0x1B000] =	vst v63  }
0x258: {  	s18 =	simm.s32 $0x0  }
.LBB2_47:
0x259: {  	s19 =	sshra.s32 s6, $0x2  }
0x25a: {  	v0 =	vld [tilespmem:s19+$0x3070]  }
0x25b: {  	v1 =	vld [tilespmem:s19+$0x3000]  }
0x25c: {  	v2 =	vld [tilespmem:s19+$0x3010]  }
0x25d: {  	v3 =	vld [tilespmem:s19+$0x3020]  }
0x25e: {  	v4 =	vld [tilespmem:s19+$0x3030]  }
0x25f: {  	v5 =	vld [tilespmem:s19+$0x3040]  }
0x260: {  	v6 =	vld [tilespmem:s19+$0x3050]  }
0x261: {  	[tilespmem:s19+$0x19870] =	vst.add.f32.msk $0xffff, v0  }
0x262: {  	v0 =	vld [tilespmem:s19+$0x3060]  }
0x263: {  	[tilespmem:s19+$0x19800] =	vst.add.f32.msk $0xffff, v1  }
0x264: {  	[tilespmem:s19+$0x19810] =	vst.add.f32.msk $0xffff, v2  }
0x265: {  	[tilespmem:s19+$0x19820] =	vst.add.f32.msk $0xffff, v3  }
0x266: {  	[tilespmem:s19+$0x19830] =	vst.add.f32.msk $0xffff, v4  }
0x267: {  	[tilespmem:s19+$0x19840] =	vst.add.f32.msk $0xffff, v5  }
0x268: {  	s21 =	simm.s32 $0x0;
	s22 =	sadd.s32 $0x1000, s6;
	[tilespmem:s19+$0x19850] =	vst.add.f32.msk $0xffff, v6  }
.LBB2_48:
0x269: {  	s21 =	sadd.s32 $0x8, s21;
	[tilespmem:s19+$0x19860] =	vst.add.f32.msk $0xffff, v0;
	s19 =	sshra.s32 s22, $0x2  }
0x26a: {  	v0 =	vld [tilespmem:s19+$0x3070];
	p0 =	slt.u32 s21, $0x28  }
0x26b: {  	v1 =	vld [tilespmem:s19+$0x3000]  }
0x26c: {  	v2 =	vld [tilespmem:s19+$0x3010]  }
0x26d: {  	v3 =	vld [tilespmem:s19+$0x3020]  }
0x26e: {  	v4 =	vld [tilespmem:s19+$0x3030]  }
0x26f: {  	[tilespmem:s19+$0x19870] =	vst.add.f32.msk $0xffff, v0  }
0x270: {  	v5 =	vld [tilespmem:s19+$0x3040]  }
0x271: {  	v6 =	vld [tilespmem:s19+$0x3050]  }
0x272: {  	v0 =	vld [tilespmem:s19+$0x3060]  }
0x273: {  	[tilespmem:s19+$0x19800] =	vst.add.f32.msk $0xffff, v1  }
.Ltmp22:
0x274: {  	[tilespmem:s19+$0x19810] =	vst.add.f32.msk $0xffff, v2;
	(pc) =	sbr.rel @p0 .LBB2_48-.Ltmp22, $4  }
0x275: {  	[tilespmem:s19+$0x19820] =	vst.add.f32.msk $0xffff, v3  }
0x276: {  	[tilespmem:s19+$0x19830] =	vst.add.f32.msk $0xffff, v4  }
0x277: {  	[tilespmem:s19+$0x19840] =	vst.add.f32.msk $0xffff, v5  }
0x278: {  	s22 =	sadd.s32 $0x1000, s22;
	[tilespmem:s19+$0x19850] =	vst.add.f32.msk $0xffff, v6  }
0x279: {  	s18 =	sadd.s32 $0x1, s18  }
0x27a: {  	p0 =	sne.s32 s18, $0x8  }
.Ltmp23:
0x27b: {  	_ = 	snop;
	(pc) =	sbr.rel @p0 .LBB2_47-.Ltmp23, $2  }
0x27c: {  	_ =	sdelay $0x2  }
0x27d: {  	[tilespmem:s19+$0x19860] =	vst.add.f32.msk $0xffff, v0;
	s6 =	sadd.s32 $0x200, s6  }
0x27e: {  	s6 =	sadd.s32 $0x240000, s17  }
0x27f: {  	s17 =	simm.s32 $0x0;
	s18 =	simm.s32 $0x19800;
	s19 =	rddreg [dreg:$0x11]  }
0x280: {  	[hbm4b:s6+s17] =	stream.linear.scatter [tilespmem:s18], [sflag:$0xC], $0x1800, $0x38;
	[tilespmem:$0x1B000] =	vst v63  }
0x281: {  	s21 =	sadd.s32 s9, s19;
	_ =	swait.ge [sflag:s29], $0x1800  }
0x282: {  	s6 =	sadd.s32 $0x8, s21;
	[sflag:s29] =	ssyncset.done $0x0  }
0x283: {  	s6 =	sshrl.u32 s6, $0x3;
	[sflag:s29] =	ssyncadd.s32 $0xFFFFE800  }
0x284: {  	s6 =	smul.u32 $0x300, s6;
	_ =	swait.ge [sflag:s30], $0x1800  }
0x285: {  	[sflag:s30] =	ssyncset.done $0x0  }
0x286: {  	s20 =	sadd.s32 s2, s6;
	[sflag:s30] =	ssyncadd.s32 $0xFFFFE800  }
0x287: {  	[tilespmem:s25], [sflag:$0x2] =	stream.linear.gather [hbm4b:s20+s17], $0x1800, $0x38;
	[tilespmem:$0x1B000] =	vst v63  }
0x288: {  	s19 =	simm.s32 $0x6000;
	s22 =	sadd.s32 s4, s6  }
0x289: {  	[tilespmem:s19], [sflag:$0x5] =	stream.linear.gather [hbm4b:s22+s17], $0x1800, $0x38;
	[tilespmem:$0x1B000] =	vst v63  }
0x28a: {  	_ =	swait.ge [sflag:s24], $0x6000  }
0x28b: {  	[sflag:s24] =	ssyncset.done $0x0  }
0x28c: {  	s6 =	sadd.s32 s1, s6;
	[sflag:s24] =	ssyncadd.s32 $0xFFFFA000  }
0x28d: {  	[tilespmem:s3], [sflag:$0x8] =	stream.strided.gather [hbm4b:s6+s25], $0x6000, s26, s25, $0x38;
	[tilespmem:$0x1B000] =	vst v63  }
0x28e: {  	_ =	swait.ge [sflag:s0], $0x6000  }
0x28f: {  	[sflag:s0] =	ssyncset.done $0x0  }
0x290: {  	s22 =	simm.s32 $0x0;
	[sflag:s0] =	ssyncadd.s32 $0xFFFFA000  }
.LBB2_51:
0x291: {  	s6 =	sshra.s32 s17, $0x2  }
0x292: {  	v1 =	vld [tilespmem:s6+$0x60]  }
0x293: {  	v3 =	vld [tilespmem:s6+$0x50]  }
0x294: {  	v2 =	vld [tilespmem:s6+$0x4840]  }
0x295: {  	v8 =	vld [tilespmem:s6+$0x4860]  }
0x296: {  	v0 =	vld [tilespmem:s6+$0x4810]  }
0x297: {  	v5 =	vld [tilespmem:s6+$0x70]  }
0x298: {  	v4 =	vld [tilespmem:s6+$0x40]  }
0x299: {  	v7 =	vld [tilespmem:s6+$0x4870]  }
0x29a: {  	v6 =	vld [tilespmem:s6+$0x4830]  }
0x29b: {  	v9 =	vld [tilespmem:s6+$0x4850]  }
0x29c: {  	v10 =	vld [tilespmem:s6+$0x30]  }
0x29d: {  	v11 =	vld [tilespmem:s6+$0x4820]  }
0x29e: {  	v12 =	vld [tilespmem:s6+$0x20]  }
0x29f: {  	v13 =	vld [tilespmem:s6+$0x4800];
	v14 =	vadd.f32 v2, v4  }
0x2a0: {  	v15 =	vld [tilespmem:s6+$0x0]  }
0x2a1: {  	v2 =	vadd.f32 v6, v10;
	v6 =	vld [tilespmem:s6+$0x10];
	[tilespmem:s6+$0x40] =	vst v14  }
0x2a2: {  	v4 =	vadd.f32 v9, v3;
	[tilespmem:s6+$0x9040] =	vst.add.f32.msk $0xffff, v14  }
0x2a3: {  	v5 =	vadd.f32 v7, v5;
	[tilespmem:s6+$0x9030] =	vst.add.f32.msk $0xffff, v2  }
0x2a4: {  	v7 =	vadd.f32 v11, v12;
	[tilespmem:s6+$0x9050] =	vst.add.f32.msk $0xffff, v4  }
0x2a5: {  	v3 =	vadd.f32 v13, v15;
	[tilespmem:s6+$0x9070] =	vst.add.f32.msk $0xffff, v5  }
0x2a6: {  	s18 =	simm.s32 $0x0;
	s19 =	sadd.s32 $0x1000, s17;
	v1 =	vadd.f32 v8, v1;
	[tilespmem:s6+$0x9020] =	vst.add.f32.msk $0xffff, v7  }
.LBB2_52:
0x2a7: {  	s20 =	sshra.s32 s19, $0x2;
	s18 =	sadd.s32 $0x8, s18;
	[tilespmem:s6+$0x9000] =	vst.add.f32.msk $0xffff, v3;
	v6 =	vadd.f32 v0, v6  }
0x2a8: {  	v8 =	vld [tilespmem:s20+$0x60];
	p0 =	slt.u32 s18, $0x28;
	[tilespmem:s6+$0x20] =	vst v7  }
0x2a9: {  	v7 =	vld [tilespmem:s20+$0x50];
	[tilespmem:s6+$0x10] =	vst v6  }
0x2aa: {  	v9 =	vld [tilespmem:s20+$0x4840];
	[tilespmem:s6+$0x50] =	vst v4  }
0x2ab: {  	v10 =	vld [tilespmem:s20+$0x4860];
	[tilespmem:s6+$0x70] =	vst v5  }
0x2ac: {  	v0 =	vld [tilespmem:s20+$0x4810];
	[tilespmem:s6+$0x30] =	vst v2  }
0x2ad: {  	v5 =	vld [tilespmem:s20+$0x70]  }
0x2ae: {  	v2 =	vld [tilespmem:s20+$0x40]  }
0x2af: {  	v11 =	vld [tilespmem:s20+$0x4870]  }
0x2b0: {  	v4 =	vld [tilespmem:s20+$0x4830]  }
0x2b1: {  	[tilespmem:s6+$0x9010] =	vst.add.f32.msk $0xffff, v6  }
0x2b2: {  	v12 =	vld [tilespmem:s20+$0x4850]  }
0x2b3: {  	v6 =	vld [tilespmem:s20+$0x30]  }
0x2b4: {  	v13 =	vld [tilespmem:s20+$0x4820];
	[tilespmem:s6+$0x0] =	vst v3  }
0x2b5: {  	v3 =	vld [tilespmem:s20+$0x20];
	[tilespmem:s6+$0x60] =	vst v1  }
0x2b6: {  	[tilespmem:s6+$0x9060] =	vst.add.f32.msk $0xffff, v1;
	s6 =	smov.u32 s20  }
0x2b7: {  	v9 =	vadd.f32 v9, v2;
	v1 =	vld [tilespmem:s6+$0x4800]  }
0x2b8: {  	v14 =	vld [tilespmem:s6+$0x0];
	v2 =	vadd.f32 v4, v6  }
0x2b9: {  	v4 =	vadd.f32 v12, v7;
	v6 =	vld [tilespmem:s6+$0x10];
	[tilespmem:s6+$0x40] =	vst v9  }
.Ltmp24:
0x2ba: {  	v5 =	vadd.f32 v11, v5;
	v7 =	vadd.f32 v13, v3;
	[tilespmem:s6+$0x9040] =	vst.add.f32.msk $0xffff, v9;
	(pc) =	sbr.rel @p0 .LBB2_52-.Ltmp24, $4  }
0x2bb: {  	[tilespmem:s6+$0x9030] =	vst.add.f32.msk $0xffff, v2  }
0x2bc: {  	[tilespmem:s6+$0x9050] =	vst.add.f32.msk $0xffff, v4  }
0x2bd: {  	v3 =	vadd.f32 v1, v14;
	v1 =	vadd.f32 v10, v8;
	[tilespmem:s6+$0x9070] =	vst.add.f32.msk $0xffff, v5  }
0x2be: {  	s19 =	sadd.s32 $0x1000, s19;
	[tilespmem:s6+$0x9020] =	vst.add.f32.msk $0xffff, v7  }
0x2bf: {  	[tilespmem:s6+$0x9000] =	vst.add.f32.msk $0xffff, v3  }
0x2c0: {  	[tilespmem:s6+$0x20] =	vst v7  }
0x2c1: {  	[tilespmem:s6+$0x50] =	vst v4  }
0x2c2: {  	[tilespmem:s6+$0x70] =	vst v5;
	s22 =	sadd.s32 $0x1, s22  }
0x2c3: {  	[tilespmem:s6+$0x30] =	vst v2;
	p0 =	sne.s32 s22, $0x8  }
.Ltmp25:
0x2c4: {  	[tilespmem:s6+$0x0] =	vst v3;
	(pc) =	sbr.rel @p0 .LBB2_51-.Ltmp25, $4  }
0x2c5: {  	v0 =	vadd.f32 v0, v6;
	[tilespmem:s6+$0x60] =	vst v1  }
0x2c6: {  	[tilespmem:s6+$0x9060] =	vst.add.f32.msk $0xffff, v1  }
0x2c7: {  	[tilespmem:s6+$0x10] =	vst v0  }
0x2c8: {  	s17 =	sadd.s32 $0x200, s17;
	[tilespmem:s6+$0x9010] =	vst.add.f32.msk $0xffff, v0  }
0x2c9: {  	s6 =	sshrl.u32 s21, $0x3  }
0x2ca: {  	s6 =	smul.u32 $0x1800, s6;
	_ =	sdelay $0x1  }
0x2cb: {  	s6 =	sshrl.u32 s6, $0x3  }
0x2cc: {  	s18 =	simm.s32 $0x0;
	s17 =	sadd.s32 s5, s6;
	s6 =	simm.s32 $0x0  }
0x2cd: {  	[hbm4b:s17+s6] =	stream.linear.scatter [tilespmem:s28], [sflag:$0xA], $0x1800, $0x38;
	[tilespmem:$0x1B000] =	vst v63  }
.LBB2_55:
0x2ce: {  	s19 =	sshra.s32 s6, $0x2  }
0x2cf: {  	v0 =	vld [tilespmem:s19+$0x70]  }
0x2d0: {  	v1 =	vld [tilespmem:s19+$0x0]  }
0x2d1: {  	v2 =	vld [tilespmem:s19+$0x10]  }
0x2d2: {  	v3 =	vld [tilespmem:s19+$0x20]  }
0x2d3: {  	v4 =	vld [tilespmem:s19+$0x30]  }
0x2d4: {  	v5 =	vld [tilespmem:s19+$0x40]  }
0x2d5: {  	v6 =	vld [tilespmem:s19+$0x50]  }
0x2d6: {  	[tilespmem:s19+$0xA870] =	vst.add.f32.msk $0xffff, v0  }
0x2d7: {  	v0 =	vld [tilespmem:s19+$0x60]  }
0x2d8: {  	[tilespmem:s19+$0xA800] =	vst.add.f32.msk $0xffff, v1  }
0x2d9: {  	[tilespmem:s19+$0xA810] =	vst.add.f32.msk $0xffff, v2  }
0x2da: {  	[tilespmem:s19+$0xA820] =	vst.add.f32.msk $0xffff, v3  }
0x2db: {  	[tilespmem:s19+$0xA830] =	vst.add.f32.msk $0xffff, v4  }
0x2dc: {  	[tilespmem:s19+$0xA840] =	vst.add.f32.msk $0xffff, v5  }
0x2dd: {  	s21 =	simm.s32 $0x0;
	s22 =	sadd.s32 $0x1000, s6;
	[tilespmem:s19+$0xA850] =	vst.add.f32.msk $0xffff, v6  }
.LBB2_56:
0x2de: {  	s21 =	sadd.s32 $0x8, s21;
	[tilespmem:s19+$0xA860] =	vst.add.f32.msk $0xffff, v0;
	s19 =	sshra.s32 s22, $0x2  }
0x2df: {  	v0 =	vld [tilespmem:s19+$0x70];
	p0 =	slt.u32 s21, $0x28  }
0x2e0: {  	v1 =	vld [tilespmem:s19+$0x0]  }
0x2e1: {  	v2 =	vld [tilespmem:s19+$0x10]  }
0x2e2: {  	v3 =	vld [tilespmem:s19+$0x20]  }
0x2e3: {  	v4 =	vld [tilespmem:s19+$0x30]  }
0x2e4: {  	[tilespmem:s19+$0xA870] =	vst.add.f32.msk $0xffff, v0  }
0x2e5: {  	v5 =	vld [tilespmem:s19+$0x40]  }
0x2e6: {  	v6 =	vld [tilespmem:s19+$0x50]  }
0x2e7: {  	v0 =	vld [tilespmem:s19+$0x60]  }
0x2e8: {  	[tilespmem:s19+$0xA800] =	vst.add.f32.msk $0xffff, v1  }
.Ltmp26:
0x2e9: {  	[tilespmem:s19+$0xA810] =	vst.add.f32.msk $0xffff, v2;
	(pc) =	sbr.rel @p0 .LBB2_56-.Ltmp26, $4  }
0x2ea: {  	[tilespmem:s19+$0xA820] =	vst.add.f32.msk $0xffff, v3  }
0x2eb: {  	[tilespmem:s19+$0xA830] =	vst.add.f32.msk $0xffff, v4  }
0x2ec: {  	[tilespmem:s19+$0xA840] =	vst.add.f32.msk $0xffff, v5  }
0x2ed: {  	s22 =	sadd.s32 $0x1000, s22;
	[tilespmem:s19+$0xA850] =	vst.add.f32.msk $0xffff, v6  }
0x2ee: {  	s18 =	sadd.s32 $0x1, s18  }
0x2ef: {  	p0 =	sne.s32 s18, $0x8  }
.Ltmp27:
0x2f0: {  	_ = 	snop;
	(pc) =	sbr.rel @p0 .LBB2_55-.Ltmp27, $2  }
0x2f1: {  	_ =	sdelay $0x2  }
0x2f2: {  	[tilespmem:s19+$0xA860] =	vst.add.f32.msk $0xffff, v0;
	s6 =	sadd.s32 $0x200, s6  }
0x2f3: {  	s18 =	sadd.s32 $0xC0000, s17;
	s6 =	simm.s32 $0x0;
	s19 =	simm.s32 $0xA800  }
0x2f4: {  	[hbm4b:s18+s6] =	stream.linear.scatter [tilespmem:s19], [sflag:$0xA], $0x1800, $0x38;
	[tilespmem:$0x1B000] =	vst v63  }
0x2f5: {  	s18 =	simm.s32 $0x0  }
.LBB2_59:
0x2f6: {  	s19 =	sshra.s32 s6, $0x2  }
0x2f7: {  	v0 =	vld [tilespmem:s19+$0x70]  }
0x2f8: {  	v1 =	vld [tilespmem:s19+$0x0]  }
0x2f9: {  	v2 =	vld [tilespmem:s19+$0x10]  }
0x2fa: {  	v3 =	vld [tilespmem:s19+$0x20]  }
0x2fb: {  	v4 =	vld [tilespmem:s19+$0x30]  }
0x2fc: {  	v5 =	vld [tilespmem:s19+$0x40]  }
0x2fd: {  	v6 =	vld [tilespmem:s19+$0x50]  }
0x2fe: {  	[tilespmem:s19+$0xC070] =	vst.add.f32.msk $0xffff, v0  }
0x2ff: {  	v0 =	vld [tilespmem:s19+$0x60]  }
0x300: {  	[tilespmem:s19+$0xC000] =	vst.add.f32.msk $0xffff, v1  }
0x301: {  	[tilespmem:s19+$0xC010] =	vst.add.f32.msk $0xffff, v2  }
0x302: {  	[tilespmem:s19+$0xC020] =	vst.add.f32.msk $0xffff, v3  }
0x303: {  	[tilespmem:s19+$0xC030] =	vst.add.f32.msk $0xffff, v4  }
0x304: {  	[tilespmem:s19+$0xC040] =	vst.add.f32.msk $0xffff, v5  }
0x305: {  	s21 =	simm.s32 $0x0;
	s22 =	sadd.s32 $0x1000, s6;
	[tilespmem:s19+$0xC050] =	vst.add.f32.msk $0xffff, v6  }
.LBB2_60:
0x306: {  	s21 =	sadd.s32 $0x8, s21;
	[tilespmem:s19+$0xC060] =	vst.add.f32.msk $0xffff, v0;
	s19 =	sshra.s32 s22, $0x2  }
0x307: {  	v0 =	vld [tilespmem:s19+$0x70];
	p0 =	slt.u32 s21, $0x28  }
0x308: {  	v1 =	vld [tilespmem:s19+$0x0]  }
0x309: {  	v2 =	vld [tilespmem:s19+$0x10]  }
0x30a: {  	v3 =	vld [tilespmem:s19+$0x20]  }
0x30b: {  	v4 =	vld [tilespmem:s19+$0x30]  }
0x30c: {  	[tilespmem:s19+$0xC070] =	vst.add.f32.msk $0xffff, v0  }
0x30d: {  	v5 =	vld [tilespmem:s19+$0x40]  }
0x30e: {  	v6 =	vld [tilespmem:s19+$0x50]  }
0x30f: {  	v0 =	vld [tilespmem:s19+$0x60]  }
0x310: {  	[tilespmem:s19+$0xC000] =	vst.add.f32.msk $0xffff, v1  }
.Ltmp28:
0x311: {  	[tilespmem:s19+$0xC010] =	vst.add.f32.msk $0xffff, v2;
	(pc) =	sbr.rel @p0 .LBB2_60-.Ltmp28, $4  }
0x312: {  	[tilespmem:s19+$0xC020] =	vst.add.f32.msk $0xffff, v3  }
0x313: {  	[tilespmem:s19+$0xC030] =	vst.add.f32.msk $0xffff, v4  }
0x314: {  	[tilespmem:s19+$0xC040] =	vst.add.f32.msk $0xffff, v5  }
0x315: {  	s22 =	sadd.s32 $0x1000, s22;
	[tilespmem:s19+$0xC050] =	vst.add.f32.msk $0xffff, v6  }
0x316: {  	s18 =	sadd.s32 $0x1, s18  }
0x317: {  	p0 =	sne.s32 s18, $0x8  }
.Ltmp29:
0x318: {  	_ = 	snop;
	(pc) =	sbr.rel @p0 .LBB2_59-.Ltmp29, $2  }
0x319: {  	_ =	sdelay $0x2  }
0x31a: {  	[tilespmem:s19+$0xC060] =	vst.add.f32.msk $0xffff, v0;
	s6 =	sadd.s32 $0x200, s6  }
0x31b: {  	s18 =	sadd.s32 $0x180000, s17;
	s6 =	simm.s32 $0x0;
	s19 =	simm.s32 $0xC000  }
0x31c: {  	[hbm4b:s18+s6] =	stream.linear.scatter [tilespmem:s19], [sflag:$0xA], $0x1800, $0x38;
	[tilespmem:$0x1B000] =	vst v63  }
0x31d: {  	s18 =	simm.s32 $0x0  }
.LBB2_63:
0x31e: {  	s19 =	sshra.s32 s6, $0x2  }
0x31f: {  	v0 =	vld [tilespmem:s19+$0x70]  }
0x320: {  	v1 =	vld [tilespmem:s19+$0x0]  }
0x321: {  	v2 =	vld [tilespmem:s19+$0x10]  }
0x322: {  	v3 =	vld [tilespmem:s19+$0x20]  }
0x323: {  	v4 =	vld [tilespmem:s19+$0x30]  }
0x324: {  	v5 =	vld [tilespmem:s19+$0x40]  }
0x325: {  	v6 =	vld [tilespmem:s19+$0x50]  }
0x326: {  	[tilespmem:s19+$0xD870] =	vst.add.f32.msk $0xffff, v0  }
0x327: {  	v0 =	vld [tilespmem:s19+$0x60]  }
0x328: {  	[tilespmem:s19+$0xD800] =	vst.add.f32.msk $0xffff, v1  }
0x329: {  	[tilespmem:s19+$0xD810] =	vst.add.f32.msk $0xffff, v2  }
0x32a: {  	[tilespmem:s19+$0xD820] =	vst.add.f32.msk $0xffff, v3  }
0x32b: {  	[tilespmem:s19+$0xD830] =	vst.add.f32.msk $0xffff, v4  }
0x32c: {  	[tilespmem:s19+$0xD840] =	vst.add.f32.msk $0xffff, v5  }
0x32d: {  	s21 =	simm.s32 $0x0;
	s22 =	sadd.s32 $0x1000, s6;
	[tilespmem:s19+$0xD850] =	vst.add.f32.msk $0xffff, v6  }
.LBB2_64:
0x32e: {  	s21 =	sadd.s32 $0x8, s21;
	[tilespmem:s19+$0xD860] =	vst.add.f32.msk $0xffff, v0;
	s19 =	sshra.s32 s22, $0x2  }
0x32f: {  	v0 =	vld [tilespmem:s19+$0x70];
	p0 =	slt.u32 s21, $0x28  }
0x330: {  	v1 =	vld [tilespmem:s19+$0x0]  }
0x331: {  	v2 =	vld [tilespmem:s19+$0x10]  }
0x332: {  	v3 =	vld [tilespmem:s19+$0x20]  }
0x333: {  	v4 =	vld [tilespmem:s19+$0x30]  }
0x334: {  	[tilespmem:s19+$0xD870] =	vst.add.f32.msk $0xffff, v0  }
0x335: {  	v5 =	vld [tilespmem:s19+$0x40]  }
0x336: {  	v6 =	vld [tilespmem:s19+$0x50]  }
0x337: {  	v0 =	vld [tilespmem:s19+$0x60]  }
0x338: {  	[tilespmem:s19+$0xD800] =	vst.add.f32.msk $0xffff, v1  }
.Ltmp30:
0x339: {  	[tilespmem:s19+$0xD810] =	vst.add.f32.msk $0xffff, v2;
	(pc) =	sbr.rel @p0 .LBB2_64-.Ltmp30, $4  }
0x33a: {  	[tilespmem:s19+$0xD820] =	vst.add.f32.msk $0xffff, v3  }
0x33b: {  	[tilespmem:s19+$0xD830] =	vst.add.f32.msk $0xffff, v4  }
0x33c: {  	[tilespmem:s19+$0xD840] =	vst.add.f32.msk $0xffff, v5  }
0x33d: {  	s22 =	sadd.s32 $0x1000, s22;
	[tilespmem:s19+$0xD850] =	vst.add.f32.msk $0xffff, v6  }
0x33e: {  	s18 =	sadd.s32 $0x1, s18  }
0x33f: {  	p0 =	sne.s32 s18, $0x8  }
.Ltmp31:
0x340: {  	_ = 	snop;
	(pc) =	sbr.rel @p0 .LBB2_63-.Ltmp31, $2  }
0x341: {  	_ =	sdelay $0x2  }
0x342: {  	[tilespmem:s19+$0xD860] =	vst.add.f32.msk $0xffff, v0;
	s6 =	sadd.s32 $0x200, s6  }
0x343: {  	s6 =	sadd.s32 $0x240000, s17  }
0x344: {  	s17 =	simm.s32 $0x0;
	s18 =	simm.s32 $0xD800;
	s19 =	rddreg [dreg:$0x12]  }
0x345: {  	[hbm4b:s6+s17] =	stream.linear.scatter [tilespmem:s18], [sflag:$0xA], $0x1800, $0x38;
	[tilespmem:$0x1B000] =	vst v63  }
0x346: {  	s9 =	sadd.s32 s9, s19;
	_ =	swait.ge [sflag:s10], $0x1800  }
0x347: {  	s6 =	sadd.s32 $0x8, s9;
	[sflag:s10] =	ssyncset.done $0x0  }
0x348: {  	s6 =	sshrl.u32 s6, $0x3;
	[sflag:s10] =	ssyncadd.s32 $0xFFFFE800  }
0x349: {  	s6 =	smul.u32 $0x300, s6;
	_ =	swait.ge [sflag:s11], $0x1800  }
0x34a: {  	[sflag:s11] =	ssyncset.done $0x0  }
0x34b: {  	s19 =	simm.s32 $0x3000;
	s20 =	sadd.s32 s2, s6;
	[sflag:s11] =	ssyncadd.s32 $0xFFFFE800  }
0x34c: {  	[tilespmem:s19], [sflag:$0x3] =	stream.linear.gather [hbm4b:s20+s17], $0x1800, $0x38;
	[tilespmem:$0x1B000] =	vst v63  }
0x34d: {  	s22 =	simm.s32 $0x7800;
	s21 =	sadd.s32 s4, s6  }
0x34e: {  	[tilespmem:s22], [sflag:$0x6] =	stream.linear.gather [hbm4b:s21+s17], $0x1800, $0x38;
	[tilespmem:$0x1B000] =	vst v63  }
0x34f: {  	_ =	swait.ge [sflag:s31], $0x6000  }
0x350: {  	[sflag:s31] =	ssyncset.done $0x0  }
0x351: {  	s6 =	sadd.s32 s1, s6;
	[sflag:s31] =	ssyncadd.s32 $0xFFFFA000  }
0x352: {  	[tilespmem:s15], [sflag:$0x9] =	stream.strided.gather [hbm4b:s6+s25], $0x6000, s26, s25, $0x38;
	[tilespmem:$0x1B000] =	vst v63  }
0x353: {  	_ =	swait.ge [sflag:s16], $0x6000  }
0x354: {  	[sflag:s16] =	ssyncset.done $0x0  }
0x355: {  	s21 =	simm.s32 $0x0;
	[sflag:s16] =	ssyncadd.s32 $0xFFFFA000  }
.LBB2_67:
0x356: {  	s6 =	sshra.s32 s17, $0x2  }
0x357: {  	v1 =	vld [tilespmem:s6+$0x1860]  }
0x358: {  	v3 =	vld [tilespmem:s6+$0x1850]  }
0x359: {  	v2 =	vld [tilespmem:s6+$0x6040]  }
0x35a: {  	v8 =	vld [tilespmem:s6+$0x6060]  }
0x35b: {  	v0 =	vld [tilespmem:s6+$0x6010]  }
0x35c: {  	v5 =	vld [tilespmem:s6+$0x1870]  }
0x35d: {  	v4 =	vld [tilespmem:s6+$0x1840]  }
0x35e: {  	v7 =	vld [tilespmem:s6+$0x6070]  }
0x35f: {  	v6 =	vld [tilespmem:s6+$0x6030]  }
0x360: {  	v9 =	vld [tilespmem:s6+$0x6050]  }
0x361: {  	v10 =	vld [tilespmem:s6+$0x1830]  }
0x362: {  	v11 =	vld [tilespmem:s6+$0x6020]  }
0x363: {  	v12 =	vld [tilespmem:s6+$0x1820]  }
0x364: {  	v13 =	vld [tilespmem:s6+$0x6000];
	v14 =	vadd.f32 v2, v4  }
0x365: {  	v15 =	vld [tilespmem:s6+$0x1800]  }
0x366: {  	v2 =	vadd.f32 v6, v10;
	v6 =	vld [tilespmem:s6+$0x1810];
	[tilespmem:s6+$0x1840] =	vst v14  }
0x367: {  	v4 =	vadd.f32 v9, v3;
	[tilespmem:s6+$0xF040] =	vst.add.f32.msk $0xffff, v14  }
0x368: {  	v5 =	vadd.f32 v7, v5;
	[tilespmem:s6+$0xF030] =	vst.add.f32.msk $0xffff, v2  }
0x369: {  	v7 =	vadd.f32 v11, v12;
	[tilespmem:s6+$0xF050] =	vst.add.f32.msk $0xffff, v4  }
0x36a: {  	v3 =	vadd.f32 v13, v15;
	[tilespmem:s6+$0xF070] =	vst.add.f32.msk $0xffff, v5  }
0x36b: {  	s18 =	simm.s32 $0x0;
	s19 =	sadd.s32 $0x1000, s17;
	v1 =	vadd.f32 v8, v1;
	[tilespmem:s6+$0xF020] =	vst.add.f32.msk $0xffff, v7  }
.LBB2_68:
0x36c: {  	s20 =	sshra.s32 s19, $0x2;
	s18 =	sadd.s32 $0x8, s18;
	[tilespmem:s6+$0xF000] =	vst.add.f32.msk $0xffff, v3;
	v6 =	vadd.f32 v0, v6  }
0x36d: {  	v8 =	vld [tilespmem:s20+$0x1860];
	p0 =	slt.u32 s18, $0x28;
	[tilespmem:s6+$0x1820] =	vst v7  }
0x36e: {  	v7 =	vld [tilespmem:s20+$0x1850];
	[tilespmem:s6+$0x1810] =	vst v6  }
0x36f: {  	v9 =	vld [tilespmem:s20+$0x6040];
	[tilespmem:s6+$0x1850] =	vst v4  }
0x370: {  	v10 =	vld [tilespmem:s20+$0x6060];
	[tilespmem:s6+$0x1870] =	vst v5  }
0x371: {  	v0 =	vld [tilespmem:s20+$0x6010];
	[tilespmem:s6+$0x1830] =	vst v2  }
0x372: {  	v5 =	vld [tilespmem:s20+$0x1870]  }
0x373: {  	v2 =	vld [tilespmem:s20+$0x1840]  }
0x374: {  	v11 =	vld [tilespmem:s20+$0x6070]  }
0x375: {  	v4 =	vld [tilespmem:s20+$0x6030]  }
0x376: {  	[tilespmem:s6+$0xF010] =	vst.add.f32.msk $0xffff, v6  }
0x377: {  	v12 =	vld [tilespmem:s20+$0x6050]  }
0x378: {  	v6 =	vld [tilespmem:s20+$0x1830]  }
0x379: {  	v13 =	vld [tilespmem:s20+$0x6020];
	[tilespmem:s6+$0x1800] =	vst v3  }
0x37a: {  	v3 =	vld [tilespmem:s20+$0x1820];
	[tilespmem:s6+$0x1860] =	vst v1  }
0x37b: {  	[tilespmem:s6+$0xF060] =	vst.add.f32.msk $0xffff, v1;
	s6 =	smov.u32 s20  }
0x37c: {  	v9 =	vadd.f32 v9, v2;
	v1 =	vld [tilespmem:s6+$0x6000]  }
0x37d: {  	v14 =	vld [tilespmem:s6+$0x1800];
	v2 =	vadd.f32 v4, v6  }
0x37e: {  	v4 =	vadd.f32 v12, v7;
	v6 =	vld [tilespmem:s6+$0x1810];
	[tilespmem:s6+$0x1840] =	vst v9  }
.Ltmp32:
0x37f: {  	v5 =	vadd.f32 v11, v5;
	v7 =	vadd.f32 v13, v3;
	[tilespmem:s6+$0xF040] =	vst.add.f32.msk $0xffff, v9;
	(pc) =	sbr.rel @p0 .LBB2_68-.Ltmp32, $4  }
0x380: {  	[tilespmem:s6+$0xF030] =	vst.add.f32.msk $0xffff, v2  }
0x381: {  	[tilespmem:s6+$0xF050] =	vst.add.f32.msk $0xffff, v4  }
0x382: {  	v3 =	vadd.f32 v1, v14;
	v1 =	vadd.f32 v10, v8;
	[tilespmem:s6+$0xF070] =	vst.add.f32.msk $0xffff, v5  }
0x383: {  	s19 =	sadd.s32 $0x1000, s19;
	[tilespmem:s6+$0xF020] =	vst.add.f32.msk $0xffff, v7  }
0x384: {  	[tilespmem:s6+$0xF000] =	vst.add.f32.msk $0xffff, v3  }
0x385: {  	[tilespmem:s6+$0x1820] =	vst v7  }
0x386: {  	[tilespmem:s6+$0x1850] =	vst v4  }
0x387: {  	[tilespmem:s6+$0x1870] =	vst v5;
	s21 =	sadd.s32 $0x1, s21  }
0x388: {  	[tilespmem:s6+$0x1830] =	vst v2;
	p0 =	sne.s32 s21, $0x8  }
.Ltmp33:
0x389: {  	[tilespmem:s6+$0x1800] =	vst v3;
	(pc) =	sbr.rel @p0 .LBB2_67-.Ltmp33, $4  }
0x38a: {  	v0 =	vadd.f32 v0, v6;
	[tilespmem:s6+$0x1860] =	vst v1  }
0x38b: {  	[tilespmem:s6+$0xF060] =	vst.add.f32.msk $0xffff, v1  }
0x38c: {  	[tilespmem:s6+$0x1810] =	vst v0  }
0x38d: {  	s17 =	sadd.s32 $0x200, s17;
	[tilespmem:s6+$0xF010] =	vst.add.f32.msk $0xffff, v0  }
0x38e: {  	s6 =	sshrl.u32 s9, $0x3  }
0x38f: {  	s6 =	smul.u32 $0x1800, s6;
	_ =	sdelay $0x1  }
0x390: {  	s6 =	sshrl.u32 s6, $0x3  }
0x391: {  	s17 =	simm.s32 $0x0;
	s9 =	sadd.s32 s5, s6;
	s6 =	simm.s32 $0x0  }
0x392: {  	[hbm4b:s9+s6] =	stream.linear.scatter [tilespmem:s3], [sflag:$0xB], $0x1800, $0x38;
	[tilespmem:$0x1B000] =	vst v63  }
.LBB2_71:
0x393: {  	s18 =	sshra.s32 s6, $0x2  }
0x394: {  	v0 =	vld [tilespmem:s18+$0x1870]  }
0x395: {  	v1 =	vld [tilespmem:s18+$0x1800]  }
0x396: {  	v2 =	vld [tilespmem:s18+$0x1810]  }
0x397: {  	v3 =	vld [tilespmem:s18+$0x1820]  }
0x398: {  	v4 =	vld [tilespmem:s18+$0x1830]  }
0x399: {  	v5 =	vld [tilespmem:s18+$0x1840]  }
0x39a: {  	v6 =	vld [tilespmem:s18+$0x1850]  }
0x39b: {  	[tilespmem:s18+$0x10870] =	vst.add.f32.msk $0xffff, v0  }
0x39c: {  	v0 =	vld [tilespmem:s18+$0x1860]  }
0x39d: {  	[tilespmem:s18+$0x10800] =	vst.add.f32.msk $0xffff, v1  }
0x39e: {  	[tilespmem:s18+$0x10810] =	vst.add.f32.msk $0xffff, v2  }
0x39f: {  	[tilespmem:s18+$0x10820] =	vst.add.f32.msk $0xffff, v3  }
0x3a0: {  	[tilespmem:s18+$0x10830] =	vst.add.f32.msk $0xffff, v4  }
0x3a1: {  	[tilespmem:s18+$0x10840] =	vst.add.f32.msk $0xffff, v5  }
0x3a2: {  	s19 =	simm.s32 $0x0;
	s21 =	sadd.s32 $0x1000, s6;
	[tilespmem:s18+$0x10850] =	vst.add.f32.msk $0xffff, v6  }
.LBB2_72:
0x3a3: {  	s19 =	sadd.s32 $0x8, s19;
	[tilespmem:s18+$0x10860] =	vst.add.f32.msk $0xffff, v0;
	s18 =	sshra.s32 s21, $0x2  }
0x3a4: {  	v0 =	vld [tilespmem:s18+$0x1870];
	p0 =	slt.u32 s19, $0x28  }
0x3a5: {  	v1 =	vld [tilespmem:s18+$0x1800]  }
0x3a6: {  	v2 =	vld [tilespmem:s18+$0x1810]  }
0x3a7: {  	v3 =	vld [tilespmem:s18+$0x1820]  }
0x3a8: {  	v4 =	vld [tilespmem:s18+$0x1830]  }
0x3a9: {  	[tilespmem:s18+$0x10870] =	vst.add.f32.msk $0xffff, v0  }
0x3aa: {  	v5 =	vld [tilespmem:s18+$0x1840]  }
0x3ab: {  	v6 =	vld [tilespmem:s18+$0x1850]  }
0x3ac: {  	v0 =	vld [tilespmem:s18+$0x1860]  }
0x3ad: {  	[tilespmem:s18+$0x10800] =	vst.add.f32.msk $0xffff, v1  }
.Ltmp34:
0x3ae: {  	[tilespmem:s18+$0x10810] =	vst.add.f32.msk $0xffff, v2;
	(pc) =	sbr.rel @p0 .LBB2_72-.Ltmp34, $4  }
0x3af: {  	[tilespmem:s18+$0x10820] =	vst.add.f32.msk $0xffff, v3  }
0x3b0: {  	[tilespmem:s18+$0x10830] =	vst.add.f32.msk $0xffff, v4  }
0x3b1: {  	[tilespmem:s18+$0x10840] =	vst.add.f32.msk $0xffff, v5  }
0x3b2: {  	s21 =	sadd.s32 $0x1000, s21;
	[tilespmem:s18+$0x10850] =	vst.add.f32.msk $0xffff, v6  }
0x3b3: {  	s17 =	sadd.s32 $0x1, s17  }
0x3b4: {  	p0 =	sne.s32 s17, $0x8  }
.Ltmp35:
0x3b5: {  	_ = 	snop;
	(pc) =	sbr.rel @p0 .LBB2_71-.Ltmp35, $2  }
0x3b6: {  	_ =	sdelay $0x2  }
0x3b7: {  	[tilespmem:s18+$0x10860] =	vst.add.f32.msk $0xffff, v0;
	s6 =	sadd.s32 $0x200, s6  }
0x3b8: {  	s17 =	sadd.s32 $0xC0000, s9;
	s6 =	simm.s32 $0x0;
	s18 =	simm.s32 $0x10800  }
0x3b9: {  	[hbm4b:s17+s6] =	stream.linear.scatter [tilespmem:s18], [sflag:$0xB], $0x1800, $0x38;
	[tilespmem:$0x1B000] =	vst v63  }
0x3ba: {  	s17 =	simm.s32 $0x0  }
.LBB2_75:
0x3bb: {  	s18 =	sshra.s32 s6, $0x2  }
0x3bc: {  	v0 =	vld [tilespmem:s18+$0x1870]  }
0x3bd: {  	v1 =	vld [tilespmem:s18+$0x1800]  }
0x3be: {  	v2 =	vld [tilespmem:s18+$0x1810]  }
0x3bf: {  	v3 =	vld [tilespmem:s18+$0x1820]  }
0x3c0: {  	v4 =	vld [tilespmem:s18+$0x1830]  }
0x3c1: {  	v5 =	vld [tilespmem:s18+$0x1840]  }
0x3c2: {  	v6 =	vld [tilespmem:s18+$0x1850]  }
0x3c3: {  	[tilespmem:s18+$0x12070] =	vst.add.f32.msk $0xffff, v0  }
0x3c4: {  	v0 =	vld [tilespmem:s18+$0x1860]  }
0x3c5: {  	[tilespmem:s18+$0x12000] =	vst.add.f32.msk $0xffff, v1  }
0x3c6: {  	[tilespmem:s18+$0x12010] =	vst.add.f32.msk $0xffff, v2  }
0x3c7: {  	[tilespmem:s18+$0x12020] =	vst.add.f32.msk $0xffff, v3  }
0x3c8: {  	[tilespmem:s18+$0x12030] =	vst.add.f32.msk $0xffff, v4  }
0x3c9: {  	[tilespmem:s18+$0x12040] =	vst.add.f32.msk $0xffff, v5  }
0x3ca: {  	s19 =	simm.s32 $0x0;
	s21 =	sadd.s32 $0x1000, s6;
	[tilespmem:s18+$0x12050] =	vst.add.f32.msk $0xffff, v6  }
.LBB2_76:
0x3cb: {  	s19 =	sadd.s32 $0x8, s19;
	[tilespmem:s18+$0x12060] =	vst.add.f32.msk $0xffff, v0;
	s18 =	sshra.s32 s21, $0x2  }
0x3cc: {  	v0 =	vld [tilespmem:s18+$0x1870];
	p0 =	slt.u32 s19, $0x28  }
0x3cd: {  	v1 =	vld [tilespmem:s18+$0x1800]  }
0x3ce: {  	v2 =	vld [tilespmem:s18+$0x1810]  }
0x3cf: {  	v3 =	vld [tilespmem:s18+$0x1820]  }
0x3d0: {  	v4 =	vld [tilespmem:s18+$0x1830]  }
0x3d1: {  	[tilespmem:s18+$0x12070] =	vst.add.f32.msk $0xffff, v0  }
0x3d2: {  	v5 =	vld [tilespmem:s18+$0x1840]  }
0x3d3: {  	v6 =	vld [tilespmem:s18+$0x1850]  }
0x3d4: {  	v0 =	vld [tilespmem:s18+$0x1860]  }
0x3d5: {  	[tilespmem:s18+$0x12000] =	vst.add.f32.msk $0xffff, v1  }
.Ltmp36:
0x3d6: {  	[tilespmem:s18+$0x12010] =	vst.add.f32.msk $0xffff, v2;
	(pc) =	sbr.rel @p0 .LBB2_76-.Ltmp36, $4  }
0x3d7: {  	[tilespmem:s18+$0x12020] =	vst.add.f32.msk $0xffff, v3  }
0x3d8: {  	[tilespmem:s18+$0x12030] =	vst.add.f32.msk $0xffff, v4  }
0x3d9: {  	[tilespmem:s18+$0x12040] =	vst.add.f32.msk $0xffff, v5  }
0x3da: {  	s21 =	sadd.s32 $0x1000, s21;
	[tilespmem:s18+$0x12050] =	vst.add.f32.msk $0xffff, v6  }
0x3db: {  	s17 =	sadd.s32 $0x1, s17  }
0x3dc: {  	p0 =	sne.s32 s17, $0x8  }
.Ltmp37:
0x3dd: {  	_ = 	snop;
	(pc) =	sbr.rel @p0 .LBB2_75-.Ltmp37, $2  }
0x3de: {  	_ =	sdelay $0x2  }
0x3df: {  	[tilespmem:s18+$0x12060] =	vst.add.f32.msk $0xffff, v0;
	s6 =	sadd.s32 $0x200, s6  }
0x3e0: {  	s17 =	sadd.s32 $0x180000, s9;
	s6 =	simm.s32 $0x0;
	s18 =	simm.s32 $0x12000  }
0x3e1: {  	[hbm4b:s17+s6] =	stream.linear.scatter [tilespmem:s18], [sflag:$0xB], $0x1800, $0x38;
	[tilespmem:$0x1B000] =	vst v63  }
0x3e2: {  	s17 =	simm.s32 $0x0  }
.LBB2_79:
0x3e3: {  	s18 =	sshra.s32 s6, $0x2  }
0x3e4: {  	v0 =	vld [tilespmem:s18+$0x1870]  }
0x3e5: {  	v1 =	vld [tilespmem:s18+$0x1800]  }
0x3e6: {  	v2 =	vld [tilespmem:s18+$0x1810]  }
0x3e7: {  	v3 =	vld [tilespmem:s18+$0x1820]  }
0x3e8: {  	v4 =	vld [tilespmem:s18+$0x1830]  }
0x3e9: {  	v5 =	vld [tilespmem:s18+$0x1840]  }
0x3ea: {  	v6 =	vld [tilespmem:s18+$0x1850]  }
0x3eb: {  	[tilespmem:s18+$0x13870] =	vst.add.f32.msk $0xffff, v0  }
0x3ec: {  	v0 =	vld [tilespmem:s18+$0x1860]  }
0x3ed: {  	[tilespmem:s18+$0x13800] =	vst.add.f32.msk $0xffff, v1  }
0x3ee: {  	[tilespmem:s18+$0x13810] =	vst.add.f32.msk $0xffff, v2  }
0x3ef: {  	[tilespmem:s18+$0x13820] =	vst.add.f32.msk $0xffff, v3  }
0x3f0: {  	[tilespmem:s18+$0x13830] =	vst.add.f32.msk $0xffff, v4  }
0x3f1: {  	[tilespmem:s18+$0x13840] =	vst.add.f32.msk $0xffff, v5  }
0x3f2: {  	s19 =	simm.s32 $0x0;
	s21 =	sadd.s32 $0x1000, s6;
	[tilespmem:s18+$0x13850] =	vst.add.f32.msk $0xffff, v6  }
.LBB2_80:
0x3f3: {  	s19 =	sadd.s32 $0x8, s19;
	[tilespmem:s18+$0x13860] =	vst.add.f32.msk $0xffff, v0;
	s18 =	sshra.s32 s21, $0x2  }
0x3f4: {  	v0 =	vld [tilespmem:s18+$0x1870];
	p0 =	slt.u32 s19, $0x28  }
0x3f5: {  	v1 =	vld [tilespmem:s18+$0x1800]  }
0x3f6: {  	v2 =	vld [tilespmem:s18+$0x1810]  }
0x3f7: {  	v3 =	vld [tilespmem:s18+$0x1820]  }
0x3f8: {  	v4 =	vld [tilespmem:s18+$0x1830]  }
0x3f9: {  	[tilespmem:s18+$0x13870] =	vst.add.f32.msk $0xffff, v0  }
0x3fa: {  	v5 =	vld [tilespmem:s18+$0x1840]  }
0x3fb: {  	v6 =	vld [tilespmem:s18+$0x1850]  }
0x3fc: {  	v0 =	vld [tilespmem:s18+$0x1860]  }
0x3fd: {  	[tilespmem:s18+$0x13800] =	vst.add.f32.msk $0xffff, v1  }
.Ltmp38:
0x3fe: {  	[tilespmem:s18+$0x13810] =	vst.add.f32.msk $0xffff, v2;
	(pc) =	sbr.rel @p0 .LBB2_80-.Ltmp38, $4  }
0x3ff: {  	[tilespmem:s18+$0x13820] =	vst.add.f32.msk $0xffff, v3  }
0x400: {  	[tilespmem:s18+$0x13830] =	vst.add.f32.msk $0xffff, v4  }
0x401: {  	[tilespmem:s18+$0x13840] =	vst.add.f32.msk $0xffff, v5  }
0x402: {  	s21 =	sadd.s32 $0x1000, s21;
	[tilespmem:s18+$0x13850] =	vst.add.f32.msk $0xffff, v6  }
0x403: {  	s17 =	sadd.s32 $0x1, s17  }
0x404: {  	p0 =	sne.s32 s17, $0x8  }
.Ltmp39:
0x405: {  	_ = 	snop;
	(pc) =	sbr.rel @p0 .LBB2_79-.Ltmp39, $2  }
0x406: {  	_ =	sdelay $0x2  }
0x407: {  	[tilespmem:s18+$0x13860] =	vst.add.f32.msk $0xffff, v0;
	s6 =	sadd.s32 $0x200, s6  }
0x408: {  	s8 =	sadd.s32 $0x1, s8  }
0x409: {  	p0 =	sne.s32 s8, $0x9  }
.Ltmp40:
0x40a: {  	_ = 	snop;
	(pc) =	sbr.rel @p0 .LBB2_34-.Ltmp40, $3  }
0x40b: {  	_ =	sdelay $0x1  }
0x40c: {  	s6 =	sadd.s32 $0x240000, s9;
	s19 =	simm.s32 $0x0;
	s22 =	simm.s32 $0x13800  }
0x40d: {  	[hbm4b:s6+s19] =	stream.linear.scatter [tilespmem:s22], [sflag:$0xB], $0x1800, $0x38;
	[tilespmem:$0x1B000] =	vst v63  }
0x40e: {  	_ =	swait.ge [sflag:s23], $0x1800  }
0x40f: {  	[sflag:s23] =	ssyncset.done $0x0  }
0x410: {  	[sflag:s23] =	ssyncadd.s32 $0xFFFFE800  }
0x411: {  	_ =	swait.ge [sflag:s13], $0x1800  }
0x412: {  	[sflag:s13] =	ssyncset.done $0x0  }
0x413: {  	s7 =	simm.s32 $0x0;
	s6 =	rddreg [dreg:$0x13];
	[sflag:s13] =	ssyncadd.s32 $0xFFFFE800  }
0x414: {  	[tilespmem:s7], [sflag:$0x1] =	stream.linear.gather [hbm4b:s6+s7], $0x1800, $0x38;
	[tilespmem:$0x1B000] =	vst v63  }
0x415: {  	s8 =	simm.s32 $0x4800;
	s21 =	rddreg [dreg:$0x14]  }
0x416: {  	[tilespmem:s8], [sflag:$0x4] =	stream.linear.gather [hbm4b:s21+s7], $0x1800, $0x38;
	[tilespmem:$0x1B000] =	vst v63  }
0x417: {  	_ =	swait.ge [sflag:s12], $0x6000  }
0x418: {  	[sflag:s12] =	ssyncset.done $0x0  }
0x419: {  	s22 =	rddreg [dreg:$0x15];
	[sflag:s12] =	ssyncadd.s32 $0xFFFFA000  }
0x41a: {  	[tilespmem:s28], [sflag:$0x7] =	stream.strided.gather [hbm4b:s22+s25], $0x6000, s26, s25, $0x38;
	[tilespmem:$0x1B000] =	vst v63  }
0x41b: {  	_ =	swait.ge [sflag:s14], $0x6000  }
0x41c: {  	[sflag:s14] =	ssyncset.done $0x0  }
0x41d: {  	s8 =	simm.s32 $0x0;
	[sflag:s14] =	ssyncadd.s32 $0xFFFFA000  }
.LBB2_84:
0x41e: {  	s6 =	sshra.s32 s7, $0x2  }
0x41f: {  	v1 =	vld [tilespmem:s6+$0x3060]  }
0x420: {  	v3 =	vld [tilespmem:s6+$0x3050]  }
0x421: {  	v2 =	vld [tilespmem:s6+$0x7840]  }
0x422: {  	v8 =	vld [tilespmem:s6+$0x7860]  }
0x423: {  	v0 =	vld [tilespmem:s6+$0x7810]  }
0x424: {  	v5 =	vld [tilespmem:s6+$0x3070]  }
0x425: {  	v4 =	vld [tilespmem:s6+$0x3040]  }
0x426: {  	v7 =	vld [tilespmem:s6+$0x7870]  }
0x427: {  	v6 =	vld [tilespmem:s6+$0x7830]  }
0x428: {  	v9 =	vld [tilespmem:s6+$0x7850]  }
0x429: {  	v10 =	vld [tilespmem:s6+$0x3030]  }
0x42a: {  	v11 =	vld [tilespmem:s6+$0x7820]  }
0x42b: {  	v12 =	vld [tilespmem:s6+$0x3020]  }
0x42c: {  	v13 =	vld [tilespmem:s6+$0x7800];
	v14 =	vadd.f32 v2, v4  }
0x42d: {  	v15 =	vld [tilespmem:s6+$0x3000]  }
0x42e: {  	v2 =	vadd.f32 v6, v10;
	v6 =	vld [tilespmem:s6+$0x3010];
	[tilespmem:s6+$0x3040] =	vst v14  }
0x42f: {  	v4 =	vadd.f32 v9, v3;
	[tilespmem:s6+$0x15040] =	vst.add.f32.msk $0xffff, v14  }
0x430: {  	v5 =	vadd.f32 v7, v5;
	[tilespmem:s6+$0x15030] =	vst.add.f32.msk $0xffff, v2  }
0x431: {  	v7 =	vadd.f32 v11, v12;
	[tilespmem:s6+$0x15050] =	vst.add.f32.msk $0xffff, v4  }
0x432: {  	v3 =	vadd.f32 v13, v15;
	[tilespmem:s6+$0x15070] =	vst.add.f32.msk $0xffff, v5  }
0x433: {  	s9 =	simm.s32 $0x0;
	s17 =	sadd.s32 $0x1000, s7;
	v1 =	vadd.f32 v8, v1;
	[tilespmem:s6+$0x15020] =	vst.add.f32.msk $0xffff, v7  }
.LBB2_85:
0x434: {  	s18 =	sshra.s32 s17, $0x2;
	s9 =	sadd.s32 $0x8, s9;
	[tilespmem:s6+$0x15000] =	vst.add.f32.msk $0xffff, v3;
	v6 =	vadd.f32 v0, v6  }
0x435: {  	v8 =	vld [tilespmem:s18+$0x3060];
	p0 =	slt.u32 s9, $0x28;
	[tilespmem:s6+$0x3020] =	vst v7  }
0x436: {  	v7 =	vld [tilespmem:s18+$0x3050];
	[tilespmem:s6+$0x3010] =	vst v6  }
0x437: {  	v9 =	vld [tilespmem:s18+$0x7840];
	[tilespmem:s6+$0x3050] =	vst v4  }
0x438: {  	v10 =	vld [tilespmem:s18+$0x7860];
	[tilespmem:s6+$0x3070] =	vst v5  }
0x439: {  	v0 =	vld [tilespmem:s18+$0x7810];
	[tilespmem:s6+$0x3030] =	vst v2  }
0x43a: {  	v5 =	vld [tilespmem:s18+$0x3070]  }
0x43b: {  	v2 =	vld [tilespmem:s18+$0x3040]  }
0x43c: {  	v11 =	vld [tilespmem:s18+$0x7870]  }
0x43d: {  	v4 =	vld [tilespmem:s18+$0x7830]  }
0x43e: {  	[tilespmem:s6+$0x15010] =	vst.add.f32.msk $0xffff, v6  }
0x43f: {  	v12 =	vld [tilespmem:s18+$0x7850]  }
0x440: {  	v6 =	vld [tilespmem:s18+$0x3030]  }
0x441: {  	v13 =	vld [tilespmem:s18+$0x7820];
	[tilespmem:s6+$0x3000] =	vst v3  }
0x442: {  	v3 =	vld [tilespmem:s18+$0x3020];
	[tilespmem:s6+$0x3060] =	vst v1  }
0x443: {  	[tilespmem:s6+$0x15060] =	vst.add.f32.msk $0xffff, v1;
	s6 =	smov.u32 s18  }
0x444: {  	v9 =	vadd.f32 v9, v2;
	v1 =	vld [tilespmem:s6+$0x7800]  }
0x445: {  	v14 =	vld [tilespmem:s6+$0x3000];
	v2 =	vadd.f32 v4, v6  }
0x446: {  	v4 =	vadd.f32 v12, v7;
	v6 =	vld [tilespmem:s6+$0x3010];
	[tilespmem:s6+$0x3040] =	vst v9  }
.Ltmp41:
0x447: {  	v5 =	vadd.f32 v11, v5;
	v7 =	vadd.f32 v13, v3;
	[tilespmem:s6+$0x15040] =	vst.add.f32.msk $0xffff, v9;
	(pc) =	sbr.rel @p0 .LBB2_85-.Ltmp41, $4  }
0x448: {  	[tilespmem:s6+$0x15030] =	vst.add.f32.msk $0xffff, v2  }
0x449: {  	[tilespmem:s6+$0x15050] =	vst.add.f32.msk $0xffff, v4  }
0x44a: {  	v3 =	vadd.f32 v1, v14;
	v1 =	vadd.f32 v10, v8;
	[tilespmem:s6+$0x15070] =	vst.add.f32.msk $0xffff, v5  }
0x44b: {  	s17 =	sadd.s32 $0x1000, s17;
	[tilespmem:s6+$0x15020] =	vst.add.f32.msk $0xffff, v7  }
0x44c: {  	[tilespmem:s6+$0x15000] =	vst.add.f32.msk $0xffff, v3  }
0x44d: {  	[tilespmem:s6+$0x3020] =	vst v7  }
0x44e: {  	[tilespmem:s6+$0x3050] =	vst v4  }
0x44f: {  	[tilespmem:s6+$0x3070] =	vst v5;
	s8 =	sadd.s32 $0x1, s8  }
0x450: {  	[tilespmem:s6+$0x3030] =	vst v2;
	p0 =	sne.s32 s8, $0x8  }
.Ltmp42:
0x451: {  	[tilespmem:s6+$0x3000] =	vst v3;
	(pc) =	sbr.rel @p0 .LBB2_84-.Ltmp42, $4  }
0x452: {  	v0 =	vadd.f32 v0, v6;
	[tilespmem:s6+$0x3060] =	vst v1  }
0x453: {  	[tilespmem:s6+$0x15060] =	vst.add.f32.msk $0xffff, v1  }
0x454: {  	[tilespmem:s6+$0x3010] =	vst v0  }
0x455: {  	s7 =	sadd.s32 $0x200, s7;
	[tilespmem:s6+$0x15010] =	vst.add.f32.msk $0xffff, v0  }
0x456: {  	s7 =	sld [smem:$0x7F3];
	_ =	sdelay $0x1  }
0x457: {  	s6 =	simm.s32 $0x0  }
0x458: {  	[hbm4b:s7+s6] =	stream.linear.scatter [tilespmem:s15], [sflag:$0xC], $0x1800, $0x38;
	[tilespmem:$0x1B000] =	vst v63  }
0x459: {  	s7 =	simm.s32 $0x0  }
.LBB2_88:
0x45a: {  	s8 =	sshra.s32 s6, $0x2  }
0x45b: {  	v0 =	vld [tilespmem:s8+$0x3070]  }
0x45c: {  	v1 =	vld [tilespmem:s8+$0x3000]  }
0x45d: {  	v2 =	vld [tilespmem:s8+$0x3010]  }
0x45e: {  	v3 =	vld [tilespmem:s8+$0x3020]  }
0x45f: {  	v4 =	vld [tilespmem:s8+$0x3030]  }
0x460: {  	v5 =	vld [tilespmem:s8+$0x3040]  }
0x461: {  	v6 =	vld [tilespmem:s8+$0x3050]  }
0x462: {  	[tilespmem:s8+$0x16870] =	vst.add.f32.msk $0xffff, v0  }
0x463: {  	v0 =	vld [tilespmem:s8+$0x3060]  }
0x464: {  	[tilespmem:s8+$0x16800] =	vst.add.f32.msk $0xffff, v1  }
0x465: {  	[tilespmem:s8+$0x16810] =	vst.add.f32.msk $0xffff, v2  }
0x466: {  	[tilespmem:s8+$0x16820] =	vst.add.f32.msk $0xffff, v3  }
0x467: {  	[tilespmem:s8+$0x16830] =	vst.add.f32.msk $0xffff, v4  }
0x468: {  	[tilespmem:s8+$0x16840] =	vst.add.f32.msk $0xffff, v5  }
0x469: {  	s9 =	simm.s32 $0x0;
	s17 =	sadd.s32 $0x1000, s6;
	[tilespmem:s8+$0x16850] =	vst.add.f32.msk $0xffff, v6  }
.LBB2_89:
0x46a: {  	s9 =	sadd.s32 $0x8, s9;
	[tilespmem:s8+$0x16860] =	vst.add.f32.msk $0xffff, v0;
	s8 =	sshra.s32 s17, $0x2  }
0x46b: {  	v0 =	vld [tilespmem:s8+$0x3070];
	p0 =	slt.u32 s9, $0x28  }
0x46c: {  	v1 =	vld [tilespmem:s8+$0x3000]  }
0x46d: {  	v2 =	vld [tilespmem:s8+$0x3010]  }
0x46e: {  	v3 =	vld [tilespmem:s8+$0x3020]  }
0x46f: {  	v4 =	vld [tilespmem:s8+$0x3030]  }
0x470: {  	[tilespmem:s8+$0x16870] =	vst.add.f32.msk $0xffff, v0  }
0x471: {  	v5 =	vld [tilespmem:s8+$0x3040]  }
0x472: {  	v6 =	vld [tilespmem:s8+$0x3050]  }
0x473: {  	v0 =	vld [tilespmem:s8+$0x3060]  }
0x474: {  	[tilespmem:s8+$0x16800] =	vst.add.f32.msk $0xffff, v1  }
.Ltmp43:
0x475: {  	[tilespmem:s8+$0x16810] =	vst.add.f32.msk $0xffff, v2;
	(pc) =	sbr.rel @p0 .LBB2_89-.Ltmp43, $4  }
0x476: {  	[tilespmem:s8+$0x16820] =	vst.add.f32.msk $0xffff, v3  }
0x477: {  	[tilespmem:s8+$0x16830] =	vst.add.f32.msk $0xffff, v4  }
0x478: {  	[tilespmem:s8+$0x16840] =	vst.add.f32.msk $0xffff, v5  }
0x479: {  	s17 =	sadd.s32 $0x1000, s17;
	[tilespmem:s8+$0x16850] =	vst.add.f32.msk $0xffff, v6  }
0x47a: {  	s7 =	sadd.s32 $0x1, s7  }
0x47b: {  	p0 =	sne.s32 s7, $0x8  }
.Ltmp44:
0x47c: {  	_ = 	snop;
	(pc) =	sbr.rel @p0 .LBB2_88-.Ltmp44, $2  }
0x47d: {  	_ =	sdelay $0x2  }
0x47e: {  	[tilespmem:s8+$0x16860] =	vst.add.f32.msk $0xffff, v0;
	s6 =	sadd.s32 $0x200, s6  }
0x47f: {  	s7 =	sld [smem:$0x7F6];
	_ =	sdelay $0x1  }
0x480: {  	s6 =	simm.s32 $0x0;
	s8 =	simm.s32 $0x16800  }
0x481: {  	[hbm4b:s7+s6] =	stream.linear.scatter [tilespmem:s8], [sflag:$0xC], $0x1800, $0x38;
	[tilespmem:$0x1B000] =	vst v63  }
0x482: {  	s7 =	simm.s32 $0x0  }
.LBB2_92:
0x483: {  	s8 =	sshra.s32 s6, $0x2  }
0x484: {  	v0 =	vld [tilespmem:s8+$0x3070]  }
0x485: {  	v1 =	vld [tilespmem:s8+$0x3000]  }
0x486: {  	v2 =	vld [tilespmem:s8+$0x3010]  }
0x487: {  	v3 =	vld [tilespmem:s8+$0x3020]  }
0x488: {  	v4 =	vld [tilespmem:s8+$0x3030]  }
0x489: {  	v5 =	vld [tilespmem:s8+$0x3040]  }
0x48a: {  	v6 =	vld [tilespmem:s8+$0x3050]  }
0x48b: {  	[tilespmem:s8+$0x18070] =	vst.add.f32.msk $0xffff, v0  }
0x48c: {  	v0 =	vld [tilespmem:s8+$0x3060]  }
0x48d: {  	[tilespmem:s8+$0x18000] =	vst.add.f32.msk $0xffff, v1  }
0x48e: {  	[tilespmem:s8+$0x18010] =	vst.add.f32.msk $0xffff, v2  }
0x48f: {  	[tilespmem:s8+$0x18020] =	vst.add.f32.msk $0xffff, v3  }
0x490: {  	[tilespmem:s8+$0x18030] =	vst.add.f32.msk $0xffff, v4  }
0x491: {  	[tilespmem:s8+$0x18040] =	vst.add.f32.msk $0xffff, v5  }
0x492: {  	s9 =	simm.s32 $0x0;
	s17 =	sadd.s32 $0x1000, s6;
	[tilespmem:s8+$0x18050] =	vst.add.f32.msk $0xffff, v6  }
.LBB2_93:
0x493: {  	s9 =	sadd.s32 $0x8, s9;
	[tilespmem:s8+$0x18060] =	vst.add.f32.msk $0xffff, v0;
	s8 =	sshra.s32 s17, $0x2  }
0x494: {  	v0 =	vld [tilespmem:s8+$0x3070];
	p0 =	slt.u32 s9, $0x28  }
0x495: {  	v1 =	vld [tilespmem:s8+$0x3000]  }
0x496: {  	v2 =	vld [tilespmem:s8+$0x3010]  }
0x497: {  	v3 =	vld [tilespmem:s8+$0x3020]  }
0x498: {  	v4 =	vld [tilespmem:s8+$0x3030]  }
0x499: {  	[tilespmem:s8+$0x18070] =	vst.add.f32.msk $0xffff, v0  }
0x49a: {  	v5 =	vld [tilespmem:s8+$0x3040]  }
0x49b: {  	v6 =	vld [tilespmem:s8+$0x3050]  }
0x49c: {  	v0 =	vld [tilespmem:s8+$0x3060]  }
0x49d: {  	[tilespmem:s8+$0x18000] =	vst.add.f32.msk $0xffff, v1  }
.Ltmp45:
0x49e: {  	[tilespmem:s8+$0x18010] =	vst.add.f32.msk $0xffff, v2;
	(pc) =	sbr.rel @p0 .LBB2_93-.Ltmp45, $4  }
0x49f: {  	[tilespmem:s8+$0x18020] =	vst.add.f32.msk $0xffff, v3  }
0x4a0: {  	[tilespmem:s8+$0x18030] =	vst.add.f32.msk $0xffff, v4  }
0x4a1: {  	[tilespmem:s8+$0x18040] =	vst.add.f32.msk $0xffff, v5  }
0x4a2: {  	s17 =	sadd.s32 $0x1000, s17;
	[tilespmem:s8+$0x18050] =	vst.add.f32.msk $0xffff, v6  }
0x4a3: {  	s7 =	sadd.s32 $0x1, s7  }
0x4a4: {  	p0 =	sne.s32 s7, $0x8  }
.Ltmp46:
0x4a5: {  	_ = 	snop;
	(pc) =	sbr.rel @p0 .LBB2_92-.Ltmp46, $2  }
0x4a6: {  	_ =	sdelay $0x2  }
0x4a7: {  	[tilespmem:s8+$0x18060] =	vst.add.f32.msk $0xffff, v0;
	s6 =	sadd.s32 $0x200, s6  }
0x4a8: {  	s7 =	sld [smem:$0x7F4];
	_ =	sdelay $0x1  }
0x4a9: {  	s6 =	simm.s32 $0x0;
	s8 =	simm.s32 $0x18000  }
0x4aa: {  	[hbm4b:s7+s6] =	stream.linear.scatter [tilespmem:s8], [sflag:$0xC], $0x1800, $0x38;
	[tilespmem:$0x1B000] =	vst v63  }
0x4ab: {  	s7 =	simm.s32 $0x0  }
.LBB2_96:
0x4ac: {  	s8 =	sshra.s32 s6, $0x2  }
0x4ad: {  	v0 =	vld [tilespmem:s8+$0x3070]  }
0x4ae: {  	v1 =	vld [tilespmem:s8+$0x3000]  }
0x4af: {  	v2 =	vld [tilespmem:s8+$0x3010]  }
0x4b0: {  	v3 =	vld [tilespmem:s8+$0x3020]  }
0x4b1: {  	v4 =	vld [tilespmem:s8+$0x3030]  }
0x4b2: {  	v5 =	vld [tilespmem:s8+$0x3040]  }
0x4b3: {  	v6 =	vld [tilespmem:s8+$0x3050]  }
0x4b4: {  	[tilespmem:s8+$0x19870] =	vst.add.f32.msk $0xffff, v0  }
0x4b5: {  	v0 =	vld [tilespmem:s8+$0x3060]  }
0x4b6: {  	[tilespmem:s8+$0x19800] =	vst.add.f32.msk $0xffff, v1  }
0x4b7: {  	[tilespmem:s8+$0x19810] =	vst.add.f32.msk $0xffff, v2  }
0x4b8: {  	[tilespmem:s8+$0x19820] =	vst.add.f32.msk $0xffff, v3  }
0x4b9: {  	[tilespmem:s8+$0x19830] =	vst.add.f32.msk $0xffff, v4  }
0x4ba: {  	[tilespmem:s8+$0x19840] =	vst.add.f32.msk $0xffff, v5  }
0x4bb: {  	s9 =	simm.s32 $0x0;
	s17 =	sadd.s32 $0x1000, s6;
	[tilespmem:s8+$0x19850] =	vst.add.f32.msk $0xffff, v6  }
.LBB2_97:
0x4bc: {  	s9 =	sadd.s32 $0x8, s9;
	[tilespmem:s8+$0x19860] =	vst.add.f32.msk $0xffff, v0;
	s8 =	sshra.s32 s17, $0x2  }
0x4bd: {  	v0 =	vld [tilespmem:s8+$0x3070];
	p0 =	slt.u32 s9, $0x28  }
0x4be: {  	v1 =	vld [tilespmem:s8+$0x3000]  }
0x4bf: {  	v2 =	vld [tilespmem:s8+$0x3010]  }
0x4c0: {  	v3 =	vld [tilespmem:s8+$0x3020]  }
0x4c1: {  	v4 =	vld [tilespmem:s8+$0x3030]  }
0x4c2: {  	[tilespmem:s8+$0x19870] =	vst.add.f32.msk $0xffff, v0  }
0x4c3: {  	v5 =	vld [tilespmem:s8+$0x3040]  }
0x4c4: {  	v6 =	vld [tilespmem:s8+$0x3050]  }
0x4c5: {  	v0 =	vld [tilespmem:s8+$0x3060]  }
0x4c6: {  	[tilespmem:s8+$0x19800] =	vst.add.f32.msk $0xffff, v1  }
.Ltmp47:
0x4c7: {  	[tilespmem:s8+$0x19810] =	vst.add.f32.msk $0xffff, v2;
	(pc) =	sbr.rel @p0 .LBB2_97-.Ltmp47, $4  }
0x4c8: {  	[tilespmem:s8+$0x19820] =	vst.add.f32.msk $0xffff, v3  }
0x4c9: {  	[tilespmem:s8+$0x19830] =	vst.add.f32.msk $0xffff, v4  }
0x4ca: {  	[tilespmem:s8+$0x19840] =	vst.add.f32.msk $0xffff, v5  }
0x4cb: {  	s17 =	sadd.s32 $0x1000, s17;
	[tilespmem:s8+$0x19850] =	vst.add.f32.msk $0xffff, v6  }
0x4cc: {  	s7 =	sadd.s32 $0x1, s7  }
0x4cd: {  	p0 =	sne.s32 s7, $0x8  }
.Ltmp48:
0x4ce: {  	_ = 	snop;
	(pc) =	sbr.rel @p0 .LBB2_96-.Ltmp48, $2  }
0x4cf: {  	_ =	sdelay $0x2  }
0x4d0: {  	[tilespmem:s8+$0x19860] =	vst.add.f32.msk $0xffff, v0;
	s6 =	sadd.s32 $0x200, s6  }
0x4d1: {  	s6 =	sld [smem:$0x7F5];
	_ =	sdelay $0x1  }
0x4d2: {  	s7 =	simm.s32 $0x0;
	s8 =	simm.s32 $0x19800  }
0x4d3: {  	[hbm4b:s6+s7] =	stream.linear.scatter [tilespmem:s8], [sflag:$0xC], $0x1800, $0x38;
	[tilespmem:$0x1B000] =	vst v63  }
0x4d4: {  	_ =	swait.ge [sflag:s29], $0x1800  }
0x4d5: {  	[sflag:s29] =	ssyncset.done $0x0  }
0x4d6: {  	[sflag:s29] =	ssyncadd.s32 $0xFFFFE800  }
0x4d7: {  	_ =	swait.ge [sflag:s30], $0x1800  }
0x4d8: {  	[sflag:s30] =	ssyncset.done $0x0  }
0x4d9: {  	s18 =	rddreg [dreg:$0x1b];
	[sflag:s30] =	ssyncadd.s32 $0xFFFFE800  }
0x4da: {  	[tilespmem:s25], [sflag:$0x2] =	stream.linear.gather [hbm4b:s18+s7], $0x1800, $0x38;
	[tilespmem:$0x1B000] =	vst v63  }
0x4db: {  	s21 =	simm.s32 $0x6000;
	s20 =	rddreg [dreg:$0x1c]  }
0x4dc: {  	[tilespmem:s21], [sflag:$0x5] =	stream.linear.gather [hbm4b:s20+s7], $0x1800, $0x38;
	[tilespmem:$0x1B000] =	vst v63  }
0x4dd: {  	_ =	swait.ge [sflag:s24], $0x6000  }
0x4de: {  	[sflag:s24] =	ssyncset.done $0x0  }
0x4df: {  	s22 =	rddreg [dreg:$0x1d];
	[sflag:s24] =	ssyncadd.s32 $0xFFFFA000  }
0x4e0: {  	[tilespmem:s3], [sflag:$0x8] =	stream.strided.gather [hbm4b:s22+s25], $0x6000, s26, s25, $0x38;
	[tilespmem:$0x1B000] =	vst v63  }
0x4e1: {  	_ =	swait.ge [sflag:s0], $0x6000  }
0x4e2: {  	[sflag:s0] =	ssyncset.done $0x0  }
0x4e3: {  	s8 =	simm.s32 $0x0;
	[sflag:s0] =	ssyncadd.s32 $0xFFFFA000  }
.LBB2_100:
0x4e4: {  	s6 =	sshra.s32 s7, $0x2  }
0x4e5: {  	v1 =	vld [tilespmem:s6+$0x60]  }
0x4e6: {  	v3 =	vld [tilespmem:s6+$0x50]  }
0x4e7: {  	v2 =	vld [tilespmem:s6+$0x4840]  }
0x4e8: {  	v8 =	vld [tilespmem:s6+$0x4860]  }
0x4e9: {  	v0 =	vld [tilespmem:s6+$0x4810]  }
0x4ea: {  	v5 =	vld [tilespmem:s6+$0x70]  }
0x4eb: {  	v4 =	vld [tilespmem:s6+$0x40]  }
0x4ec: {  	v7 =	vld [tilespmem:s6+$0x4870]  }
0x4ed: {  	v6 =	vld [tilespmem:s6+$0x4830]  }
0x4ee: {  	v9 =	vld [tilespmem:s6+$0x4850]  }
0x4ef: {  	v10 =	vld [tilespmem:s6+$0x30]  }
0x4f0: {  	v11 =	vld [tilespmem:s6+$0x4820]  }
0x4f1: {  	v12 =	vld [tilespmem:s6+$0x20]  }
0x4f2: {  	v13 =	vld [tilespmem:s6+$0x4800];
	v14 =	vadd.f32 v2, v4  }
0x4f3: {  	v15 =	vld [tilespmem:s6+$0x0]  }
0x4f4: {  	v2 =	vadd.f32 v6, v10;
	v6 =	vld [tilespmem:s6+$0x10];
	[tilespmem:s6+$0x40] =	vst v14  }
0x4f5: {  	v4 =	vadd.f32 v9, v3;
	[tilespmem:s6+$0x9040] =	vst.add.f32.msk $0xffff, v14  }
0x4f6: {  	v5 =	vadd.f32 v7, v5;
	[tilespmem:s6+$0x9030] =	vst.add.f32.msk $0xffff, v2  }
0x4f7: {  	v7 =	vadd.f32 v11, v12;
	[tilespmem:s6+$0x9050] =	vst.add.f32.msk $0xffff, v4  }
0x4f8: {  	v3 =	vadd.f32 v13, v15;
	[tilespmem:s6+$0x9070] =	vst.add.f32.msk $0xffff, v5  }
0x4f9: {  	s9 =	simm.s32 $0x0;
	s17 =	sadd.s32 $0x1000, s7;
	v1 =	vadd.f32 v8, v1;
	[tilespmem:s6+$0x9020] =	vst.add.f32.msk $0xffff, v7  }
.LBB2_101:
0x4fa: {  	s18 =	sshra.s32 s17, $0x2;
	s9 =	sadd.s32 $0x8, s9;
	[tilespmem:s6+$0x9000] =	vst.add.f32.msk $0xffff, v3;
	v6 =	vadd.f32 v0, v6  }
0x4fb: {  	v8 =	vld [tilespmem:s18+$0x60];
	p0 =	slt.u32 s9, $0x28;
	[tilespmem:s6+$0x20] =	vst v7  }
0x4fc: {  	v7 =	vld [tilespmem:s18+$0x50];
	[tilespmem:s6+$0x10] =	vst v6  }
0x4fd: {  	v9 =	vld [tilespmem:s18+$0x4840];
	[tilespmem:s6+$0x50] =	vst v4  }
0x4fe: {  	v10 =	vld [tilespmem:s18+$0x4860];
	[tilespmem:s6+$0x70] =	vst v5  }
0x4ff: {  	v0 =	vld [tilespmem:s18+$0x4810];
	[tilespmem:s6+$0x30] =	vst v2  }
0x500: {  	v5 =	vld [tilespmem:s18+$0x70]  }
0x501: {  	v2 =	vld [tilespmem:s18+$0x40]  }
0x502: {  	v11 =	vld [tilespmem:s18+$0x4870]  }
0x503: {  	v4 =	vld [tilespmem:s18+$0x4830]  }
0x504: {  	[tilespmem:s6+$0x9010] =	vst.add.f32.msk $0xffff, v6  }
0x505: {  	v12 =	vld [tilespmem:s18+$0x4850]  }
0x506: {  	v6 =	vld [tilespmem:s18+$0x30]  }
0x507: {  	v13 =	vld [tilespmem:s18+$0x4820];
	[tilespmem:s6+$0x0] =	vst v3  }
0x508: {  	v3 =	vld [tilespmem:s18+$0x20];
	[tilespmem:s6+$0x60] =	vst v1  }
0x509: {  	[tilespmem:s6+$0x9060] =	vst.add.f32.msk $0xffff, v1;
	s6 =	smov.u32 s18  }
0x50a: {  	v9 =	vadd.f32 v9, v2;
	v1 =	vld [tilespmem:s6+$0x4800]  }
0x50b: {  	v14 =	vld [tilespmem:s6+$0x0];
	v2 =	vadd.f32 v4, v6  }
0x50c: {  	v4 =	vadd.f32 v12, v7;
	v6 =	vld [tilespmem:s6+$0x10];
	[tilespmem:s6+$0x40] =	vst v9  }
.Ltmp49:
0x50d: {  	v5 =	vadd.f32 v11, v5;
	v7 =	vadd.f32 v13, v3;
	[tilespmem:s6+$0x9040] =	vst.add.f32.msk $0xffff, v9;
	(pc) =	sbr.rel @p0 .LBB2_101-.Ltmp49, $4  }
0x50e: {  	[tilespmem:s6+$0x9030] =	vst.add.f32.msk $0xffff, v2  }
0x50f: {  	[tilespmem:s6+$0x9050] =	vst.add.f32.msk $0xffff, v4  }
0x510: {  	v3 =	vadd.f32 v1, v14;
	v1 =	vadd.f32 v10, v8;
	[tilespmem:s6+$0x9070] =	vst.add.f32.msk $0xffff, v5  }
0x511: {  	s17 =	sadd.s32 $0x1000, s17;
	[tilespmem:s6+$0x9020] =	vst.add.f32.msk $0xffff, v7  }
0x512: {  	[tilespmem:s6+$0x9000] =	vst.add.f32.msk $0xffff, v3  }
0x513: {  	[tilespmem:s6+$0x20] =	vst v7  }
0x514: {  	[tilespmem:s6+$0x50] =	vst v4  }
0x515: {  	[tilespmem:s6+$0x70] =	vst v5;
	s8 =	sadd.s32 $0x1, s8  }
0x516: {  	[tilespmem:s6+$0x30] =	vst v2;
	p0 =	sne.s32 s8, $0x8  }
.Ltmp50:
0x517: {  	[tilespmem:s6+$0x0] =	vst v3;
	(pc) =	sbr.rel @p0 .LBB2_100-.Ltmp50, $4  }
0x518: {  	v0 =	vadd.f32 v0, v6;
	[tilespmem:s6+$0x60] =	vst v1  }
0x519: {  	[tilespmem:s6+$0x9060] =	vst.add.f32.msk $0xffff, v1  }
0x51a: {  	[tilespmem:s6+$0x10] =	vst v0  }
0x51b: {  	s7 =	sadd.s32 $0x200, s7;
	[tilespmem:s6+$0x9010] =	vst.add.f32.msk $0xffff, v0  }
0x51c: {  	s6 =	simm.s32 $0x0;
	s7 =	rddreg [dreg:$0x16]  }
0x51d: {  	[hbm4b:s7+s6] =	stream.linear.scatter [tilespmem:s28], [sflag:$0xA], $0x1800, $0x38;
	[tilespmem:$0x1B000] =	vst v63  }
0x51e: {  	s7 =	simm.s32 $0x0  }
.LBB2_104:
0x51f: {  	s8 =	sshra.s32 s6, $0x2  }
0x520: {  	v0 =	vld [tilespmem:s8+$0x70]  }
0x521: {  	v1 =	vld [tilespmem:s8+$0x0]  }
0x522: {  	v2 =	vld [tilespmem:s8+$0x10]  }
0x523: {  	v3 =	vld [tilespmem:s8+$0x20]  }
0x524: {  	v4 =	vld [tilespmem:s8+$0x30]  }
0x525: {  	v5 =	vld [tilespmem:s8+$0x40]  }
0x526: {  	v6 =	vld [tilespmem:s8+$0x50]  }
0x527: {  	[tilespmem:s8+$0xA870] =	vst.add.f32.msk $0xffff, v0  }
0x528: {  	v0 =	vld [tilespmem:s8+$0x60]  }
0x529: {  	[tilespmem:s8+$0xA800] =	vst.add.f32.msk $0xffff, v1  }
0x52a: {  	[tilespmem:s8+$0xA810] =	vst.add.f32.msk $0xffff, v2  }
0x52b: {  	[tilespmem:s8+$0xA820] =	vst.add.f32.msk $0xffff, v3  }
0x52c: {  	[tilespmem:s8+$0xA830] =	vst.add.f32.msk $0xffff, v4  }
0x52d: {  	[tilespmem:s8+$0xA840] =	vst.add.f32.msk $0xffff, v5  }
0x52e: {  	s9 =	simm.s32 $0x0;
	s17 =	sadd.s32 $0x1000, s6;
	[tilespmem:s8+$0xA850] =	vst.add.f32.msk $0xffff, v6  }
.LBB2_105:
0x52f: {  	s9 =	sadd.s32 $0x8, s9;
	[tilespmem:s8+$0xA860] =	vst.add.f32.msk $0xffff, v0;
	s8 =	sshra.s32 s17, $0x2  }
0x530: {  	v0 =	vld [tilespmem:s8+$0x70];
	p0 =	slt.u32 s9, $0x28  }
0x531: {  	v1 =	vld [tilespmem:s8+$0x0]  }
0x532: {  	v2 =	vld [tilespmem:s8+$0x10]  }
0x533: {  	v3 =	vld [tilespmem:s8+$0x20]  }
0x534: {  	v4 =	vld [tilespmem:s8+$0x30]  }
0x535: {  	[tilespmem:s8+$0xA870] =	vst.add.f32.msk $0xffff, v0  }
0x536: {  	v5 =	vld [tilespmem:s8+$0x40]  }
0x537: {  	v6 =	vld [tilespmem:s8+$0x50]  }
0x538: {  	v0 =	vld [tilespmem:s8+$0x60]  }
0x539: {  	[tilespmem:s8+$0xA800] =	vst.add.f32.msk $0xffff, v1  }
.Ltmp51:
0x53a: {  	[tilespmem:s8+$0xA810] =	vst.add.f32.msk $0xffff, v2;
	(pc) =	sbr.rel @p0 .LBB2_105-.Ltmp51, $4  }
0x53b: {  	[tilespmem:s8+$0xA820] =	vst.add.f32.msk $0xffff, v3  }
0x53c: {  	[tilespmem:s8+$0xA830] =	vst.add.f32.msk $0xffff, v4  }
0x53d: {  	[tilespmem:s8+$0xA840] =	vst.add.f32.msk $0xffff, v5  }
0x53e: {  	s17 =	sadd.s32 $0x1000, s17;
	[tilespmem:s8+$0xA850] =	vst.add.f32.msk $0xffff, v6  }
0x53f: {  	s7 =	sadd.s32 $0x1, s7  }
0x540: {  	p0 =	sne.s32 s7, $0x8  }
.Ltmp52:
0x541: {  	_ = 	snop;
	(pc) =	sbr.rel @p0 .LBB2_104-.Ltmp52, $2  }
0x542: {  	_ =	sdelay $0x2  }
0x543: {  	[tilespmem:s8+$0xA860] =	vst.add.f32.msk $0xffff, v0;
	s6 =	sadd.s32 $0x200, s6  }
0x544: {  	s7 =	sld [smem:$0x7F7];
	_ =	sdelay $0x1  }
0x545: {  	s6 =	simm.s32 $0x0;
	s8 =	simm.s32 $0xA800  }
0x546: {  	[hbm4b:s7+s6] =	stream.linear.scatter [tilespmem:s8], [sflag:$0xA], $0x1800, $0x38;
	[tilespmem:$0x1B000] =	vst v63  }
0x547: {  	s7 =	simm.s32 $0x0  }
.LBB2_108:
0x548: {  	s8 =	sshra.s32 s6, $0x2  }
0x549: {  	v0 =	vld [tilespmem:s8+$0x70]  }
0x54a: {  	v1 =	vld [tilespmem:s8+$0x0]  }
0x54b: {  	v2 =	vld [tilespmem:s8+$0x10]  }
0x54c: {  	v3 =	vld [tilespmem:s8+$0x20]  }
0x54d: {  	v4 =	vld [tilespmem:s8+$0x30]  }
0x54e: {  	v5 =	vld [tilespmem:s8+$0x40]  }
0x54f: {  	v6 =	vld [tilespmem:s8+$0x50]  }
0x550: {  	[tilespmem:s8+$0xC070] =	vst.add.f32.msk $0xffff, v0  }
0x551: {  	v0 =	vld [tilespmem:s8+$0x60]  }
0x552: {  	[tilespmem:s8+$0xC000] =	vst.add.f32.msk $0xffff, v1  }
0x553: {  	[tilespmem:s8+$0xC010] =	vst.add.f32.msk $0xffff, v2  }
0x554: {  	[tilespmem:s8+$0xC020] =	vst.add.f32.msk $0xffff, v3  }
0x555: {  	[tilespmem:s8+$0xC030] =	vst.add.f32.msk $0xffff, v4  }
0x556: {  	[tilespmem:s8+$0xC040] =	vst.add.f32.msk $0xffff, v5  }
0x557: {  	s9 =	simm.s32 $0x0;
	s17 =	sadd.s32 $0x1000, s6;
	[tilespmem:s8+$0xC050] =	vst.add.f32.msk $0xffff, v6  }
.LBB2_109:
0x558: {  	s9 =	sadd.s32 $0x8, s9;
	[tilespmem:s8+$0xC060] =	vst.add.f32.msk $0xffff, v0;
	s8 =	sshra.s32 s17, $0x2  }
0x559: {  	v0 =	vld [tilespmem:s8+$0x70];
	p0 =	slt.u32 s9, $0x28  }
0x55a: {  	v1 =	vld [tilespmem:s8+$0x0]  }
0x55b: {  	v2 =	vld [tilespmem:s8+$0x10]  }
0x55c: {  	v3 =	vld [tilespmem:s8+$0x20]  }
0x55d: {  	v4 =	vld [tilespmem:s8+$0x30]  }
0x55e: {  	[tilespmem:s8+$0xC070] =	vst.add.f32.msk $0xffff, v0  }
0x55f: {  	v5 =	vld [tilespmem:s8+$0x40]  }
0x560: {  	v6 =	vld [tilespmem:s8+$0x50]  }
0x561: {  	v0 =	vld [tilespmem:s8+$0x60]  }
0x562: {  	[tilespmem:s8+$0xC000] =	vst.add.f32.msk $0xffff, v1  }
.Ltmp53:
0x563: {  	[tilespmem:s8+$0xC010] =	vst.add.f32.msk $0xffff, v2;
	(pc) =	sbr.rel @p0 .LBB2_109-.Ltmp53, $4  }
0x564: {  	[tilespmem:s8+$0xC020] =	vst.add.f32.msk $0xffff, v3  }
0x565: {  	[tilespmem:s8+$0xC030] =	vst.add.f32.msk $0xffff, v4  }
0x566: {  	[tilespmem:s8+$0xC040] =	vst.add.f32.msk $0xffff, v5  }
0x567: {  	s17 =	sadd.s32 $0x1000, s17;
	[tilespmem:s8+$0xC050] =	vst.add.f32.msk $0xffff, v6  }
0x568: {  	s7 =	sadd.s32 $0x1, s7  }
0x569: {  	p0 =	sne.s32 s7, $0x8  }
.Ltmp54:
0x56a: {  	_ = 	snop;
	(pc) =	sbr.rel @p0 .LBB2_108-.Ltmp54, $2  }
0x56b: {  	_ =	sdelay $0x2  }
0x56c: {  	[tilespmem:s8+$0xC060] =	vst.add.f32.msk $0xffff, v0;
	s6 =	sadd.s32 $0x200, s6  }
0x56d: {  	s7 =	sld [smem:$0x7F8];
	_ =	sdelay $0x1  }
0x56e: {  	s6 =	simm.s32 $0x0;
	s8 =	simm.s32 $0xC000  }
0x56f: {  	[hbm4b:s7+s6] =	stream.linear.scatter [tilespmem:s8], [sflag:$0xA], $0x1800, $0x38;
	[tilespmem:$0x1B000] =	vst v63  }
0x570: {  	s7 =	simm.s32 $0x0  }
.LBB2_112:
0x571: {  	s8 =	sshra.s32 s6, $0x2  }
0x572: {  	v0 =	vld [tilespmem:s8+$0x70]  }
0x573: {  	v1 =	vld [tilespmem:s8+$0x0]  }
0x574: {  	v2 =	vld [tilespmem:s8+$0x10]  }
0x575: {  	v3 =	vld [tilespmem:s8+$0x20]  }
0x576: {  	v4 =	vld [tilespmem:s8+$0x30]  }
0x577: {  	v5 =	vld [tilespmem:s8+$0x40]  }
0x578: {  	v6 =	vld [tilespmem:s8+$0x50]  }
0x579: {  	[tilespmem:s8+$0xD870] =	vst.add.f32.msk $0xffff, v0  }
0x57a: {  	v0 =	vld [tilespmem:s8+$0x60]  }
0x57b: {  	[tilespmem:s8+$0xD800] =	vst.add.f32.msk $0xffff, v1  }
0x57c: {  	[tilespmem:s8+$0xD810] =	vst.add.f32.msk $0xffff, v2  }
0x57d: {  	[tilespmem:s8+$0xD820] =	vst.add.f32.msk $0xffff, v3  }
0x57e: {  	[tilespmem:s8+$0xD830] =	vst.add.f32.msk $0xffff, v4  }
0x57f: {  	[tilespmem:s8+$0xD840] =	vst.add.f32.msk $0xffff, v5  }
0x580: {  	s9 =	simm.s32 $0x0;
	s17 =	sadd.s32 $0x1000, s6;
	[tilespmem:s8+$0xD850] =	vst.add.f32.msk $0xffff, v6  }
.LBB2_113:
0x581: {  	s9 =	sadd.s32 $0x8, s9;
	[tilespmem:s8+$0xD860] =	vst.add.f32.msk $0xffff, v0;
	s8 =	sshra.s32 s17, $0x2  }
0x582: {  	v0 =	vld [tilespmem:s8+$0x70];
	p0 =	slt.u32 s9, $0x28  }
0x583: {  	v1 =	vld [tilespmem:s8+$0x0]  }
0x584: {  	v2 =	vld [tilespmem:s8+$0x10]  }
0x585: {  	v3 =	vld [tilespmem:s8+$0x20]  }
0x586: {  	v4 =	vld [tilespmem:s8+$0x30]  }
0x587: {  	[tilespmem:s8+$0xD870] =	vst.add.f32.msk $0xffff, v0  }
0x588: {  	v5 =	vld [tilespmem:s8+$0x40]  }
0x589: {  	v6 =	vld [tilespmem:s8+$0x50]  }
0x58a: {  	v0 =	vld [tilespmem:s8+$0x60]  }
0x58b: {  	[tilespmem:s8+$0xD800] =	vst.add.f32.msk $0xffff, v1  }
.Ltmp55:
0x58c: {  	[tilespmem:s8+$0xD810] =	vst.add.f32.msk $0xffff, v2;
	(pc) =	sbr.rel @p0 .LBB2_113-.Ltmp55, $4  }
0x58d: {  	[tilespmem:s8+$0xD820] =	vst.add.f32.msk $0xffff, v3  }
0x58e: {  	[tilespmem:s8+$0xD830] =	vst.add.f32.msk $0xffff, v4  }
0x58f: {  	[tilespmem:s8+$0xD840] =	vst.add.f32.msk $0xffff, v5  }
0x590: {  	s17 =	sadd.s32 $0x1000, s17;
	[tilespmem:s8+$0xD850] =	vst.add.f32.msk $0xffff, v6  }
0x591: {  	s7 =	sadd.s32 $0x1, s7  }
0x592: {  	p0 =	sne.s32 s7, $0x8  }
.Ltmp56:
0x593: {  	_ = 	snop;
	(pc) =	sbr.rel @p0 .LBB2_112-.Ltmp56, $2  }
0x594: {  	_ =	sdelay $0x2  }
0x595: {  	[tilespmem:s8+$0xD860] =	vst.add.f32.msk $0xffff, v0;
	s6 =	sadd.s32 $0x200, s6  }
0x596: {  	s6 =	sld [smem:$0x7FA];
	_ =	sdelay $0x1  }
0x597: {  	s7 =	simm.s32 $0x0;
	s8 =	simm.s32 $0xD800  }
0x598: {  	[hbm4b:s6+s7] =	stream.linear.scatter [tilespmem:s8], [sflag:$0xA], $0x1800, $0x38;
	[tilespmem:$0x1B000] =	vst v63  }
0x599: {  	_ =	swait.ge [sflag:s10], $0x1800  }
0x59a: {  	[sflag:s10] =	ssyncset.done $0x0  }
0x59b: {  	[sflag:s10] =	ssyncadd.s32 $0xFFFFE800  }
0x59c: {  	_ =	swait.ge [sflag:s11], $0x1800  }
0x59d: {  	[sflag:s11] =	ssyncset.done $0x0  }
0x59e: {  	[sflag:s11] =	ssyncadd.s32 $0xFFFFE800  }
0x59f: {  	_ =	swait.ge [sflag:s16], $0x6000  }
0x5a0: {  	[sflag:s16] =	ssyncset.done $0x0  }
0x5a1: {  	s8 =	simm.s32 $0x0;
	[sflag:s16] =	ssyncadd.s32 $0xFFFFA000  }
.LBB2_116:
0x5a2: {  	s6 =	sshra.s32 s7, $0x2  }
0x5a3: {  	v1 =	vld [tilespmem:s6+$0x1860]  }
0x5a4: {  	v3 =	vld [tilespmem:s6+$0x1850]  }
0x5a5: {  	v2 =	vld [tilespmem:s6+$0x6040]  }
0x5a6: {  	v8 =	vld [tilespmem:s6+$0x6060]  }
0x5a7: {  	v0 =	vld [tilespmem:s6+$0x6010]  }
0x5a8: {  	v5 =	vld [tilespmem:s6+$0x1870]  }
0x5a9: {  	v4 =	vld [tilespmem:s6+$0x1840]  }
0x5aa: {  	v7 =	vld [tilespmem:s6+$0x6070]  }
0x5ab: {  	v6 =	vld [tilespmem:s6+$0x6030]  }
0x5ac: {  	v9 =	vld [tilespmem:s6+$0x6050]  }
0x5ad: {  	v10 =	vld [tilespmem:s6+$0x1830]  }
0x5ae: {  	v11 =	vld [tilespmem:s6+$0x6020]  }
0x5af: {  	v12 =	vld [tilespmem:s6+$0x1820]  }
0x5b0: {  	v13 =	vld [tilespmem:s6+$0x6000];
	v14 =	vadd.f32 v2, v4  }
0x5b1: {  	v15 =	vld [tilespmem:s6+$0x1800]  }
0x5b2: {  	v2 =	vadd.f32 v6, v10;
	v6 =	vld [tilespmem:s6+$0x1810];
	[tilespmem:s6+$0x1840] =	vst v14  }
0x5b3: {  	v4 =	vadd.f32 v9, v3;
	[tilespmem:s6+$0xF040] =	vst.add.f32.msk $0xffff, v14  }
0x5b4: {  	v5 =	vadd.f32 v7, v5;
	[tilespmem:s6+$0xF030] =	vst.add.f32.msk $0xffff, v2  }
0x5b5: {  	v7 =	vadd.f32 v11, v12;
	[tilespmem:s6+$0xF050] =	vst.add.f32.msk $0xffff, v4  }
0x5b6: {  	v3 =	vadd.f32 v13, v15;
	[tilespmem:s6+$0xF070] =	vst.add.f32.msk $0xffff, v5  }
0x5b7: {  	s9 =	simm.s32 $0x0;
	s17 =	sadd.s32 $0x1000, s7;
	v1 =	vadd.f32 v8, v1;
	[tilespmem:s6+$0xF020] =	vst.add.f32.msk $0xffff, v7  }
.LBB2_117:
0x5b8: {  	s18 =	sshra.s32 s17, $0x2;
	s9 =	sadd.s32 $0x8, s9;
	[tilespmem:s6+$0xF000] =	vst.add.f32.msk $0xffff, v3;
	v6 =	vadd.f32 v0, v6  }
0x5b9: {  	v8 =	vld [tilespmem:s18+$0x1860];
	p0 =	slt.u32 s9, $0x28;
	[tilespmem:s6+$0x1820] =	vst v7  }
0x5ba: {  	v7 =	vld [tilespmem:s18+$0x1850];
	[tilespmem:s6+$0x1810] =	vst v6  }
0x5bb: {  	v9 =	vld [tilespmem:s18+$0x6040];
	[tilespmem:s6+$0x1850] =	vst v4  }
0x5bc: {  	v10 =	vld [tilespmem:s18+$0x6060];
	[tilespmem:s6+$0x1870] =	vst v5  }
0x5bd: {  	v0 =	vld [tilespmem:s18+$0x6010];
	[tilespmem:s6+$0x1830] =	vst v2  }
0x5be: {  	v5 =	vld [tilespmem:s18+$0x1870]  }
0x5bf: {  	v2 =	vld [tilespmem:s18+$0x1840]  }
0x5c0: {  	v11 =	vld [tilespmem:s18+$0x6070]  }
0x5c1: {  	v4 =	vld [tilespmem:s18+$0x6030]  }
0x5c2: {  	[tilespmem:s6+$0xF010] =	vst.add.f32.msk $0xffff, v6  }
0x5c3: {  	v12 =	vld [tilespmem:s18+$0x6050]  }
0x5c4: {  	v6 =	vld [tilespmem:s18+$0x1830]  }
0x5c5: {  	v13 =	vld [tilespmem:s18+$0x6020];
	[tilespmem:s6+$0x1800] =	vst v3  }
0x5c6: {  	v3 =	vld [tilespmem:s18+$0x1820];
	[tilespmem:s6+$0x1860] =	vst v1  }
0x5c7: {  	[tilespmem:s6+$0xF060] =	vst.add.f32.msk $0xffff, v1;
	s6 =	smov.u32 s18  }
0x5c8: {  	v9 =	vadd.f32 v9, v2;
	v1 =	vld [tilespmem:s6+$0x6000]  }
0x5c9: {  	v14 =	vld [tilespmem:s6+$0x1800];
	v2 =	vadd.f32 v4, v6  }
0x5ca: {  	v4 =	vadd.f32 v12, v7;
	v6 =	vld [tilespmem:s6+$0x1810];
	[tilespmem:s6+$0x1840] =	vst v9  }
.Ltmp57:
0x5cb: {  	v5 =	vadd.f32 v11, v5;
	v7 =	vadd.f32 v13, v3;
	[tilespmem:s6+$0xF040] =	vst.add.f32.msk $0xffff, v9;
	(pc) =	sbr.rel @p0 .LBB2_117-.Ltmp57, $4  }
0x5cc: {  	[tilespmem:s6+$0xF030] =	vst.add.f32.msk $0xffff, v2  }
0x5cd: {  	[tilespmem:s6+$0xF050] =	vst.add.f32.msk $0xffff, v4  }
0x5ce: {  	v3 =	vadd.f32 v1, v14;
	v1 =	vadd.f32 v10, v8;
	[tilespmem:s6+$0xF070] =	vst.add.f32.msk $0xffff, v5  }
0x5cf: {  	s17 =	sadd.s32 $0x1000, s17;
	[tilespmem:s6+$0xF020] =	vst.add.f32.msk $0xffff, v7  }
0x5d0: {  	[tilespmem:s6+$0xF000] =	vst.add.f32.msk $0xffff, v3  }
0x5d1: {  	[tilespmem:s6+$0x1820] =	vst v7  }
0x5d2: {  	[tilespmem:s6+$0x1850] =	vst v4  }
0x5d3: {  	[tilespmem:s6+$0x1870] =	vst v5;
	s8 =	sadd.s32 $0x1, s8  }
0x5d4: {  	[tilespmem:s6+$0x1830] =	vst v2;
	p0 =	sne.s32 s8, $0x8  }
.Ltmp58:
0x5d5: {  	[tilespmem:s6+$0x1800] =	vst v3;
	(pc) =	sbr.rel @p0 .LBB2_116-.Ltmp58, $4  }
0x5d6: {  	v0 =	vadd.f32 v0, v6;
	[tilespmem:s6+$0x1860] =	vst v1  }
0x5d7: {  	[tilespmem:s6+$0xF060] =	vst.add.f32.msk $0xffff, v1  }
0x5d8: {  	[tilespmem:s6+$0x1810] =	vst v0  }
0x5d9: {  	s7 =	sadd.s32 $0x200, s7;
	[tilespmem:s6+$0xF010] =	vst.add.f32.msk $0xffff, v0  }
0x5da: {  	s6 =	simm.s32 $0x0;
	s7 =	rddreg [dreg:$0x1e]  }
0x5db: {  	[hbm4b:s7+s6] =	stream.linear.scatter [tilespmem:s3], [sflag:$0xB], $0x1800, $0x38;
	[tilespmem:$0x1B000] =	vst v63  }
0x5dc: {  	s7 =	simm.s32 $0x0  }
.LBB2_120:
0x5dd: {  	s8 =	sshra.s32 s6, $0x2  }
0x5de: {  	v0 =	vld [tilespmem:s8+$0x1870]  }
0x5df: {  	v1 =	vld [tilespmem:s8+$0x1800]  }
0x5e0: {  	v2 =	vld [tilespmem:s8+$0x1810]  }
0x5e1: {  	v3 =	vld [tilespmem:s8+$0x1820]  }
0x5e2: {  	v4 =	vld [tilespmem:s8+$0x1830]  }
0x5e3: {  	v5 =	vld [tilespmem:s8+$0x1840]  }
0x5e4: {  	v6 =	vld [tilespmem:s8+$0x1850]  }
0x5e5: {  	[tilespmem:s8+$0x10870] =	vst.add.f32.msk $0xffff, v0  }
0x5e6: {  	v0 =	vld [tilespmem:s8+$0x1860]  }
0x5e7: {  	[tilespmem:s8+$0x10800] =	vst.add.f32.msk $0xffff, v1  }
0x5e8: {  	[tilespmem:s8+$0x10810] =	vst.add.f32.msk $0xffff, v2  }
0x5e9: {  	[tilespmem:s8+$0x10820] =	vst.add.f32.msk $0xffff, v3  }
0x5ea: {  	[tilespmem:s8+$0x10830] =	vst.add.f32.msk $0xffff, v4  }
0x5eb: {  	[tilespmem:s8+$0x10840] =	vst.add.f32.msk $0xffff, v5  }
0x5ec: {  	s9 =	simm.s32 $0x0;
	s17 =	sadd.s32 $0x1000, s6;
	[tilespmem:s8+$0x10850] =	vst.add.f32.msk $0xffff, v6  }
.LBB2_121:
0x5ed: {  	s9 =	sadd.s32 $0x8, s9;
	[tilespmem:s8+$0x10860] =	vst.add.f32.msk $0xffff, v0;
	s8 =	sshra.s32 s17, $0x2  }
0x5ee: {  	v0 =	vld [tilespmem:s8+$0x1870];
	p0 =	slt.u32 s9, $0x28  }
0x5ef: {  	v1 =	vld [tilespmem:s8+$0x1800]  }
0x5f0: {  	v2 =	vld [tilespmem:s8+$0x1810]  }
0x5f1: {  	v3 =	vld [tilespmem:s8+$0x1820]  }
0x5f2: {  	v4 =	vld [tilespmem:s8+$0x1830]  }
0x5f3: {  	[tilespmem:s8+$0x10870] =	vst.add.f32.msk $0xffff, v0  }
0x5f4: {  	v5 =	vld [tilespmem:s8+$0x1840]  }
0x5f5: {  	v6 =	vld [tilespmem:s8+$0x1850]  }
0x5f6: {  	v0 =	vld [tilespmem:s8+$0x1860]  }
0x5f7: {  	[tilespmem:s8+$0x10800] =	vst.add.f32.msk $0xffff, v1  }
.Ltmp59:
0x5f8: {  	[tilespmem:s8+$0x10810] =	vst.add.f32.msk $0xffff, v2;
	(pc) =	sbr.rel @p0 .LBB2_121-.Ltmp59, $4  }
0x5f9: {  	[tilespmem:s8+$0x10820] =	vst.add.f32.msk $0xffff, v3  }
0x5fa: {  	[tilespmem:s8+$0x10830] =	vst.add.f32.msk $0xffff, v4  }
0x5fb: {  	[tilespmem:s8+$0x10840] =	vst.add.f32.msk $0xffff, v5  }
0x5fc: {  	s17 =	sadd.s32 $0x1000, s17;
	[tilespmem:s8+$0x10850] =	vst.add.f32.msk $0xffff, v6  }
0x5fd: {  	s7 =	sadd.s32 $0x1, s7  }
0x5fe: {  	p0 =	sne.s32 s7, $0x8  }
.Ltmp60:
0x5ff: {  	_ = 	snop;
	(pc) =	sbr.rel @p0 .LBB2_120-.Ltmp60, $2  }
0x600: {  	_ =	sdelay $0x2  }
0x601: {  	[tilespmem:s8+$0x10860] =	vst.add.f32.msk $0xffff, v0;
	s6 =	sadd.s32 $0x200, s6  }
0x602: {  	s7 =	sld [smem:$0x7FC];
	_ =	sdelay $0x1  }
0x603: {  	s6 =	simm.s32 $0x0;
	s8 =	simm.s32 $0x10800  }
0x604: {  	[hbm4b:s7+s6] =	stream.linear.scatter [tilespmem:s8], [sflag:$0xB], $0x1800, $0x38;
	[tilespmem:$0x1B000] =	vst v63  }
0x605: {  	s7 =	simm.s32 $0x0  }
.LBB2_124:
0x606: {  	s8 =	sshra.s32 s6, $0x2  }
0x607: {  	v0 =	vld [tilespmem:s8+$0x1870]  }
0x608: {  	v1 =	vld [tilespmem:s8+$0x1800]  }
0x609: {  	v2 =	vld [tilespmem:s8+$0x1810]  }
0x60a: {  	v3 =	vld [tilespmem:s8+$0x1820]  }
0x60b: {  	v4 =	vld [tilespmem:s8+$0x1830]  }
0x60c: {  	v5 =	vld [tilespmem:s8+$0x1840]  }
0x60d: {  	v6 =	vld [tilespmem:s8+$0x1850]  }
0x60e: {  	[tilespmem:s8+$0x12070] =	vst.add.f32.msk $0xffff, v0  }
0x60f: {  	v0 =	vld [tilespmem:s8+$0x1860]  }
0x610: {  	[tilespmem:s8+$0x12000] =	vst.add.f32.msk $0xffff, v1  }
0x611: {  	[tilespmem:s8+$0x12010] =	vst.add.f32.msk $0xffff, v2  }
0x612: {  	[tilespmem:s8+$0x12020] =	vst.add.f32.msk $0xffff, v3  }
0x613: {  	[tilespmem:s8+$0x12030] =	vst.add.f32.msk $0xffff, v4  }
0x614: {  	[tilespmem:s8+$0x12040] =	vst.add.f32.msk $0xffff, v5  }
0x615: {  	s9 =	simm.s32 $0x0;
	s17 =	sadd.s32 $0x1000, s6;
	[tilespmem:s8+$0x12050] =	vst.add.f32.msk $0xffff, v6  }
.LBB2_125:
0x616: {  	s9 =	sadd.s32 $0x8, s9;
	[tilespmem:s8+$0x12060] =	vst.add.f32.msk $0xffff, v0;
	s8 =	sshra.s32 s17, $0x2  }
0x617: {  	v0 =	vld [tilespmem:s8+$0x1870];
	p0 =	slt.u32 s9, $0x28  }
0x618: {  	v1 =	vld [tilespmem:s8+$0x1800]  }
0x619: {  	v2 =	vld [tilespmem:s8+$0x1810]  }
0x61a: {  	v3 =	vld [tilespmem:s8+$0x1820]  }
0x61b: {  	v4 =	vld [tilespmem:s8+$0x1830]  }
0x61c: {  	[tilespmem:s8+$0x12070] =	vst.add.f32.msk $0xffff, v0  }
0x61d: {  	v5 =	vld [tilespmem:s8+$0x1840]  }
0x61e: {  	v6 =	vld [tilespmem:s8+$0x1850]  }
0x61f: {  	v0 =	vld [tilespmem:s8+$0x1860]  }
0x620: {  	[tilespmem:s8+$0x12000] =	vst.add.f32.msk $0xffff, v1  }
.Ltmp61:
0x621: {  	[tilespmem:s8+$0x12010] =	vst.add.f32.msk $0xffff, v2;
	(pc) =	sbr.rel @p0 .LBB2_125-.Ltmp61, $4  }
0x622: {  	[tilespmem:s8+$0x12020] =	vst.add.f32.msk $0xffff, v3  }
0x623: {  	[tilespmem:s8+$0x12030] =	vst.add.f32.msk $0xffff, v4  }
0x624: {  	[tilespmem:s8+$0x12040] =	vst.add.f32.msk $0xffff, v5  }
0x625: {  	s17 =	sadd.s32 $0x1000, s17;
	[tilespmem:s8+$0x12050] =	vst.add.f32.msk $0xffff, v6  }
0x626: {  	s7 =	sadd.s32 $0x1, s7  }
0x627: {  	p0 =	sne.s32 s7, $0x8  }
.Ltmp62:
0x628: {  	_ = 	snop;
	(pc) =	sbr.rel @p0 .LBB2_124-.Ltmp62, $2  }
0x629: {  	_ =	sdelay $0x2  }
0x62a: {  	[tilespmem:s8+$0x12060] =	vst.add.f32.msk $0xffff, v0;
	s6 =	sadd.s32 $0x200, s6  }
0x62b: {  	s7 =	sld [smem:$0x7FB];
	_ =	sdelay $0x1  }
0x62c: {  	s6 =	simm.s32 $0x0;
	s8 =	simm.s32 $0x12000  }
0x62d: {  	[hbm4b:s7+s6] =	stream.linear.scatter [tilespmem:s8], [sflag:$0xB], $0x1800, $0x38;
	[tilespmem:$0x1B000] =	vst v63  }
0x62e: {  	s7 =	simm.s32 $0x0  }
.LBB2_128:
0x62f: {  	s8 =	sshra.s32 s6, $0x2  }
0x630: {  	v0 =	vld [tilespmem:s8+$0x1870]  }
0x631: {  	v1 =	vld [tilespmem:s8+$0x1800]  }
0x632: {  	v2 =	vld [tilespmem:s8+$0x1810]  }
0x633: {  	v3 =	vld [tilespmem:s8+$0x1820]  }
0x634: {  	v4 =	vld [tilespmem:s8+$0x1830]  }
0x635: {  	v5 =	vld [tilespmem:s8+$0x1840]  }
0x636: {  	v6 =	vld [tilespmem:s8+$0x1850]  }
0x637: {  	[tilespmem:s8+$0x13870] =	vst.add.f32.msk $0xffff, v0  }
0x638: {  	v0 =	vld [tilespmem:s8+$0x1860]  }
0x639: {  	[tilespmem:s8+$0x13800] =	vst.add.f32.msk $0xffff, v1  }
0x63a: {  	[tilespmem:s8+$0x13810] =	vst.add.f32.msk $0xffff, v2  }
0x63b: {  	[tilespmem:s8+$0x13820] =	vst.add.f32.msk $0xffff, v3  }
0x63c: {  	[tilespmem:s8+$0x13830] =	vst.add.f32.msk $0xffff, v4  }
0x63d: {  	[tilespmem:s8+$0x13840] =	vst.add.f32.msk $0xffff, v5  }
0x63e: {  	s9 =	simm.s32 $0x0;
	s17 =	sadd.s32 $0x1000, s6;
	[tilespmem:s8+$0x13850] =	vst.add.f32.msk $0xffff, v6  }
.LBB2_129:
0x63f: {  	s9 =	sadd.s32 $0x8, s9;
	[tilespmem:s8+$0x13860] =	vst.add.f32.msk $0xffff, v0;
	s8 =	sshra.s32 s17, $0x2  }
0x640: {  	v0 =	vld [tilespmem:s8+$0x1870];
	p0 =	slt.u32 s9, $0x28  }
0x641: {  	v1 =	vld [tilespmem:s8+$0x1800]  }
0x642: {  	v2 =	vld [tilespmem:s8+$0x1810]  }
0x643: {  	v3 =	vld [tilespmem:s8+$0x1820]  }
0x644: {  	v4 =	vld [tilespmem:s8+$0x1830]  }
0x645: {  	[tilespmem:s8+$0x13870] =	vst.add.f32.msk $0xffff, v0  }
0x646: {  	v5 =	vld [tilespmem:s8+$0x1840]  }
0x647: {  	v6 =	vld [tilespmem:s8+$0x1850]  }
0x648: {  	v0 =	vld [tilespmem:s8+$0x1860]  }
0x649: {  	[tilespmem:s8+$0x13800] =	vst.add.f32.msk $0xffff, v1  }
.Ltmp63:
0x64a: {  	[tilespmem:s8+$0x13810] =	vst.add.f32.msk $0xffff, v2;
	(pc) =	sbr.rel @p0 .LBB2_129-.Ltmp63, $4  }
0x64b: {  	[tilespmem:s8+$0x13820] =	vst.add.f32.msk $0xffff, v3  }
0x64c: {  	[tilespmem:s8+$0x13830] =	vst.add.f32.msk $0xffff, v4  }
0x64d: {  	[tilespmem:s8+$0x13840] =	vst.add.f32.msk $0xffff, v5  }
0x64e: {  	s17 =	sadd.s32 $0x1000, s17;
	[tilespmem:s8+$0x13850] =	vst.add.f32.msk $0xffff, v6  }
0x64f: {  	s7 =	sadd.s32 $0x1, s7  }
0x650: {  	p0 =	sne.s32 s7, $0x8  }
.Ltmp64:
0x651: {  	_ = 	snop;
	(pc) =	sbr.rel @p0 .LBB2_128-.Ltmp64, $2  }
0x652: {  	_ =	sdelay $0x2  }
0x653: {  	[tilespmem:s8+$0x13860] =	vst.add.f32.msk $0xffff, v0;
	s6 =	sadd.s32 $0x200, s6  }
0x654: {  	s6 =	sld [smem:$0x7FD];
	_ =	sdelay $0x1  }
0x655: {  	s7 =	simm.s32 $0x13800  }
0x656: {  	[hbm4b:s6+s19] =	stream.linear.scatter [tilespmem:s7], [sflag:$0xB], $0x1800, $0x38;
	[tilespmem:$0x1B000] =	vst v63  }
0x657: {  	_ =	swait.ge [sflag:s12], $0x6000  }
0x658: {  	[sflag:s12] =	ssyncset.done $0x0  }
0x659: {  	[sflag:s12] =	ssyncadd.s32 $0xFFFFA000  }
0x65a: {  	_ =	swait.ge [sflag:s24], $0x6000  }
0x65b: {  	[sflag:s24] =	ssyncset.done $0x0  }
0x65c: {  	[sflag:s24] =	ssyncadd.s32 $0xFFFFA000  }
0x65d: {  	_ =	swait.ge [sflag:s31], $0x6000  }
0x65e: {  	s21 =	sld [smem:$0x7F1]  }
0x65f: {  	s22 =	sld [smem:$0x7F9];
	_ =	sdelay $0x1  }
0x660: {  	s7 =	sadd.s32 $0x1, s21  }
0x661: {  	p0 =	sne.s32 s7, s22  }
.Ltmp65:
0x662: {  	_ = 	snop;
	(pc) =	sbr.rel @p0 .LBB2_1-.Ltmp65, $3  }
0x663: {  	_ =	sdelay $0x1  }
0x664: {  	[sflag:s31] =	ssyncset.done $0x0  }
0x665: {  	[sflag:s31] =	ssyncadd.s32 $0xFFFFA000  }
0x666: {  	_ =	sfence.sel $0x180000  }
0x667: {  	[bflag:$0x0] =	sbarrier.arrive $0xFFFF  }
0x668: {  	_ =	strace $0x90000047  }
0x669: {  	s0 =	stileid.u32;
	[bflag:$0x2] =	sbarrier.arrive $0xFFFF  }
0x66a: {  	p0 =	sne.s32 s0, $0x0;
	s0 =	rddreg [dreg:$0x4]  }
0x66b: {  	s0 =	sadd.s32 @!p0 $0x100000, s0  }
0x66c: {  	[sflag:s0] =	ssyncadd.tile.s32 @!p0 $0x1;
	_ =	shalt  }
.Lfunc_end2:
_tile_overlayer_lowered:
.L_overlay_start_2:
0x66d: {  	(tag) =	ssettag $0x2  }
0x66e: {  	s0 =	rddreg [dreg:$0x0];
	s2 =	stileid.u32  }
0x66f: {  	s1 =	rddreg [dreg:$0x1];
	p0 =	sne.s32 s2, $0x0  }
0x670: {  	s3 =	rddreg [dreg:$0x2];
	[bflag:$0x3] =	sbarrier.arrive $0xFFFF;
	s2 =	simm.s32 @!p0 $0x1C0D  }
0x671: {  	[timem:s3], [sflag:s2] =	dma.local @!p0 [hbm:s0], s1  }
0x672: {  	s0 =	simm.s32 @!p0 $0xD  }
0x673: {  	_ =	swait.ge @!p0 [sflag:s0], s1  }
0x674: {  	s1 =	ssub.s32 @!p0 $0x0, s1;
	[sflag:s0] =	ssyncset.done @!p0 $0x0  }
0x675: {  	[sflag:s0] =	ssyncadd.s32 @!p0 s1  }
0x676: {  	[bflag:$0x3] =	sbarrier.arrive $0xFFFF  }
0x677: {  	_ =	shalt  }

</sc_bundles>
